<compile_context>
chip_gen: v7x
topology: tpu7x:2x2x1
jax: 0.10.2.dev20260603
libtpu: 0.0.44.dev20260713+nightly
codegen_flags: <defaults>
</compile_context>

<pallas_src>
import jax
import jax.numpy as jnp
from jax import lax
from jax.experimental import pallas as pl
from jax.experimental.pallas import tpu as pltpu, tpu_sc as plsc

N = 10000
E = 320000
D = 128
G = 64
NC = 2
NS = 16
NW = NC * NS
EPW = E // NW
CHUNK = 128
IDB = 8
NBLK = -(-EPW // (CHUNK * IDB))
NCHUNK_PAD = NBLK * IDB
EPW_PAD = NCHUNK_PAD * CHUNK
NDUMMY = 16
ROWS_A = 632
ROWS_LAST = N - (NS - 1) * ROWS_A



def _agg_body(h_hbm, src_hbm, dst_hbm, out0_hbm, out1_hbm,
              acc, ixs0, ixs1, ixd0, ixd1, rows0, rows1,
              sem_i0, sem_i1, sem_r0, sem_r1, sem_w0, sem_w1):
  c = lax.axis_index("c")
  s = lax.axis_index("s")
  wid = c * NS + s
  row0 = s * ROWS_A

  @pl.when(s < NS - 1)
  def _():
    pltpu.make_async_copy(h_hbm.at[pl.ds(row0, ROWS_A)],
                          acc.at[pl.ds(row0, ROWS_A)], sem_w0).start()

  @pl.when(s == NS - 1)
  def _():
    pltpu.make_async_copy(h_hbm.at[pl.ds(row0, ROWS_LAST)],
                          acc.at[pl.ds(row0, ROWS_LAST)], sem_w0).start()

  ixs = (ixs0, ixs1)
  ixd = (ixd0, ixd1)
  rows = (rows0, rows1)
  sem_i = (sem_i0, sem_i1)
  sem_r = (sem_r0, sem_r1)

  def ids_start(b, p):
    pltpu.make_async_copy(src_hbm.at[wid, pl.ds(IDB * b, IDB)],
                          ixs[p], sem_i[p]).start()
    pltpu.make_async_copy(dst_hbm.at[wid, pl.ds(IDB * b, IDB)],
                          ixd[p], sem_i[p]).start()

  def ids_wait(p):
    pltpu.make_async_copy(src_hbm.at[wid, pl.ds(0, IDB)],
                          ixs[p], sem_i[p]).wait()
    pltpu.make_async_copy(dst_hbm.at[wid, pl.ds(0, IDB)],
                          ixd[p], sem_i[p]).wait()

  sem_w = (sem_w0, sem_w1)

  def gstart(ib, j, rp):
    pltpu.make_async_copy(h_hbm.at[ixs[ib].at[j]], rows[rp], sem_r[rp]).start()

  def gwait(rp):
    pltpu.make_async_copy(h_hbm.at[ixs[0].at[0]], rows[rp], sem_r[rp]).wait()

  def scat_start(ib, j, rp):
    pltpu.async_copy(rows[rp], acc.at[ixd[ib].at[j]], sem_w[rp], add=True)

  def scat_wait(rp):
    pltpu.make_async_copy(rows[rp], acc.at[ixd[0].at[0]], sem_w[rp]).wait()

  ids_start(0, 0)
  ids_start(1, 1)
  ids_wait(0)
  gstart(0, 0, 0)

  @pl.when(s < NS - 1)
  def _():
    pltpu.make_async_copy(h_hbm.at[pl.ds(row0, ROWS_A)],
                          acc.at[pl.ds(row0, ROWS_A)], sem_w0).wait()

  @pl.when(s == NS - 1)
  def _():
    pltpu.make_async_copy(h_hbm.at[pl.ds(row0, ROWS_LAST)],
                          acc.at[pl.ds(row0, ROWS_LAST)], sem_w0).wait()

  plsc.subcore_barrier()

  def pair(i, carry):
    b0 = 2 * i
    for j in range(2 * IDB):
      rp = j % 2
      ib = 0 if j < IDB else 1

      if j == 0:
        @pl.when(i > 0)
        def _():
          scat_wait(1)
          ids_start(b0 + 1, 1)
      else:
        scat_wait(1 - rp)

      if j == IDB:
        @pl.when(b0 + 2 < NBLK)
        def _():
          ids_start(b0 + 2, 0)

      if j == IDB - 1:
        ids_wait(1)

      if j < 2 * IDB - 1:
        jn = j + 1
        gstart(0 if jn < IDB else 1, jn % IDB, 1 - rp)
      else:
        @pl.when(b0 + 2 < NBLK)
        def _():
          ids_wait(0)
          gstart(0, 0, 1 - rp)

      gwait(rp)
      scat_start(ib, j % IDB, rp)

    return carry

  lax.fori_loop(0, NBLK // 2, pair, 0)
  scat_wait(1)
  plsc.subcore_barrier()

  @pl.when((c == 0) & (s < NS - 1))
  def _():
    pltpu.sync_copy(acc.at[pl.ds(row0, ROWS_A)],
                    out0_hbm.at[pl.ds(row0, ROWS_A)])

  @pl.when((c == 0) & (s == NS - 1))
  def _():
    pltpu.sync_copy(acc.at[pl.ds(row0, ROWS_LAST)],
                    out0_hbm.at[pl.ds(row0, ROWS_LAST)])

  @pl.when((c != 0) & (s < NS - 1))
  def _():
    pltpu.sync_copy(acc.at[pl.ds(row0, ROWS_A)],
                    out1_hbm.at[pl.ds(row0, ROWS_A)])

  @pl.when((c != 0) & (s == NS - 1))
  def _():
    pltpu.sync_copy(acc.at[pl.ds(row0, ROWS_LAST)],
                    out1_hbm.at[pl.ds(row0, ROWS_LAST)])


_agg = pl.kernel(
    _agg_body,
    out_type=(jax.ShapeDtypeStruct((N, D), jnp.float32),
              jax.ShapeDtypeStruct((N, D), jnp.float32)),
    mesh=plsc.VectorSubcoreMesh(core_axis_name="c", subcore_axis_name="s"),
    scratch_types=[
        pltpu.VMEM_SHARED((N + NDUMMY, D), jnp.float32),
        pltpu.VMEM((IDB, CHUNK), jnp.int32),
        pltpu.VMEM((IDB, CHUNK), jnp.int32),
        pltpu.VMEM((IDB, CHUNK), jnp.int32),
        pltpu.VMEM((IDB, CHUNK), jnp.int32),
        pltpu.VMEM((CHUNK, D), jnp.float32),
        pltpu.VMEM((CHUNK, D), jnp.float32),
        pltpu.SemaphoreType.DMA,
        pltpu.SemaphoreType.DMA,
        pltpu.SemaphoreType.DMA,
        pltpu.SemaphoreType.DMA,
        pltpu.SemaphoreType.DMA,
        pltpu.SemaphoreType.DMA,
    ],
)


BM = 5000


def _mlp_body(p0_ref, p1_ref, hin_ref, w1_ref, b1_ref, w2_ref, b2_ref,
              out_ref):
  h = p0_ref[...] + p1_ref[...] - hin_ref[...]
  h = jnp.dot(h, w1_ref[...], preferred_element_type=jnp.float32) + b1_ref[...]
  h = jnp.maximum(h, 0.0)
  h = jnp.dot(h, w2_ref[...], preferred_element_type=jnp.float32) + b2_ref[...]
  out_ref[...] = jnp.maximum(h, 0.0)


def _mlp_pool_body(p0_ref, p1_ref, hin_ref, w1_ref, b1_ref, w2_ref, b2_ref,
                   bat_ref, out_ref):
  i = pl.program_id(0)
  h = p0_ref[...] + p1_ref[...] - hin_ref[...]
  h = jnp.dot(h, w1_ref[...], preferred_element_type=jnp.float32) + b1_ref[...]
  h = jnp.maximum(h, 0.0)
  h = jnp.dot(h, w2_ref[...], preferred_element_type=jnp.float32) + b2_ref[...]
  h = jnp.maximum(h, 0.0)
  onehot = (bat_ref[...] == lax.broadcasted_iota(jnp.int32, (BM, G), 1)
            ).astype(jnp.float32)
  part = lax.dot_general(onehot, h, (((0,), (0,)), ((), ())),
                         preferred_element_type=jnp.float32)

  @pl.when(i == 0)
  def _():
    out_ref[...] = part

  @pl.when(i > 0)
  def _():
    out_ref[...] += part


def _mlp_pool(p0, p1, hin, w1, b1, w2, b2, bat):
  return pl.pallas_call(
      _mlp_pool_body,
      grid=(N // BM,),
      in_specs=[
          pl.BlockSpec((BM, D), lambda i: (i, 0)),
          pl.BlockSpec((BM, D), lambda i: (i, 0)),
          pl.BlockSpec((BM, D), lambda i: (i, 0)),
          pl.BlockSpec((D, D), lambda i: (0, 0)),
          pl.BlockSpec((1, D), lambda i: (0, 0)),
          pl.BlockSpec((D, D), lambda i: (0, 0)),
          pl.BlockSpec((1, D), lambda i: (0, 0)),
          pl.BlockSpec((BM, 1), lambda i: (i, 0)),
      ],
      out_specs=pl.BlockSpec((G, D), lambda i: (0, 0)),
      out_shape=jax.ShapeDtypeStruct((G, D), jnp.float32),
      compiler_params=pltpu.CompilerParams(
          dimension_semantics=("arbitrary",),
      ),
  )(p0, p1, hin, w1, b1, w2, b2, bat)


def _mlp(p0, p1, hin, w1, b1, w2, b2):
  return pl.pallas_call(
      _mlp_body,
      grid=(N // BM,),
      in_specs=[
          pl.BlockSpec((BM, D), lambda i: (i, 0)),
          pl.BlockSpec((BM, D), lambda i: (i, 0)),
          pl.BlockSpec((BM, D), lambda i: (i, 0)),
          pl.BlockSpec((D, D), lambda i: (0, 0)),
          pl.BlockSpec((1, D), lambda i: (0, 0)),
          pl.BlockSpec((D, D), lambda i: (0, 0)),
          pl.BlockSpec((1, D), lambda i: (0, 0)),
      ],
      out_specs=pl.BlockSpec((BM, D), lambda i: (i, 0)),
      out_shape=jax.ShapeDtypeStruct((N, D), jnp.float32),
      compiler_params=pltpu.CompilerParams(
          dimension_semantics=("arbitrary",),
      ),
  )(p0, p1, hin, w1, b1, w2, b2)




@jax.jit
def kernel(x, edge_index, batch,
           W1_0, b1_0, W2_0, b2_0,
           W1_1, b1_1, W2_1, b2_1,
           W1_2, b1_2, W2_2, b2_2):
  pad_pos = jnp.arange(NW * (EPW_PAD - EPW), dtype=jnp.int32)
  src_pad = (pad_pos % N).reshape(NW, EPW_PAD - EPW)
  dst_pad = (N + pad_pos % NDUMMY).reshape(NW, EPW_PAD - EPW)
  src = jnp.concatenate(
      [edge_index[0].astype(jnp.int32).reshape(NW, EPW), src_pad],
      axis=1).reshape(NW, NCHUNK_PAD, CHUNK)
  dst = jnp.concatenate(
      [edge_index[1].astype(jnp.int32).reshape(NW, EPW), dst_pad],
      axis=1).reshape(NW, NCHUNK_PAD, CHUNK)
  bat = batch.astype(jnp.int32).reshape(N, 1)

  h = x
  for w1, b1, w2, b2 in [(W1_0, b1_0, W2_0, b2_0), (W1_1, b1_1, W2_1, b2_1)]:
    p0, p1 = _agg(h, src, dst)
    h = _mlp(p0, p1, h, w1, b1.reshape(1, D), w2, b2.reshape(1, D))

  p0, p1 = _agg(h, src, dst)
  return _mlp_pool(p0, p1, h, W1_2, b1_2.reshape(1, D), W2_2,
                   b2_2.reshape(1, D), bat)

# --- scband reference (transcript-rebuilt; emitter-appended) ---
"""Pipeline reference for scband-gnnencoder-32933809226061 (READ-ONLY COPY).

The authoritative reference and input builder live on the scoring server;
editing this copy changes nothing except your own understanding.
"""

import jax, jax.numpy as jnp
import numpy as np

N_NODES = 10000
N_EDGES = 320000
D_IN = 128
HIDDEN = 128
N_LAYERS = 3
N_GRAPHS = 64


def setup_inputs(seed: int = 0) -> dict:
    key = jax.random.key(seed)
    ks = jax.random.split(key, 4 + 4 * N_LAYERS)
    inp = {}
    inp["x"] = jax.random.normal(ks[0], (N_NODES, D_IN), dtype=jnp.float32)
    inp["edge_index"] = jax.random.randint(ks[1], (2, N_EDGES), 0, N_NODES, dtype=jnp.int64)
    inp["batch"] = jnp.sort(jax.random.randint(ks[2], (N_NODES,), 0, N_GRAPHS, dtype=jnp.int64))
    for i in range(N_LAYERS):
        d_in = D_IN if i == 0 else HIDDEN
        base = 3 + 4 * i
        inp[f"W1_{i}"] = jax.random.normal(ks[base + 0], (d_in, HIDDEN), dtype=jnp.float32) * (1.0 / np.sqrt(d_in))
        inp[f"b1_{i}"] = jnp.zeros((HIDDEN,), dtype=jnp.float32)
        inp[f"W2_{i}"] = jax.random.normal(ks[base + 1], (HIDDEN, HIDDEN), dtype=jnp.float32) * (1.0 / np.sqrt(HIDDEN))
        inp[f"b2_{i}"] = jnp.zeros((HIDDEN,), dtype=jnp.float32)
    return inp


def _gin_conv(x, edge_index, W1, b1, W2, b2, eps=0.0):
    # GINConv: h = MLP((1+eps)*x + sum_{j in N(i)} x_j)
    src = edge_index[0]
    dst = edge_index[1]
    msgs = jnp.take(x, src, axis=0)                      # gather   [E, d]
    agg = jax.ops.segment_sum(msgs, dst, num_segments=x.shape[0])  # scatter-add [N, d]
    h = (1.0 + eps) * x + agg
    h = jnp.maximum(h @ W1 + b1, 0.0)
    h = h @ W2 + b2
    return h


def reference(x, edge_index, batch,
              W1_0, b1_0, W2_0, b2_0,
              W1_1, b1_1, W2_1, b2_1,
              W1_2, b1_2, W2_2, b2_2):
    params = [(W1_0, b1_0, W2_0, b2_0),
              (W1_1, b1_1, W2_1, b2_1),
              (W1_2, b1_2, W2_2, b2_2)]
    h = x
    for (W1, b1, W2, b2) in params:
        h = jnp.maximum(_gin_conv(h, edge_index, W1, b1, W2, b2), 0.0)
    # global_add_pool: sum node features per graph id
    out = jax.ops.segment_sum(h, batch, num_segments=N_GRAPHS)
    return out

if __name__ == "__main__":
    import jax
    _d = setup_inputs()
    print(jax.jit(kernel)(*tuple(_d.values())))

</pallas_src>

<mosaic_0001>
#map = affine_map<(d0, d1) -> (0, 0)>
#map1 = affine_map<(d0, d1) -> (0, 0, 0)>
module attributes {stable_mosaic.version = 14 : i64} {
  func.func @_agg_body(%arg0: i32, %arg1: i32, %arg2: memref<10000x128xf32, #tpu.memory_space<hbm>>, %arg3: memref<32x80x128xi32, #tpu.memory_space<hbm>>, %arg4: memref<32x80x128xi32, #tpu.memory_space<hbm>>, %arg5: memref<10000x128xf32, #tpu.memory_space<hbm>>, %arg6: memref<10000x128xf32, #tpu.memory_space<hbm>>, %arg7: memref<10016x128xf32, #tpu.memory_space<vmem_shared>>, %arg8: memref<8x128xi32, #tpu.memory_space<vmem>>, %arg9: memref<8x128xi32, #tpu.memory_space<vmem>>, %arg10: memref<8x128xi32, #tpu.memory_space<vmem>>, %arg11: memref<8x128xi32, #tpu.memory_space<vmem>>, %arg12: memref<128x128xf32, #tpu.memory_space<vmem>>, %arg13: memref<128x128xf32, #tpu.memory_space<vmem>>, %arg14: memref<!tpu.dma_semaphore, #tpu.memory_space<semaphore_mem>>, %arg15: memref<!tpu.dma_semaphore, #tpu.memory_space<semaphore_mem>>, %arg16: memref<!tpu.dma_semaphore, #tpu.memory_space<semaphore_mem>>, %arg17: memref<!tpu.dma_semaphore, #tpu.memory_space<semaphore_mem>>, %arg18: memref<!tpu.dma_semaphore, #tpu.memory_space<semaphore_mem>>, %arg19: memref<!tpu.dma_semaphore, #tpu.memory_space<semaphore_mem>>) attributes {dimension_semantics = [#tpu.dimension_semantics<core_parallel>, #tpu.dimension_semantics<subcore_parallel>], iteration_bounds = array<i64: 2, 16>, scalar_prefetch = 0 : i64, scratch_operands = 13 : i64, tpu.core_type = #tpu.core_type<sc_vector_subcore>, window_params = [{transform_indices = #map}, {transform_indices = #map1}, {transform_indices = #map1}, {transform_indices = #map}, {transform_indices = #map}]} {
    %mul3A = arith.constant 16 : i32
    %mul3A_0 = arith.muli %arg0, %mul3A : i32
    %add3A = arith.addi %mul3A_0, %arg1 : i32
    %mul3A_1 = arith.constant 632 : i32
    %mul3A_2 = arith.muli %arg1, %mul3A_1 : i32
    %lt3A = arith.constant 15 : i32
    %lt3A_3 = arith.cmpi slt, %arg1, %lt3A : i32
    %convert_element_type3A = arith.extui %lt3A_3 : i1 to i32
    %cond3A = arith.constant 0 : i32
    %cond3A_4 = arith.cmpi ne, %convert_element_type3A, %cond3A : i32
    scf.if %cond3A_4 {
      %dma_start3A_115 = arith.constant 0 : i32
      %dma_start3A_116 = tpu.memref_slice %arg7[%mul3A_2, %dma_start3A_115] : memref<10016x128xf32, #tpu.memory_space<vmem_shared>> -> memref<632x128xf32, #tpu.memory_space<vmem_shared>>
      %dma_start3A_117 = arith.constant 0 : i32
      %dma_start3A_118 = tpu.memref_slice %arg2[%mul3A_2, %dma_start3A_117] : memref<10000x128xf32, #tpu.memory_space<hbm>> -> memref<632x128xf32, #tpu.memory_space<hbm>>
      tpu.enqueue_dma source(%dma_start3A_118 : memref<632x128xf32, #tpu.memory_space<hbm>>) target(%dma_start3A_116 : memref<632x128xf32, #tpu.memory_space<vmem_shared>>) target_semaphore(%arg18 : memref<!tpu.dma_semaphore, #tpu.memory_space<semaphore_mem>>)
    } else {
    }
    %eq3A = arith.constant 15 : i32
    %eq3A_5 = arith.cmpi eq, %arg1, %eq3A : i32
    %convert_element_type3A_6 = arith.extui %eq3A_5 : i1 to i32
    %cond3A_7 = arith.constant 0 : i32
    %cond3A_8 = arith.cmpi ne, %convert_element_type3A_6, %cond3A_7 : i32
    scf.if %cond3A_8 {
      %dma_start3A_115 = arith.constant 0 : i32
      %dma_start3A_116 = tpu.memref_slice %arg7[%mul3A_2, %dma_start3A_115] : memref<10016x128xf32, #tpu.memory_space<vmem_shared>> -> memref<520x128xf32, #tpu.memory_space<vmem_shared>>
      %dma_start3A_117 = arith.constant 0 : i32
      %dma_start3A_118 = tpu.memref_slice %arg2[%mul3A_2, %dma_start3A_117] : memref<10000x128xf32, #tpu.memory_space<hbm>> -> memref<520x128xf32, #tpu.memory_space<hbm>>
      tpu.enqueue_dma source(%dma_start3A_118 : memref<520x128xf32, #tpu.memory_space<hbm>>) target(%dma_start3A_116 : memref<520x128xf32, #tpu.memory_space<vmem_shared>>) target_semaphore(%arg18 : memref<!tpu.dma_semaphore, #tpu.memory_space<semaphore_mem>>)
    } else {
    }
    %dma_start3A = arith.constant 0 : i32
    %dma_start3A_9 = arith.constant 0 : i32
    %dma_start3A_10 = tpu.memref_slice %arg3[%add3A, %dma_start3A, %dma_start3A_9] : memref<32x80x128xi32, #tpu.memory_space<hbm>> -> memref<1x8x128xi32, #tpu.memory_space<hbm>>
    %dma_start3A_11 = tpu.memref_squeeze %dma_start3A_10 : memref<1x8x128xi32, #tpu.memory_space<hbm>> -> memref<8x128xi32, #tpu.memory_space<hbm>>
    %dma_start3A_12 = arith.constant 0 : i32
    %dma_start3A_13 = arith.constant 0 : i32
    %dma_start3A_14 = tpu.memref_slice %arg3[%add3A, %dma_start3A_12, %dma_start3A_13] : memref<32x80x128xi32, #tpu.memory_space<hbm>> -> memref<1x8x128xi32, #tpu.memory_space<hbm>>
    %dma_start3A_15 = tpu.memref_squeeze %dma_start3A_14 : memref<1x8x128xi32, #tpu.memory_space<hbm>> -> memref<8x128xi32, #tpu.memory_space<hbm>>
    tpu.enqueue_dma source(%dma_start3A_15 : memref<8x128xi32, #tpu.memory_space<hbm>>) target(%arg8 : memref<8x128xi32, #tpu.memory_space<vmem>>) target_semaphore(%arg14 : memref<!tpu.dma_semaphore, #tpu.memory_space<semaphore_mem>>)
    %dma_start3A_16 = arith.constant 0 : i32
    %dma_start3A_17 = arith.constant 0 : i32
    %dma_start3A_18 = tpu.memref_slice %arg4[%add3A, %dma_start3A_16, %dma_start3A_17] : memref<32x80x128xi32, #tpu.memory_space<hbm>> -> memref<1x8x128xi32, #tpu.memory_space<hbm>>
    %dma_start3A_19 = tpu.memref_squeeze %dma_start3A_18 : memref<1x8x128xi32, #tpu.memory_space<hbm>> -> memref<8x128xi32, #tpu.memory_space<hbm>>
    %dma_start3A_20 = arith.constant 0 : i32
    %dma_start3A_21 = arith.constant 0 : i32
    %dma_start3A_22 = tpu.memref_slice %arg4[%add3A, %dma_start3A_20, %dma_start3A_21] : memref<32x80x128xi32, #tpu.memory_space<hbm>> -> memref<1x8x128xi32, #tpu.memory_space<hbm>>
    %dma_start3A_23 = tpu.memref_squeeze %dma_start3A_22 : memref<1x8x128xi32, #tpu.memory_space<hbm>> -> memref<8x128xi32, #tpu.memory_space<hbm>>
    tpu.enqueue_dma source(%dma_start3A_23 : memref<8x128xi32, #tpu.memory_space<hbm>>) target(%arg10 : memref<8x128xi32, #tpu.memory_space<vmem>>) target_semaphore(%arg14 : memref<!tpu.dma_semaphore, #tpu.memory_space<semaphore_mem>>)
    %dma_start3A_24 = arith.constant 8 : i32
    %dma_start3A_25 = arith.constant 0 : i32
    %dma_start3A_26 = tpu.memref_slice %arg3[%add3A, %dma_start3A_24, %dma_start3A_25] : memref<32x80x128xi32, #tpu.memory_space<hbm>> -> memref<1x8x128xi32, #tpu.memory_space<hbm>>
    %dma_start3A_27 = tpu.memref_squeeze %dma_start3A_26 : memref<1x8x128xi32, #tpu.memory_space<hbm>> -> memref<8x128xi32, #tpu.memory_space<hbm>>
    %dma_start3A_28 = arith.constant 8 : i32
    %dma_start3A_29 = arith.constant 0 : i32
    %dma_start3A_30 = tpu.memref_slice %arg3[%add3A, %dma_start3A_28, %dma_start3A_29] : memref<32x80x128xi32, #tpu.memory_space<hbm>> -> memref<1x8x128xi32, #tpu.memory_space<hbm>>
    %dma_start3A_31 = tpu.memref_squeeze %dma_start3A_30 : memref<1x8x128xi32, #tpu.memory_space<hbm>> -> memref<8x128xi32, #tpu.memory_space<hbm>>
    tpu.enqueue_dma source(%dma_start3A_31 : memref<8x128xi32, #tpu.memory_space<hbm>>) target(%arg9 : memref<8x128xi32, #tpu.memory_space<vmem>>) target_semaphore(%arg15 : memref<!tpu.dma_semaphore, #tpu.memory_space<semaphore_mem>>)
    %dma_start3A_32 = arith.constant 8 : i32
    %dma_start3A_33 = arith.constant 0 : i32
    %dma_start3A_34 = tpu.memref_slice %arg4[%add3A, %dma_start3A_32, %dma_start3A_33] : memref<32x80x128xi32, #tpu.memory_space<hbm>> -> memref<1x8x128xi32, #tpu.memory_space<hbm>>
    %dma_start3A_35 = tpu.memref_squeeze %dma_start3A_34 : memref<1x8x128xi32, #tpu.memory_space<hbm>> -> memref<8x128xi32, #tpu.memory_space<hbm>>
    %dma_start3A_36 = arith.constant 8 : i32
    %dma_start3A_37 = arith.constant 0 : i32
    %dma_start3A_38 = tpu.memref_slice %arg4[%add3A, %dma_start3A_36, %dma_start3A_37] : memref<32x80x128xi32, #tpu.memory_space<hbm>> -> memref<1x8x128xi32, #tpu.memory_space<hbm>>
    %dma_start3A_39 = tpu.memref_squeeze %dma_start3A_38 : memref<1x8x128xi32, #tpu.memory_space<hbm>> -> memref<8x128xi32, #tpu.memory_space<hbm>>
    tpu.enqueue_dma source(%dma_start3A_39 : memref<8x128xi32, #tpu.memory_space<hbm>>) target(%arg11 : memref<8x128xi32, #tpu.memory_space<vmem>>) target_semaphore(%arg15 : memref<!tpu.dma_semaphore, #tpu.memory_space<semaphore_mem>>)
    %dma_wait3A = arith.constant 0 : i32
    %dma_wait3A_40 = arith.constant 0 : i32
    %dma_wait3A_41 = tpu.memref_slice %arg3[%add3A, %dma_wait3A, %dma_wait3A_40] : memref<32x80x128xi32, #tpu.memory_space<hbm>> -> memref<1x8x128xi32, #tpu.memory_space<hbm>>
    %dma_wait3A_42 = tpu.memref_squeeze %dma_wait3A_41 : memref<1x8x128xi32, #tpu.memory_space<hbm>> -> memref<8x128xi32, #tpu.memory_space<hbm>>
    %dma_wait3A_43 = arith.constant 0 : i32
    %dma_wait3A_44 = arith.constant 0 : i32
    %dma_wait3A_45 = tpu.memref_slice %arg3[%add3A, %dma_wait3A_43, %dma_wait3A_44] : memref<32x80x128xi32, #tpu.memory_space<hbm>> -> memref<1x8x128xi32, #tpu.memory_space<hbm>>
    %dma_wait3A_46 = tpu.memref_squeeze %dma_wait3A_45 : memref<1x8x128xi32, #tpu.memory_space<hbm>> -> memref<8x128xi32, #tpu.memory_space<hbm>>
    tpu.wait_dma2 semaphore(%arg14 : memref<!tpu.dma_semaphore, #tpu.memory_space<semaphore_mem>>) src(%dma_wait3A_46 : memref<8x128xi32, #tpu.memory_space<hbm>>) dst(%arg8 : memref<8x128xi32, #tpu.memory_space<vmem>>)
    %dma_wait3A_47 = arith.constant 0 : i32
    %dma_wait3A_48 = arith.constant 0 : i32
    %dma_wait3A_49 = tpu.memref_slice %arg4[%add3A, %dma_wait3A_47, %dma_wait3A_48] : memref<32x80x128xi32, #tpu.memory_space<hbm>> -> memref<1x8x128xi32, #tpu.memory_space<hbm>>
    %dma_wait3A_50 = tpu.memref_squeeze %dma_wait3A_49 : memref<1x8x128xi32, #tpu.memory_space<hbm>> -> memref<8x128xi32, #tpu.memory_space<hbm>>
    %dma_wait3A_51 = arith.constant 0 : i32
    %dma_wait3A_52 = arith.constant 0 : i32
    %dma_wait3A_53 = tpu.memref_slice %arg4[%add3A, %dma_wait3A_51, %dma_wait3A_52] : memref<32x80x128xi32, #tpu.memory_space<hbm>> -> memref<1x8x128xi32, #tpu.memory_space<hbm>>
    %dma_wait3A_54 = tpu.memref_squeeze %dma_wait3A_53 : memref<1x8x128xi32, #tpu.memory_space<hbm>> -> memref<8x128xi32, #tpu.memory_space<hbm>>
    tpu.wait_dma2 semaphore(%arg14 : memref<!tpu.dma_semaphore, #tpu.memory_space<semaphore_mem>>) src(%dma_wait3A_54 : memref<8x128xi32, #tpu.memory_space<hbm>>) dst(%arg10 : memref<8x128xi32, #tpu.memory_space<vmem>>)
    %dma_start3A_55 = arith.constant 0 : i32
    %dma_start3A_56 = arith.constant 0 : i32
    %dma_start3A_57 = tpu.memref_slice %arg8[%dma_start3A_55, %dma_start3A_56] : memref<8x128xi32, #tpu.memory_space<vmem>> -> memref<1x128xi32, #tpu.memory_space<vmem>>
    %dma_start3A_58 = tpu.memref_squeeze %dma_start3A_57 : memref<1x128xi32, #tpu.memory_space<vmem>> -> memref<128xi32, #tpu.memory_space<vmem>>
    %dma_start3A_59 = arith.constant 0 : i32
    %dma_start3A_60 = arith.constant 0 : i32
    %dma_start3A_61 = tpu.memref_slice %arg2[%dma_start3A_59, %dma_start3A_60] : memref<10000x128xf32, #tpu.memory_space<hbm>> -> memref<10000x128xf32, #tpu.memory_space<hbm>>
    tpu.enqueue_indirect_dma source(%dma_start3A_61 : memref<10000x128xf32, #tpu.memory_space<hbm>>) target(%arg12 : memref<128x128xf32, #tpu.memory_space<vmem>>) offsets(%dma_start3A_58 : memref<128xi32, #tpu.memory_space<vmem>>) semaphore(%arg16 : memref<!tpu.dma_semaphore, #tpu.memory_space<semaphore_mem>>)
    %lt3A_62 = arith.constant 15 : i32
    %lt3A_63 = arith.cmpi slt, %arg1, %lt3A_62 : i32
    %convert_element_type3A_64 = arith.extui %lt3A_63 : i1 to i32
    %cond3A_65 = arith.constant 0 : i32
    %cond3A_66 = arith.cmpi ne, %convert_element_type3A_64, %cond3A_65 : i32
    scf.if %cond3A_66 {
      %dma_wait3A_115 = arith.constant 0 : i32
      %dma_wait3A_116 = tpu.memref_slice %arg7[%mul3A_2, %dma_wait3A_115] : memref<10016x128xf32, #tpu.memory_space<vmem_shared>> -> memref<632x128xf32, #tpu.memory_space<vmem_shared>>
      %dma_wait3A_117 = arith.constant 0 : i32
      %dma_wait3A_118 = tpu.memref_slice %arg2[%mul3A_2, %dma_wait3A_117] : memref<10000x128xf32, #tpu.memory_space<hbm>> -> memref<632x128xf32, #tpu.memory_space<hbm>>
      tpu.wait_dma2 semaphore(%arg18 : memref<!tpu.dma_semaphore, #tpu.memory_space<semaphore_mem>>) src(%dma_wait3A_118 : memref<632x128xf32, #tpu.memory_space<hbm>>) dst(%dma_wait3A_116 : memref<632x128xf32, #tpu.memory_space<vmem_shared>>)
    } else {
    }
    %eq3A_67 = arith.constant 15 : i32
    %eq3A_68 = arith.cmpi eq, %arg1, %eq3A_67 : i32
    %convert_element_type3A_69 = arith.extui %eq3A_68 : i1 to i32
    %cond3A_70 = arith.constant 0 : i32
    %cond3A_71 = arith.cmpi ne, %convert_element_type3A_69, %cond3A_70 : i32
    scf.if %cond3A_71 {
      %dma_wait3A_115 = arith.constant 0 : i32
      %dma_wait3A_116 = tpu.memref_slice %arg7[%mul3A_2, %dma_wait3A_115] : memref<10016x128xf32, #tpu.memory_space<vmem_shared>> -> memref<520x128xf32, #tpu.memory_space<vmem_shared>>
      %dma_wait3A_117 = arith.constant 0 : i32
      %dma_wait3A_118 = tpu.memref_slice %arg2[%mul3A_2, %dma_wait3A_117] : memref<10000x128xf32, #tpu.memory_space<hbm>> -> memref<520x128xf32, #tpu.memory_space<hbm>>
      tpu.wait_dma2 semaphore(%arg18 : memref<!tpu.dma_semaphore, #tpu.memory_space<semaphore_mem>>) src(%dma_wait3A_118 : memref<520x128xf32, #tpu.memory_space<hbm>>) dst(%dma_wait3A_116 : memref<520x128xf32, #tpu.memory_space<vmem_shared>>)
    } else {
    }
    %barrier3A = arith.constant 0 : index
    tpu.barrier barrier_id(%barrier3A)
    %scan3A = arith.constant 0 : i32
    %scan3A_72 = arith.constant 0 : i32
    %scan3A_73 = arith.constant 5 : i32
    %scan3A_74 = arith.addi %scan3A_72, %scan3A_73 : i32
    %scan3A_75 = arith.constant 1 : i32
    scf.for %scan3A_115 = %scan3A_72 to %scan3A_74 step %scan3A_75  : i32 {
      %mul3A_116 = arith.constant 2 : i32
      %mul3A_117 = arith.muli %mul3A_116, %scan3A_115 : i32
      %gt3A = arith.constant 0 : i32
      %gt3A_118 = arith.cmpi sgt, %scan3A_115, %gt3A : i32
      %convert_element_type3A_119 = arith.extui %gt3A_118 : i1 to i32
      %cond3A_120 = arith.constant 0 : i32
      %cond3A_121 = arith.cmpi ne, %convert_element_type3A_119, %cond3A_120 : i32
      scf.if %cond3A_121 {
        %dma_wait3A_586 = arith.constant 0 : i32
        %dma_wait3A_587 = arith.constant 0 : i32
        %dma_wait3A_588 = tpu.memref_slice %arg10[%dma_wait3A_586, %dma_wait3A_587] : memref<8x128xi32, #tpu.memory_space<vmem>> -> memref<1x128xi32, #tpu.memory_space<vmem>>
        %dma_wait3A_589 = tpu.memref_squeeze %dma_wait3A_588 : memref<1x128xi32, #tpu.memory_space<vmem>> -> memref<128xi32, #tpu.memory_space<vmem>>
        %dma_wait3A_590 = arith.constant 0 : i32
        %dma_wait3A_591 = arith.constant 0 : i32
        %dma_wait3A_592 = tpu.memref_slice %arg7[%dma_wait3A_590, %dma_wait3A_591] : memref<10016x128xf32, #tpu.memory_space<vmem_shared>> -> memref<10016x128xf32, #tpu.memory_space<vmem_shared>>
        tpu.wait_indirect_dma semaphore(%arg19 : memref<!tpu.dma_semaphore, #tpu.memory_space<semaphore_mem>>) src(%arg13 : memref<128x128xf32, #tpu.memory_space<vmem>>) dst(%dma_wait3A_592 : memref<10016x128xf32, #tpu.memory_space<vmem_shared>>)
        %add3A_593 = arith.constant 1 : i32
        %add3A_594 = arith.addi %mul3A_117, %add3A_593 : i32
        %mul3A_595 = arith.constant 8 : i32
        %mul3A_596 = arith.muli %mul3A_595, %add3A_594 : i32
        %dma_start3A_597 = arith.constant 0 : i32
        %dma_start3A_598 = tpu.memref_slice %arg3[%add3A, %mul3A_596, %dma_start3A_597] : memref<32x80x128xi32, #tpu.memory_space<hbm>> -> memref<1x8x128xi32, #tpu.memory_space<hbm>>
        %dma_start3A_599 = tpu.memref_squeeze %dma_start3A_598 : memref<1x8x128xi32, #tpu.memory_space<hbm>> -> memref<8x128xi32, #tpu.memory_space<hbm>>
        %dma_start3A_600 = arith.constant 0 : i32
        %dma_start3A_601 = tpu.memref_slice %arg3[%add3A, %mul3A_596, %dma_start3A_600] : memref<32x80x128xi32, #tpu.memory_space<hbm>> -> memref<1x8x128xi32, #tpu.memory_space<hbm>>
        %dma_start3A_602 = tpu.memref_squeeze %dma_start3A_601 : memref<1x8x128xi32, #tpu.memory_space<hbm>> -> memref<8x128xi32, #tpu.memory_space<hbm>>
        tpu.enqueue_dma source(%dma_start3A_602 : memref<8x128xi32, #tpu.memory_space<hbm>>) target(%arg9 : memref<8x128xi32, #tpu.memory_space<vmem>>) target_semaphore(%arg15 : memref<!tpu.dma_semaphore, #tpu.memory_space<semaphore_mem>>)
        %mul3A_603 = arith.constant 8 : i32
        %mul3A_604 = arith.muli %mul3A_603, %add3A_594 : i32
        %dma_start3A_605 = arith.constant 0 : i32
        %dma_start3A_606 = tpu.memref_slice %arg4[%add3A, %mul3A_604, %dma_start3A_605] : memref<32x80x128xi32, #tpu.memory_space<hbm>> -> memref<1x8x128xi32, #tpu.memory_space<hbm>>
        %dma_start3A_607 = tpu.memref_squeeze %dma_start3A_606 : memref<1x8x128xi32, #tpu.memory_space<hbm>> -> memref<8x128xi32, #tpu.memory_space<hbm>>
        %dma_start3A_608 = arith.constant 0 : i32
        %dma_start3A_609 = tpu.memref_slice %arg4[%add3A, %mul3A_604, %dma_start3A_608] : memref<32x80x128xi32, #tpu.memory_space<hbm>> -> memref<1x8x128xi32, #tpu.memory_space<hbm>>
        %dma_start3A_610 = tpu.memref_squeeze %dma_start3A_609 : memref<1x8x128xi32, #tpu.memory_space<hbm>> -> memref<8x128xi32, #tpu.memory_space<hbm>>
        tpu.enqueue_dma source(%dma_start3A_610 : memref<8x128xi32, #tpu.memory_space<hbm>>) target(%arg11 : memref<8x128xi32, #tpu.memory_space<vmem>>) target_semaphore(%arg15 : memref<!tpu.dma_semaphore, #tpu.memory_space<semaphore_mem>>)
      } else {
      }
      %dma_start3A_122 = arith.constant 1 : i32
      %dma_start3A_123 = arith.constant 0 : i32
      %dma_start3A_124 = tpu.memref_slice %arg8[%dma_start3A_122, %dma_start3A_123] : memref<8x128xi32, #tpu.memory_space<vmem>> -> memref<1x128xi32, #tpu.memory_space<vmem>>
      %dma_start3A_125 = tpu.memref_squeeze %dma_start3A_124 : memref<1x128xi32, #tpu.memory_space<vmem>> -> memref<128xi32, #tpu.memory_space<vmem>>
      %dma_start3A_126 = arith.constant 0 : i32
      %dma_start3A_127 = arith.constant 0 : i32
      %dma_start3A_128 = tpu.memref_slice %arg2[%dma_start3A_126, %dma_start3A_127] : memref<10000x128xf32, #tpu.memory_space<hbm>> -> memref<10000x128xf32, #tpu.memory_space<hbm>>
      tpu.enqueue_indirect_dma source(%dma_start3A_128 : memref<10000x128xf32, #tpu.memory_space<hbm>>) target(%arg13 : memref<128x128xf32, #tpu.memory_space<vmem>>) offsets(%dma_start3A_125 : memref<128xi32, #tpu.memory_space<vmem>>) semaphore(%arg17 : memref<!tpu.dma_semaphore, #tpu.memory_space<semaphore_mem>>)
      %dma_wait3A_129 = arith.constant 0 : i32
      %dma_wait3A_130 = arith.constant 0 : i32
      %dma_wait3A_131 = tpu.memref_slice %arg8[%dma_wait3A_129, %dma_wait3A_130] : memref<8x128xi32, #tpu.memory_space<vmem>> -> memref<1x128xi32, #tpu.memory_space<vmem>>
      %dma_wait3A_132 = tpu.memref_squeeze %dma_wait3A_131 : memref<1x128xi32, #tpu.memory_space<vmem>> -> memref<128xi32, #tpu.memory_space<vmem>>
      %dma_wait3A_133 = arith.constant 0 : i32
      %dma_wait3A_134 = arith.constant 0 : i32
      %dma_wait3A_135 = tpu.memref_slice %arg2[%dma_wait3A_133, %dma_wait3A_134] : memref<10000x128xf32, #tpu.memory_space<hbm>> -> memref<10000x128xf32, #tpu.memory_space<hbm>>
      tpu.wait_indirect_dma semaphore(%arg16 : memref<!tpu.dma_semaphore, #tpu.memory_space<semaphore_mem>>) src(%dma_wait3A_135 : memref<10000x128xf32, #tpu.memory_space<hbm>>) dst(%arg12 : memref<128x128xf32, #tpu.memory_space<vmem>>)
      %dma_start3A_136 = arith.constant 0 : i32
      %dma_start3A_137 = arith.constant 0 : i32
      %dma_start3A_138 = tpu.memref_slice %arg10[%dma_start3A_136, %dma_start3A_137] : memref<8x128xi32, #tpu.memory_space<vmem>> -> memref<1x128xi32, #tpu.memory_space<vmem>>
      %dma_start3A_139 = tpu.memref_squeeze %dma_start3A_138 : memref<1x128xi32, #tpu.memory_space<vmem>> -> memref<128xi32, #tpu.memory_space<vmem>>
      %dma_start3A_140 = arith.constant 0 : i32
      %dma_start3A_141 = arith.constant 0 : i32
      %dma_start3A_142 = tpu.memref_slice %arg7[%dma_start3A_140, %dma_start3A_141] : memref<10016x128xf32, #tpu.memory_space<vmem_shared>> -> memref<10016x128xf32, #tpu.memory_space<vmem_shared>>
      tpu.enqueue_indirect_dma source(%arg12 : memref<128x128xf32, #tpu.memory_space<vmem>>) target(%dma_start3A_142 : memref<10016x128xf32, #tpu.memory_space<vmem_shared>>) offsets(%dma_start3A_139 : memref<128xi32, #tpu.memory_space<vmem>>) semaphore(%arg18 : memref<!tpu.dma_semaphore, #tpu.memory_space<semaphore_mem>>) {add = true}
      %dma_wait3A_143 = arith.constant 0 : i32
      %dma_wait3A_144 = arith.constant 0 : i32
      %dma_wait3A_145 = tpu.memref_slice %arg10[%dma_wait3A_143, %dma_wait3A_144] : memref<8x128xi32, #tpu.memory_space<vmem>> -> memref<1x128xi32, #tpu.memory_space<vmem>>
      %dma_wait3A_146 = tpu.memref_squeeze %dma_wait3A_145 : memref<1x128xi32, #tpu.memory_space<vmem>> -> memref<128xi32, #tpu.memory_space<vmem>>
      %dma_wait3A_147 = arith.constant 0 : i32
      %dma_wait3A_148 = arith.constant 0 : i32
      %dma_wait3A_149 = tpu.memref_slice %arg7[%dma_wait3A_147, %dma_wait3A_148] : memref<10016x128xf32, #tpu.memory_space<vmem_shared>> -> memref<10016x128xf32, #tpu.memory_space<vmem_shared>>
      tpu.wait_indirect_dma semaphore(%arg18 : memref<!tpu.dma_semaphore, #tpu.memory_space<semaphore_mem>>) src(%arg12 : memref<128x128xf32, #tpu.memory_space<vmem>>) dst(%dma_wait3A_149 : memref<10016x128xf32, #tpu.memory_space<vmem_shared>>)
      %dma_start3A_150 = arith.constant 2 : i32
      %dma_start3A_151 = arith.constant 0 : i32
      %dma_start3A_152 = tpu.memref_slice %arg8[%dma_start3A_150, %dma_start3A_151] : memref<8x128xi32, #tpu.memory_space<vmem>> -> memref<1x128xi32, #tpu.memory_space<vmem>>
      %dma_start3A_153 = tpu.memref_squeeze %dma_start3A_152 : memref<1x128xi32, #tpu.memory_space<vmem>> -> memref<128xi32, #tpu.memory_space<vmem>>
      %dma_start3A_154 = arith.constant 0 : i32
      %dma_start3A_155 = arith.constant 0 : i32
      %dma_start3A_156 = tpu.memref_slice %arg2[%dma_start3A_154, %dma_start3A_155] : memref<10000x128xf32, #tpu.memory_space<hbm>> -> memref<10000x128xf32, #tpu.memory_space<hbm>>
      tpu.enqueue_indirect_dma source(%dma_start3A_156 : memref<10000x128xf32, #tpu.memory_space<hbm>>) target(%arg12 : memref<128x128xf32, #tpu.memory_space<vmem>>) offsets(%dma_start3A_153 : memref<128xi32, #tpu.memory_space<vmem>>) semaphore(%arg16 : memref<!tpu.dma_semaphore, #tpu.memory_space<semaphore_mem>>)
      %dma_wait3A_157 = arith.constant 0 : i32
      %dma_wait3A_158 = arith.constant 0 : i32
      %dma_wait3A_159 = tpu.memref_slice %arg8[%dma_wait3A_157, %dma_wait3A_158] : memref<8x128xi32, #tpu.memory_space<vmem>> -> memref<1x128xi32, #tpu.memory_space<vmem>>
      %dma_wait3A_160 = tpu.memref_squeeze %dma_wait3A_159 : memref<1x128xi32, #tpu.memory_space<vmem>> -> memref<128xi32, #tpu.memory_space<vmem>>
      %dma_wait3A_161 = arith.constant 0 : i32
      %dma_wait3A_162 = arith.constant 0 : i32
      %dma_wait3A_163 = tpu.memref_slice %arg2[%dma_wait3A_161, %dma_wait3A_162] : memref<10000x128xf32, #tpu.memory_space<hbm>> -> memref<10000x128xf32, #tpu.memory_space<hbm>>
      tpu.wait_indirect_dma semaphore(%arg17 : memref<!tpu.dma_semaphore, #tpu.memory_space<semaphore_mem>>) src(%dma_wait3A_163 : memref<10000x128xf32, #tpu.memory_space<hbm>>) dst(%arg13 : memref<128x128xf32, #tpu.memory_space<vmem>>)
      %dma_start3A_164 = arith.constant 1 : i32
      %dma_start3A_165 = arith.constant 0 : i32
      %dma_start3A_166 = tpu.memref_slice %arg10[%dma_start3A_164, %dma_start3A_165] : memref<8x128xi32, #tpu.memory_space<vmem>> -> memref<1x128xi32, #tpu.memory_space<vmem>>
      %dma_start3A_167 = tpu.memref_squeeze %dma_start3A_166 : memref<1x128xi32, #tpu.memory_space<vmem>> -> memref<128xi32, #tpu.memory_space<vmem>>
      %dma_start3A_168 = arith.constant 0 : i32
      %dma_start3A_169 = arith.constant 0 : i32
      %dma_start3A_170 = tpu.memref_slice %arg7[%dma_start3A_168, %dma_start3A_169] : memref<10016x128xf32, #tpu.memory_space<vmem_shared>> -> memref<10016x128xf32, #tpu.memory_space<vmem_shared>>
      tpu.enqueue_indirect_dma source(%arg13 : memref<128x128xf32, #tpu.memory_space<vmem>>) target(%dma_start3A_170 : memref<10016x128xf32, #tpu.memory_space<vmem_shared>>) offsets(%dma_start3A_167 : memref<128xi32, #tpu.memory_space<vmem>>) semaphore(%arg19 : memref<!tpu.dma_semaphore, #tpu.memory_space<semaphore_mem>>) {add = true}
      %dma_wait3A_171 = arith.constant 0 : i32
      %dma_wait3A_172 = arith.constant 0 : i32
      %dma_wait3A_173 = tpu.memref_slice %arg10[%dma_wait3A_171, %dma_wait3A_172] : memref<8x128xi32, #tpu.memory_space<vmem>> -> memref<1x128xi32, #tpu.memory_space<vmem>>
      %dma_wait3A_174 = tpu.memref_squeeze %dma_wait3A_173 : memref<1x128xi32, #tpu.memory_space<vmem>> -> memref<128xi32, #tpu.memory_space<vmem>>
      %dma_wait3A_175 = arith.constant 0 : i32
      %dma_wait3A_176 = arith.constant 0 : i32
      %dma_wait3A_177 = tpu.memref_slice %arg7[%dma_wait3A_175, %dma_wait3A_176] : memref<10016x128xf32, #tpu.memory_space<vmem_shared>> -> memref<10016x128xf32, #tpu.memory_space<vmem_shared>>
      tpu.wait_indirect_dma semaphore(%arg19 : memref<!tpu.dma_semaphore, #tpu.memory_space<semaphore_mem>>) src(%arg13 : memref<128x128xf32, #tpu.memory_space<vmem>>) dst(%dma_wait3A_177 : memref<10016x128xf32, #tpu.memory_space<vmem_shared>>)
      %dma_start3A_178 = arith.constant 3 : i32
      %dma_start3A_179 = arith.constant 0 : i32
      %dma_start3A_180 = tpu.memref_slice %arg8[%dma_start3A_178, %dma_start3A_179] : memref<8x128xi32, #tpu.memory_space<vmem>> -> memref<1x128xi32, #tpu.memory_space<vmem>>
      %dma_start3A_181 = tpu.memref_squeeze %dma_start3A_180 : memref<1x128xi32, #tpu.memory_space<vmem>> -> memref<128xi32, #tpu.memory_space<vmem>>
      %dma_start3A_182 = arith.constant 0 : i32
      %dma_start3A_183 = arith.constant 0 : i32
      %dma_start3A_184 = tpu.memref_slice %arg2[%dma_start3A_182, %dma_start3A_183] : memref<10000x128xf32, #tpu.memory_space<hbm>> -> memref<10000x128xf32, #tpu.memory_space<hbm>>
      tpu.enqueue_indirect_dma source(%dma_start3A_184 : memref<10000x128xf32, #tpu.memory_space<hbm>>) target(%arg13 : memref<128x128xf32, #tpu.memory_space<vmem>>) offsets(%dma_start3A_181 : memref<128xi32, #tpu.memory_space<vmem>>) semaphore(%arg17 : memref<!tpu.dma_semaphore, #tpu.memory_space<semaphore_mem>>)
      %dma_wait3A_185 = arith.constant 0 : i32
      %dma_wait3A_186 = arith.constant 0 : i32
      %dma_wait3A_187 = tpu.memref_slice %arg8[%dma_wait3A_185, %dma_wait3A_186] : memref<8x128xi32, #tpu.memory_space<vmem>> -> memref<1x128xi32, #tpu.memory_space<vmem>>
      %dma_wait3A_188 = tpu.memref_squeeze %dma_wait3A_187 : memref<1x128xi32, #tpu.memory_space<vmem>> -> memref<128xi32, #tpu.memory_space<vmem>>
      %dma_wait3A_189 = arith.constant 0 : i32
      %dma_wait3A_190 = arith.constant 0 : i32
      %dma_wait3A_191 = tpu.memref_slice %arg2[%dma_wait3A_189, %dma_wait3A_190] : memref<10000x128xf32, #tpu.memory_space<hbm>> -> memref<10000x128xf32, #tpu.memory_space<hbm>>
      tpu.wait_indirect_dma semaphore(%arg16 : memref<!tpu.dma_semaphore, #tpu.memory_space<semaphore_mem>>) src(%dma_wait3A_191 : memref<10000x128xf32, #tpu.memory_space<hbm>>) dst(%arg12 : memref<128x128xf32, #tpu.memory_space<vmem>>)
      %dma_start3A_192 = arith.constant 2 : i32
      %dma_start3A_193 = arith.constant 0 : i32
      %dma_start3A_194 = tpu.memref_slice %arg10[%dma_start3A_192, %dma_start3A_193] : memref<8x128xi32, #tpu.memory_space<vmem>> -> memref<1x128xi32, #tpu.memory_space<vmem>>
      %dma_start3A_195 = tpu.memref_squeeze %dma_start3A_194 : memref<1x128xi32, #tpu.memory_space<vmem>> -> memref<128xi32, #tpu.memory_space<vmem>>
      %dma_start3A_196 = arith.constant 0 : i32
      %dma_start3A_197 = arith.constant 0 : i32
      %dma_start3A_198 = tpu.memref_slice %arg7[%dma_start3A_196, %dma_start3A_197] : memref<10016x128xf32, #tpu.memory_space<vmem_shared>> -> memref<10016x128xf32, #tpu.memory_space<vmem_shared>>
      tpu.enqueue_indirect_dma source(%arg12 : memref<128x128xf32, #tpu.memory_space<vmem>>) target(%dma_start3A_198 : memref<10016x128xf32, #tpu.memory_space<vmem_shared>>) offsets(%dma_start3A_195 : memref<128xi32, #tpu.memory_space<vmem>>) semaphore(%arg18 : memref<!tpu.dma_semaphore, #tpu.memory_space<semaphore_mem>>) {add = true}
      %dma_wait3A_199 = arith.constant 0 : i32
      %dma_wait3A_200 = arith.constant 0 : i32
      %dma_wait3A_201 = tpu.memref_slice %arg10[%dma_wait3A_199, %dma_wait3A_200] : memref<8x128xi32, #tpu.memory_space<vmem>> -> memref<1x128xi32, #tpu.memory_space<vmem>>
      %dma_wait3A_202 = tpu.memref_squeeze %dma_wait3A_201 : memref<1x128xi32, #tpu.memory_space<vmem>> -> memref<128xi32, #tpu.memory_space<vmem>>
      %dma_wait3A_203 = arith.constant 0 : i32
      %dma_wait3A_204 = arith.constant 0 : i32
      %dma_wait3A_205 = tpu.memref_slice %arg7[%dma_wait3A_203, %dma_wait3A_204] : memref<10016x128xf32, #tpu.memory_space<vmem_shared>> -> memref<10016x128xf32, #tpu.memory_space<vmem_shared>>
      tpu.wait_indirect_dma semaphore(%arg18 : memref<!tpu.dma_semaphore, #tpu.memory_space<semaphore_mem>>) src(%arg12 : memref<128x128xf32, #tpu.memory_space<vmem>>) dst(%dma_wait3A_205 : memref<10016x128xf32, #tpu.memory_space<vmem_shared>>)
      %dma_start3A_206 = arith.constant 4 : i32
      %dma_start3A_207 = arith.constant 0 : i32
      %dma_start3A_208 = tpu.memref_slice %arg8[%dma_start3A_206, %dma_start3A_207] : memref<8x128xi32, #tpu.memory_space<vmem>> -> memref<1x128xi32, #tpu.memory_space<vmem>>
      %dma_start3A_209 = tpu.memref_squeeze %dma_start3A_208 : memref<1x128xi32, #tpu.memory_space<vmem>> -> memref<128xi32, #tpu.memory_space<vmem>>
      %dma_start3A_210 = arith.constant 0 : i32
      %dma_start3A_211 = arith.constant 0 : i32
      %dma_start3A_212 = tpu.memref_slice %arg2[%dma_start3A_210, %dma_start3A_211] : memref<10000x128xf32, #tpu.memory_space<hbm>> -> memref<10000x128xf32, #tpu.memory_space<hbm>>
      tpu.enqueue_indirect_dma source(%dma_start3A_212 : memref<10000x128xf32, #tpu.memory_space<hbm>>) target(%arg12 : memref<128x128xf32, #tpu.memory_space<vmem>>) offsets(%dma_start3A_209 : memref<128xi32, #tpu.memory_space<vmem>>) semaphore(%arg16 : memref<!tpu.dma_semaphore, #tpu.memory_space<semaphore_mem>>)
      %dma_wait3A_213 = arith.constant 0 : i32
      %dma_wait3A_214 = arith.constant 0 : i32
      %dma_wait3A_215 = tpu.memref_slice %arg8[%dma_wait3A_213, %dma_wait3A_214] : memref<8x128xi32, #tpu.memory_space<vmem>> -> memref<1x128xi32, #tpu.memory_space<vmem>>
      %dma_wait3A_216 = tpu.memref_squeeze %dma_wait3A_215 : memref<1x128xi32, #tpu.memory_space<vmem>> -> memref<128xi32, #tpu.memory_space<vmem>>
      %dma_wait3A_217 = arith.constant 0 : i32
      %dma_wait3A_218 = arith.constant 0 : i32
      %dma_wait3A_219 = tpu.memref_slice %arg2[%dma_wait3A_217, %dma_wait3A_218] : memref<10000x128xf32, #tpu.memory_space<hbm>> -> memref<10000x128xf32, #tpu.memory_space<hbm>>
      tpu.wait_indirect_dma semaphore(%arg17 : memref<!tpu.dma_semaphore, #tpu.memory_space<semaphore_mem>>) src(%dma_wait3A_219 : memref<10000x128xf32, #tpu.memory_space<hbm>>) dst(%arg13 : memref<128x128xf32, #tpu.memory_space<vmem>>)
      %dma_start3A_220 = arith.constant 3 : i32
      %dma_start3A_221 = arith.constant 0 : i32
      %dma_start3A_222 = tpu.memref_slice %arg10[%dma_start3A_220, %dma_start3A_221] : memref<8x128xi32, #tpu.memory_space<vmem>> -> memref<1x128xi32, #tpu.memory_space<vmem>>
      %dma_start3A_223 = tpu.memref_squeeze %dma_start3A_222 : memref<1x128xi32, #tpu.memory_space<vmem>> -> memref<128xi32, #tpu.memory_space<vmem>>
      %dma_start3A_224 = arith.constant 0 : i32
      %dma_start3A_225 = arith.constant 0 : i32
      %dma_start3A_226 = tpu.memref_slice %arg7[%dma_start3A_224, %dma_start3A_225] : memref<10016x128xf32, #tpu.memory_space<vmem_shared>> -> memref<10016x128xf32, #tpu.memory_space<vmem_shared>>
      tpu.enqueue_indirect_dma source(%arg13 : memref<128x128xf32, #tpu.memory_space<vmem>>) target(%dma_start3A_226 : memref<10016x128xf32, #tpu.memory_space<vmem_shared>>) offsets(%dma_start3A_223 : memref<128xi32, #tpu.memory_space<vmem>>) semaphore(%arg19 : memref<!tpu.dma_semaphore, #tpu.memory_space<semaphore_mem>>) {add = true}
      %dma_wait3A_227 = arith.constant 0 : i32
      %dma_wait3A_228 = arith.constant 0 : i32
      %dma_wait3A_229 = tpu.memref_slice %arg10[%dma_wait3A_227, %dma_wait3A_228] : memref<8x128xi32, #tpu.memory_space<vmem>> -> memref<1x128xi32, #tpu.memory_space<vmem>>
      %dma_wait3A_230 = tpu.memref_squeeze %dma_wait3A_229 : memref<1x128xi32, #tpu.memory_space<vmem>> -> memref<128xi32, #tpu.memory_space<vmem>>
      %dma_wait3A_231 = arith.constant 0 : i32
      %dma_wait3A_232 = arith.constant 0 : i32
      %dma_wait3A_233 = tpu.memref_slice %arg7[%dma_wait3A_231, %dma_wait3A_232] : memref<10016x128xf32, #tpu.memory_space<vmem_shared>> -> memref<10016x128xf32, #tpu.memory_space<vmem_shared>>
      tpu.wait_indirect_dma semaphore(%arg19 : memref<!tpu.dma_semaphore, #tpu.memory_space<semaphore_mem>>) src(%arg13 : memref<128x128xf32, #tpu.memory_space<vmem>>) dst(%dma_wait3A_233 : memref<10016x128xf32, #tpu.memory_space<vmem_shared>>)
      %dma_start3A_234 = arith.constant 5 : i32
      %dma_start3A_235 = arith.constant 0 : i32
      %dma_start3A_236 = tpu.memref_slice %arg8[%dma_start3A_234, %dma_start3A_235] : memref<8x128xi32, #tpu.memory_space<vmem>> -> memref<1x128xi32, #tpu.memory_space<vmem>>
      %dma_start3A_237 = tpu.memref_squeeze %dma_start3A_236 : memref<1x128xi32, #tpu.memory_space<vmem>> -> memref<128xi32, #tpu.memory_space<vmem>>
      %dma_start3A_238 = arith.constant 0 : i32
      %dma_start3A_239 = arith.constant 0 : i32
      %dma_start3A_240 = tpu.memref_slice %arg2[%dma_start3A_238, %dma_start3A_239] : memref<10000x128xf32, #tpu.memory_space<hbm>> -> memref<10000x128xf32, #tpu.memory_space<hbm>>
      tpu.enqueue_indirect_dma source(%dma_start3A_240 : memref<10000x128xf32, #tpu.memory_space<hbm>>) target(%arg13 : memref<128x128xf32, #tpu.memory_space<vmem>>) offsets(%dma_start3A_237 : memref<128xi32, #tpu.memory_space<vmem>>) semaphore(%arg17 : memref<!tpu.dma_semaphore, #tpu.memory_space<semaphore_mem>>)
      %dma_wait3A_241 = arith.constant 0 : i32
      %dma_wait3A_242 = arith.constant 0 : i32
      %dma_wait3A_243 = tpu.memref_slice %arg8[%dma_wait3A_241, %dma_wait3A_242] : memref<8x128xi32, #tpu.memory_space<vmem>> -> memref<1x128xi32, #tpu.memory_space<vmem>>
      %dma_wait3A_244 = tpu.memref_squeeze %dma_wait3A_243 : memref<1x128xi32, #tpu.memory_space<vmem>> -> memref<128xi32, #tpu.memory_space<vmem>>
      %dma_wait3A_245 = arith.constant 0 : i32
      %dma_wait3A_246 = arith.constant 0 : i32
      %dma_wait3A_247 = tpu.memref_slice %arg2[%dma_wait3A_245, %dma_wait3A_246] : memref<10000x128xf32, #tpu.memory_space<hbm>> -> memref<10000x128xf32, #tpu.memory_space<hbm>>
      tpu.wait_indirect_dma semaphore(%arg16 : memref<!tpu.dma_semaphore, #tpu.memory_space<semaphore_mem>>) src(%dma_wait3A_247 : memref<10000x128xf32, #tpu.memory_space<hbm>>) dst(%arg12 : memref<128x128xf32, #tpu.memory_space<vmem>>)
      %dma_start3A_248 = arith.constant 4 : i32
      %dma_start3A_249 = arith.constant 0 : i32
      %dma_start3A_250 = tpu.memref_slice %arg10[%dma_start3A_248, %dma_start3A_249] : memref<8x128xi32, #tpu.memory_space<vmem>> -> memref<1x128xi32, #tpu.memory_space<vmem>>
      %dma_start3A_251 = tpu.memref_squeeze %dma_start3A_250 : memref<1x128xi32, #tpu.memory_space<vmem>> -> memref<128xi32, #tpu.memory_space<vmem>>
      %dma_start3A_252 = arith.constant 0 : i32
      %dma_start3A_253 = arith.constant 0 : i32
      %dma_start3A_254 = tpu.memref_slice %arg7[%dma_start3A_252, %dma_start3A_253] : memref<10016x128xf32, #tpu.memory_space<vmem_shared>> -> memref<10016x128xf32, #tpu.memory_space<vmem_shared>>
      tpu.enqueue_indirect_dma source(%arg12 : memref<128x128xf32, #tpu.memory_space<vmem>>) target(%dma_start3A_254 : memref<10016x128xf32, #tpu.memory_space<vmem_shared>>) offsets(%dma_start3A_251 : memref<128xi32, #tpu.memory_space<vmem>>) semaphore(%arg18 : memref<!tpu.dma_semaphore, #tpu.memory_space<semaphore_mem>>) {add = true}
      %dma_wait3A_255 = arith.constant 0 : i32
      %dma_wait3A_256 = arith.constant 0 : i32
      %dma_wait3A_257 = tpu.memref_slice %arg10[%dma_wait3A_255, %dma_wait3A_256] : memref<8x128xi32, #tpu.memory_space<vmem>> -> memref<1x128xi32, #tpu.memory_space<vmem>>
      %dma_wait3A_258 = tpu.memref_squeeze %dma_wait3A_257 : memref<1x128xi32, #tpu.memory_space<vmem>> -> memref<128xi32, #tpu.memory_space<vmem>>
      %dma_wait3A_259 = arith.constant 0 : i32
      %dma_wait3A_260 = arith.constant 0 : i32
      %dma_wait3A_261 = tpu.memref_slice %arg7[%dma_wait3A_259, %dma_wait3A_260] : memref<10016x128xf32, #tpu.memory_space<vmem_shared>> -> memref<10016x128xf32, #tpu.memory_space<vmem_shared>>
      tpu.wait_indirect_dma semaphore(%arg18 : memref<!tpu.dma_semaphore, #tpu.memory_space<semaphore_mem>>) src(%arg12 : memref<128x128xf32, #tpu.memory_space<vmem>>) dst(%dma_wait3A_261 : memref<10016x128xf32, #tpu.memory_space<vmem_shared>>)
      %dma_start3A_262 = arith.constant 6 : i32
      %dma_start3A_263 = arith.constant 0 : i32
      %dma_start3A_264 = tpu.memref_slice %arg8[%dma_start3A_262, %dma_start3A_263] : memref<8x128xi32, #tpu.memory_space<vmem>> -> memref<1x128xi32, #tpu.memory_space<vmem>>
      %dma_start3A_265 = tpu.memref_squeeze %dma_start3A_264 : memref<1x128xi32, #tpu.memory_space<vmem>> -> memref<128xi32, #tpu.memory_space<vmem>>
      %dma_start3A_266 = arith.constant 0 : i32
      %dma_start3A_267 = arith.constant 0 : i32
      %dma_start3A_268 = tpu.memref_slice %arg2[%dma_start3A_266, %dma_start3A_267] : memref<10000x128xf32, #tpu.memory_space<hbm>> -> memref<10000x128xf32, #tpu.memory_space<hbm>>
      tpu.enqueue_indirect_dma source(%dma_start3A_268 : memref<10000x128xf32, #tpu.memory_space<hbm>>) target(%arg12 : memref<128x128xf32, #tpu.memory_space<vmem>>) offsets(%dma_start3A_265 : memref<128xi32, #tpu.memory_space<vmem>>) semaphore(%arg16 : memref<!tpu.dma_semaphore, #tpu.memory_space<semaphore_mem>>)
      %dma_wait3A_269 = arith.constant 0 : i32
      %dma_wait3A_270 = arith.constant 0 : i32
      %dma_wait3A_271 = tpu.memref_slice %arg8[%dma_wait3A_269, %dma_wait3A_270] : memref<8x128xi32, #tpu.memory_space<vmem>> -> memref<1x128xi32, #tpu.memory_space<vmem>>
      %dma_wait3A_272 = tpu.memref_squeeze %dma_wait3A_271 : memref<1x128xi32, #tpu.memory_space<vmem>> -> memref<128xi32, #tpu.memory_space<vmem>>
      %dma_wait3A_273 = arith.constant 0 : i32
      %dma_wait3A_274 = arith.constant 0 : i32
      %dma_wait3A_275 = tpu.memref_slice %arg2[%dma_wait3A_273, %dma_wait3A_274] : memref<10000x128xf32, #tpu.memory_space<hbm>> -> memref<10000x128xf32, #tpu.memory_space<hbm>>
      tpu.wait_indirect_dma semaphore(%arg17 : memref<!tpu.dma_semaphore, #tpu.memory_space<semaphore_mem>>) src(%dma_wait3A_275 : memref<10000x128xf32, #tpu.memory_space<hbm>>) dst(%arg13 : memref<128x128xf32, #tpu.memory_space<vmem>>)
      %dma_start3A_276 = arith.constant 5 : i32
      %dma_start3A_277 = arith.constant 0 : i32
      %dma_start3A_278 = tpu.memref_slice %arg10[%dma_start3A_276, %dma_start3A_277] : memref<8x128xi32, #tpu.memory_space<vmem>> -> memref<1x128xi32, #tpu.memory_space<vmem>>
      %dma_start3A_279 = tpu.memref_squeeze %dma_start3A_278 : memref<1x128xi32, #tpu.memory_space<vmem>> -> memref<128xi32, #tpu.memory_space<vmem>>
      %dma_start3A_280 = arith.constant 0 : i32
      %dma_start3A_281 = arith.constant 0 : i32
      %dma_start3A_282 = tpu.memref_slice %arg7[%dma_start3A_280, %dma_start3A_281] : memref<10016x128xf32, #tpu.memory_space<vmem_shared>> -> memref<10016x128xf32, #tpu.memory_space<vmem_shared>>
      tpu.enqueue_indirect_dma source(%arg13 : memref<128x128xf32, #tpu.memory_space<vmem>>) target(%dma_start3A_282 : memref<10016x128xf32, #tpu.memory_space<vmem_shared>>) offsets(%dma_start3A_279 : memref<128xi32, #tpu.memory_space<vmem>>) semaphore(%arg19 : memref<!tpu.dma_semaphore, #tpu.memory_space<semaphore_mem>>) {add = true}
      %dma_wait3A_283 = arith.constant 0 : i32
      %dma_wait3A_284 = arith.constant 0 : i32
      %dma_wait3A_285 = tpu.memref_slice %arg10[%dma_wait3A_283, %dma_wait3A_284] : memref<8x128xi32, #tpu.memory_space<vmem>> -> memref<1x128xi32, #tpu.memory_space<vmem>>
      %dma_wait3A_286 = tpu.memref_squeeze %dma_wait3A_285 : memref<1x128xi32, #tpu.memory_space<vmem>> -> memref<128xi32, #tpu.memory_space<vmem>>
      %dma_wait3A_287 = arith.constant 0 : i32
      %dma_wait3A_288 = arith.constant 0 : i32
      %dma_wait3A_289 = tpu.memref_slice %arg7[%dma_wait3A_287, %dma_wait3A_288] : memref<10016x128xf32, #tpu.memory_space<vmem_shared>> -> memref<10016x128xf32, #tpu.memory_space<vmem_shared>>
      tpu.wait_indirect_dma semaphore(%arg19 : memref<!tpu.dma_semaphore, #tpu.memory_space<semaphore_mem>>) src(%arg13 : memref<128x128xf32, #tpu.memory_space<vmem>>) dst(%dma_wait3A_289 : memref<10016x128xf32, #tpu.memory_space<vmem_shared>>)
      %dma_start3A_290 = arith.constant 7 : i32
      %dma_start3A_291 = arith.constant 0 : i32
      %dma_start3A_292 = tpu.memref_slice %arg8[%dma_start3A_290, %dma_start3A_291] : memref<8x128xi32, #tpu.memory_space<vmem>> -> memref<1x128xi32, #tpu.memory_space<vmem>>
      %dma_start3A_293 = tpu.memref_squeeze %dma_start3A_292 : memref<1x128xi32, #tpu.memory_space<vmem>> -> memref<128xi32, #tpu.memory_space<vmem>>
      %dma_start3A_294 = arith.constant 0 : i32
      %dma_start3A_295 = arith.constant 0 : i32
      %dma_start3A_296 = tpu.memref_slice %arg2[%dma_start3A_294, %dma_start3A_295] : memref<10000x128xf32, #tpu.memory_space<hbm>> -> memref<10000x128xf32, #tpu.memory_space<hbm>>
      tpu.enqueue_indirect_dma source(%dma_start3A_296 : memref<10000x128xf32, #tpu.memory_space<hbm>>) target(%arg13 : memref<128x128xf32, #tpu.memory_space<vmem>>) offsets(%dma_start3A_293 : memref<128xi32, #tpu.memory_space<vmem>>) semaphore(%arg17 : memref<!tpu.dma_semaphore, #tpu.memory_space<semaphore_mem>>)
      %dma_wait3A_297 = arith.constant 0 : i32
      %dma_wait3A_298 = arith.constant 0 : i32
      %dma_wait3A_299 = tpu.memref_slice %arg8[%dma_wait3A_297, %dma_wait3A_298] : memref<8x128xi32, #tpu.memory_space<vmem>> -> memref<1x128xi32, #tpu.memory_space<vmem>>
      %dma_wait3A_300 = tpu.memref_squeeze %dma_wait3A_299 : memref<1x128xi32, #tpu.memory_space<vmem>> -> memref<128xi32, #tpu.memory_space<vmem>>
      %dma_wait3A_301 = arith.constant 0 : i32
      %dma_wait3A_302 = arith.constant 0 : i32
      %dma_wait3A_303 = tpu.memref_slice %arg2[%dma_wait3A_301, %dma_wait3A_302] : memref<10000x128xf32, #tpu.memory_space<hbm>> -> memref<10000x128xf32, #tpu.memory_space<hbm>>
      tpu.wait_indirect_dma semaphore(%arg16 : memref<!tpu.dma_semaphore, #tpu.memory_space<semaphore_mem>>) src(%dma_wait3A_303 : memref<10000x128xf32, #tpu.memory_space<hbm>>) dst(%arg12 : memref<128x128xf32, #tpu.memory_space<vmem>>)
      %dma_start3A_304 = arith.constant 6 : i32
      %dma_start3A_305 = arith.constant 0 : i32
      %dma_start3A_306 = tpu.memref_slice %arg10[%dma_start3A_304, %dma_start3A_305] : memref<8x128xi32, #tpu.memory_space<vmem>> -> memref<1x128xi32, #tpu.memory_space<vmem>>
      %dma_start3A_307 = tpu.memref_squeeze %dma_start3A_306 : memref<1x128xi32, #tpu.memory_space<vmem>> -> memref<128xi32, #tpu.memory_space<vmem>>
      %dma_start3A_308 = arith.constant 0 : i32
      %dma_start3A_309 = arith.constant 0 : i32
      %dma_start3A_310 = tpu.memref_slice %arg7[%dma_start3A_308, %dma_start3A_309] : memref<10016x128xf32, #tpu.memory_space<vmem_shared>> -> memref<10016x128xf32, #tpu.memory_space<vmem_shared>>
      tpu.enqueue_indirect_dma source(%arg12 : memref<128x128xf32, #tpu.memory_space<vmem>>) target(%dma_start3A_310 : memref<10016x128xf32, #tpu.memory_space<vmem_shared>>) offsets(%dma_start3A_307 : memref<128xi32, #tpu.memory_space<vmem>>) semaphore(%arg18 : memref<!tpu.dma_semaphore, #tpu.memory_space<semaphore_mem>>) {add = true}
      %dma_wait3A_311 = arith.constant 0 : i32
      %dma_wait3A_312 = arith.constant 0 : i32
      %dma_wait3A_313 = tpu.memref_slice %arg10[%dma_wait3A_311, %dma_wait3A_312] : memref<8x128xi32, #tpu.memory_space<vmem>> -> memref<1x128xi32, #tpu.memory_space<vmem>>
      %dma_wait3A_314 = tpu.memref_squeeze %dma_wait3A_313 : memref<1x128xi32, #tpu.memory_space<vmem>> -> memref<128xi32, #tpu.memory_space<vmem>>
      %dma_wait3A_315 = arith.constant 0 : i32
      %dma_wait3A_316 = arith.constant 0 : i32
      %dma_wait3A_317 = tpu.memref_slice %arg7[%dma_wait3A_315, %dma_wait3A_316] : memref<10016x128xf32, #tpu.memory_space<vmem_shared>> -> memref<10016x128xf32, #tpu.memory_space<vmem_shared>>
      tpu.wait_indirect_dma semaphore(%arg18 : memref<!tpu.dma_semaphore, #tpu.memory_space<semaphore_mem>>) src(%arg12 : memref<128x128xf32, #tpu.memory_space<vmem>>) dst(%dma_wait3A_317 : memref<10016x128xf32, #tpu.memory_space<vmem_shared>>)
      %dma_wait3A_318 = arith.constant 0 : i32
      %dma_wait3A_319 = arith.constant 0 : i32
      %dma_wait3A_320 = tpu.memref_slice %arg3[%add3A, %dma_wait3A_318, %dma_wait3A_319] : memref<32x80x128xi32, #tpu.memory_space<hbm>> -> memref<1x8x128xi32, #tpu.memory_space<hbm>>
      %dma_wait3A_321 = tpu.memref_squeeze %dma_wait3A_320 : memref<1x8x128xi32, #tpu.memory_space<hbm>> -> memref<8x128xi32, #tpu.memory_space<hbm>>
      %dma_wait3A_322 = arith.constant 0 : i32
      %dma_wait3A_323 = arith.constant 0 : i32
      %dma_wait3A_324 = tpu.memref_slice %arg3[%add3A, %dma_wait3A_322, %dma_wait3A_323] : memref<32x80x128xi32, #tpu.memory_space<hbm>> -> memref<1x8x128xi32, #tpu.memory_space<hbm>>
      %dma_wait3A_325 = tpu.memref_squeeze %dma_wait3A_324 : memref<1x8x128xi32, #tpu.memory_space<hbm>> -> memref<8x128xi32, #tpu.memory_space<hbm>>
      tpu.wait_dma2 semaphore(%arg15 : memref<!tpu.dma_semaphore, #tpu.memory_space<semaphore_mem>>) src(%dma_wait3A_325 : memref<8x128xi32, #tpu.memory_space<hbm>>) dst(%arg9 : memref<8x128xi32, #tpu.memory_space<vmem>>)
      %dma_wait3A_326 = arith.constant 0 : i32
      %dma_wait3A_327 = arith.constant 0 : i32
      %dma_wait3A_328 = tpu.memref_slice %arg4[%add3A, %dma_wait3A_326, %dma_wait3A_327] : memref<32x80x128xi32, #tpu.memory_space<hbm>> -> memref<1x8x128xi32, #tpu.memory_space<hbm>>
      %dma_wait3A_329 = tpu.memref_squeeze %dma_wait3A_328 : memref<1x8x128xi32, #tpu.memory_space<hbm>> -> memref<8x128xi32, #tpu.memory_space<hbm>>
      %dma_wait3A_330 = arith.constant 0 : i32
      %dma_wait3A_331 = arith.constant 0 : i32
      %dma_wait3A_332 = tpu.memref_slice %arg4[%add3A, %dma_wait3A_330, %dma_wait3A_331] : memref<32x80x128xi32, #tpu.memory_space<hbm>> -> memref<1x8x128xi32, #tpu.memory_space<hbm>>
      %dma_wait3A_333 = tpu.memref_squeeze %dma_wait3A_332 : memref<1x8x128xi32, #tpu.memory_space<hbm>> -> memref<8x128xi32, #tpu.memory_space<hbm>>
      tpu.wait_dma2 semaphore(%arg15 : memref<!tpu.dma_semaphore, #tpu.memory_space<semaphore_mem>>) src(%dma_wait3A_333 : memref<8x128xi32, #tpu.memory_space<hbm>>) dst(%arg11 : memref<8x128xi32, #tpu.memory_space<vmem>>)
      %dma_start3A_334 = arith.constant 0 : i32
      %dma_start3A_335 = arith.constant 0 : i32
      %dma_start3A_336 = tpu.memref_slice %arg9[%dma_start3A_334, %dma_start3A_335] : memref<8x128xi32, #tpu.memory_space<vmem>> -> memref<1x128xi32, #tpu.memory_space<vmem>>
      %dma_start3A_337 = tpu.memref_squeeze %dma_start3A_336 : memref<1x128xi32, #tpu.memory_space<vmem>> -> memref<128xi32, #tpu.memory_space<vmem>>
      %dma_start3A_338 = arith.constant 0 : i32
      %dma_start3A_339 = arith.constant 0 : i32
      %dma_start3A_340 = tpu.memref_slice %arg2[%dma_start3A_338, %dma_start3A_339] : memref<10000x128xf32, #tpu.memory_space<hbm>> -> memref<10000x128xf32, #tpu.memory_space<hbm>>
      tpu.enqueue_indirect_dma source(%dma_start3A_340 : memref<10000x128xf32, #tpu.memory_space<hbm>>) target(%arg12 : memref<128x128xf32, #tpu.memory_space<vmem>>) offsets(%dma_start3A_337 : memref<128xi32, #tpu.memory_space<vmem>>) semaphore(%arg16 : memref<!tpu.dma_semaphore, #tpu.memory_space<semaphore_mem>>)
      %dma_wait3A_341 = arith.constant 0 : i32
      %dma_wait3A_342 = arith.constant 0 : i32
      %dma_wait3A_343 = tpu.memref_slice %arg8[%dma_wait3A_341, %dma_wait3A_342] : memref<8x128xi32, #tpu.memory_space<vmem>> -> memref<1x128xi32, #tpu.memory_space<vmem>>
      %dma_wait3A_344 = tpu.memref_squeeze %dma_wait3A_343 : memref<1x128xi32, #tpu.memory_space<vmem>> -> memref<128xi32, #tpu.memory_space<vmem>>
      %dma_wait3A_345 = arith.constant 0 : i32
      %dma_wait3A_346 = arith.constant 0 : i32
      %dma_wait3A_347 = tpu.memref_slice %arg2[%dma_wait3A_345, %dma_wait3A_346] : memref<10000x128xf32, #tpu.memory_space<hbm>> -> memref<10000x128xf32, #tpu.memory_space<hbm>>
      tpu.wait_indirect_dma semaphore(%arg17 : memref<!tpu.dma_semaphore, #tpu.memory_space<semaphore_mem>>) src(%dma_wait3A_347 : memref<10000x128xf32, #tpu.memory_space<hbm>>) dst(%arg13 : memref<128x128xf32, #tpu.memory_space<vmem>>)
      %dma_start3A_348 = arith.constant 7 : i32
      %dma_start3A_349 = arith.constant 0 : i32
      %dma_start3A_350 = tpu.memref_slice %arg10[%dma_start3A_348, %dma_start3A_349] : memref<8x128xi32, #tpu.memory_space<vmem>> -> memref<1x128xi32, #tpu.memory_space<vmem>>
      %dma_start3A_351 = tpu.memref_squeeze %dma_start3A_350 : memref<1x128xi32, #tpu.memory_space<vmem>> -> memref<128xi32, #tpu.memory_space<vmem>>
      %dma_start3A_352 = arith.constant 0 : i32
      %dma_start3A_353 = arith.constant 0 : i32
      %dma_start3A_354 = tpu.memref_slice %arg7[%dma_start3A_352, %dma_start3A_353] : memref<10016x128xf32, #tpu.memory_space<vmem_shared>> -> memref<10016x128xf32, #tpu.memory_space<vmem_shared>>
      tpu.enqueue_indirect_dma source(%arg13 : memref<128x128xf32, #tpu.memory_space<vmem>>) target(%dma_start3A_354 : memref<10016x128xf32, #tpu.memory_space<vmem_shared>>) offsets(%dma_start3A_351 : memref<128xi32, #tpu.memory_space<vmem>>) semaphore(%arg19 : memref<!tpu.dma_semaphore, #tpu.memory_space<semaphore_mem>>) {add = true}
      %dma_wait3A_355 = arith.constant 0 : i32
      %dma_wait3A_356 = arith.constant 0 : i32
      %dma_wait3A_357 = tpu.memref_slice %arg10[%dma_wait3A_355, %dma_wait3A_356] : memref<8x128xi32, #tpu.memory_space<vmem>> -> memref<1x128xi32, #tpu.memory_space<vmem>>
      %dma_wait3A_358 = tpu.memref_squeeze %dma_wait3A_357 : memref<1x128xi32, #tpu.memory_space<vmem>> -> memref<128xi32, #tpu.memory_space<vmem>>
      %dma_wait3A_359 = arith.constant 0 : i32
      %dma_wait3A_360 = arith.constant 0 : i32
      %dma_wait3A_361 = tpu.memref_slice %arg7[%dma_wait3A_359, %dma_wait3A_360] : memref<10016x128xf32, #tpu.memory_space<vmem_shared>> -> memref<10016x128xf32, #tpu.memory_space<vmem_shared>>
      tpu.wait_indirect_dma semaphore(%arg19 : memref<!tpu.dma_semaphore, #tpu.memory_space<semaphore_mem>>) src(%arg13 : memref<128x128xf32, #tpu.memory_space<vmem>>) dst(%dma_wait3A_361 : memref<10016x128xf32, #tpu.memory_space<vmem_shared>>)
      %add3A_362 = arith.constant 2 : i32
      %add3A_363 = arith.addi %mul3A_117, %add3A_362 : i32
      %lt3A_364 = arith.constant 10 : i32
      %lt3A_365 = arith.cmpi slt, %add3A_363, %lt3A_364 : i32
      %convert_element_type3A_366 = arith.extui %lt3A_365 : i1 to i32
      %cond3A_367 = arith.constant 0 : i32
      %cond3A_368 = arith.cmpi ne, %convert_element_type3A_366, %cond3A_367 : i32
      scf.if %cond3A_368 {
        %add3A_586 = arith.constant 2 : i32
        %add3A_587 = arith.addi %mul3A_117, %add3A_586 : i32
        %mul3A_588 = arith.constant 8 : i32
        %mul3A_589 = arith.muli %mul3A_588, %add3A_587 : i32
        %dma_start3A_590 = arith.constant 0 : i32
        %dma_start3A_591 = tpu.memref_slice %arg3[%add3A, %mul3A_589, %dma_start3A_590] : memref<32x80x128xi32, #tpu.memory_space<hbm>> -> memref<1x8x128xi32, #tpu.memory_space<hbm>>
        %dma_start3A_592 = tpu.memref_squeeze %dma_start3A_591 : memref<1x8x128xi32, #tpu.memory_space<hbm>> -> memref<8x128xi32, #tpu.memory_space<hbm>>
        %dma_start3A_593 = arith.constant 0 : i32
        %dma_start3A_594 = tpu.memref_slice %arg3[%add3A, %mul3A_589, %dma_start3A_593] : memref<32x80x128xi32, #tpu.memory_space<hbm>> -> memref<1x8x128xi32, #tpu.memory_space<hbm>>
        %dma_start3A_595 = tpu.memref_squeeze %dma_start3A_594 : memref<1x8x128xi32, #tpu.memory_space<hbm>> -> memref<8x128xi32, #tpu.memory_space<hbm>>
        tpu.enqueue_dma source(%dma_start3A_595 : memref<8x128xi32, #tpu.memory_space<hbm>>) target(%arg8 : memref<8x128xi32, #tpu.memory_space<vmem>>) target_semaphore(%arg14 : memref<!tpu.dma_semaphore, #tpu.memory_space<semaphore_mem>>)
        %mul3A_596 = arith.constant 8 : i32
        %mul3A_597 = arith.muli %mul3A_596, %add3A_587 : i32
        %dma_start3A_598 = arith.constant 0 : i32
        %dma_start3A_599 = tpu.memref_slice %arg4[%add3A, %mul3A_597, %dma_start3A_598] : memref<32x80x128xi32, #tpu.memory_space<hbm>> -> memref<1x8x128xi32, #tpu.memory_space<hbm>>
        %dma_start3A_600 = tpu.memref_squeeze %dma_start3A_599 : memref<1x8x128xi32, #tpu.memory_space<hbm>> -> memref<8x128xi32, #tpu.memory_space<hbm>>
        %dma_start3A_601 = arith.constant 0 : i32
        %dma_start3A_602 = tpu.memref_slice %arg4[%add3A, %mul3A_597, %dma_start3A_601] : memref<32x80x128xi32, #tpu.memory_space<hbm>> -> memref<1x8x128xi32, #tpu.memory_space<hbm>>
        %dma_start3A_603 = tpu.memref_squeeze %dma_start3A_602 : memref<1x8x128xi32, #tpu.memory_space<hbm>> -> memref<8x128xi32, #tpu.memory_space<hbm>>
        tpu.enqueue_dma source(%dma_start3A_603 : memref<8x128xi32, #tpu.memory_space<hbm>>) target(%arg10 : memref<8x128xi32, #tpu.memory_space<vmem>>) target_semaphore(%arg14 : memref<!tpu.dma_semaphore, #tpu.memory_space<semaphore_mem>>)
      } else {
      }
      %dma_start3A_369 = arith.constant 1 : i32
      %dma_start3A_370 = arith.constant 0 : i32
      %dma_start3A_371 = tpu.memref_slice %arg9[%dma_start3A_369, %dma_start3A_370] : memref<8x128xi32, #tpu.memory_space<vmem>> -> memref<1x128xi32, #tpu.memory_space<vmem>>
      %dma_start3A_372 = tpu.memref_squeeze %dma_start3A_371 : memref<1x128xi32, #tpu.memory_space<vmem>> -> memref<128xi32, #tpu.memory_space<vmem>>
      %dma_start3A_373 = arith.constant 0 : i32
      %dma_start3A_374 = arith.constant 0 : i32
      %dma_start3A_375 = tpu.memref_slice %arg2[%dma_start3A_373, %dma_start3A_374] : memref<10000x128xf32, #tpu.memory_space<hbm>> -> memref<10000x128xf32, #tpu.memory_space<hbm>>
      tpu.enqueue_indirect_dma source(%dma_start3A_375 : memref<10000x128xf32, #tpu.memory_space<hbm>>) target(%arg13 : memref<128x128xf32, #tpu.memory_space<vmem>>) offsets(%dma_start3A_372 : memref<128xi32, #tpu.memory_space<vmem>>) semaphore(%arg17 : memref<!tpu.dma_semaphore, #tpu.memory_space<semaphore_mem>>)
      %dma_wait3A_376 = arith.constant 0 : i32
      %dma_wait3A_377 = arith.constant 0 : i32
      %dma_wait3A_378 = tpu.memref_slice %arg8[%dma_wait3A_376, %dma_wait3A_377] : memref<8x128xi32, #tpu.memory_space<vmem>> -> memref<1x128xi32, #tpu.memory_space<vmem>>
      %dma_wait3A_379 = tpu.memref_squeeze %dma_wait3A_378 : memref<1x128xi32, #tpu.memory_space<vmem>> -> memref<128xi32, #tpu.memory_space<vmem>>
      %dma_wait3A_380 = arith.constant 0 : i32
      %dma_wait3A_381 = arith.constant 0 : i32
      %dma_wait3A_382 = tpu.memref_slice %arg2[%dma_wait3A_380, %dma_wait3A_381] : memref<10000x128xf32, #tpu.memory_space<hbm>> -> memref<10000x128xf32, #tpu.memory_space<hbm>>
      tpu.wait_indirect_dma semaphore(%arg16 : memref<!tpu.dma_semaphore, #tpu.memory_space<semaphore_mem>>) src(%dma_wait3A_382 : memref<10000x128xf32, #tpu.memory_space<hbm>>) dst(%arg12 : memref<128x128xf32, #tpu.memory_space<vmem>>)
      %dma_start3A_383 = arith.constant 0 : i32
      %dma_start3A_384 = arith.constant 0 : i32
      %dma_start3A_385 = tpu.memref_slice %arg11[%dma_start3A_383, %dma_start3A_384] : memref<8x128xi32, #tpu.memory_space<vmem>> -> memref<1x128xi32, #tpu.memory_space<vmem>>
      %dma_start3A_386 = tpu.memref_squeeze %dma_start3A_385 : memref<1x128xi32, #tpu.memory_space<vmem>> -> memref<128xi32, #tpu.memory_space<vmem>>
      %dma_start3A_387 = arith.constant 0 : i32
      %dma_start3A_388 = arith.constant 0 : i32
      %dma_start3A_389 = tpu.memref_slice %arg7[%dma_start3A_387, %dma_start3A_388] : memref<10016x128xf32, #tpu.memory_space<vmem_shared>> -> memref<10016x128xf32, #tpu.memory_space<vmem_shared>>
      tpu.enqueue_indirect_dma source(%arg12 : memref<128x128xf32, #tpu.memory_space<vmem>>) target(%dma_start3A_389 : memref<10016x128xf32, #tpu.memory_space<vmem_shared>>) offsets(%dma_start3A_386 : memref<128xi32, #tpu.memory_space<vmem>>) semaphore(%arg18 : memref<!tpu.dma_semaphore, #tpu.memory_space<semaphore_mem>>) {add = true}
      %dma_wait3A_390 = arith.constant 0 : i32
      %dma_wait3A_391 = arith.constant 0 : i32
      %dma_wait3A_392 = tpu.memref_slice %arg10[%dma_wait3A_390, %dma_wait3A_391] : memref<8x128xi32, #tpu.memory_space<vmem>> -> memref<1x128xi32, #tpu.memory_space<vmem>>
      %dma_wait3A_393 = tpu.memref_squeeze %dma_wait3A_392 : memref<1x128xi32, #tpu.memory_space<vmem>> -> memref<128xi32, #tpu.memory_space<vmem>>
      %dma_wait3A_394 = arith.constant 0 : i32
      %dma_wait3A_395 = arith.constant 0 : i32
      %dma_wait3A_396 = tpu.memref_slice %arg7[%dma_wait3A_394, %dma_wait3A_395] : memref<10016x128xf32, #tpu.memory_space<vmem_shared>> -> memref<10016x128xf32, #tpu.memory_space<vmem_shared>>
      tpu.wait_indirect_dma semaphore(%arg18 : memref<!tpu.dma_semaphore, #tpu.memory_space<semaphore_mem>>) src(%arg12 : memref<128x128xf32, #tpu.memory_space<vmem>>) dst(%dma_wait3A_396 : memref<10016x128xf32, #tpu.memory_space<vmem_shared>>)
      %dma_start3A_397 = arith.constant 2 : i32
      %dma_start3A_398 = arith.constant 0 : i32
      %dma_start3A_399 = tpu.memref_slice %arg9[%dma_start3A_397, %dma_start3A_398] : memref<8x128xi32, #tpu.memory_space<vmem>> -> memref<1x128xi32, #tpu.memory_space<vmem>>
      %dma_start3A_400 = tpu.memref_squeeze %dma_start3A_399 : memref<1x128xi32, #tpu.memory_space<vmem>> -> memref<128xi32, #tpu.memory_space<vmem>>
      %dma_start3A_401 = arith.constant 0 : i32
      %dma_start3A_402 = arith.constant 0 : i32
      %dma_start3A_403 = tpu.memref_slice %arg2[%dma_start3A_401, %dma_start3A_402] : memref<10000x128xf32, #tpu.memory_space<hbm>> -> memref<10000x128xf32, #tpu.memory_space<hbm>>
      tpu.enqueue_indirect_dma source(%dma_start3A_403 : memref<10000x128xf32, #tpu.memory_space<hbm>>) target(%arg12 : memref<128x128xf32, #tpu.memory_space<vmem>>) offsets(%dma_start3A_400 : memref<128xi32, #tpu.memory_space<vmem>>) semaphore(%arg16 : memref<!tpu.dma_semaphore, #tpu.memory_space<semaphore_mem>>)
      %dma_wait3A_404 = arith.constant 0 : i32
      %dma_wait3A_405 = arith.constant 0 : i32
      %dma_wait3A_406 = tpu.memref_slice %arg8[%dma_wait3A_404, %dma_wait3A_405] : memref<8x128xi32, #tpu.memory_space<vmem>> -> memref<1x128xi32, #tpu.memory_space<vmem>>
      %dma_wait3A_407 = tpu.memref_squeeze %dma_wait3A_406 : memref<1x128xi32, #tpu.memory_space<vmem>> -> memref<128xi32, #tpu.memory_space<vmem>>
      %dma_wait3A_408 = arith.constant 0 : i32
      %dma_wait3A_409 = arith.constant 0 : i32
      %dma_wait3A_410 = tpu.memref_slice %arg2[%dma_wait3A_408, %dma_wait3A_409] : memref<10000x128xf32, #tpu.memory_space<hbm>> -> memref<10000x128xf32, #tpu.memory_space<hbm>>
      tpu.wait_indirect_dma semaphore(%arg17 : memref<!tpu.dma_semaphore, #tpu.memory_space<semaphore_mem>>) src(%dma_wait3A_410 : memref<10000x128xf32, #tpu.memory_space<hbm>>) dst(%arg13 : memref<128x128xf32, #tpu.memory_space<vmem>>)
      %dma_start3A_411 = arith.constant 1 : i32
      %dma_start3A_412 = arith.constant 0 : i32
      %dma_start3A_413 = tpu.memref_slice %arg11[%dma_start3A_411, %dma_start3A_412] : memref<8x128xi32, #tpu.memory_space<vmem>> -> memref<1x128xi32, #tpu.memory_space<vmem>>
      %dma_start3A_414 = tpu.memref_squeeze %dma_start3A_413 : memref<1x128xi32, #tpu.memory_space<vmem>> -> memref<128xi32, #tpu.memory_space<vmem>>
      %dma_start3A_415 = arith.constant 0 : i32
      %dma_start3A_416 = arith.constant 0 : i32
      %dma_start3A_417 = tpu.memref_slice %arg7[%dma_start3A_415, %dma_start3A_416] : memref<10016x128xf32, #tpu.memory_space<vmem_shared>> -> memref<10016x128xf32, #tpu.memory_space<vmem_shared>>
      tpu.enqueue_indirect_dma source(%arg13 : memref<128x128xf32, #tpu.memory_space<vmem>>) target(%dma_start3A_417 : memref<10016x128xf32, #tpu.memory_space<vmem_shared>>) offsets(%dma_start3A_414 : memref<128xi32, #tpu.memory_space<vmem>>) semaphore(%arg19 : memref<!tpu.dma_semaphore, #tpu.memory_space<semaphore_mem>>) {add = true}
      %dma_wait3A_418 = arith.constant 0 : i32
      %dma_wait3A_419 = arith.constant 0 : i32
      %dma_wait3A_420 = tpu.memref_slice %arg10[%dma_wait3A_418, %dma_wait3A_419] : memref<8x128xi32, #tpu.memory_space<vmem>> -> memref<1x128xi32, #tpu.memory_space<vmem>>
      %dma_wait3A_421 = tpu.memref_squeeze %dma_wait3A_420 : memref<1x128xi32, #tpu.memory_space<vmem>> -> memref<128xi32, #tpu.memory_space<vmem>>
      %dma_wait3A_422 = arith.constant 0 : i32
      %dma_wait3A_423 = arith.constant 0 : i32
      %dma_wait3A_424 = tpu.memref_slice %arg7[%dma_wait3A_422, %dma_wait3A_423] : memref<10016x128xf32, #tpu.memory_space<vmem_shared>> -> memref<10016x128xf32, #tpu.memory_space<vmem_shared>>
      tpu.wait_indirect_dma semaphore(%arg19 : memref<!tpu.dma_semaphore, #tpu.memory_space<semaphore_mem>>) src(%arg13 : memref<128x128xf32, #tpu.memory_space<vmem>>) dst(%dma_wait3A_424 : memref<10016x128xf32, #tpu.memory_space<vmem_shared>>)
      %dma_start3A_425 = arith.constant 3 : i32
      %dma_start3A_426 = arith.constant 0 : i32
      %dma_start3A_427 = tpu.memref_slice %arg9[%dma_start3A_425, %dma_start3A_426] : memref<8x128xi32, #tpu.memory_space<vmem>> -> memref<1x128xi32, #tpu.memory_space<vmem>>
      %dma_start3A_428 = tpu.memref_squeeze %dma_start3A_427 : memref<1x128xi32, #tpu.memory_space<vmem>> -> memref<128xi32, #tpu.memory_space<vmem>>
      %dma_start3A_429 = arith.constant 0 : i32
      %dma_start3A_430 = arith.constant 0 : i32
      %dma_start3A_431 = tpu.memref_slice %arg2[%dma_start3A_429, %dma_start3A_430] : memref<10000x128xf32, #tpu.memory_space<hbm>> -> memref<10000x128xf32, #tpu.memory_space<hbm>>
      tpu.enqueue_indirect_dma source(%dma_start3A_431 : memref<10000x128xf32, #tpu.memory_space<hbm>>) target(%arg13 : memref<128x128xf32, #tpu.memory_space<vmem>>) offsets(%dma_start3A_428 : memref<128xi32, #tpu.memory_space<vmem>>) semaphore(%arg17 : memref<!tpu.dma_semaphore, #tpu.memory_space<semaphore_mem>>)
      %dma_wait3A_432 = arith.constant 0 : i32
      %dma_wait3A_433 = arith.constant 0 : i32
      %dma_wait3A_434 = tpu.memref_slice %arg8[%dma_wait3A_432, %dma_wait3A_433] : memref<8x128xi32, #tpu.memory_space<vmem>> -> memref<1x128xi32, #tpu.memory_space<vmem>>
      %dma_wait3A_435 = tpu.memref_squeeze %dma_wait3A_434 : memref<1x128xi32, #tpu.memory_space<vmem>> -> memref<128xi32, #tpu.memory_space<vmem>>
      %dma_wait3A_436 = arith.constant 0 : i32
      %dma_wait3A_437 = arith.constant 0 : i32
      %dma_wait3A_438 = tpu.memref_slice %arg2[%dma_wait3A_436, %dma_wait3A_437] : memref<10000x128xf32, #tpu.memory_space<hbm>> -> memref<10000x128xf32, #tpu.memory_space<hbm>>
      tpu.wait_indirect_dma semaphore(%arg16 : memref<!tpu.dma_semaphore, #tpu.memory_space<semaphore_mem>>) src(%dma_wait3A_438 : memref<10000x128xf32, #tpu.memory_space<hbm>>) dst(%arg12 : memref<128x128xf32, #tpu.memory_space<vmem>>)
      %dma_start3A_439 = arith.constant 2 : i32
      %dma_start3A_440 = arith.constant 0 : i32
      %dma_start3A_441 = tpu.memref_slice %arg11[%dma_start3A_439, %dma_start3A_440] : memref<8x128xi32, #tpu.memory_space<vmem>> -> memref<1x128xi32, #tpu.memory_space<vmem>>
      %dma_start3A_442 = tpu.memref_squeeze %dma_start3A_441 : memref<1x128xi32, #tpu.memory_space<vmem>> -> memref<128xi32, #tpu.memory_space<vmem>>
      %dma_start3A_443 = arith.constant 0 : i32
      %dma_start3A_444 = arith.constant 0 : i32
      %dma_start3A_445 = tpu.memref_slice %arg7[%dma_start3A_443, %dma_start3A_444] : memref<10016x128xf32, #tpu.memory_space<vmem_shared>> -> memref<10016x128xf32, #tpu.memory_space<vmem_shared>>
      tpu.enqueue_indirect_dma source(%arg12 : memref<128x128xf32, #tpu.memory_space<vmem>>) target(%dma_start3A_445 : memref<10016x128xf32, #tpu.memory_space<vmem_shared>>) offsets(%dma_start3A_442 : memref<128xi32, #tpu.memory_space<vmem>>) semaphore(%arg18 : memref<!tpu.dma_semaphore, #tpu.memory_space<semaphore_mem>>) {add = true}
      %dma_wait3A_446 = arith.constant 0 : i32
      %dma_wait3A_447 = arith.constant 0 : i32
      %dma_wait3A_448 = tpu.memref_slice %arg10[%dma_wait3A_446, %dma_wait3A_447] : memref<8x128xi32, #tpu.memory_space<vmem>> -> memref<1x128xi32, #tpu.memory_space<vmem>>
      %dma_wait3A_449 = tpu.memref_squeeze %dma_wait3A_448 : memref<1x128xi32, #tpu.memory_space<vmem>> -> memref<128xi32, #tpu.memory_space<vmem>>
      %dma_wait3A_450 = arith.constant 0 : i32
      %dma_wait3A_451 = arith.constant 0 : i32
      %dma_wait3A_452 = tpu.memref_slice %arg7[%dma_wait3A_450, %dma_wait3A_451] : memref<10016x128xf32, #tpu.memory_space<vmem_shared>> -> memref<10016x128xf32, #tpu.memory_space<vmem_shared>>
      tpu.wait_indirect_dma semaphore(%arg18 : memref<!tpu.dma_semaphore, #tpu.memory_space<semaphore_mem>>) src(%arg12 : memref<128x128xf32, #tpu.memory_space<vmem>>) dst(%dma_wait3A_452 : memref<10016x128xf32, #tpu.memory_space<vmem_shared>>)
      %dma_start3A_453 = arith.constant 4 : i32
      %dma_start3A_454 = arith.constant 0 : i32
      %dma_start3A_455 = tpu.memref_slice %arg9[%dma_start3A_453, %dma_start3A_454] : memref<8x128xi32, #tpu.memory_space<vmem>> -> memref<1x128xi32, #tpu.memory_space<vmem>>
      %dma_start3A_456 = tpu.memref_squeeze %dma_start3A_455 : memref<1x128xi32, #tpu.memory_space<vmem>> -> memref<128xi32, #tpu.memory_space<vmem>>
      %dma_start3A_457 = arith.constant 0 : i32
      %dma_start3A_458 = arith.constant 0 : i32
      %dma_start3A_459 = tpu.memref_slice %arg2[%dma_start3A_457, %dma_start3A_458] : memref<10000x128xf32, #tpu.memory_space<hbm>> -> memref<10000x128xf32, #tpu.memory_space<hbm>>
      tpu.enqueue_indirect_dma source(%dma_start3A_459 : memref<10000x128xf32, #tpu.memory_space<hbm>>) target(%arg12 : memref<128x128xf32, #tpu.memory_space<vmem>>) offsets(%dma_start3A_456 : memref<128xi32, #tpu.memory_space<vmem>>) semaphore(%arg16 : memref<!tpu.dma_semaphore, #tpu.memory_space<semaphore_mem>>)
      %dma_wait3A_460 = arith.constant 0 : i32
      %dma_wait3A_461 = arith.constant 0 : i32
      %dma_wait3A_462 = tpu.memref_slice %arg8[%dma_wait3A_460, %dma_wait3A_461] : memref<8x128xi32, #tpu.memory_space<vmem>> -> memref<1x128xi32, #tpu.memory_space<vmem>>
      %dma_wait3A_463 = tpu.memref_squeeze %dma_wait3A_462 : memref<1x128xi32, #tpu.memory_space<vmem>> -> memref<128xi32, #tpu.memory_space<vmem>>
      %dma_wait3A_464 = arith.constant 0 : i32
      %dma_wait3A_465 = arith.constant 0 : i32
      %dma_wait3A_466 = tpu.memref_slice %arg2[%dma_wait3A_464, %dma_wait3A_465] : memref<10000x128xf32, #tpu.memory_space<hbm>> -> memref<10000x128xf32, #tpu.memory_space<hbm>>
      tpu.wait_indirect_dma semaphore(%arg17 : memref<!tpu.dma_semaphore, #tpu.memory_space<semaphore_mem>>) src(%dma_wait3A_466 : memref<10000x128xf32, #tpu.memory_space<hbm>>) dst(%arg13 : memref<128x128xf32, #tpu.memory_space<vmem>>)
      %dma_start3A_467 = arith.constant 3 : i32
      %dma_start3A_468 = arith.constant 0 : i32
      %dma_start3A_469 = tpu.memref_slice %arg11[%dma_start3A_467, %dma_start3A_468] : memref<8x128xi32, #tpu.memory_space<vmem>> -> memref<1x128xi32, #tpu.memory_space<vmem>>
      %dma_start3A_470 = tpu.memref_squeeze %dma_start3A_469 : memref<1x128xi32, #tpu.memory_space<vmem>> -> memref<128xi32, #tpu.memory_space<vmem>>
      %dma_start3A_471 = arith.constant 0 : i32
      %dma_start3A_472 = arith.constant 0 : i32
      %dma_start3A_473 = tpu.memref_slice %arg7[%dma_start3A_471, %dma_start3A_472] : memref<10016x128xf32, #tpu.memory_space<vmem_shared>> -> memref<10016x128xf32, #tpu.memory_space<vmem_shared>>
      tpu.enqueue_indirect_dma source(%arg13 : memref<128x128xf32, #tpu.memory_space<vmem>>) target(%dma_start3A_473 : memref<10016x128xf32, #tpu.memory_space<vmem_shared>>) offsets(%dma_start3A_470 : memref<128xi32, #tpu.memory_space<vmem>>) semaphore(%arg19 : memref<!tpu.dma_semaphore, #tpu.memory_space<semaphore_mem>>) {add = true}
      %dma_wait3A_474 = arith.constant 0 : i32
      %dma_wait3A_475 = arith.constant 0 : i32
      %dma_wait3A_476 = tpu.memref_slice %arg10[%dma_wait3A_474, %dma_wait3A_475] : memref<8x128xi32, #tpu.memory_space<vmem>> -> memref<1x128xi32, #tpu.memory_space<vmem>>
      %dma_wait3A_477 = tpu.memref_squeeze %dma_wait3A_476 : memref<1x128xi32, #tpu.memory_space<vmem>> -> memref<128xi32, #tpu.memory_space<vmem>>
      %dma_wait3A_478 = arith.constant 0 : i32
      %dma_wait3A_479 = arith.constant 0 : i32
      %dma_wait3A_480 = tpu.memref_slice %arg7[%dma_wait3A_478, %dma_wait3A_479] : memref<10016x128xf32, #tpu.memory_space<vmem_shared>> -> memref<10016x128xf32, #tpu.memory_space<vmem_shared>>
      tpu.wait_indirect_dma semaphore(%arg19 : memref<!tpu.dma_semaphore, #tpu.memory_space<semaphore_mem>>) src(%arg13 : memref<128x128xf32, #tpu.memory_space<vmem>>) dst(%dma_wait3A_480 : memref<10016x128xf32, #tpu.memory_space<vmem_shared>>)
      %dma_start3A_481 = arith.constant 5 : i32
      %dma_start3A_482 = arith.constant 0 : i32
      %dma_start3A_483 = tpu.memref_slice %arg9[%dma_start3A_481, %dma_start3A_482] : memref<8x128xi32, #tpu.memory_space<vmem>> -> memref<1x128xi32, #tpu.memory_space<vmem>>
      %dma_start3A_484 = tpu.memref_squeeze %dma_start3A_483 : memref<1x128xi32, #tpu.memory_space<vmem>> -> memref<128xi32, #tpu.memory_space<vmem>>
      %dma_start3A_485 = arith.constant 0 : i32
      %dma_start3A_486 = arith.constant 0 : i32
      %dma_start3A_487 = tpu.memref_slice %arg2[%dma_start3A_485, %dma_start3A_486] : memref<10000x128xf32, #tpu.memory_space<hbm>> -> memref<10000x128xf32, #tpu.memory_space<hbm>>
      tpu.enqueue_indirect_dma source(%dma_start3A_487 : memref<10000x128xf32, #tpu.memory_space<hbm>>) target(%arg13 : memref<128x128xf32, #tpu.memory_space<vmem>>) offsets(%dma_start3A_484 : memref<128xi32, #tpu.memory_space<vmem>>) semaphore(%arg17 : memref<!tpu.dma_semaphore, #tpu.memory_space<semaphore_mem>>)
      %dma_wait3A_488 = arith.constant 0 : i32
      %dma_wait3A_489 = arith.constant 0 : i32
      %dma_wait3A_490 = tpu.memref_slice %arg8[%dma_wait3A_488, %dma_wait3A_489] : memref<8x128xi32, #tpu.memory_space<vmem>> -> memref<1x128xi32, #tpu.memory_space<vmem>>
      %dma_wait3A_491 = tpu.memref_squeeze %dma_wait3A_490 : memref<1x128xi32, #tpu.memory_space<vmem>> -> memref<128xi32, #tpu.memory_space<vmem>>
      %dma_wait3A_492 = arith.constant 0 : i32
      %dma_wait3A_493 = arith.constant 0 : i32
      %dma_wait3A_494 = tpu.memref_slice %arg2[%dma_wait3A_492, %dma_wait3A_493] : memref<10000x128xf32, #tpu.memory_space<hbm>> -> memref<10000x128xf32, #tpu.memory_space<hbm>>
      tpu.wait_indirect_dma semaphore(%arg16 : memref<!tpu.dma_semaphore, #tpu.memory_space<semaphore_mem>>) src(%dma_wait3A_494 : memref<10000x128xf32, #tpu.memory_space<hbm>>) dst(%arg12 : memref<128x128xf32, #tpu.memory_space<vmem>>)
      %dma_start3A_495 = arith.constant 4 : i32
      %dma_start3A_496 = arith.constant 0 : i32
      %dma_start3A_497 = tpu.memref_slice %arg11[%dma_start3A_495, %dma_start3A_496] : memref<8x128xi32, #tpu.memory_space<vmem>> -> memref<1x128xi32, #tpu.memory_space<vmem>>
      %dma_start3A_498 = tpu.memref_squeeze %dma_start3A_497 : memref<1x128xi32, #tpu.memory_space<vmem>> -> memref<128xi32, #tpu.memory_space<vmem>>
      %dma_start3A_499 = arith.constant 0 : i32
      %dma_start3A_500 = arith.constant 0 : i32
      %dma_start3A_501 = tpu.memref_slice %arg7[%dma_start3A_499, %dma_start3A_500] : memref<10016x128xf32, #tpu.memory_space<vmem_shared>> -> memref<10016x128xf32, #tpu.memory_space<vmem_shared>>
      tpu.enqueue_indirect_dma source(%arg12 : memref<128x128xf32, #tpu.memory_space<vmem>>) target(%dma_start3A_501 : memref<10016x128xf32, #tpu.memory_space<vmem_shared>>) offsets(%dma_start3A_498 : memref<128xi32, #tpu.memory_space<vmem>>) semaphore(%arg18 : memref<!tpu.dma_semaphore, #tpu.memory_space<semaphore_mem>>) {add = true}
      %dma_wait3A_502 = arith.constant 0 : i32
      %dma_wait3A_503 = arith.constant 0 : i32
      %dma_wait3A_504 = tpu.memref_slice %arg10[%dma_wait3A_502, %dma_wait3A_503] : memref<8x128xi32, #tpu.memory_space<vmem>> -> memref<1x128xi32, #tpu.memory_space<vmem>>
      %dma_wait3A_505 = tpu.memref_squeeze %dma_wait3A_504 : memref<1x128xi32, #tpu.memory_space<vmem>> -> memref<128xi32, #tpu.memory_space<vmem>>
      %dma_wait3A_506 = arith.constant 0 : i32
      %dma_wait3A_507 = arith.constant 0 : i32
      %dma_wait3A_508 = tpu.memref_slice %arg7[%dma_wait3A_506, %dma_wait3A_507] : memref<10016x128xf32, #tpu.memory_space<vmem_shared>> -> memref<10016x128xf32, #tpu.memory_space<vmem_shared>>
      tpu.wait_indirect_dma semaphore(%arg18 : memref<!tpu.dma_semaphore, #tpu.memory_space<semaphore_mem>>) src(%arg12 : memref<128x128xf32, #tpu.memory_space<vmem>>) dst(%dma_wait3A_508 : memref<10016x128xf32, #tpu.memory_space<vmem_shared>>)
      %dma_start3A_509 = arith.constant 6 : i32
      %dma_start3A_510 = arith.constant 0 : i32
      %dma_start3A_511 = tpu.memref_slice %arg9[%dma_start3A_509, %dma_start3A_510] : memref<8x128xi32, #tpu.memory_space<vmem>> -> memref<1x128xi32, #tpu.memory_space<vmem>>
      %dma_start3A_512 = tpu.memref_squeeze %dma_start3A_511 : memref<1x128xi32, #tpu.memory_space<vmem>> -> memref<128xi32, #tpu.memory_space<vmem>>
      %dma_start3A_513 = arith.constant 0 : i32
      %dma_start3A_514 = arith.constant 0 : i32
      %dma_start3A_515 = tpu.memref_slice %arg2[%dma_start3A_513, %dma_start3A_514] : memref<10000x128xf32, #tpu.memory_space<hbm>> -> memref<10000x128xf32, #tpu.memory_space<hbm>>
      tpu.enqueue_indirect_dma source(%dma_start3A_515 : memref<10000x128xf32, #tpu.memory_space<hbm>>) target(%arg12 : memref<128x128xf32, #tpu.memory_space<vmem>>) offsets(%dma_start3A_512 : memref<128xi32, #tpu.memory_space<vmem>>) semaphore(%arg16 : memref<!tpu.dma_semaphore, #tpu.memory_space<semaphore_mem>>)
      %dma_wait3A_516 = arith.constant 0 : i32
      %dma_wait3A_517 = arith.constant 0 : i32
      %dma_wait3A_518 = tpu.memref_slice %arg8[%dma_wait3A_516, %dma_wait3A_517] : memref<8x128xi32, #tpu.memory_space<vmem>> -> memref<1x128xi32, #tpu.memory_space<vmem>>
      %dma_wait3A_519 = tpu.memref_squeeze %dma_wait3A_518 : memref<1x128xi32, #tpu.memory_space<vmem>> -> memref<128xi32, #tpu.memory_space<vmem>>
      %dma_wait3A_520 = arith.constant 0 : i32
      %dma_wait3A_521 = arith.constant 0 : i32
      %dma_wait3A_522 = tpu.memref_slice %arg2[%dma_wait3A_520, %dma_wait3A_521] : memref<10000x128xf32, #tpu.memory_space<hbm>> -> memref<10000x128xf32, #tpu.memory_space<hbm>>
      tpu.wait_indirect_dma semaphore(%arg17 : memref<!tpu.dma_semaphore, #tpu.memory_space<semaphore_mem>>) src(%dma_wait3A_522 : memref<10000x128xf32, #tpu.memory_space<hbm>>) dst(%arg13 : memref<128x128xf32, #tpu.memory_space<vmem>>)
      %dma_start3A_523 = arith.constant 5 : i32
      %dma_start3A_524 = arith.constant 0 : i32
      %dma_start3A_525 = tpu.memref_slice %arg11[%dma_start3A_523, %dma_start3A_524] : memref<8x128xi32, #tpu.memory_space<vmem>> -> memref<1x128xi32, #tpu.memory_space<vmem>>
      %dma_start3A_526 = tpu.memref_squeeze %dma_start3A_525 : memref<1x128xi32, #tpu.memory_space<vmem>> -> memref<128xi32, #tpu.memory_space<vmem>>
      %dma_start3A_527 = arith.constant 0 : i32
      %dma_start3A_528 = arith.constant 0 : i32
      %dma_start3A_529 = tpu.memref_slice %arg7[%dma_start3A_527, %dma_start3A_528] : memref<10016x128xf32, #tpu.memory_space<vmem_shared>> -> memref<10016x128xf32, #tpu.memory_space<vmem_shared>>
      tpu.enqueue_indirect_dma source(%arg13 : memref<128x128xf32, #tpu.memory_space<vmem>>) target(%dma_start3A_529 : memref<10016x128xf32, #tpu.memory_space<vmem_shared>>) offsets(%dma_start3A_526 : memref<128xi32, #tpu.memory_space<vmem>>) semaphore(%arg19 : memref<!tpu.dma_semaphore, #tpu.memory_space<semaphore_mem>>) {add = true}
      %dma_wait3A_530 = arith.constant 0 : i32
      %dma_wait3A_531 = arith.constant 0 : i32
      %dma_wait3A_532 = tpu.memref_slice %arg10[%dma_wait3A_530, %dma_wait3A_531] : memref<8x128xi32, #tpu.memory_space<vmem>> -> memref<1x128xi32, #tpu.memory_space<vmem>>
      %dma_wait3A_533 = tpu.memref_squeeze %dma_wait3A_532 : memref<1x128xi32, #tpu.memory_space<vmem>> -> memref<128xi32, #tpu.memory_space<vmem>>
      %dma_wait3A_534 = arith.constant 0 : i32
      %dma_wait3A_535 = arith.constant 0 : i32
      %dma_wait3A_536 = tpu.memref_slice %arg7[%dma_wait3A_534, %dma_wait3A_535] : memref<10016x128xf32, #tpu.memory_space<vmem_shared>> -> memref<10016x128xf32, #tpu.memory_space<vmem_shared>>
      tpu.wait_indirect_dma semaphore(%arg19 : memref<!tpu.dma_semaphore, #tpu.memory_space<semaphore_mem>>) src(%arg13 : memref<128x128xf32, #tpu.memory_space<vmem>>) dst(%dma_wait3A_536 : memref<10016x128xf32, #tpu.memory_space<vmem_shared>>)
      %dma_start3A_537 = arith.constant 7 : i32
      %dma_start3A_538 = arith.constant 0 : i32
      %dma_start3A_539 = tpu.memref_slice %arg9[%dma_start3A_537, %dma_start3A_538] : memref<8x128xi32, #tpu.memory_space<vmem>> -> memref<1x128xi32, #tpu.memory_space<vmem>>
      %dma_start3A_540 = tpu.memref_squeeze %dma_start3A_539 : memref<1x128xi32, #tpu.memory_space<vmem>> -> memref<128xi32, #tpu.memory_space<vmem>>
      %dma_start3A_541 = arith.constant 0 : i32
      %dma_start3A_542 = arith.constant 0 : i32
      %dma_start3A_543 = tpu.memref_slice %arg2[%dma_start3A_541, %dma_start3A_542] : memref<10000x128xf32, #tpu.memory_space<hbm>> -> memref<10000x128xf32, #tpu.memory_space<hbm>>
      tpu.enqueue_indirect_dma source(%dma_start3A_543 : memref<10000x128xf32, #tpu.memory_space<hbm>>) target(%arg13 : memref<128x128xf32, #tpu.memory_space<vmem>>) offsets(%dma_start3A_540 : memref<128xi32, #tpu.memory_space<vmem>>) semaphore(%arg17 : memref<!tpu.dma_semaphore, #tpu.memory_space<semaphore_mem>>)
      %dma_wait3A_544 = arith.constant 0 : i32
      %dma_wait3A_545 = arith.constant 0 : i32
      %dma_wait3A_546 = tpu.memref_slice %arg8[%dma_wait3A_544, %dma_wait3A_545] : memref<8x128xi32, #tpu.memory_space<vmem>> -> memref<1x128xi32, #tpu.memory_space<vmem>>
      %dma_wait3A_547 = tpu.memref_squeeze %dma_wait3A_546 : memref<1x128xi32, #tpu.memory_space<vmem>> -> memref<128xi32, #tpu.memory_space<vmem>>
      %dma_wait3A_548 = arith.constant 0 : i32
      %dma_wait3A_549 = arith.constant 0 : i32
      %dma_wait3A_550 = tpu.memref_slice %arg2[%dma_wait3A_548, %dma_wait3A_549] : memref<10000x128xf32, #tpu.memory_space<hbm>> -> memref<10000x128xf32, #tpu.memory_space<hbm>>
      tpu.wait_indirect_dma semaphore(%arg16 : memref<!tpu.dma_semaphore, #tpu.memory_space<semaphore_mem>>) src(%dma_wait3A_550 : memref<10000x128xf32, #tpu.memory_space<hbm>>) dst(%arg12 : memref<128x128xf32, #tpu.memory_space<vmem>>)
      %dma_start3A_551 = arith.constant 6 : i32
      %dma_start3A_552 = arith.constant 0 : i32
      %dma_start3A_553 = tpu.memref_slice %arg11[%dma_start3A_551, %dma_start3A_552] : memref<8x128xi32, #tpu.memory_space<vmem>> -> memref<1x128xi32, #tpu.memory_space<vmem>>
      %dma_start3A_554 = tpu.memref_squeeze %dma_start3A_553 : memref<1x128xi32, #tpu.memory_space<vmem>> -> memref<128xi32, #tpu.memory_space<vmem>>
      %dma_start3A_555 = arith.constant 0 : i32
      %dma_start3A_556 = arith.constant 0 : i32
      %dma_start3A_557 = tpu.memref_slice %arg7[%dma_start3A_555, %dma_start3A_556] : memref<10016x128xf32, #tpu.memory_space<vmem_shared>> -> memref<10016x128xf32, #tpu.memory_space<vmem_shared>>
      tpu.enqueue_indirect_dma source(%arg12 : memref<128x128xf32, #tpu.memory_space<vmem>>) target(%dma_start3A_557 : memref<10016x128xf32, #tpu.memory_space<vmem_shared>>) offsets(%dma_start3A_554 : memref<128xi32, #tpu.memory_space<vmem>>) semaphore(%arg18 : memref<!tpu.dma_semaphore, #tpu.memory_space<semaphore_mem>>) {add = true}
      %dma_wait3A_558 = arith.constant 0 : i32
      %dma_wait3A_559 = arith.constant 0 : i32
      %dma_wait3A_560 = tpu.memref_slice %arg10[%dma_wait3A_558, %dma_wait3A_559] : memref<8x128xi32, #tpu.memory_space<vmem>> -> memref<1x128xi32, #tpu.memory_space<vmem>>
      %dma_wait3A_561 = tpu.memref_squeeze %dma_wait3A_560 : memref<1x128xi32, #tpu.memory_space<vmem>> -> memref<128xi32, #tpu.memory_space<vmem>>
      %dma_wait3A_562 = arith.constant 0 : i32
      %dma_wait3A_563 = arith.constant 0 : i32
      %dma_wait3A_564 = tpu.memref_slice %arg7[%dma_wait3A_562, %dma_wait3A_563] : memref<10016x128xf32, #tpu.memory_space<vmem_shared>> -> memref<10016x128xf32, #tpu.memory_space<vmem_shared>>
      tpu.wait_indirect_dma semaphore(%arg18 : memref<!tpu.dma_semaphore, #tpu.memory_space<semaphore_mem>>) src(%arg12 : memref<128x128xf32, #tpu.memory_space<vmem>>) dst(%dma_wait3A_564 : memref<10016x128xf32, #tpu.memory_space<vmem_shared>>)
      %add3A_565 = arith.constant 2 : i32
      %add3A_566 = arith.addi %mul3A_117, %add3A_565 : i32
      %lt3A_567 = arith.constant 10 : i32
      %lt3A_568 = arith.cmpi slt, %add3A_566, %lt3A_567 : i32
      %convert_element_type3A_569 = arith.extui %lt3A_568 : i1 to i32
      %cond3A_570 = arith.constant 0 : i32
      %cond3A_571 = arith.cmpi ne, %convert_element_type3A_569, %cond3A_570 : i32
      scf.if %cond3A_571 {
        %dma_wait3A_586 = arith.constant 0 : i32
        %dma_wait3A_587 = arith.constant 0 : i32
        %dma_wait3A_588 = tpu.memref_slice %arg3[%add3A, %dma_wait3A_586, %dma_wait3A_587] : memref<32x80x128xi32, #tpu.memory_space<hbm>> -> memref<1x8x128xi32, #tpu.memory_space<hbm>>
        %dma_wait3A_589 = tpu.memref_squeeze %dma_wait3A_588 : memref<1x8x128xi32, #tpu.memory_space<hbm>> -> memref<8x128xi32, #tpu.memory_space<hbm>>
        %dma_wait3A_590 = arith.constant 0 : i32
        %dma_wait3A_591 = arith.constant 0 : i32
        %dma_wait3A_592 = tpu.memref_slice %arg3[%add3A, %dma_wait3A_590, %dma_wait3A_591] : memref<32x80x128xi32, #tpu.memory_space<hbm>> -> memref<1x8x128xi32, #tpu.memory_space<hbm>>
        %dma_wait3A_593 = tpu.memref_squeeze %dma_wait3A_592 : memref<1x8x128xi32, #tpu.memory_space<hbm>> -> memref<8x128xi32, #tpu.memory_space<hbm>>
        tpu.wait_dma2 semaphore(%arg14 : memref<!tpu.dma_semaphore, #tpu.memory_space<semaphore_mem>>) src(%dma_wait3A_593 : memref<8x128xi32, #tpu.memory_space<hbm>>) dst(%arg8 : memref<8x128xi32, #tpu.memory_space<vmem>>)
        %dma_wait3A_594 = arith.constant 0 : i32
        %dma_wait3A_595 = arith.constant 0 : i32
        %dma_wait3A_596 = tpu.memref_slice %arg4[%add3A, %dma_wait3A_594, %dma_wait3A_595] : memref<32x80x128xi32, #tpu.memory_space<hbm>> -> memref<1x8x128xi32, #tpu.memory_space<hbm>>
        %dma_wait3A_597 = tpu.memref_squeeze %dma_wait3A_596 : memref<1x8x128xi32, #tpu.memory_space<hbm>> -> memref<8x128xi32, #tpu.memory_space<hbm>>
        %dma_wait3A_598 = arith.constant 0 : i32
        %dma_wait3A_599 = arith.constant 0 : i32
        %dma_wait3A_600 = tpu.memref_slice %arg4[%add3A, %dma_wait3A_598, %dma_wait3A_599] : memref<32x80x128xi32, #tpu.memory_space<hbm>> -> memref<1x8x128xi32, #tpu.memory_space<hbm>>
        %dma_wait3A_601 = tpu.memref_squeeze %dma_wait3A_600 : memref<1x8x128xi32, #tpu.memory_space<hbm>> -> memref<8x128xi32, #tpu.memory_space<hbm>>
        tpu.wait_dma2 semaphore(%arg14 : memref<!tpu.dma_semaphore, #tpu.memory_space<semaphore_mem>>) src(%dma_wait3A_601 : memref<8x128xi32, #tpu.memory_space<hbm>>) dst(%arg10 : memref<8x128xi32, #tpu.memory_space<vmem>>)
        %dma_start3A_602 = arith.constant 0 : i32
        %dma_start3A_603 = arith.constant 0 : i32
        %dma_start3A_604 = tpu.memref_slice %arg8[%dma_start3A_602, %dma_start3A_603] : memref<8x128xi32, #tpu.memory_space<vmem>> -> memref<1x128xi32, #tpu.memory_space<vmem>>
        %dma_start3A_605 = tpu.memref_squeeze %dma_start3A_604 : memref<1x128xi32, #tpu.memory_space<vmem>> -> memref<128xi32, #tpu.memory_space<vmem>>
        %dma_start3A_606 = arith.constant 0 : i32
        %dma_start3A_607 = arith.constant 0 : i32
        %dma_start3A_608 = tpu.memref_slice %arg2[%dma_start3A_606, %dma_start3A_607] : memref<10000x128xf32, #tpu.memory_space<hbm>> -> memref<10000x128xf32, #tpu.memory_space<hbm>>
        tpu.enqueue_indirect_dma source(%dma_start3A_608 : memref<10000x128xf32, #tpu.memory_space<hbm>>) target(%arg12 : memref<128x128xf32, #tpu.memory_space<vmem>>) offsets(%dma_start3A_605 : memref<128xi32, #tpu.memory_space<vmem>>) semaphore(%arg16 : memref<!tpu.dma_semaphore, #tpu.memory_space<semaphore_mem>>)
      } else {
      }
      %dma_wait3A_572 = arith.constant 0 : i32
      %dma_wait3A_573 = arith.constant 0 : i32
      %dma_wait3A_574 = tpu.memref_slice %arg8[%dma_wait3A_572, %dma_wait3A_573] : memref<8x128xi32, #tpu.memory_space<vmem>> -> memref<1x128xi32, #tpu.memory_space<vmem>>
      %dma_wait3A_575 = tpu.memref_squeeze %dma_wait3A_574 : memref<1x128xi32, #tpu.memory_space<vmem>> -> memref<128xi32, #tpu.memory_space<vmem>>
      %dma_wait3A_576 = arith.constant 0 : i32
      %dma_wait3A_577 = arith.constant 0 : i32
      %dma_wait3A_578 = tpu.memref_slice %arg2[%dma_wait3A_576, %dma_wait3A_577] : memref<10000x128xf32, #tpu.memory_space<hbm>> -> memref<10000x128xf32, #tpu.memory_space<hbm>>
      tpu.wait_indirect_dma semaphore(%arg17 : memref<!tpu.dma_semaphore, #tpu.memory_space<semaphore_mem>>) src(%dma_wait3A_578 : memref<10000x128xf32, #tpu.memory_space<hbm>>) dst(%arg13 : memref<128x128xf32, #tpu.memory_space<vmem>>)
      %dma_start3A_579 = arith.constant 7 : i32
      %dma_start3A_580 = arith.constant 0 : i32
      %dma_start3A_581 = tpu.memref_slice %arg11[%dma_start3A_579, %dma_start3A_580] : memref<8x128xi32, #tpu.memory_space<vmem>> -> memref<1x128xi32, #tpu.memory_space<vmem>>
      %dma_start3A_582 = tpu.memref_squeeze %dma_start3A_581 : memref<1x128xi32, #tpu.memory_space<vmem>> -> memref<128xi32, #tpu.memory_space<vmem>>
      %dma_start3A_583 = arith.constant 0 : i32
      %dma_start3A_584 = arith.constant 0 : i32
      %dma_start3A_585 = tpu.memref_slice %arg7[%dma_start3A_583, %dma_start3A_584] : memref<10016x128xf32, #tpu.memory_space<vmem_shared>> -> memref<10016x128xf32, #tpu.memory_space<vmem_shared>>
      tpu.enqueue_indirect_dma source(%arg13 : memref<128x128xf32, #tpu.memory_space<vmem>>) target(%dma_start3A_585 : memref<10016x128xf32, #tpu.memory_space<vmem_shared>>) offsets(%dma_start3A_582 : memref<128xi32, #tpu.memory_space<vmem>>) semaphore(%arg19 : memref<!tpu.dma_semaphore, #tpu.memory_space<semaphore_mem>>) {add = true}
    }
    %scan3A_76 = arith.constant 5 : i32
    %dma_wait3A_77 = arith.constant 0 : i32
    %dma_wait3A_78 = arith.constant 0 : i32
    %dma_wait3A_79 = tpu.memref_slice %arg10[%dma_wait3A_77, %dma_wait3A_78] : memref<8x128xi32, #tpu.memory_space<vmem>> -> memref<1x128xi32, #tpu.memory_space<vmem>>
    %dma_wait3A_80 = tpu.memref_squeeze %dma_wait3A_79 : memref<1x128xi32, #tpu.memory_space<vmem>> -> memref<128xi32, #tpu.memory_space<vmem>>
    %dma_wait3A_81 = arith.constant 0 : i32
    %dma_wait3A_82 = arith.constant 0 : i32
    %dma_wait3A_83 = tpu.memref_slice %arg7[%dma_wait3A_81, %dma_wait3A_82] : memref<10016x128xf32, #tpu.memory_space<vmem_shared>> -> memref<10016x128xf32, #tpu.memory_space<vmem_shared>>
    tpu.wait_indirect_dma semaphore(%arg19 : memref<!tpu.dma_semaphore, #tpu.memory_space<semaphore_mem>>) src(%arg13 : memref<128x128xf32, #tpu.memory_space<vmem>>) dst(%dma_wait3A_83 : memref<10016x128xf32, #tpu.memory_space<vmem_shared>>)
    %barrier3A_84 = arith.constant 0 : index
    tpu.barrier barrier_id(%barrier3A_84)
    %eq3A_85 = arith.constant 0 : i32
    %eq3A_86 = arith.cmpi eq, %arg0, %eq3A_85 : i32
    %lt3A_87 = arith.constant 15 : i32
    %lt3A_88 = arith.cmpi slt, %arg1, %lt3A_87 : i32
    %and3A = arith.andi %eq3A_86, %lt3A_88 : i1
    %convert_element_type3A_89 = arith.extui %and3A : i1 to i32
    %cond3A_90 = arith.constant 0 : i32
    %cond3A_91 = arith.cmpi ne, %convert_element_type3A_89, %cond3A_90 : i32
    scf.if %cond3A_91 {
      "tpu.region"() ({
        %run_scoped3A = tpu.sem_alloc : memref<!tpu.dma_semaphore, #tpu.memory_space<semaphore_mem>>
        %dma_start3A_115 = arith.constant 0 : i32
        %dma_start3A_116 = tpu.memref_slice %arg5[%mul3A_2, %dma_start3A_115] : memref<10000x128xf32, #tpu.memory_space<hbm>> -> memref<632x128xf32, #tpu.memory_space<hbm>>
        %dma_start3A_117 = arith.constant 0 : i32
        %dma_start3A_118 = tpu.memref_slice %arg7[%mul3A_2, %dma_start3A_117] : memref<10016x128xf32, #tpu.memory_space<vmem_shared>> -> memref<632x128xf32, #tpu.memory_space<vmem_shared>>
        tpu.enqueue_dma source(%dma_start3A_118 : memref<632x128xf32, #tpu.memory_space<vmem_shared>>) target(%dma_start3A_116 : memref<632x128xf32, #tpu.memory_space<hbm>>) target_semaphore(%run_scoped3A : memref<!tpu.dma_semaphore, #tpu.memory_space<semaphore_mem>>)
        %dma_wait3A_119 = arith.constant 0 : i32
        %dma_wait3A_120 = tpu.memref_slice %arg5[%mul3A_2, %dma_wait3A_119] : memref<10000x128xf32, #tpu.memory_space<hbm>> -> memref<632x128xf32, #tpu.memory_space<hbm>>
        %dma_wait3A_121 = arith.constant 0 : i32
        %dma_wait3A_122 = tpu.memref_slice %arg7[%mul3A_2, %dma_wait3A_121] : memref<10016x128xf32, #tpu.memory_space<vmem_shared>> -> memref<632x128xf32, #tpu.memory_space<vmem_shared>>
        tpu.wait_dma2 semaphore(%run_scoped3A : memref<!tpu.dma_semaphore, #tpu.memory_space<semaphore_mem>>) src(%dma_wait3A_122 : memref<632x128xf32, #tpu.memory_space<vmem_shared>>) dst(%dma_wait3A_120 : memref<632x128xf32, #tpu.memory_space<hbm>>)
        tpu.yield
      }) : () -> ()
    } else {
    }
    %eq3A_92 = arith.constant 0 : i32
    %eq3A_93 = arith.cmpi eq, %arg0, %eq3A_92 : i32
    %eq3A_94 = arith.constant 15 : i32
    %eq3A_95 = arith.cmpi eq, %arg1, %eq3A_94 : i32
    %and3A_96 = arith.andi %eq3A_93, %eq3A_95 : i1
    %convert_element_type3A_97 = arith.extui %and3A_96 : i1 to i32
    %cond3A_98 = arith.constant 0 : i32
    %cond3A_99 = arith.cmpi ne, %convert_element_type3A_97, %cond3A_98 : i32
    scf.if %cond3A_99 {
      "tpu.region"() ({
        %run_scoped3A = tpu.sem_alloc : memref<!tpu.dma_semaphore, #tpu.memory_space<semaphore_mem>>
        %dma_start3A_115 = arith.constant 0 : i32
        %dma_start3A_116 = tpu.memref_slice %arg5[%mul3A_2, %dma_start3A_115] : memref<10000x128xf32, #tpu.memory_space<hbm>> -> memref<520x128xf32, #tpu.memory_space<hbm>>
        %dma_start3A_117 = arith.constant 0 : i32
        %dma_start3A_118 = tpu.memref_slice %arg7[%mul3A_2, %dma_start3A_117] : memref<10016x128xf32, #tpu.memory_space<vmem_shared>> -> memref<520x128xf32, #tpu.memory_space<vmem_shared>>
        tpu.enqueue_dma source(%dma_start3A_118 : memref<520x128xf32, #tpu.memory_space<vmem_shared>>) target(%dma_start3A_116 : memref<520x128xf32, #tpu.memory_space<hbm>>) target_semaphore(%run_scoped3A : memref<!tpu.dma_semaphore, #tpu.memory_space<semaphore_mem>>)
        %dma_wait3A_119 = arith.constant 0 : i32
        %dma_wait3A_120 = tpu.memref_slice %arg5[%mul3A_2, %dma_wait3A_119] : memref<10000x128xf32, #tpu.memory_space<hbm>> -> memref<520x128xf32, #tpu.memory_space<hbm>>
        %dma_wait3A_121 = arith.constant 0 : i32
        %dma_wait3A_122 = tpu.memref_slice %arg7[%mul3A_2, %dma_wait3A_121] : memref<10016x128xf32, #tpu.memory_space<vmem_shared>> -> memref<520x128xf32, #tpu.memory_space<vmem_shared>>
        tpu.wait_dma2 semaphore(%run_scoped3A : memref<!tpu.dma_semaphore, #tpu.memory_space<semaphore_mem>>) src(%dma_wait3A_122 : memref<520x128xf32, #tpu.memory_space<vmem_shared>>) dst(%dma_wait3A_120 : memref<520x128xf32, #tpu.memory_space<hbm>>)
        tpu.yield
      }) : () -> ()
    } else {
    }
    %ne3A = arith.constant 0 : i32
    %ne3A_100 = arith.cmpi ne, %arg0, %ne3A : i32
    %lt3A_101 = arith.constant 15 : i32
    %lt3A_102 = arith.cmpi slt, %arg1, %lt3A_101 : i32
    %and3A_103 = arith.andi %ne3A_100, %lt3A_102 : i1
    %convert_element_type3A_104 = arith.extui %and3A_103 : i1 to i32
    %cond3A_105 = arith.constant 0 : i32
    %cond3A_106 = arith.cmpi ne, %convert_element_type3A_104, %cond3A_105 : i32
    scf.if %cond3A_106 {
      "tpu.region"() ({
        %run_scoped3A = tpu.sem_alloc : memref<!tpu.dma_semaphore, #tpu.memory_space<semaphore_mem>>
        %dma_start3A_115 = arith.constant 0 : i32
        %dma_start3A_116 = tpu.memref_slice %arg6[%mul3A_2, %dma_start3A_115] : memref<10000x128xf32, #tpu.memory_space<hbm>> -> memref<632x128xf32, #tpu.memory_space<hbm>>
        %dma_start3A_117 = arith.constant 0 : i32
        %dma_start3A_118 = tpu.memref_slice %arg7[%mul3A_2, %dma_start3A_117] : memref<10016x128xf32, #tpu.memory_space<vmem_shared>> -> memref<632x128xf32, #tpu.memory_space<vmem_shared>>
        tpu.enqueue_dma source(%dma_start3A_118 : memref<632x128xf32, #tpu.memory_space<vmem_shared>>) target(%dma_start3A_116 : memref<632x128xf32, #tpu.memory_space<hbm>>) target_semaphore(%run_scoped3A : memref<!tpu.dma_semaphore, #tpu.memory_space<semaphore_mem>>)
        %dma_wait3A_119 = arith.constant 0 : i32
        %dma_wait3A_120 = tpu.memref_slice %arg6[%mul3A_2, %dma_wait3A_119] : memref<10000x128xf32, #tpu.memory_space<hbm>> -> memref<632x128xf32, #tpu.memory_space<hbm>>
        %dma_wait3A_121 = arith.constant 0 : i32
        %dma_wait3A_122 = tpu.memref_slice %arg7[%mul3A_2, %dma_wait3A_121] : memref<10016x128xf32, #tpu.memory_space<vmem_shared>> -> memref<632x128xf32, #tpu.memory_space<vmem_shared>>
        tpu.wait_dma2 semaphore(%run_scoped3A : memref<!tpu.dma_semaphore, #tpu.memory_space<semaphore_mem>>) src(%dma_wait3A_122 : memref<632x128xf32, #tpu.memory_space<vmem_shared>>) dst(%dma_wait3A_120 : memref<632x128xf32, #tpu.memory_space<hbm>>)
        tpu.yield
      }) : () -> ()
    } else {
    }
    %ne3A_107 = arith.constant 0 : i32
    %ne3A_108 = arith.cmpi ne, %arg0, %ne3A_107 : i32
    %eq3A_109 = arith.constant 15 : i32
    %eq3A_110 = arith.cmpi eq, %arg1, %eq3A_109 : i32
    %and3A_111 = arith.andi %ne3A_108, %eq3A_110 : i1
    %convert_element_type3A_112 = arith.extui %and3A_111 : i1 to i32
    %cond3A_113 = arith.constant 0 : i32
    %cond3A_114 = arith.cmpi ne, %convert_element_type3A_112, %cond3A_113 : i32
    scf.if %cond3A_114 {
      "tpu.region"() ({
        %run_scoped3A = tpu.sem_alloc : memref<!tpu.dma_semaphore, #tpu.memory_space<semaphore_mem>>
        %dma_start3A_115 = arith.constant 0 : i32
        %dma_start3A_116 = tpu.memref_slice %arg6[%mul3A_2, %dma_start3A_115] : memref<10000x128xf32, #tpu.memory_space<hbm>> -> memref<520x128xf32, #tpu.memory_space<hbm>>
        %dma_start3A_117 = arith.constant 0 : i32
        %dma_start3A_118 = tpu.memref_slice %arg7[%mul3A_2, %dma_start3A_117] : memref<10016x128xf32, #tpu.memory_space<vmem_shared>> -> memref<520x128xf32, #tpu.memory_space<vmem_shared>>
        tpu.enqueue_dma source(%dma_start3A_118 : memref<520x128xf32, #tpu.memory_space<vmem_shared>>) target(%dma_start3A_116 : memref<520x128xf32, #tpu.memory_space<hbm>>) target_semaphore(%run_scoped3A : memref<!tpu.dma_semaphore, #tpu.memory_space<semaphore_mem>>)
        %dma_wait3A_119 = arith.constant 0 : i32
        %dma_wait3A_120 = tpu.memref_slice %arg6[%mul3A_2, %dma_wait3A_119] : memref<10000x128xf32, #tpu.memory_space<hbm>> -> memref<520x128xf32, #tpu.memory_space<hbm>>
        %dma_wait3A_121 = arith.constant 0 : i32
        %dma_wait3A_122 = tpu.memref_slice %arg7[%mul3A_2, %dma_wait3A_121] : memref<10016x128xf32, #tpu.memory_space<vmem_shared>> -> memref<520x128xf32, #tpu.memory_space<vmem_shared>>
        tpu.wait_dma2 semaphore(%run_scoped3A : memref<!tpu.dma_semaphore, #tpu.memory_space<semaphore_mem>>) src(%dma_wait3A_122 : memref<520x128xf32, #tpu.memory_space<vmem_shared>>) dst(%dma_wait3A_120 : memref<520x128xf32, #tpu.memory_space<hbm>>)
        tpu.yield
      }) : () -> ()
    } else {
    }
    return
  }
}

#map = affine_map<(d0, d1) -> (0, 0)>
#map1 = affine_map<(d0, d1) -> (0, 0, 0)>
module attributes {stable_mosaic.version = 14 : i64} {
  func.func @_agg_body(%arg0: i32, %arg1: i32, %arg2: memref<10000x128xf32, #tpu.memory_space<hbm>>, %arg3: memref<32x80x128xi32, #tpu.memory_space<hbm>>, %arg4: memref<32x80x128xi32, #tpu.memory_space<hbm>>, %arg5: memref<10000x128xf32, #tpu.memory_space<hbm>>, %arg6: memref<10000x128xf32, #tpu.memory_space<hbm>>, %arg7: memref<10016x128xf32, #tpu.memory_space<vmem_shared>>, %arg8: memref<8x128xi32, #tpu.memory_space<vmem>>, %arg9: memref<8x128xi32, #tpu.memory_space<vmem>>, %arg10: memref<8x128xi32, #tpu.memory_space<vmem>>, %arg11: memref<8x128xi32, #tpu.memory_space<vmem>>, %arg12: memref<128x128xf32, #tpu.memory_space<vmem>>, %arg13: memref<128x128xf32, #tpu.memory_space<vmem>>, %arg14: memref<!tpu.dma_semaphore, #tpu.memory_space<semaphore_mem>>, %arg15: memref<!tpu.dma_semaphore, #tpu.memory_space<semaphore_mem>>, %arg16: memref<!tpu.dma_semaphore, #tpu.memory_space<semaphore_mem>>, %arg17: memref<!tpu.dma_semaphore, #tpu.memory_space<semaphore_mem>>, %arg18: memref<!tpu.dma_semaphore, #tpu.memory_space<semaphore_mem>>, %arg19: memref<!tpu.dma_semaphore, #tpu.memory_space<semaphore_mem>>) attributes {dimension_semantics = [#tpu.dimension_semantics<core_parallel>, #tpu.dimension_semantics<subcore_parallel>], iteration_bounds = array<i64: 2, 16>, scalar_prefetch = 0 : i64, scratch_operands = 13 : i64, tpu.core_type = #tpu.core_type<sc_vector_subcore>, window_params = [{transform_indices = #map}, {transform_indices = #map1}, {transform_indices = #map1}, {transform_indices = #map}, {transform_indices = #map}]} {
    %mul3A = arith.constant 16 : i32
    %mul3A_0 = arith.muli %arg0, %mul3A : i32
    %add3A = arith.addi %mul3A_0, %arg1 : i32
    %mul3A_1 = arith.constant 632 : i32
    %mul3A_2 = arith.muli %arg1, %mul3A_1 : i32
    %lt3A = arith.constant 15 : i32
    %lt3A_3 = arith.cmpi slt, %arg1, %lt3A : i32
    %convert_element_type3A = arith.extui %lt3A_3 : i1 to i32
    %cond3A = arith.constant 0 : i32
    %cond3A_4 = arith.cmpi ne, %convert_element_type3A, %cond3A : i32
    scf.if %cond3A_4 {
      %dma_start3A_115 = arith.constant 0 : i32
      %dma_start3A_116 = tpu.memref_slice %arg7[%mul3A_2, %dma_start3A_115] : memref<10016x128xf32, #tpu.memory_space<vmem_shared>> -> memref<632x128xf32, #tpu.memory_space<vmem_shared>>
      %dma_start3A_117 = arith.constant 0 : i32
      %dma_start3A_118 = tpu.memref_slice %arg2[%mul3A_2, %dma_start3A_117] : memref<10000x128xf32, #tpu.memory_space<hbm>> -> memref<632x128xf32, #tpu.memory_space<hbm>>
      tpu.enqueue_dma source(%dma_start3A_118 : memref<632x128xf32, #tpu.memory_space<hbm>>) target(%dma_start3A_116 : memref<632x128xf32, #tpu.memory_space<vmem_shared>>) target_semaphore(%arg18 : memref<!tpu.dma_semaphore, #tpu.memory_space<semaphore_mem>>)
    } else {
    }
    %eq3A = arith.constant 15 : i32
    %eq3A_5 = arith.cmpi eq, %arg1, %eq3A : i32
    %convert_element_type3A_6 = arith.extui %eq3A_5 : i1 to i32
    %cond3A_7 = arith.constant 0 : i32
    %cond3A_8 = arith.cmpi ne, %convert_element_type3A_6, %cond3A_7 : i32
    scf.if %cond3A_8 {
      %dma_start3A_115 = arith.constant 0 : i32
      %dma_start3A_116 = tpu.memref_slice %arg7[%mul3A_2, %dma_start3A_115] : memref<10016x128xf32, #tpu.memory_space<vmem_shared>> -> memref<520x128xf32, #tpu.memory_space<vmem_shared>>
      %dma_start3A_117 = arith.constant 0 : i32
      %dma_start3A_118 = tpu.memref_slice %arg2[%mul3A_2, %dma_start3A_117] : memref<10000x128xf32, #tpu.memory_space<hbm>> -> memref<520x128xf32, #tpu.memory_space<hbm>>
      tpu.enqueue_dma source(%dma_start3A_118 : memref<520x128xf32, #tpu.memory_space<hbm>>) target(%dma_start3A_116 : memref<520x128xf32, #tpu.memory_space<vmem_shared>>) target_semaphore(%arg18 : memref<!tpu.dma_semaphore, #tpu.memory_space<semaphore_mem>>)
    } else {
    }
    %dma_start3A = arith.constant 0 : i32
    %dma_start3A_9 = arith.constant 0 : i32
    %dma_start3A_10 = tpu.memref_slice %arg3[%add3A, %dma_start3A, %dma_start3A_9] : memref<32x80x128xi32, #tpu.memory_space<hbm>> -> memref<1x8x128xi32, #tpu.memory_space<hbm>>
    %dma_start3A_11 = tpu.memref_squeeze %dma_start3A_10 : memref<1x8x128xi32, #tpu.memory_space<hbm>> -> memref<8x128xi32, #tpu.memory_space<hbm>>
    %dma_start3A_12 = arith.constant 0 : i32
    %dma_start3A_13 = arith.constant 0 : i32
    %dma_start3A_14 = tpu.memref_slice %arg3[%add3A, %dma_start3A_12, %dma_start3A_13] : memref<32x80x128xi32, #tpu.memory_space<hbm>> -> memref<1x8x128xi32, #tpu.memory_space<hbm>>
    %dma_start3A_15 = tpu.memref_squeeze %dma_start3A_14 : memref<1x8x128xi32, #tpu.memory_space<hbm>> -> memref<8x128xi32, #tpu.memory_space<hbm>>
    tpu.enqueue_dma source(%dma_start3A_15 : memref<8x128xi32, #tpu.memory_space<hbm>>) target(%arg8 : memref<8x128xi32, #tpu.memory_space<vmem>>) target_semaphore(%arg14 : memref<!tpu.dma_semaphore, #tpu.memory_space<semaphore_mem>>)
    %dma_start3A_16 = arith.constant 0 : i32
    %dma_start3A_17 = arith.constant 0 : i32
    %dma_start3A_18 = tpu.memref_slice %arg4[%add3A, %dma_start3A_16, %dma_start3A_17] : memref<32x80x128xi32, #tpu.memory_space<hbm>> -> memref<1x8x128xi32, #tpu.memory_space<hbm>>
    %dma_start3A_19 = tpu.memref_squeeze %dma_start3A_18 : memref<1x8x128xi32, #tpu.memory_space<hbm>> -> memref<8x128xi32, #tpu.memory_space<hbm>>
    %dma_start3A_20 = arith.constant 0 : i32
    %dma_start3A_21 = arith.constant 0 : i32
    %dma_start3A_22 = tpu.memref_slice %arg4[%add3A, %dma_start3A_20, %dma_start3A_21] : memref<32x80x128xi32, #tpu.memory_space<hbm>> -> memref<1x8x128xi32, #tpu.memory_space<hbm>>
    %dma_start3A_23 = tpu.memref_squeeze %dma_start3A_22 : memref<1x8x128xi32, #tpu.memory_space<hbm>> -> memref<8x128xi32, #tpu.memory_space<hbm>>
    tpu.enqueue_dma source(%dma_start3A_23 : memref<8x128xi32, #tpu.memory_space<hbm>>) target(%arg10 : memref<8x128xi32, #tpu.memory_space<vmem>>) target_semaphore(%arg14 : memref<!tpu.dma_semaphore, #tpu.memory_space<semaphore_mem>>)
    %dma_start3A_24 = arith.constant 8 : i32
    %dma_start3A_25 = arith.constant 0 : i32
    %dma_start3A_26 = tpu.memref_slice %arg3[%add3A, %dma_start3A_24, %dma_start3A_25] : memref<32x80x128xi32, #tpu.memory_space<hbm>> -> memref<1x8x128xi32, #tpu.memory_space<hbm>>
    %dma_start3A_27 = tpu.memref_squeeze %dma_start3A_26 : memref<1x8x128xi32, #tpu.memory_space<hbm>> -> memref<8x128xi32, #tpu.memory_space<hbm>>
    %dma_start3A_28 = arith.constant 8 : i32
    %dma_start3A_29 = arith.constant 0 : i32
    %dma_start3A_30 = tpu.memref_slice %arg3[%add3A, %dma_start3A_28, %dma_start3A_29] : memref<32x80x128xi32, #tpu.memory_space<hbm>> -> memref<1x8x128xi32, #tpu.memory_space<hbm>>
    %dma_start3A_31 = tpu.memref_squeeze %dma_start3A_30 : memref<1x8x128xi32, #tpu.memory_space<hbm>> -> memref<8x128xi32, #tpu.memory_space<hbm>>
    tpu.enqueue_dma source(%dma_start3A_31 : memref<8x128xi32, #tpu.memory_space<hbm>>) target(%arg9 : memref<8x128xi32, #tpu.memory_space<vmem>>) target_semaphore(%arg15 : memref<!tpu.dma_semaphore, #tpu.memory_space<semaphore_mem>>)
    %dma_start3A_32 = arith.constant 8 : i32
    %dma_start3A_33 = arith.constant 0 : i32
    %dma_start3A_34 = tpu.memref_slice %arg4[%add3A, %dma_start3A_32, %dma_start3A_33] : memref<32x80x128xi32, #tpu.memory_space<hbm>> -> memref<1x8x128xi32, #tpu.memory_space<hbm>>
    %dma_start3A_35 = tpu.memref_squeeze %dma_start3A_34 : memref<1x8x128xi32, #tpu.memory_space<hbm>> -> memref<8x128xi32, #tpu.memory_space<hbm>>
    %dma_start3A_36 = arith.constant 8 : i32
    %dma_start3A_37 = arith.constant 0 : i32
    %dma_start3A_38 = tpu.memref_slice %arg4[%add3A, %dma_start3A_36, %dma_start3A_37] : memref<32x80x128xi32, #tpu.memory_space<hbm>> -> memref<1x8x128xi32, #tpu.memory_space<hbm>>
    %dma_start3A_39 = tpu.memref_squeeze %dma_start3A_38 : memref<1x8x128xi32, #tpu.memory_space<hbm>> -> memref<8x128xi32, #tpu.memory_space<hbm>>
    tpu.enqueue_dma source(%dma_start3A_39 : memref<8x128xi32, #tpu.memory_space<hbm>>) target(%arg11 : memref<8x128xi32, #tpu.memory_space<vmem>>) target_semaphore(%arg15 : memref<!tpu.dma_semaphore, #tpu.memory_space<semaphore_mem>>)
    %dma_wait3A = arith.constant 0 : i32
    %dma_wait3A_40 = arith.constant 0 : i32
    %dma_wait3A_41 = tpu.memref_slice %arg3[%add3A, %dma_wait3A, %dma_wait3A_40] : memref<32x80x128xi32, #tpu.memory_space<hbm>> -> memref<1x8x128xi32, #tpu.memory_space<hbm>>
    %dma_wait3A_42 = tpu.memref_squeeze %dma_wait3A_41 : memref<1x8x128xi32, #tpu.memory_space<hbm>> -> memref<8x128xi32, #tpu.memory_space<hbm>>
    %dma_wait3A_43 = arith.constant 0 : i32
    %dma_wait3A_44 = arith.constant 0 : i32
    %dma_wait3A_45 = tpu.memref_slice %arg3[%add3A, %dma_wait3A_43, %dma_wait3A_44] : memref<32x80x128xi32, #tpu.memory_space<hbm>> -> memref<1x8x128xi32, #tpu.memory_space<hbm>>
    %dma_wait3A_46 = tpu.memref_squeeze %dma_wait3A_45 : memref<1x8x128xi32, #tpu.memory_space<hbm>> -> memref<8x128xi32, #tpu.memory_space<hbm>>
    tpu.wait_dma2 semaphore(%arg14 : memref<!tpu.dma_semaphore, #tpu.memory_space<semaphore_mem>>) src(%dma_wait3A_46 : memref<8x128xi32, #tpu.memory_space<hbm>>) dst(%arg8 : memref<8x128xi32, #tpu.memory_space<vmem>>)
    %dma_wait3A_47 = arith.constant 0 : i32
    %dma_wait3A_48 = arith.constant 0 : i32
    %dma_wait3A_49 = tpu.memref_slice %arg4[%add3A, %dma_wait3A_47, %dma_wait3A_48] : memref<32x80x128xi32, #tpu.memory_space<hbm>> -> memref<1x8x128xi32, #tpu.memory_space<hbm>>
    %dma_wait3A_50 = tpu.memref_squeeze %dma_wait3A_49 : memref<1x8x128xi32, #tpu.memory_space<hbm>> -> memref<8x128xi32, #tpu.memory_space<hbm>>
    %dma_wait3A_51 = arith.constant 0 : i32
    %dma_wait3A_52 = arith.constant 0 : i32
    %dma_wait3A_53 = tpu.memref_slice %arg4[%add3A, %dma_wait3A_51, %dma_wait3A_52] : memref<32x80x128xi32, #tpu.memory_space<hbm>> -> memref<1x8x128xi32, #tpu.memory_space<hbm>>
    %dma_wait3A_54 = tpu.memref_squeeze %dma_wait3A_53 : memref<1x8x128xi32, #tpu.memory_space<hbm>> -> memref<8x128xi32, #tpu.memory_space<hbm>>
    tpu.wait_dma2 semaphore(%arg14 : memref<!tpu.dma_semaphore, #tpu.memory_space<semaphore_mem>>) src(%dma_wait3A_54 : memref<8x128xi32, #tpu.memory_space<hbm>>) dst(%arg10 : memref<8x128xi32, #tpu.memory_space<vmem>>)
    %dma_start3A_55 = arith.constant 0 : i32
    %dma_start3A_56 = arith.constant 0 : i32
    %dma_start3A_57 = tpu.memref_slice %arg8[%dma_start3A_55, %dma_start3A_56] : memref<8x128xi32, #tpu.memory_space<vmem>> -> memref<1x128xi32, #tpu.memory_space<vmem>>
    %dma_start3A_58 = tpu.memref_squeeze %dma_start3A_57 : memref<1x128xi32, #tpu.memory_space<vmem>> -> memref<128xi32, #tpu.memory_space<vmem>>
    %dma_start3A_59 = arith.constant 0 : i32
    %dma_start3A_60 = arith.constant 0 : i32
    %dma_start3A_61 = tpu.memref_slice %arg2[%dma_start3A_59, %dma_start3A_60] : memref<10000x128xf32, #tpu.memory_space<hbm>> -> memref<10000x128xf32, #tpu.memory_space<hbm>>
    tpu.enqueue_indirect_dma source(%dma_start3A_61 : memref<10000x128xf32, #tpu.memory_space<hbm>>) target(%arg12 : memref<128x128xf32, #tpu.memory_space<vmem>>) offsets(%dma_start3A_58 : memref<128xi32, #tpu.memory_space<vmem>>) semaphore(%arg16 : memref<!tpu.dma_semaphore, #tpu.memory_space<semaphore_mem>>)
    %lt3A_62 = arith.constant 15 : i32
    %lt3A_63 = arith.cmpi slt, %arg1, %lt3A_62 : i32
    %convert_element_type3A_64 = arith.extui %lt3A_63 : i1 to i32
    %cond3A_65 = arith.constant 0 : i32
    %cond3A_66 = arith.cmpi ne, %convert_element_type3A_64, %cond3A_65 : i32
    scf.if %cond3A_66 {
      %dma_wait3A_115 = arith.constant 0 : i32
      %dma_wait3A_116 = tpu.memref_slice %arg7[%mul3A_2, %dma_wait3A_115] : memref<10016x128xf32, #tpu.memory_space<vmem_shared>> -> memref<632x128xf32, #tpu.memory_space<vmem_shared>>
      %dma_wait3A_117 = arith.constant 0 : i32
      %dma_wait3A_118 = tpu.memref_slice %arg2[%mul3A_2, %dma_wait3A_117] : memref<10000x128xf32, #tpu.memory_space<hbm>> -> memref<632x128xf32, #tpu.memory_space<hbm>>
      tpu.wait_dma2 semaphore(%arg18 : memref<!tpu.dma_semaphore, #tpu.memory_space<semaphore_mem>>) src(%dma_wait3A_118 : memref<632x128xf32, #tpu.memory_space<hbm>>) dst(%dma_wait3A_116 : memref<632x128xf32, #tpu.memory_space<vmem_shared>>)
    } else {
    }
    %eq3A_67 = arith.constant 15 : i32
    %eq3A_68 = arith.cmpi eq, %arg1, %eq3A_67 : i32
    %convert_element_type3A_69 = arith.extui %eq3A_68 : i1 to i32
    %cond3A_70 = arith.constant 0 : i32
    %cond3A_71 = arith.cmpi ne, %convert_element_type3A_69, %cond3A_70 : i32
    scf.if %cond3A_71 {
      %dma_wait3A_115 = arith.constant 0 : i32
      %dma_wait3A_116 = tpu.memref_slice %arg7[%mul3A_2, %dma_wait3A_115] : memref<10016x128xf32, #tpu.memory_space<vmem_shared>> -> memref<520x128xf32, #tpu.memory_space<vmem_shared>>
      %dma_wait3A_117 = arith.constant 0 : i32
      %dma_wait3A_118 = tpu.memref_slice %arg2[%mul3A_2, %dma_wait3A_117] : memref<10000x128xf32, #tpu.memory_space<hbm>> -> memref<520x128xf32, #tpu.memory_space<hbm>>
      tpu.wait_dma2 semaphore(%arg18 : memref<!tpu.dma_semaphore, #tpu.memory_space<semaphore_mem>>) src(%dma_wait3A_118 : memref<520x128xf32, #tpu.memory_space<hbm>>) dst(%dma_wait3A_116 : memref<520x128xf32, #tpu.memory_space<vmem_shared>>)
    } else {
    }
    %barrier3A = arith.constant 0 : index
    tpu.barrier barrier_id(%barrier3A)
    %scan3A = arith.constant 0 : i32
    %scan3A_72 = arith.constant 0 : i32
    %scan3A_73 = arith.constant 5 : i32
    %scan3A_74 = arith.addi %scan3A_72, %scan3A_73 : i32
    %scan3A_75 = arith.constant 1 : i32
    scf.for %scan3A_115 = %scan3A_72 to %scan3A_74 step %scan3A_75  : i32 {
      %mul3A_116 = arith.constant 2 : i32
      %mul3A_117 = arith.muli %mul3A_116, %scan3A_115 : i32
      %gt3A = arith.constant 0 : i32
      %gt3A_118 = arith.cmpi sgt, %scan3A_115, %gt3A : i32
      %convert_element_type3A_119 = arith.extui %gt3A_118 : i1 to i32
      %cond3A_120 = arith.constant 0 : i32
      %cond3A_121 = arith.cmpi ne, %convert_element_type3A_119, %cond3A_120 : i32
      scf.if %cond3A_121 {
        %dma_wait3A_586 = arith.constant 0 : i32
        %dma_wait3A_587 = arith.constant 0 : i32
        %dma_wait3A_588 = tpu.memref_slice %arg10[%dma_wait3A_586, %dma_wait3A_587] : memref<8x128xi32, #tpu.memory_space<vmem>> -> memref<1x128xi32, #tpu.memory_space<vmem>>
        %dma_wait3A_589 = tpu.memref_squeeze %dma_wait3A_588 : memref<1x128xi32, #tpu.memory_space<vmem>> -> memref<128xi32, #tpu.memory_space<vmem>>
        %dma_wait3A_590 = arith.constant 0 : i32
        %dma_wait3A_591 = arith.constant 0 : i32
        %dma_wait3A_592 = tpu.memref_slice %arg7[%dma_wait3A_590, %dma_wait3A_591] : memref<10016x128xf32, #tpu.memory_space<vmem_shared>> -> memref<10016x128xf32, #tpu.memory_space<vmem_shared>>
        tpu.wait_indirect_dma semaphore(%arg19 : memref<!tpu.dma_semaphore, #tpu.memory_space<semaphore_mem>>) src(%arg13 : memref<128x128xf32, #tpu.memory_space<vmem>>) dst(%dma_wait3A_592 : memref<10016x128xf32, #tpu.memory_space<vmem_shared>>)
        %add3A_593 = arith.constant 1 : i32
        %add3A_594 = arith.addi %mul3A_117, %add3A_593 : i32
        %mul3A_595 = arith.constant 8 : i32
        %mul3A_596 = arith.muli %mul3A_595, %add3A_594 : i32
        %dma_start3A_597 = arith.constant 0 : i32
        %dma_start3A_598 = tpu.memref_slice %arg3[%add3A, %mul3A_596, %dma_start3A_597] : memref<32x80x128xi32, #tpu.memory_space<hbm>> -> memref<1x8x128xi32, #tpu.memory_space<hbm>>
        %dma_start3A_599 = tpu.memref_squeeze %dma_start3A_598 : memref<1x8x128xi32, #tpu.memory_space<hbm>> -> memref<8x128xi32, #tpu.memory_space<hbm>>
        %dma_start3A_600 = arith.constant 0 : i32
        %dma_start3A_601 = tpu.memref_slice %arg3[%add3A, %mul3A_596, %dma_start3A_600] : memref<32x80x128xi32, #tpu.memory_space<hbm>> -> memref<1x8x128xi32, #tpu.memory_space<hbm>>
        %dma_start3A_602 = tpu.memref_squeeze %dma_start3A_601 : memref<1x8x128xi32, #tpu.memory_space<hbm>> -> memref<8x128xi32, #tpu.memory_space<hbm>>
        tpu.enqueue_dma source(%dma_start3A_602 : memref<8x128xi32, #tpu.memory_space<hbm>>) target(%arg9 : memref<8x128xi32, #tpu.memory_space<vmem>>) target_semaphore(%arg15 : memref<!tpu.dma_semaphore, #tpu.memory_space<semaphore_mem>>)
        %mul3A_603 = arith.constant 8 : i32
        %mul3A_604 = arith.muli %mul3A_603, %add3A_594 : i32
        %dma_start3A_605 = arith.constant 0 : i32
        %dma_start3A_606 = tpu.memref_slice %arg4[%add3A, %mul3A_604, %dma_start3A_605] : memref<32x80x128xi32, #tpu.memory_space<hbm>> -> memref<1x8x128xi32, #tpu.memory_space<hbm>>
        %dma_start3A_607 = tpu.memref_squeeze %dma_start3A_606 : memref<1x8x128xi32, #tpu.memory_space<hbm>> -> memref<8x128xi32, #tpu.memory_space<hbm>>
        %dma_start3A_608 = arith.constant 0 : i32
        %dma_start3A_609 = tpu.memref_slice %arg4[%add3A, %mul3A_604, %dma_start3A_608] : memref<32x80x128xi32, #tpu.memory_space<hbm>> -> memref<1x8x128xi32, #tpu.memory_space<hbm>>
        %dma_start3A_610 = tpu.memref_squeeze %dma_start3A_609 : memref<1x8x128xi32, #tpu.memory_space<hbm>> -> memref<8x128xi32, #tpu.memory_space<hbm>>
        tpu.enqueue_dma source(%dma_start3A_610 : memref<8x128xi32, #tpu.memory_space<hbm>>) target(%arg11 : memref<8x128xi32, #tpu.memory_space<vmem>>) target_semaphore(%arg15 : memref<!tpu.dma_semaphore, #tpu.memory_space<semaphore_mem>>)
      } else {
      }
      %dma_start3A_122 = arith.constant 1 : i32
      %dma_start3A_123 = arith.constant 0 : i32
      %dma_start3A_124 = tpu.memref_slice %arg8[%dma_start3A_122, %dma_start3A_123] : memref<8x128xi32, #tpu.memory_space<vmem>> -> memref<1x128xi32, #tpu.memory_space<vmem>>
      %dma_start3A_125 = tpu.memref_squeeze %dma_start3A_124 : memref<1x128xi32, #tpu.memory_space<vmem>> -> memref<128xi32, #tpu.memory_space<vmem>>
      %dma_start3A_126 = arith.constant 0 : i32
      %dma_start3A_127 = arith.constant 0 : i32
      %dma_start3A_128 = tpu.memref_slice %arg2[%dma_start3A_126, %dma_start3A_127] : memref<10000x128xf32, #tpu.memory_space<hbm>> -> memref<10000x128xf32, #tpu.memory_space<hbm>>
      tpu.enqueue_indirect_dma source(%dma_start3A_128 : memref<10000x128xf32, #tpu.memory_space<hbm>>) target(%arg13 : memref<128x128xf32, #tpu.memory_space<vmem>>) offsets(%dma_start3A_125 : memref<128xi32, #tpu.memory_space<vmem>>) semaphore(%arg17 : memref<!tpu.dma_semaphore, #tpu.memory_space<semaphore_mem>>)
      %dma_wait3A_129 = arith.constant 0 : i32
      %dma_wait3A_130 = arith.constant 0 : i32
      %dma_wait3A_131 = tpu.memref_slice %arg8[%dma_wait3A_129, %dma_wait3A_130] : memref<8x128xi32, #tpu.memory_space<vmem>> -> memref<1x128xi32, #tpu.memory_space<vmem>>
      %dma_wait3A_132 = tpu.memref_squeeze %dma_wait3A_131 : memref<1x128xi32, #tpu.memory_space<vmem>> -> memref<128xi32, #tpu.memory_space<vmem>>
      %dma_wait3A_133 = arith.constant 0 : i32
      %dma_wait3A_134 = arith.constant 0 : i32
      %dma_wait3A_135 = tpu.memref_slice %arg2[%dma_wait3A_133, %dma_wait3A_134] : memref<10000x128xf32, #tpu.memory_space<hbm>> -> memref<10000x128xf32, #tpu.memory_space<hbm>>
      tpu.wait_indirect_dma semaphore(%arg16 : memref<!tpu.dma_semaphore, #tpu.memory_space<semaphore_mem>>) src(%dma_wait3A_135 : memref<10000x128xf32, #tpu.memory_space<hbm>>) dst(%arg12 : memref<128x128xf32, #tpu.memory_space<vmem>>)
      %dma_start3A_136 = arith.constant 0 : i32
      %dma_start3A_137 = arith.constant 0 : i32
      %dma_start3A_138 = tpu.memref_slice %arg10[%dma_start3A_136, %dma_start3A_137] : memref<8x128xi32, #tpu.memory_space<vmem>> -> memref<1x128xi32, #tpu.memory_space<vmem>>
      %dma_start3A_139 = tpu.memref_squeeze %dma_start3A_138 : memref<1x128xi32, #tpu.memory_space<vmem>> -> memref<128xi32, #tpu.memory_space<vmem>>
      %dma_start3A_140 = arith.constant 0 : i32
      %dma_start3A_141 = arith.constant 0 : i32
      %dma_start3A_142 = tpu.memref_slice %arg7[%dma_start3A_140, %dma_start3A_141] : memref<10016x128xf32, #tpu.memory_space<vmem_shared>> -> memref<10016x128xf32, #tpu.memory_space<vmem_shared>>
      tpu.enqueue_indirect_dma source(%arg12 : memref<128x128xf32, #tpu.memory_space<vmem>>) target(%dma_start3A_142 : memref<10016x128xf32, #tpu.memory_space<vmem_shared>>) offsets(%dma_start3A_139 : memref<128xi32, #tpu.memory_space<vmem>>) semaphore(%arg18 : memref<!tpu.dma_semaphore, #tpu.memory_space<semaphore_mem>>) {add = true}
      %dma_wait3A_143 = arith.constant 0 : i32
      %dma_wait3A_144 = arith.constant 0 : i32
      %dma_wait3A_145 = tpu.memref_slice %arg10[%dma_wait3A_143, %dma_wait3A_144] : memref<8x128xi32, #tpu.memory_space<vmem>> -> memref<1x128xi32, #tpu.memory_space<vmem>>
      %dma_wait3A_146 = tpu.memref_squeeze %dma_wait3A_145 : memref<1x128xi32, #tpu.memory_space<vmem>> -> memref<128xi32, #tpu.memory_space<vmem>>
      %dma_wait3A_147 = arith.constant 0 : i32
      %dma_wait3A_148 = arith.constant 0 : i32
      %dma_wait3A_149 = tpu.memref_slice %arg7[%dma_wait3A_147, %dma_wait3A_148] : memref<10016x128xf32, #tpu.memory_space<vmem_shared>> -> memref<10016x128xf32, #tpu.memory_space<vmem_shared>>
      tpu.wait_indirect_dma semaphore(%arg18 : memref<!tpu.dma_semaphore, #tpu.memory_space<semaphore_mem>>) src(%arg12 : memref<128x128xf32, #tpu.memory_space<vmem>>) dst(%dma_wait3A_149 : memref<10016x128xf32, #tpu.memory_space<vmem_shared>>)
      %dma_start3A_150 = arith.constant 2 : i32
      %dma_start3A_151 = arith.constant 0 : i32
      %dma_start3A_152 = tpu.memref_slice %arg8[%dma_start3A_150, %dma_start3A_151] : memref<8x128xi32, #tpu.memory_space<vmem>> -> memref<1x128xi32, #tpu.memory_space<vmem>>
      %dma_start3A_153 = tpu.memref_squeeze %dma_start3A_152 : memref<1x128xi32, #tpu.memory_space<vmem>> -> memref<128xi32, #tpu.memory_space<vmem>>
      %dma_start3A_154 = arith.constant 0 : i32
      %dma_start3A_155 = arith.constant 0 : i32
      %dma_start3A_156 = tpu.memref_slice %arg2[%dma_start3A_154, %dma_start3A_155] : memref<10000x128xf32, #tpu.memory_space<hbm>> -> memref<10000x128xf32, #tpu.memory_space<hbm>>
      tpu.enqueue_indirect_dma source(%dma_start3A_156 : memref<10000x128xf32, #tpu.memory_space<hbm>>) target(%arg12 : memref<128x128xf32, #tpu.memory_space<vmem>>) offsets(%dma_start3A_153 : memref<128xi32, #tpu.memory_space<vmem>>) semaphore(%arg16 : memref<!tpu.dma_semaphore, #tpu.memory_space<semaphore_mem>>)
      %dma_wait3A_157 = arith.constant 0 : i32
      %dma_wait3A_158 = arith.constant 0 : i32
      %dma_wait3A_159 = tpu.memref_slice %arg8[%dma_wait3A_157, %dma_wait3A_158] : memref<8x128xi32, #tpu.memory_space<vmem>> -> memref<1x128xi32, #tpu.memory_space<vmem>>
      %dma_wait3A_160 = tpu.memref_squeeze %dma_wait3A_159 : memref<1x128xi32, #tpu.memory_space<vmem>> -> memref<128xi32, #tpu.memory_space<vmem>>
      %dma_wait3A_161 = arith.constant 0 : i32
      %dma_wait3A_162 = arith.constant 0 : i32
      %dma_wait3A_163 = tpu.memref_slice %arg2[%dma_wait3A_161, %dma_wait3A_162] : memref<10000x128xf32, #tpu.memory_space<hbm>> -> memref<10000x128xf32, #tpu.memory_space<hbm>>
      tpu.wait_indirect_dma semaphore(%arg17 : memref<!tpu.dma_semaphore, #tpu.memory_space<semaphore_mem>>) src(%dma_wait3A_163 : memref<10000x128xf32, #tpu.memory_space<hbm>>) dst(%arg13 : memref<128x128xf32, #tpu.memory_space<vmem>>)
      %dma_start3A_164 = arith.constant 1 : i32
      %dma_start3A_165 = arith.constant 0 : i32
      %dma_start3A_166 = tpu.memref_slice %arg10[%dma_start3A_164, %dma_start3A_165] : memref<8x128xi32, #tpu.memory_space<vmem>> -> memref<1x128xi32, #tpu.memory_space<vmem>>
      %dma_start3A_167 = tpu.memref_squeeze %dma_start3A_166 : memref<1x128xi32, #tpu.memory_space<vmem>> -> memref<128xi32, #tpu.memory_space<vmem>>
      %dma_start3A_168 = arith.constant 0 : i32
      %dma_start3A_169 = arith.constant 0 : i32
      %dma_start3A_170 = tpu.memref_slice %arg7[%dma_start3A_168, %dma_start3A_169] : memref<10016x128xf32, #tpu.memory_space<vmem_shared>> -> memref<10016x128xf32, #tpu.memory_space<vmem_shared>>
      tpu.enqueue_indirect_dma source(%arg13 : memref<128x128xf32, #tpu.memory_space<vmem>>) target(%dma_start3A_170 : memref<10016x128xf32, #tpu.memory_space<vmem_shared>>) offsets(%dma_start3A_167 : memref<128xi32, #tpu.memory_space<vmem>>) semaphore(%arg19 : memref<!tpu.dma_semaphore, #tpu.memory_space<semaphore_mem>>) {add = true}
      %dma_wait3A_171 = arith.constant 0 : i32
      %dma_wait3A_172 = arith.constant 0 : i32
      %dma_wait3A_173 = tpu.memref_slice %arg10[%dma_wait3A_171, %dma_wait3A_172] : memref<8x128xi32, #tpu.memory_space<vmem>> -> memref<1x128xi32, #tpu.memory_space<vmem>>
      %dma_wait3A_174 = tpu.memref_squeeze %dma_wait3A_173 : memref<1x128xi32, #tpu.memory_space<vmem>> -> memref<128xi32, #tpu.memory_space<vmem>>
      %dma_wait3A_175 = arith.constant 0 : i32
      %dma_wait3A_176 = arith.constant 0 : i32
      %dma_wait3A_177 = tpu.memref_slice %arg7[%dma_wait3A_175, %dma_wait3A_176] : memref<10016x128xf32, #tpu.memory_space<vmem_shared>> -> memref<10016x128xf32, #tpu.memory_space<vmem_shared>>
      tpu.wait_indirect_dma semaphore(%arg19 : memref<!tpu.dma_semaphore, #tpu.memory_space<semaphore_mem>>) src(%arg13 : memref<128x128xf32, #tpu.memory_space<vmem>>) dst(%dma_wait3A_177 : memref<10016x128xf32, #tpu.memory_space<vmem_shared>>)
      %dma_start3A_178 = arith.constant 3 : i32
      %dma_start3A_179 = arith.constant 0 : i32
      %dma_start3A_180 = tpu.memref_slice %arg8[%dma_start3A_178, %dma_start3A_179] : memref<8x128xi32, #tpu.memory_space<vmem>> -> memref<1x128xi32, #tpu.memory_space<vmem>>
      %dma_start3A_181 = tpu.memref_squeeze %dma_start3A_180 : memref<1x128xi32, #tpu.memory_space<vmem>> -> memref<128xi32, #tpu.memory_space<vmem>>
      %dma_start3A_182 = arith.constant 0 : i32
      %dma_start3A_183 = arith.constant 0 : i32
      %dma_start3A_184 = tpu.memref_slice %arg2[%dma_start3A_182, %dma_start3A_183] : memref<10000x128xf32, #tpu.memory_space<hbm>> -> memref<10000x128xf32, #tpu.memory_space<hbm>>
      tpu.enqueue_indirect_dma source(%dma_start3A_184 : memref<10000x128xf32, #tpu.memory_space<hbm>>) target(%arg13 : memref<128x128xf32, #tpu.memory_space<vmem>>) offsets(%dma_start3A_181 : memref<128xi32, #tpu.memory_space<vmem>>) semaphore(%arg17 : memref<!tpu.dma_semaphore, #tpu.memory_space<semaphore_mem>>)
      %dma_wait3A_185 = arith.constant 0 : i32
      %dma_wait3A_186 = arith.constant 0 : i32
      %dma_wait3A_187 = tpu.memref_slice %arg8[%dma_wait3A_185, %dma_wait3A_186] : memref<8x128xi32, #tpu.memory_space<vmem>> -> memref<1x128xi32, #tpu.memory_space<vmem>>
      %dma_wait3A_188 = tpu.memref_squeeze %dma_wait3A_187 : memref<1x128xi32, #tpu.memory_space<vmem>> -> memref<128xi32, #tpu.memory_space<vmem>>
      %dma_wait3A_189 = arith.constant 0 : i32
      %dma_wait3A_190 = arith.constant 0 : i32
      %dma_wait3A_191 = tpu.memref_slice %arg2[%dma_wait3A_189, %dma_wait3A_190] : memref<10000x128xf32, #tpu.memory_space<hbm>> -> memref<10000x128xf32, #tpu.memory_space<hbm>>
      tpu.wait_indirect_dma semaphore(%arg16 : memref<!tpu.dma_semaphore, #tpu.memory_space<semaphore_mem>>) src(%dma_wait3A_191 : memref<10000x128xf32, #tpu.memory_space<hbm>>) dst(%arg12 : memref<128x128xf32, #tpu.memory_space<vmem>>)
      %dma_start3A_192 = arith.constant 2 : i32
      %dma_start3A_193 = arith.constant 0 : i32
      %dma_start3A_194 = tpu.memref_slice %arg10[%dma_start3A_192, %dma_start3A_193] : memref<8x128xi32, #tpu.memory_space<vmem>> -> memref<1x128xi32, #tpu.memory_space<vmem>>
      %dma_start3A_195 = tpu.memref_squeeze %dma_start3A_194 : memref<1x128xi32, #tpu.memory_space<vmem>> -> memref<128xi32, #tpu.memory_space<vmem>>
      %dma_start3A_196 = arith.constant 0 : i32
      %dma_start3A_197 = arith.constant 0 : i32
      %dma_start3A_198 = tpu.memref_slice %arg7[%dma_start3A_196, %dma_start3A_197] : memref<10016x128xf32, #tpu.memory_space<vmem_shared>> -> memref<10016x128xf32, #tpu.memory_space<vmem_shared>>
      tpu.enqueue_indirect_dma source(%arg12 : memref<128x128xf32, #tpu.memory_space<vmem>>) target(%dma_start3A_198 : memref<10016x128xf32, #tpu.memory_space<vmem_shared>>) offsets(%dma_start3A_195 : memref<128xi32, #tpu.memory_space<vmem>>) semaphore(%arg18 : memref<!tpu.dma_semaphore, #tpu.memory_space<semaphore_mem>>) {add = true}
      %dma_wait3A_199 = arith.constant 0 : i32
      %dma_wait3A_200 = arith.constant 0 : i32
      %dma_wait3A_201 = tpu.memref_slice %arg10[%dma_wait3A_199, %dma_wait3A_200] : memref<8x128xi32, #tpu.memory_space<vmem>> -> memref<1x128xi32, #tpu.memory_space<vmem>>
      %dma_wait3A_202 = tpu.memref_squeeze %dma_wait3A_201 : memref<1x128xi32, #tpu.memory_space<vmem>> -> memref<128xi32, #tpu.memory_space<vmem>>
      %dma_wait3A_203 = arith.constant 0 : i32
      %dma_wait3A_204 = arith.constant 0 : i32
      %dma_wait3A_205 = tpu.memref_slice %arg7[%dma_wait3A_203, %dma_wait3A_204] : memref<10016x128xf32, #tpu.memory_space<vmem_shared>> -> memref<10016x128xf32, #tpu.memory_space<vmem_shared>>
      tpu.wait_indirect_dma semaphore(%arg18 : memref<!tpu.dma_semaphore, #tpu.memory_space<semaphore_mem>>) src(%arg12 : memref<128x128xf32, #tpu.memory_space<vmem>>) dst(%dma_wait3A_205 : memref<10016x128xf32, #tpu.memory_space<vmem_shared>>)
      %dma_start3A_206 = arith.constant 4 : i32
      %dma_start3A_207 = arith.constant 0 : i32
      %dma_start3A_208 = tpu.memref_slice %arg8[%dma_start3A_206, %dma_start3A_207] : memref<8x128xi32, #tpu.memory_space<vmem>> -> memref<1x128xi32, #tpu.memory_space<vmem>>
      %dma_start3A_209 = tpu.memref_squeeze %dma_start3A_208 : memref<1x128xi32, #tpu.memory_space<vmem>> -> memref<128xi32, #tpu.memory_space<vmem>>
      %dma_start3A_210 = arith.constant 0 : i32
      %dma_start3A_211 = arith.constant 0 : i32
      %dma_start3A_212 = tpu.memref_slice %arg2[%dma_start3A_210, %dma_start3A_211] : memref<10000x128xf32, #tpu.memory_space<hbm>> -> memref<10000x128xf32, #tpu.memory_space<hbm>>
      tpu.enqueue_indirect_dma source(%dma_start3A_212 : memref<10000x128xf32, #tpu.memory_space<hbm>>) target(%arg12 : memref<128x128xf32, #tpu.memory_space<vmem>>) offsets(%dma_start3A_209 : memref<128xi32, #tpu.memory_space<vmem>>) semaphore(%arg16 : memref<!tpu.dma_semaphore, #tpu.memory_space<semaphore_mem>>)
      %dma_wait3A_213 = arith.constant 0 : i32
      %dma_wait3A_214 = arith.constant 0 : i32
      %dma_wait3A_215 = tpu.memref_slice %arg8[%dma_wait3A_213, %dma_wait3A_214] : memref<8x128xi32, #tpu.memory_space<vmem>> -> memref<1x128xi32, #tpu.memory_space<vmem>>
      %dma_wait3A_216 = tpu.memref_squeeze %dma_wait3A_215 : memref<1x128xi32, #tpu.memory_space<vmem>> -> memref<128xi32, #tpu.memory_space<vmem>>
      %dma_wait3A_217 = arith.constant 0 : i32
      %dma_wait3A_218 = arith.constant 0 : i32
      %dma_wait3A_219 = tpu.memref_slice %arg2[%dma_wait3A_217, %dma_wait3A_218] : memref<10000x128xf32, #tpu.memory_space<hbm>> -> memref<10000x128xf32, #tpu.memory_space<hbm>>
      tpu.wait_indirect_dma semaphore(%arg17 : memref<!tpu.dma_semaphore, #tpu.memory_space<semaphore_mem>>) src(%dma_wait3A_219 : memref<10000x128xf32, #tpu.memory_space<hbm>>) dst(%arg13 : memref<128x128xf32, #tpu.memory_space<vmem>>)
      %dma_start3A_220 = arith.constant 3 : i32
      %dma_start3A_221 = arith.constant 0 : i32
      %dma_start3A_222 = tpu.memref_slice %arg10[%dma_start3A_220, %dma_start3A_221] : memref<8x128xi32, #tpu.memory_space<vmem>> -> memref<1x128xi32, #tpu.memory_space<vmem>>
      %dma_start3A_223 = tpu.memref_squeeze %dma_start3A_222 : memref<1x128xi32, #tpu.memory_space<vmem>> -> memref<128xi32, #tpu.memory_space<vmem>>
      %dma_start3A_224 = arith.constant 0 : i32
      %dma_start3A_225 = arith.constant 0 : i32
      %dma_start3A_226 = tpu.memref_slice %arg7[%dma_start3A_224, %dma_start3A_225] : memref<10016x128xf32, #tpu.memory_space<vmem_shared>> -> memref<10016x128xf32, #tpu.memory_space<vmem_shared>>
      tpu.enqueue_indirect_dma source(%arg13 : memref<128x128xf32, #tpu.memory_space<vmem>>) target(%dma_start3A_226 : memref<10016x128xf32, #tpu.memory_space<vmem_shared>>) offsets(%dma_start3A_223 : memref<128xi32, #tpu.memory_space<vmem>>) semaphore(%arg19 : memref<!tpu.dma_semaphore, #tpu.memory_space<semaphore_mem>>) {add = true}
      %dma_wait3A_227 = arith.constant 0 : i32
      %dma_wait3A_228 = arith.constant 0 : i32
      %dma_wait3A_229 = tpu.memref_slice %arg10[%dma_wait3A_227, %dma_wait3A_228] : memref<8x128xi32, #tpu.memory_space<vmem>> -> memref<1x128xi32, #tpu.memory_space<vmem>>
      %dma_wait3A_230 = tpu.memref_squeeze %dma_wait3A_229 : memref<1x128xi32, #tpu.memory_space<vmem>> -> memref<128xi32, #tpu.memory_space<vmem>>
      %dma_wait3A_231 = arith.constant 0 : i32
      %dma_wait3A_232 = arith.constant 0 : i32
      %dma_wait3A_233 = tpu.memref_slice %arg7[%dma_wait3A_231, %dma_wait3A_232] : memref<10016x128xf32, #tpu.memory_space<vmem_shared>> -> memref<10016x128xf32, #tpu.memory_space<vmem_shared>>
      tpu.wait_indirect_dma semaphore(%arg19 : memref<!tpu.dma_semaphore, #tpu.memory_space<semaphore_mem>>) src(%arg13 : memref<128x128xf32, #tpu.memory_space<vmem>>) dst(%dma_wait3A_233 : memref<10016x128xf32, #tpu.memory_space<vmem_shared>>)
      %dma_start3A_234 = arith.constant 5 : i32
      %dma_start3A_235 = arith.constant 0 : i32
      %dma_start3A_236 = tpu.memref_slice %arg8[%dma_start3A_234, %dma_start3A_235] : memref<8x128xi32, #tpu.memory_space<vmem>> -> memref<1x128xi32, #tpu.memory_space<vmem>>
      %dma_start3A_237 = tpu.memref_squeeze %dma_start3A_236 : memref<1x128xi32, #tpu.memory_space<vmem>> -> memref<128xi32, #tpu.memory_space<vmem>>
      %dma_start3A_238 = arith.constant 0 : i32
      %dma_start3A_239 = arith.constant 0 : i32
      %dma_start3A_240 = tpu.memref_slice %arg2[%dma_start3A_238, %dma_start3A_239] : memref<10000x128xf32, #tpu.memory_space<hbm>> -> memref<10000x128xf32, #tpu.memory_space<hbm>>
      tpu.enqueue_indirect_dma source(%dma_start3A_240 : memref<10000x128xf32, #tpu.memory_space<hbm>>) target(%arg13 : memref<128x128xf32, #tpu.memory_space<vmem>>) offsets(%dma_start3A_237 : memref<128xi32, #tpu.memory_space<vmem>>) semaphore(%arg17 : memref<!tpu.dma_semaphore, #tpu.memory_space<semaphore_mem>>)
      %dma_wait3A_241 = arith.constant 0 : i32
      %dma_wait3A_242 = arith.constant 0 : i32
      %dma_wait3A_243 = tpu.memref_slice %arg8[%dma_wait3A_241, %dma_wait3A_242] : memref<8x128xi32, #tpu.memory_space<vmem>> -> memref<1x128xi32, #tpu.memory_space<vmem>>
      %dma_wait3A_244 = tpu.memref_squeeze %dma_wait3A_243 : memref<1x128xi32, #tpu.memory_space<vmem>> -> memref<128xi32, #tpu.memory_space<vmem>>
      %dma_wait3A_245 = arith.constant 0 : i32
      %dma_wait3A_246 = arith.constant 0 : i32
      %dma_wait3A_247 = tpu.memref_slice %arg2[%dma_wait3A_245, %dma_wait3A_246] : memref<10000x128xf32, #tpu.memory_space<hbm>> -> memref<10000x128xf32, #tpu.memory_space<hbm>>
      tpu.wait_indirect_dma semaphore(%arg16 : memref<!tpu.dma_semaphore, #tpu.memory_space<semaphore_mem>>) src(%dma_wait3A_247 : memref<10000x128xf32, #tpu.memory_space<hbm>>) dst(%arg12 : memref<128x128xf32, #tpu.memory_space<vmem>>)
      %dma_start3A_248 = arith.constant 4 : i32
      %dma_start3A_249 = arith.constant 0 : i32
      %dma_start3A_250 = tpu.memref_slice %arg10[%dma_start3A_248, %dma_start3A_249] : memref<8x128xi32, #tpu.memory_space<vmem>> -> memref<1x128xi32, #tpu.memory_space<vmem>>
      %dma_start3A_251 = tpu.memref_squeeze %dma_start3A_250 : memref<1x128xi32, #tpu.memory_space<vmem>> -> memref<128xi32, #tpu.memory_space<vmem>>
      %dma_start3A_252 = arith.constant 0 : i32
      %dma_start3A_253 = arith.constant 0 : i32
      %dma_start3A_254 = tpu.memref_slice %arg7[%dma_start3A_252, %dma_start3A_253] : memref<10016x128xf32, #tpu.memory_space<vmem_shared>> -> memref<10016x128xf32, #tpu.memory_space<vmem_shared>>
      tpu.enqueue_indirect_dma source(%arg12 : memref<128x128xf32, #tpu.memory_space<vmem>>) target(%dma_start3A_254 : memref<10016x128xf32, #tpu.memory_space<vmem_shared>>) offsets(%dma_start3A_251 : memref<128xi32, #tpu.memory_space<vmem>>) semaphore(%arg18 : memref<!tpu.dma_semaphore, #tpu.memory_space<semaphore_mem>>) {add = true}
      %dma_wait3A_255 = arith.constant 0 : i32
      %dma_wait3A_256 = arith.constant 0 : i32
      %dma_wait3A_257 = tpu.memref_slice %arg10[%dma_wait3A_255, %dma_wait3A_256] : memref<8x128xi32, #tpu.memory_space<vmem>> -> memref<1x128xi32, #tpu.memory_space<vmem>>
      %dma_wait3A_258 = tpu.memref_squeeze %dma_wait3A_257 : memref<1x128xi32, #tpu.memory_space<vmem>> -> memref<128xi32, #tpu.memory_space<vmem>>
      %dma_wait3A_259 = arith.constant 0 : i32
      %dma_wait3A_260 = arith.constant 0 : i32
      %dma_wait3A_261 = tpu.memref_slice %arg7[%dma_wait3A_259, %dma_wait3A_260] : memref<10016x128xf32, #tpu.memory_space<vmem_shared>> -> memref<10016x128xf32, #tpu.memory_space<vmem_shared>>
      tpu.wait_indirect_dma semaphore(%arg18 : memref<!tpu.dma_semaphore, #tpu.memory_space<semaphore_mem>>) src(%arg12 : memref<128x128xf32, #tpu.memory_space<vmem>>) dst(%dma_wait3A_261 : memref<10016x128xf32, #tpu.memory_space<vmem_shared>>)
      %dma_start3A_262 = arith.constant 6 : i32
      %dma_start3A_263 = arith.constant 0 : i32
      %dma_start3A_264 = tpu.memref_slice %arg8[%dma_start3A_262, %dma_start3A_263] : memref<8x128xi32, #tpu.memory_space<vmem>> -> memref<1x128xi32, #tpu.memory_space<vmem>>
      %dma_start3A_265 = tpu.memref_squeeze %dma_start3A_264 : memref<1x128xi32, #tpu.memory_space<vmem>> -> memref<128xi32, #tpu.memory_space<vmem>>
      %dma_start3A_266 = arith.constant 0 : i32
      %dma_start3A_267 = arith.constant 0 : i32
      %dma_start3A_268 = tpu.memref_slice %arg2[%dma_start3A_266, %dma_start3A_267] : memref<10000x128xf32, #tpu.memory_space<hbm>> -> memref<10000x128xf32, #tpu.memory_space<hbm>>
      tpu.enqueue_indirect_dma source(%dma_start3A_268 : memref<10000x128xf32, #tpu.memory_space<hbm>>) target(%arg12 : memref<128x128xf32, #tpu.memory_space<vmem>>) offsets(%dma_start3A_265 : memref<128xi32, #tpu.memory_space<vmem>>) semaphore(%arg16 : memref<!tpu.dma_semaphore, #tpu.memory_space<semaphore_mem>>)
      %dma_wait3A_269 = arith.constant 0 : i32
      %dma_wait3A_270 = arith.constant 0 : i32
      %dma_wait3A_271 = tpu.memref_slice %arg8[%dma_wait3A_269, %dma_wait3A_270] : memref<8x128xi32, #tpu.memory_space<vmem>> -> memref<1x128xi32, #tpu.memory_space<vmem>>
      %dma_wait3A_272 = tpu.memref_squeeze %dma_wait3A_271 : memref<1x128xi32, #tpu.memory_space<vmem>> -> memref<128xi32, #tpu.memory_space<vmem>>
      %dma_wait3A_273 = arith.constant 0 : i32
      %dma_wait3A_274 = arith.constant 0 : i32
      %dma_wait3A_275 = tpu.memref_slice %arg2[%dma_wait3A_273, %dma_wait3A_274] : memref<10000x128xf32, #tpu.memory_space<hbm>> -> memref<10000x128xf32, #tpu.memory_space<hbm>>
      tpu.wait_indirect_dma semaphore(%arg17 : memref<!tpu.dma_semaphore, #tpu.memory_space<semaphore_mem>>) src(%dma_wait3A_275 : memref<10000x128xf32, #tpu.memory_space<hbm>>) dst(%arg13 : memref<128x128xf32, #tpu.memory_space<vmem>>)
      %dma_start3A_276 = arith.constant 5 : i32
      %dma_start3A_277 = arith.constant 0 : i32
      %dma_start3A_278 = tpu.memref_slice %arg10[%dma_start3A_276, %dma_start3A_277] : memref<8x128xi32, #tpu.memory_space<vmem>> -> memref<1x128xi32, #tpu.memory_space<vmem>>
      %dma_start3A_279 = tpu.memref_squeeze %dma_start3A_278 : memref<1x128xi32, #tpu.memory_space<vmem>> -> memref<128xi32, #tpu.memory_space<vmem>>
      %dma_start3A_280 = arith.constant 0 : i32
      %dma_start3A_281 = arith.constant 0 : i32
      %dma_start3A_282 = tpu.memref_slice %arg7[%dma_start3A_280, %dma_start3A_281] : memref<10016x128xf32, #tpu.memory_space<vmem_shared>> -> memref<10016x128xf32, #tpu.memory_space<vmem_shared>>
      tpu.enqueue_indirect_dma source(%arg13 : memref<128x128xf32, #tpu.memory_space<vmem>>) target(%dma_start3A_282 : memref<10016x128xf32, #tpu.memory_space<vmem_shared>>) offsets(%dma_start3A_279 : memref<128xi32, #tpu.memory_space<vmem>>) semaphore(%arg19 : memref<!tpu.dma_semaphore, #tpu.memory_space<semaphore_mem>>) {add = true}
      %dma_wait3A_283 = arith.constant 0 : i32
      %dma_wait3A_284 = arith.constant 0 : i32
      %dma_wait3A_285 = tpu.memref_slice %arg10[%dma_wait3A_283, %dma_wait3A_284] : memref<8x128xi32, #tpu.memory_space<vmem>> -> memref<1x128xi32, #tpu.memory_space<vmem>>
      %dma_wait3A_286 = tpu.memref_squeeze %dma_wait3A_285 : memref<1x128xi32, #tpu.memory_space<vmem>> -> memref<128xi32, #tpu.memory_space<vmem>>
      %dma_wait3A_287 = arith.constant 0 : i32
      %dma_wait3A_288 = arith.constant 0 : i32
      %dma_wait3A_289 = tpu.memref_slice %arg7[%dma_wait3A_287, %dma_wait3A_288] : memref<10016x128xf32, #tpu.memory_space<vmem_shared>> -> memref<10016x128xf32, #tpu.memory_space<vmem_shared>>
      tpu.wait_indirect_dma semaphore(%arg19 : memref<!tpu.dma_semaphore, #tpu.memory_space<semaphore_mem>>) src(%arg13 : memref<128x128xf32, #tpu.memory_space<vmem>>) dst(%dma_wait3A_289 : memref<10016x128xf32, #tpu.memory_space<vmem_shared>>)
      %dma_start3A_290 = arith.constant 7 : i32
      %dma_start3A_291 = arith.constant 0 : i32
      %dma_start3A_292 = tpu.memref_slice %arg8[%dma_start3A_290, %dma_start3A_291] : memref<8x128xi32, #tpu.memory_space<vmem>> -> memref<1x128xi32, #tpu.memory_space<vmem>>
      %dma_start3A_293 = tpu.memref_squeeze %dma_start3A_292 : memref<1x128xi32, #tpu.memory_space<vmem>> -> memref<128xi32, #tpu.memory_space<vmem>>
      %dma_start3A_294 = arith.constant 0 : i32
      %dma_start3A_295 = arith.constant 0 : i32
      %dma_start3A_296 = tpu.memref_slice %arg2[%dma_start3A_294, %dma_start3A_295] : memref<10000x128xf32, #tpu.memory_space<hbm>> -> memref<10000x128xf32, #tpu.memory_space<hbm>>
      tpu.enqueue_indirect_dma source(%dma_start3A_296 : memref<10000x128xf32, #tpu.memory_space<hbm>>) target(%arg13 : memref<128x128xf32, #tpu.memory_space<vmem>>) offsets(%dma_start3A_293 : memref<128xi32, #tpu.memory_space<vmem>>) semaphore(%arg17 : memref<!tpu.dma_semaphore, #tpu.memory_space<semaphore_mem>>)
      %dma_wait3A_297 = arith.constant 0 : i32
      %dma_wait3A_298 = arith.constant 0 : i32
      %dma_wait3A_299 = tpu.memref_slice %arg8[%dma_wait3A_297, %dma_wait3A_298] : memref<8x128xi32, #tpu.memory_space<vmem>> -> memref<1x128xi32, #tpu.memory_space<vmem>>
      %dma_wait3A_300 = tpu.memref_squeeze %dma_wait3A_299 : memref<1x128xi32, #tpu.memory_space<vmem>> -> memref<128xi32, #tpu.memory_space<vmem>>
      %dma_wait3A_301 = arith.constant 0 : i32
      %dma_wait3A_302 = arith.constant 0 : i32
      %dma_wait3A_303 = tpu.memref_slice %arg2[%dma_wait3A_301, %dma_wait3A_302] : memref<10000x128xf32, #tpu.memory_space<hbm>> -> memref<10000x128xf32, #tpu.memory_space<hbm>>
      tpu.wait_indirect_dma semaphore(%arg16 : memref<!tpu.dma_semaphore, #tpu.memory_space<semaphore_mem>>) src(%dma_wait3A_303 : memref<10000x128xf32, #tpu.memory_space<hbm>>) dst(%arg12 : memref<128x128xf32, #tpu.memory_space<vmem>>)
      %dma_start3A_304 = arith.constant 6 : i32
      %dma_start3A_305 = arith.constant 0 : i32
      %dma_start3A_306 = tpu.memref_slice %arg10[%dma_start3A_304, %dma_start3A_305] : memref<8x128xi32, #tpu.memory_space<vmem>> -> memref<1x128xi32, #tpu.memory_space<vmem>>
      %dma_start3A_307 = tpu.memref_squeeze %dma_start3A_306 : memref<1x128xi32, #tpu.memory_space<vmem>> -> memref<128xi32, #tpu.memory_space<vmem>>
      %dma_start3A_308 = arith.constant 0 : i32
      %dma_start3A_309 = arith.constant 0 : i32
      %dma_start3A_310 = tpu.memref_slice %arg7[%dma_start3A_308, %dma_start3A_309] : memref<10016x128xf32, #tpu.memory_space<vmem_shared>> -> memref<10016x128xf32, #tpu.memory_space<vmem_shared>>
      tpu.enqueue_indirect_dma source(%arg12 : memref<128x128xf32, #tpu.memory_space<vmem>>) target(%dma_start3A_310 : memref<10016x128xf32, #tpu.memory_space<vmem_shared>>) offsets(%dma_start3A_307 : memref<128xi32, #tpu.memory_space<vmem>>) semaphore(%arg18 : memref<!tpu.dma_semaphore, #tpu.memory_space<semaphore_mem>>) {add = true}
      %dma_wait3A_311 = arith.constant 0 : i32
      %dma_wait3A_312 = arith.constant 0 : i32
      %dma_wait3A_313 = tpu.memref_slice %arg10[%dma_wait3A_311, %dma_wait3A_312] : memref<8x128xi32, #tpu.memory_space<vmem>> -> memref<1x128xi32, #tpu.memory_space<vmem>>
      %dma_wait3A_314 = tpu.memref_squeeze %dma_wait3A_313 : memref<1x128xi32, #tpu.memory_space<vmem>> -> memref<128xi32, #tpu.memory_space<vmem>>
      %dma_wait3A_315 = arith.constant 0 : i32
      %dma_wait3A_316 = arith.constant 0 : i32
      %dma_wait3A_317 = tpu.memref_slice %arg7[%dma_wait3A_315, %dma_wait3A_316] : memref<10016x128xf32, #tpu.memory_space<vmem_shared>> -> memref<10016x128xf32, #tpu.memory_space<vmem_shared>>
      tpu.wait_indirect_dma semaphore(%arg18 : memref<!tpu.dma_semaphore, #tpu.memory_space<semaphore_mem>>) src(%arg12 : memref<128x128xf32, #tpu.memory_space<vmem>>) dst(%dma_wait3A_317 : memref<10016x128xf32, #tpu.memory_space<vmem_shared>>)
      %dma_wait3A_318 = arith.constant 0 : i32
      %dma_wait3A_319 = arith.constant 0 : i32
      %dma_wait3A_320 = tpu.memref_slice %arg3[%add3A, %dma_wait3A_318, %dma_wait3A_319] : memref<32x80x128xi32, #tpu.memory_space<hbm>> -> memref<1x8x128xi32, #tpu.memory_space<hbm>>
      %dma_wait3A_321 = tpu.memref_squeeze %dma_wait3A_320 : memref<1x8x128xi32, #tpu.memory_space<hbm>> -> memref<8x128xi32, #tpu.memory_space<hbm>>
      %dma_wait3A_322 = arith.constant 0 : i32
      %dma_wait3A_323 = arith.constant 0 : i32
      %dma_wait3A_324 = tpu.memref_slice %arg3[%add3A, %dma_wait3A_322, %dma_wait3A_323] : memref<32x80x128xi32, #tpu.memory_space<hbm>> -> memref<1x8x128xi32, #tpu.memory_space<hbm>>
      %dma_wait3A_325 = tpu.memref_squeeze %dma_wait3A_324 : memref<1x8x128xi32, #tpu.memory_space<hbm>> -> memref<8x128xi32, #tpu.memory_space<hbm>>
      tpu.wait_dma2 semaphore(%arg15 : memref<!tpu.dma_semaphore, #tpu.memory_space<semaphore_mem>>) src(%dma_wait3A_325 : memref<8x128xi32, #tpu.memory_space<hbm>>) dst(%arg9 : memref<8x128xi32, #tpu.memory_space<vmem>>)
      %dma_wait3A_326 = arith.constant 0 : i32
      %dma_wait3A_327 = arith.constant 0 : i32
      %dma_wait3A_328 = tpu.memref_slice %arg4[%add3A, %dma_wait3A_326, %dma_wait3A_327] : memref<32x80x128xi32, #tpu.memory_space<hbm>> -> memref<1x8x128xi32, #tpu.memory_space<hbm>>
      %dma_wait3A_329 = tpu.memref_squeeze %dma_wait3A_328 : memref<1x8x128xi32, #tpu.memory_space<hbm>> -> memref<8x128xi32, #tpu.memory_space<hbm>>
      %dma_wait3A_330 = arith.constant 0 : i32
      %dma_wait3A_331 = arith.constant 0 : i32
      %dma_wait3A_332 = tpu.memref_slice %arg4[%add3A, %dma_wait3A_330, %dma_wait3A_331] : memref<32x80x128xi32, #tpu.memory_space<hbm>> -> memref<1x8x128xi32, #tpu.memory_space<hbm>>
      %dma_wait3A_333 = tpu.memref_squeeze %dma_wait3A_332 : memref<1x8x128xi32, #tpu.memory_space<hbm>> -> memref<8x128xi32, #tpu.memory_space<hbm>>
      tpu.wait_dma2 semaphore(%arg15 : memref<!tpu.dma_semaphore, #tpu.memory_space<semaphore_mem>>) src(%dma_wait3A_333 : memref<8x128xi32, #tpu.memory_space<hbm>>) dst(%arg11 : memref<8x128xi32, #tpu.memory_space<vmem>>)
      %dma_start3A_334 = arith.constant 0 : i32
      %dma_start3A_335 = arith.constant 0 : i32
      %dma_start3A_336 = tpu.memref_slice %arg9[%dma_start3A_334, %dma_start3A_335] : memref<8x128xi32, #tpu.memory_space<vmem>> -> memref<1x128xi32, #tpu.memory_space<vmem>>
      %dma_start3A_337 = tpu.memref_squeeze %dma_start3A_336 : memref<1x128xi32, #tpu.memory_space<vmem>> -> memref<128xi32, #tpu.memory_space<vmem>>
      %dma_start3A_338 = arith.constant 0 : i32
      %dma_start3A_339 = arith.constant 0 : i32
      %dma_start3A_340 = tpu.memref_slice %arg2[%dma_start3A_338, %dma_start3A_339] : memref<10000x128xf32, #tpu.memory_space<hbm>> -> memref<10000x128xf32, #tpu.memory_space<hbm>>
      tpu.enqueue_indirect_dma source(%dma_start3A_340 : memref<10000x128xf32, #tpu.memory_space<hbm>>) target(%arg12 : memref<128x128xf32, #tpu.memory_space<vmem>>) offsets(%dma_start3A_337 : memref<128xi32, #tpu.memory_space<vmem>>) semaphore(%arg16 : memref<!tpu.dma_semaphore, #tpu.memory_space<semaphore_mem>>)
      %dma_wait3A_341 = arith.constant 0 : i32
      %dma_wait3A_342 = arith.constant 0 : i32
      %dma_wait3A_343 = tpu.memref_slice %arg8[%dma_wait3A_341, %dma_wait3A_342] : memref<8x128xi32, #tpu.memory_space<vmem>> -> memref<1x128xi32, #tpu.memory_space<vmem>>
      %dma_wait3A_344 = tpu.memref_squeeze %dma_wait3A_343 : memref<1x128xi32, #tpu.memory_space<vmem>> -> memref<128xi32, #tpu.memory_space<vmem>>
      %dma_wait3A_345 = arith.constant 0 : i32
      %dma_wait3A_346 = arith.constant 0 : i32
      %dma_wait3A_347 = tpu.memref_slice %arg2[%dma_wait3A_345, %dma_wait3A_346] : memref<10000x128xf32, #tpu.memory_space<hbm>> -> memref<10000x128xf32, #tpu.memory_space<hbm>>
      tpu.wait_indirect_dma semaphore(%arg17 : memref<!tpu.dma_semaphore, #tpu.memory_space<semaphore_mem>>) src(%dma_wait3A_347 : memref<10000x128xf32, #tpu.memory_space<hbm>>) dst(%arg13 : memref<128x128xf32, #tpu.memory_space<vmem>>)
      %dma_start3A_348 = arith.constant 7 : i32
      %dma_start3A_349 = arith.constant 0 : i32
      %dma_start3A_350 = tpu.memref_slice %arg10[%dma_start3A_348, %dma_start3A_349] : memref<8x128xi32, #tpu.memory_space<vmem>> -> memref<1x128xi32, #tpu.memory_space<vmem>>
      %dma_start3A_351 = tpu.memref_squeeze %dma_start3A_350 : memref<1x128xi32, #tpu.memory_space<vmem>> -> memref<128xi32, #tpu.memory_space<vmem>>
      %dma_start3A_352 = arith.constant 0 : i32
      %dma_start3A_353 = arith.constant 0 : i32
      %dma_start3A_354 = tpu.memref_slice %arg7[%dma_start3A_352, %dma_start3A_353] : memref<10016x128xf32, #tpu.memory_space<vmem_shared>> -> memref<10016x128xf32, #tpu.memory_space<vmem_shared>>
      tpu.enqueue_indirect_dma source(%arg13 : memref<128x128xf32, #tpu.memory_space<vmem>>) target(%dma_start3A_354 : memref<10016x128xf32, #tpu.memory_space<vmem_shared>>) offsets(%dma_start3A_351 : memref<128xi32, #tpu.memory_space<vmem>>) semaphore(%arg19 : memref<!tpu.dma_semaphore, #tpu.memory_space<semaphore_mem>>) {add = true}
      %dma_wait3A_355 = arith.constant 0 : i32
      %dma_wait3A_356 = arith.constant 0 : i32
      %dma_wait3A_357 = tpu.memref_slice %arg10[%dma_wait3A_355, %dma_wait3A_356] : memref<8x128xi32, #tpu.memory_space<vmem>> -> memref<1x128xi32, #tpu.memory_space<vmem>>
      %dma_wait3A_358 = tpu.memref_squeeze %dma_wait3A_357 : memref<1x128xi32, #tpu.memory_space<vmem>> -> memref<128xi32, #tpu.memory_space<vmem>>
      %dma_wait3A_359 = arith.constant 0 : i32
      %dma_wait3A_360 = arith.constant 0 : i32
      %dma_wait3A_361 = tpu.memref_slice %arg7[%dma_wait3A_359, %dma_wait3A_360] : memref<10016x128xf32, #tpu.memory_space<vmem_shared>> -> memref<10016x128xf32, #tpu.memory_space<vmem_shared>>
      tpu.wait_indirect_dma semaphore(%arg19 : memref<!tpu.dma_semaphore, #tpu.memory_space<semaphore_mem>>) src(%arg13 : memref<128x128xf32, #tpu.memory_space<vmem>>) dst(%dma_wait3A_361 : memref<10016x128xf32, #tpu.memory_space<vmem_shared>>)
      %add3A_362 = arith.constant 2 : i32
      %add3A_363 = arith.addi %mul3A_117, %add3A_362 : i32
      %lt3A_364 = arith.constant 10 : i32
      %lt3A_365 = arith.cmpi slt, %add3A_363, %lt3A_364 : i32
      %convert_element_type3A_366 = arith.extui %lt3A_365 : i1 to i32
      %cond3A_367 = arith.constant 0 : i32
      %cond3A_368 = arith.cmpi ne, %convert_element_type3A_366, %cond3A_367 : i32
      scf.if %cond3A_368 {
        %add3A_586 = arith.constant 2 : i32
        %add3A_587 = arith.addi %mul3A_117, %add3A_586 : i32
        %mul3A_588 = arith.constant 8 : i32
        %mul3A_589 = arith.muli %mul3A_588, %add3A_587 : i32
        %dma_start3A_590 = arith.constant 0 : i32
        %dma_start3A_591 = tpu.memref_slice %arg3[%add3A, %mul3A_589, %dma_start3A_590] : memref<32x80x128xi32, #tpu.memory_space<hbm>> -> memref<1x8x128xi32, #tpu.memory_space<hbm>>
        %dma_start3A_592 = tpu.memref_squeeze %dma_start3A_591 : memref<1x8x128xi32, #tpu.memory_space<hbm>> -> memref<8x128xi32, #tpu.memory_space<hbm>>
        %dma_start3A_593 = arith.constant 0 : i32
        %dma_start3A_594 = tpu.memref_slice %arg3[%add3A, %mul3A_589, %dma_start3A_593] : memref<32x80x128xi32, #tpu.memory_space<hbm>> -> memref<1x8x128xi32, #tpu.memory_space<hbm>>
        %dma_start3A_595 = tpu.memref_squeeze %dma_start3A_594 : memref<1x8x128xi32, #tpu.memory_space<hbm>> -> memref<8x128xi32, #tpu.memory_space<hbm>>
        tpu.enqueue_dma source(%dma_start3A_595 : memref<8x128xi32, #tpu.memory_space<hbm>>) target(%arg8 : memref<8x128xi32, #tpu.memory_space<vmem>>) target_semaphore(%arg14 : memref<!tpu.dma_semaphore, #tpu.memory_space<semaphore_mem>>)
        %mul3A_596 = arith.constant 8 : i32
        %mul3A_597 = arith.muli %mul3A_596, %add3A_587 : i32
        %dma_start3A_598 = arith.constant 0 : i32
        %dma_start3A_599 = tpu.memref_slice %arg4[%add3A, %mul3A_597, %dma_start3A_598] : memref<32x80x128xi32, #tpu.memory_space<hbm>> -> memref<1x8x128xi32, #tpu.memory_space<hbm>>
        %dma_start3A_600 = tpu.memref_squeeze %dma_start3A_599 : memref<1x8x128xi32, #tpu.memory_space<hbm>> -> memref<8x128xi32, #tpu.memory_space<hbm>>
        %dma_start3A_601 = arith.constant 0 : i32
        %dma_start3A_602 = tpu.memref_slice %arg4[%add3A, %mul3A_597, %dma_start3A_601] : memref<32x80x128xi32, #tpu.memory_space<hbm>> -> memref<1x8x128xi32, #tpu.memory_space<hbm>>
        %dma_start3A_603 = tpu.memref_squeeze %dma_start3A_602 : memref<1x8x128xi32, #tpu.memory_space<hbm>> -> memref<8x128xi32, #tpu.memory_space<hbm>>
        tpu.enqueue_dma source(%dma_start3A_603 : memref<8x128xi32, #tpu.memory_space<hbm>>) target(%arg10 : memref<8x128xi32, #tpu.memory_space<vmem>>) target_semaphore(%arg14 : memref<!tpu.dma_semaphore, #tpu.memory_space<semaphore_mem>>)
      } else {
      }
      %dma_start3A_369 = arith.constant 1 : i32
      %dma_start3A_370 = arith.constant 0 : i32
      %dma_start3A_371 = tpu.memref_slice %arg9[%dma_start3A_369, %dma_start3A_370] : memref<8x128xi32, #tpu.memory_space<vmem>> -> memref<1x128xi32, #tpu.memory_space<vmem>>
      %dma_start3A_372 = tpu.memref_squeeze %dma_start3A_371 : memref<1x128xi32, #tpu.memory_space<vmem>> -> memref<128xi32, #tpu.memory_space<vmem>>
      %dma_start3A_373 = arith.constant 0 : i32
      %dma_start3A_374 = arith.constant 0 : i32
      %dma_start3A_375 = tpu.memref_slice %arg2[%dma_start3A_373, %dma_start3A_374] : memref<10000x128xf32, #tpu.memory_space<hbm>> -> memref<10000x128xf32, #tpu.memory_space<hbm>>
      tpu.enqueue_indirect_dma source(%dma_start3A_375 : memref<10000x128xf32, #tpu.memory_space<hbm>>) target(%arg13 : memref<128x128xf32, #tpu.memory_space<vmem>>) offsets(%dma_start3A_372 : memref<128xi32, #tpu.memory_space<vmem>>) semaphore(%arg17 : memref<!tpu.dma_semaphore, #tpu.memory_space<semaphore_mem>>)
      %dma_wait3A_376 = arith.constant 0 : i32
      %dma_wait3A_377 = arith.constant 0 : i32
      %dma_wait3A_378 = tpu.memref_slice %arg8[%dma_wait3A_376, %dma_wait3A_377] : memref<8x128xi32, #tpu.memory_space<vmem>> -> memref<1x128xi32, #tpu.memory_space<vmem>>
      %dma_wait3A_379 = tpu.memref_squeeze %dma_wait3A_378 : memref<1x128xi32, #tpu.memory_space<vmem>> -> memref<128xi32, #tpu.memory_space<vmem>>
      %dma_wait3A_380 = arith.constant 0 : i32
      %dma_wait3A_381 = arith.constant 0 : i32
      %dma_wait3A_382 = tpu.memref_slice %arg2[%dma_wait3A_380, %dma_wait3A_381] : memref<10000x128xf32, #tpu.memory_space<hbm>> -> memref<10000x128xf32, #tpu.memory_space<hbm>>
      tpu.wait_indirect_dma semaphore(%arg16 : memref<!tpu.dma_semaphore, #tpu.memory_space<semaphore_mem>>) src(%dma_wait3A_382 : memref<10000x128xf32, #tpu.memory_space<hbm>>) dst(%arg12 : memref<128x128xf32, #tpu.memory_space<vmem>>)
      %dma_start3A_383 = arith.constant 0 : i32
      %dma_start3A_384 = arith.constant 0 : i32
      %dma_start3A_385 = tpu.memref_slice %arg11[%dma_start3A_383, %dma_start3A_384] : memref<8x128xi32, #tpu.memory_space<vmem>> -> memref<1x128xi32, #tpu.memory_space<vmem>>
      %dma_start3A_386 = tpu.memref_squeeze %dma_start3A_385 : memref<1x128xi32, #tpu.memory_space<vmem>> -> memref<128xi32, #tpu.memory_space<vmem>>
      %dma_start3A_387 = arith.constant 0 : i32
      %dma_start3A_388 = arith.constant 0 : i32
      %dma_start3A_389 = tpu.memref_slice %arg7[%dma_start3A_387, %dma_start3A_388] : memref<10016x128xf32, #tpu.memory_space<vmem_shared>> -> memref<10016x128xf32, #tpu.memory_space<vmem_shared>>
      tpu.enqueue_indirect_dma source(%arg12 : memref<128x128xf32, #tpu.memory_space<vmem>>) target(%dma_start3A_389 : memref<10016x128xf32, #tpu.memory_space<vmem_shared>>) offsets(%dma_start3A_386 : memref<128xi32, #tpu.memory_space<vmem>>) semaphore(%arg18 : memref<!tpu.dma_semaphore, #tpu.memory_space<semaphore_mem>>) {add = true}
      %dma_wait3A_390 = arith.constant 0 : i32
      %dma_wait3A_391 = arith.constant 0 : i32
      %dma_wait3A_392 = tpu.memref_slice %arg10[%dma_wait3A_390, %dma_wait3A_391] : memref<8x128xi32, #tpu.memory_space<vmem>> -> memref<1x128xi32, #tpu.memory_space<vmem>>
      %dma_wait3A_393 = tpu.memref_squeeze %dma_wait3A_392 : memref<1x128xi32, #tpu.memory_space<vmem>> -> memref<128xi32, #tpu.memory_space<vmem>>
      %dma_wait3A_394 = arith.constant 0 : i32
      %dma_wait3A_395 = arith.constant 0 : i32
      %dma_wait3A_396 = tpu.memref_slice %arg7[%dma_wait3A_394, %dma_wait3A_395] : memref<10016x128xf32, #tpu.memory_space<vmem_shared>> -> memref<10016x128xf32, #tpu.memory_space<vmem_shared>>
      tpu.wait_indirect_dma semaphore(%arg18 : memref<!tpu.dma_semaphore, #tpu.memory_space<semaphore_mem>>) src(%arg12 : memref<128x128xf32, #tpu.memory_space<vmem>>) dst(%dma_wait3A_396 : memref<10016x128xf32, #tpu.memory_space<vmem_shared>>)
      %dma_start3A_397 = arith.constant 2 : i32
      %dma_start3A_398 = arith.constant 0 : i32
      %dma_start3A_399 = tpu.memref_slice %arg9[%dma_start3A_397, %dma_start3A_398] : memref<8x128xi32, #tpu.memory_space<vmem>> -> memref<1x128xi32, #tpu.memory_space<vmem>>
      %dma_start3A_400 = tpu.memref_squeeze %dma_start3A_399 : memref<1x128xi32, #tpu.memory_space<vmem>> -> memref<128xi32, #tpu.memory_space<vmem>>
      %dma_start3A_401 = arith.constant 0 : i32
      %dma_start3A_402 = arith.constant 0 : i32
      %dma_start3A_403 = tpu.memref_slice %arg2[%dma_start3A_401, %dma_start3A_402] : memref<10000x128xf32, #tpu.memory_space<hbm>> -> memref<10000x128xf32, #tpu.memory_space<hbm>>
      tpu.enqueue_indirect_dma source(%dma_start3A_403 : memref<10000x128xf32, #tpu.memory_space<hbm>>) target(%arg12 : memref<128x128xf32, #tpu.memory_space<vmem>>) offsets(%dma_start3A_400 : memref<128xi32, #tpu.memory_space<vmem>>) semaphore(%arg16 : memref<!tpu.dma_semaphore, #tpu.memory_space<semaphore_mem>>)
      %dma_wait3A_404 = arith.constant 0 : i32
      %dma_wait3A_405 = arith.constant 0 : i32
      %dma_wait3A_406 = tpu.memref_slice %arg8[%dma_wait3A_404, %dma_wait3A_405] : memref<8x128xi32, #tpu.memory_space<vmem>> -> memref<1x128xi32, #tpu.memory_space<vmem>>
      %dma_wait3A_407 = tpu.memref_squeeze %dma_wait3A_406 : memref<1x128xi32, #tpu.memory_space<vmem>> -> memref<128xi32, #tpu.memory_space<vmem>>
      %dma_wait3A_408 = arith.constant 0 : i32
      %dma_wait3A_409 = arith.constant 0 : i32
      %dma_wait3A_410 = tpu.memref_slice %arg2[%dma_wait3A_408, %dma_wait3A_409] : memref<10000x128xf32, #tpu.memory_space<hbm>> -> memref<10000x128xf32, #tpu.memory_space<hbm>>
      tpu.wait_indirect_dma semaphore(%arg17 : memref<!tpu.dma_semaphore, #tpu.memory_space<semaphore_mem>>) src(%dma_wait3A_410 : memref<10000x128xf32, #tpu.memory_space<hbm>>) dst(%arg13 : memref<128x128xf32, #tpu.memory_space<vmem>>)
      %dma_start3A_411 = arith.constant 1 : i32
      %dma_start3A_412 = arith.constant 0 : i32
      %dma_start3A_413 = tpu.memref_slice %arg11[%dma_start3A_411, %dma_start3A_412] : memref<8x128xi32, #tpu.memory_space<vmem>> -> memref<1x128xi32, #tpu.memory_space<vmem>>
      %dma_start3A_414 = tpu.memref_squeeze %dma_start3A_413 : memref<1x128xi32, #tpu.memory_space<vmem>> -> memref<128xi32, #tpu.memory_space<vmem>>
      %dma_start3A_415 = arith.constant 0 : i32
      %dma_start3A_416 = arith.constant 0 : i32
      %dma_start3A_417 = tpu.memref_slice %arg7[%dma_start3A_415, %dma_start3A_416] : memref<10016x128xf32, #tpu.memory_space<vmem_shared>> -> memref<10016x128xf32, #tpu.memory_space<vmem_shared>>
      tpu.enqueue_indirect_dma source(%arg13 : memref<128x128xf32, #tpu.memory_space<vmem>>) target(%dma_start3A_417 : memref<10016x128xf32, #tpu.memory_space<vmem_shared>>) offsets(%dma_start3A_414 : memref<128xi32, #tpu.memory_space<vmem>>) semaphore(%arg19 : memref<!tpu.dma_semaphore, #tpu.memory_space<semaphore_mem>>) {add = true}
      %dma_wait3A_418 = arith.constant 0 : i32
      %dma_wait3A_419 = arith.constant 0 : i32
      %dma_wait3A_420 = tpu.memref_slice %arg10[%dma_wait3A_418, %dma_wait3A_419] : memref<8x128xi32, #tpu.memory_space<vmem>> -> memref<1x128xi32, #tpu.memory_space<vmem>>
      %dma_wait3A_421 = tpu.memref_squeeze %dma_wait3A_420 : memref<1x128xi32, #tpu.memory_space<vmem>> -> memref<128xi32, #tpu.memory_space<vmem>>
      %dma_wait3A_422 = arith.constant 0 : i32
      %dma_wait3A_423 = arith.constant 0 : i32
      %dma_wait3A_424 = tpu.memref_slice %arg7[%dma_wait3A_422, %dma_wait3A_423] : memref<10016x128xf32, #tpu.memory_space<vmem_shared>> -> memref<10016x128xf32, #tpu.memory_space<vmem_shared>>
      tpu.wait_indirect_dma semaphore(%arg19 : memref<!tpu.dma_semaphore, #tpu.memory_space<semaphore_mem>>) src(%arg13 : memref<128x128xf32, #tpu.memory_space<vmem>>) dst(%dma_wait3A_424 : memref<10016x128xf32, #tpu.memory_space<vmem_shared>>)
      %dma_start3A_425 = arith.constant 3 : i32
      %dma_start3A_426 = arith.constant 0 : i32
      %dma_start3A_427 = tpu.memref_slice %arg9[%dma_start3A_425, %dma_start3A_426] : memref<8x128xi32, #tpu.memory_space<vmem>> -> memref<1x128xi32, #tpu.memory_space<vmem>>
      %dma_start3A_428 = tpu.memref_squeeze %dma_start3A_427 : memref<1x128xi32, #tpu.memory_space<vmem>> -> memref<128xi32, #tpu.memory_space<vmem>>
      %dma_start3A_429 = arith.constant 0 : i32
      %dma_start3A_430 = arith.constant 0 : i32
      %dma_start3A_431 = tpu.memref_slice %arg2[%dma_start3A_429, %dma_start3A_430] : memref<10000x128xf32, #tpu.memory_space<hbm>> -> memref<10000x128xf32, #tpu.memory_space<hbm>>
      tpu.enqueue_indirect_dma source(%dma_start3A_431 : memref<10000x128xf32, #tpu.memory_space<hbm>>) target(%arg13 : memref<128x128xf32, #tpu.memory_space<vmem>>) offsets(%dma_start3A_428 : memref<128xi32, #tpu.memory_space<vmem>>) semaphore(%arg17 : memref<!tpu.dma_semaphore, #tpu.memory_space<semaphore_mem>>)
      %dma_wait3A_432 = arith.constant 0 : i32
      %dma_wait3A_433 = arith.constant 0 : i32
      %dma_wait3A_434 = tpu.memref_slice %arg8[%dma_wait3A_432, %dma_wait3A_433] : memref<8x128xi32, #tpu.memory_space<vmem>> -> memref<1x128xi32, #tpu.memory_space<vmem>>
      %dma_wait3A_435 = tpu.memref_squeeze %dma_wait3A_434 : memref<1x128xi32, #tpu.memory_space<vmem>> -> memref<128xi32, #tpu.memory_space<vmem>>
      %dma_wait3A_436 = arith.constant 0 : i32
      %dma_wait3A_437 = arith.constant 0 : i32
      %dma_wait3A_438 = tpu.memref_slice %arg2[%dma_wait3A_436, %dma_wait3A_437] : memref<10000x128xf32, #tpu.memory_space<hbm>> -> memref<10000x128xf32, #tpu.memory_space<hbm>>
      tpu.wait_indirect_dma semaphore(%arg16 : memref<!tpu.dma_semaphore, #tpu.memory_space<semaphore_mem>>) src(%dma_wait3A_438 : memref<10000x128xf32, #tpu.memory_space<hbm>>) dst(%arg12 : memref<128x128xf32, #tpu.memory_space<vmem>>)
      %dma_start3A_439 = arith.constant 2 : i32
      %dma_start3A_440 = arith.constant 0 : i32
      %dma_start3A_441 = tpu.memref_slice %arg11[%dma_start3A_439, %dma_start3A_440] : memref<8x128xi32, #tpu.memory_space<vmem>> -> memref<1x128xi32, #tpu.memory_space<vmem>>
      %dma_start3A_442 = tpu.memref_squeeze %dma_start3A_441 : memref<1x128xi32, #tpu.memory_space<vmem>> -> memref<128xi32, #tpu.memory_space<vmem>>
      %dma_start3A_443 = arith.constant 0 : i32
      %dma_start3A_444 = arith.constant 0 : i32
      %dma_start3A_445 = tpu.memref_slice %arg7[%dma_start3A_443, %dma_start3A_444] : memref<10016x128xf32, #tpu.memory_space<vmem_shared>> -> memref<10016x128xf32, #tpu.memory_space<vmem_shared>>
      tpu.enqueue_indirect_dma source(%arg12 : memref<128x128xf32, #tpu.memory_space<vmem>>) target(%dma_start3A_445 : memref<10016x128xf32, #tpu.memory_space<vmem_shared>>) offsets(%dma_start3A_442 : memref<128xi32, #tpu.memory_space<vmem>>) semaphore(%arg18 : memref<!tpu.dma_semaphore, #tpu.memory_space<semaphore_mem>>) {add = true}
      %dma_wait3A_446 = arith.constant 0 : i32
      %dma_wait3A_447 = arith.constant 0 : i32
      %dma_wait3A_448 = tpu.memref_slice %arg10[%dma_wait3A_446, %dma_wait3A_447] : memref<8x128xi32, #tpu.memory_space<vmem>> -> memref<1x128xi32, #tpu.memory_space<vmem>>
      %dma_wait3A_449 = tpu.memref_squeeze %dma_wait3A_448 : memref<1x128xi32, #tpu.memory_space<vmem>> -> memref<128xi32, #tpu.memory_space<vmem>>
      %dma_wait3A_450 = arith.constant 0 : i32
      %dma_wait3A_451 = arith.constant 0 : i32
      %dma_wait3A_452 = tpu.memref_slice %arg7[%dma_wait3A_450, %dma_wait3A_451] : memref<10016x128xf32, #tpu.memory_space<vmem_shared>> -> memref<10016x128xf32, #tpu.memory_space<vmem_shared>>
      tpu.wait_indirect_dma semaphore(%arg18 : memref<!tpu.dma_semaphore, #tpu.memory_space<semaphore_mem>>) src(%arg12 : memref<128x128xf32, #tpu.memory_space<vmem>>) dst(%dma_wait3A_452 : memref<10016x128xf32, #tpu.memory_space<vmem_shared>>)
      %dma_start3A_453 = arith.constant 4 : i32
      %dma_start3A_454 = arith.constant 0 : i32
      %dma_start3A_455 = tpu.memref_slice %arg9[%dma_start3A_453, %dma_start3A_454] : memref<8x128xi32, #tpu.memory_space<vmem>> -> memref<1x128xi32, #tpu.memory_space<vmem>>
      %dma_start3A_456 = tpu.memref_squeeze %dma_start3A_455 : memref<1x128xi32, #tpu.memory_space<vmem>> -> memref<128xi32, #tpu.memory_space<vmem>>
      %dma_start3A_457 = arith.constant 0 : i32
      %dma_start3A_458 = arith.constant 0 : i32
      %dma_start3A_459 = tpu.memref_slice %arg2[%dma_start3A_457, %dma_start3A_458] : memref<10000x128xf32, #tpu.memory_space<hbm>> -> memref<10000x128xf32, #tpu.memory_space<hbm>>
      tpu.enqueue_indirect_dma source(%dma_start3A_459 : memref<10000x128xf32, #tpu.memory_space<hbm>>) target(%arg12 : memref<128x128xf32, #tpu.memory_space<vmem>>) offsets(%dma_start3A_456 : memref<128xi32, #tpu.memory_space<vmem>>) semaphore(%arg16 : memref<!tpu.dma_semaphore, #tpu.memory_space<semaphore_mem>>)
      %dma_wait3A_460 = arith.constant 0 : i32
      %dma_wait3A_461 = arith.constant 0 : i32
      %dma_wait3A_462 = tpu.memref_slice %arg8[%dma_wait3A_460, %dma_wait3A_461] : memref<8x128xi32, #tpu.memory_space<vmem>> -> memref<1x128xi32, #tpu.memory_space<vmem>>
      %dma_wait3A_463 = tpu.memref_squeeze %dma_wait3A_462 : memref<1x128xi32, #tpu.memory_space<vmem>> -> memref<128xi32, #tpu.memory_space<vmem>>
      %dma_wait3A_464 = arith.constant 0 : i32
      %dma_wait3A_465 = arith.constant 0 : i32
      %dma_wait3A_466 = tpu.memref_slice %arg2[%dma_wait3A_464, %dma_wait3A_465] : memref<10000x128xf32, #tpu.memory_space<hbm>> -> memref<10000x128xf32, #tpu.memory_space<hbm>>
      tpu.wait_indirect_dma semaphore(%arg17 : memref<!tpu.dma_semaphore, #tpu.memory_space<semaphore_mem>>) src(%dma_wait3A_466 : memref<10000x128xf32, #tpu.memory_space<hbm>>) dst(%arg13 : memref<128x128xf32, #tpu.memory_space<vmem>>)
      %dma_start3A_467 = arith.constant 3 : i32
      %dma_start3A_468 = arith.constant 0 : i32
      %dma_start3A_469 = tpu.memref_slice %arg11[%dma_start3A_467, %dma_start3A_468] : memref<8x128xi32, #tpu.memory_space<vmem>> -> memref<1x128xi32, #tpu.memory_space<vmem>>
      %dma_start3A_470 = tpu.memref_squeeze %dma_start3A_469 : memref<1x128xi32, #tpu.memory_space<vmem>> -> memref<128xi32, #tpu.memory_space<vmem>>
      %dma_start3A_471 = arith.constant 0 : i32
      %dma_start3A_472 = arith.constant 0 : i32
      %dma_start3A_473 = tpu.memref_slice %arg7[%dma_start3A_471, %dma_start3A_472] : memref<10016x128xf32, #tpu.memory_space<vmem_shared>> -> memref<10016x128xf32, #tpu.memory_space<vmem_shared>>
      tpu.enqueue_indirect_dma source(%arg13 : memref<128x128xf32, #tpu.memory_space<vmem>>) target(%dma_start3A_473 : memref<10016x128xf32, #tpu.memory_space<vmem_shared>>) offsets(%dma_start3A_470 : memref<128xi32, #tpu.memory_space<vmem>>) semaphore(%arg19 : memref<!tpu.dma_semaphore, #tpu.memory_space<semaphore_mem>>) {add = true}
      %dma_wait3A_474 = arith.constant 0 : i32
      %dma_wait3A_475 = arith.constant 0 : i32
      %dma_wait3A_476 = tpu.memref_slice %arg10[%dma_wait3A_474, %dma_wait3A_475] : memref<8x128xi32, #tpu.memory_space<vmem>> -> memref<1x128xi32, #tpu.memory_space<vmem>>
      %dma_wait3A_477 = tpu.memref_squeeze %dma_wait3A_476 : memref<1x128xi32, #tpu.memory_space<vmem>> -> memref<128xi32, #tpu.memory_space<vmem>>
      %dma_wait3A_478 = arith.constant 0 : i32
      %dma_wait3A_479 = arith.constant 0 : i32
      %dma_wait3A_480 = tpu.memref_slice %arg7[%dma_wait3A_478, %dma_wait3A_479] : memref<10016x128xf32, #tpu.memory_space<vmem_shared>> -> memref<10016x128xf32, #tpu.memory_space<vmem_shared>>
      tpu.wait_indirect_dma semaphore(%arg19 : memref<!tpu.dma_semaphore, #tpu.memory_space<semaphore_mem>>) src(%arg13 : memref<128x128xf32, #tpu.memory_space<vmem>>) dst(%dma_wait3A_480 : memref<10016x128xf32, #tpu.memory_space<vmem_shared>>)
      %dma_start3A_481 = arith.constant 5 : i32
      %dma_start3A_482 = arith.constant 0 : i32
      %dma_start3A_483 = tpu.memref_slice %arg9[%dma_start3A_481, %dma_start3A_482] : memref<8x128xi32, #tpu.memory_space<vmem>> -> memref<1x128xi32, #tpu.memory_space<vmem>>
      %dma_start3A_484 = tpu.memref_squeeze %dma_start3A_483 : memref<1x128xi32, #tpu.memory_space<vmem>> -> memref<128xi32, #tpu.memory_space<vmem>>
      %dma_start3A_485 = arith.constant 0 : i32
      %dma_start3A_486 = arith.constant 0 : i32
      %dma_start3A_487 = tpu.memref_slice %arg2[%dma_start3A_485, %dma_start3A_486] : memref<10000x128xf32, #tpu.memory_space<hbm>> -> memref<10000x128xf32, #tpu.memory_space<hbm>>
      tpu.enqueue_indirect_dma source(%dma_start3A_487 : memref<10000x128xf32, #tpu.memory_space<hbm>>) target(%arg13 : memref<128x128xf32, #tpu.memory_space<vmem>>) offsets(%dma_start3A_484 : memref<128xi32, #tpu.memory_space<vmem>>) semaphore(%arg17 : memref<!tpu.dma_semaphore, #tpu.memory_space<semaphore_mem>>)
      %dma_wait3A_488 = arith.constant 0 : i32
      %dma_wait3A_489 = arith.constant 0 : i32
      %dma_wait3A_490 = tpu.memref_slice %arg8[%dma_wait3A_488, %dma_wait3A_489] : memref<8x128xi32, #tpu.memory_space<vmem>> -> memref<1x128xi32, #tpu.memory_space<vmem>>
      %dma_wait3A_491 = tpu.memref_squeeze %dma_wait3A_490 : memref<1x128xi32, #tpu.memory_space<vmem>> -> memref<128xi32, #tpu.memory_space<vmem>>
      %dma_wait3A_492 = arith.constant 0 : i32
      %dma_wait3A_493 = arith.constant 0 : i32
      %dma_wait3A_494 = tpu.memref_slice %arg2[%dma_wait3A_492, %dma_wait3A_493] : memref<10000x128xf32, #tpu.memory_space<hbm>> -> memref<10000x128xf32, #tpu.memory_space<hbm>>
      tpu.wait_indirect_dma semaphore(%arg16 : memref<!tpu.dma_semaphore, #tpu.memory_space<semaphore_mem>>) src(%dma_wait3A_494 : memref<10000x128xf32, #tpu.memory_space<hbm>>) dst(%arg12 : memref<128x128xf32, #tpu.memory_space<vmem>>)
      %dma_start3A_495 = arith.constant 4 : i32
      %dma_start3A_496 = arith.constant 0 : i32
      %dma_start3A_497 = tpu.memref_slice %arg11[%dma_start3A_495, %dma_start3A_496] : memref<8x128xi32, #tpu.memory_space<vmem>> -> memref<1x128xi32, #tpu.memory_space<vmem>>
      %dma_start3A_498 = tpu.memref_squeeze %dma_start3A_497 : memref<1x128xi32, #tpu.memory_space<vmem>> -> memref<128xi32, #tpu.memory_space<vmem>>
      %dma_start3A_499 = arith.constant 0 : i32
      %dma_start3A_500 = arith.constant 0 : i32
      %dma_start3A_501 = tpu.memref_slice %arg7[%dma_start3A_499, %dma_start3A_500] : memref<10016x128xf32, #tpu.memory_space<vmem_shared>> -> memref<10016x128xf32, #tpu.memory_space<vmem_shared>>
      tpu.enqueue_indirect_dma source(%arg12 : memref<128x128xf32, #tpu.memory_space<vmem>>) target(%dma_start3A_501 : memref<10016x128xf32, #tpu.memory_space<vmem_shared>>) offsets(%dma_start3A_498 : memref<128xi32, #tpu.memory_space<vmem>>) semaphore(%arg18 : memref<!tpu.dma_semaphore, #tpu.memory_space<semaphore_mem>>) {add = true}
      %dma_wait3A_502 = arith.constant 0 : i32
      %dma_wait3A_503 = arith.constant 0 : i32
      %dma_wait3A_504 = tpu.memref_slice %arg10[%dma_wait3A_502, %dma_wait3A_503] : memref<8x128xi32, #tpu.memory_space<vmem>> -> memref<1x128xi32, #tpu.memory_space<vmem>>
      %dma_wait3A_505 = tpu.memref_squeeze %dma_wait3A_504 : memref<1x128xi32, #tpu.memory_space<vmem>> -> memref<128xi32, #tpu.memory_space<vmem>>
      %dma_wait3A_506 = arith.constant 0 : i32
      %dma_wait3A_507 = arith.constant 0 : i32
      %dma_wait3A_508 = tpu.memref_slice %arg7[%dma_wait3A_506, %dma_wait3A_507] : memref<10016x128xf32, #tpu.memory_space<vmem_shared>> -> memref<10016x128xf32, #tpu.memory_space<vmem_shared>>
      tpu.wait_indirect_dma semaphore(%arg18 : memref<!tpu.dma_semaphore, #tpu.memory_space<semaphore_mem>>) src(%arg12 : memref<128x128xf32, #tpu.memory_space<vmem>>) dst(%dma_wait3A_508 : memref<10016x128xf32, #tpu.memory_space<vmem_shared>>)
      %dma_start3A_509 = arith.constant 6 : i32
      %dma_start3A_510 = arith.constant 0 : i32
      %dma_start3A_511 = tpu.memref_slice %arg9[%dma_start3A_509, %dma_start3A_510] : memref<8x128xi32, #tpu.memory_space<vmem>> -> memref<1x128xi32, #tpu.memory_space<vmem>>
      %dma_start3A_512 = tpu.memref_squeeze %dma_start3A_511 : memref<1x128xi32, #tpu.memory_space<vmem>> -> memref<128xi32, #tpu.memory_space<vmem>>
      %dma_start3A_513 = arith.constant 0 : i32
      %dma_start3A_514 = arith.constant 0 : i32
      %dma_start3A_515 = tpu.memref_slice %arg2[%dma_start3A_513, %dma_start3A_514] : memref<10000x128xf32, #tpu.memory_space<hbm>> -> memref<10000x128xf32, #tpu.memory_space<hbm>>
      tpu.enqueue_indirect_dma source(%dma_start3A_515 : memref<10000x128xf32, #tpu.memory_space<hbm>>) target(%arg12 : memref<128x128xf32, #tpu.memory_space<vmem>>) offsets(%dma_start3A_512 : memref<128xi32, #tpu.memory_space<vmem>>) semaphore(%arg16 : memref<!tpu.dma_semaphore, #tpu.memory_space<semaphore_mem>>)
      %dma_wait3A_516 = arith.constant 0 : i32
      %dma_wait3A_517 = arith.constant 0 : i32
      %dma_wait3A_518 = tpu.memref_slice %arg8[%dma_wait3A_516, %dma_wait3A_517] : memref<8x128xi32, #tpu.memory_space<vmem>> -> memref<1x128xi32, #tpu.memory_space<vmem>>
      %dma_wait3A_519 = tpu.memref_squeeze %dma_wait3A_518 : memref<1x128xi32, #tpu.memory_space<vmem>> -> memref<128xi32, #tpu.memory_space<vmem>>
      %dma_wait3A_520 = arith.constant 0 : i32
      %dma_wait3A_521 = arith.constant 0 : i32
      %dma_wait3A_522 = tpu.memref_slice %arg2[%dma_wait3A_520, %dma_wait3A_521] : memref<10000x128xf32, #tpu.memory_space<hbm>> -> memref<10000x128xf32, #tpu.memory_space<hbm>>
      tpu.wait_indirect_dma semaphore(%arg17 : memref<!tpu.dma_semaphore, #tpu.memory_space<semaphore_mem>>) src(%dma_wait3A_522 : memref<10000x128xf32, #tpu.memory_space<hbm>>) dst(%arg13 : memref<128x128xf32, #tpu.memory_space<vmem>>)
      %dma_start3A_523 = arith.constant 5 : i32
      %dma_start3A_524 = arith.constant 0 : i32
      %dma_start3A_525 = tpu.memref_slice %arg11[%dma_start3A_523, %dma_start3A_524] : memref<8x128xi32, #tpu.memory_space<vmem>> -> memref<1x128xi32, #tpu.memory_space<vmem>>
      %dma_start3A_526 = tpu.memref_squeeze %dma_start3A_525 : memref<1x128xi32, #tpu.memory_space<vmem>> -> memref<128xi32, #tpu.memory_space<vmem>>
      %dma_start3A_527 = arith.constant 0 : i32
      %dma_start3A_528 = arith.constant 0 : i32
      %dma_start3A_529 = tpu.memref_slice %arg7[%dma_start3A_527, %dma_start3A_528] : memref<10016x128xf32, #tpu.memory_space<vmem_shared>> -> memref<10016x128xf32, #tpu.memory_space<vmem_shared>>
      tpu.enqueue_indirect_dma source(%arg13 : memref<128x128xf32, #tpu.memory_space<vmem>>) target(%dma_start3A_529 : memref<10016x128xf32, #tpu.memory_space<vmem_shared>>) offsets(%dma_start3A_526 : memref<128xi32, #tpu.memory_space<vmem>>) semaphore(%arg19 : memref<!tpu.dma_semaphore, #tpu.memory_space<semaphore_mem>>) {add = true}
      %dma_wait3A_530 = arith.constant 0 : i32
      %dma_wait3A_531 = arith.constant 0 : i32
      %dma_wait3A_532 = tpu.memref_slice %arg10[%dma_wait3A_530, %dma_wait3A_531] : memref<8x128xi32, #tpu.memory_space<vmem>> -> memref<1x128xi32, #tpu.memory_space<vmem>>
      %dma_wait3A_533 = tpu.memref_squeeze %dma_wait3A_532 : memref<1x128xi32, #tpu.memory_space<vmem>> -> memref<128xi32, #tpu.memory_space<vmem>>
      %dma_wait3A_534 = arith.constant 0 : i32
      %dma_wait3A_535 = arith.constant 0 : i32
      %dma_wait3A_536 = tpu.memref_slice %arg7[%dma_wait3A_534, %dma_wait3A_535] : memref<10016x128xf32, #tpu.memory_space<vmem_shared>> -> memref<10016x128xf32, #tpu.memory_space<vmem_shared>>
      tpu.wait_indirect_dma semaphore(%arg19 : memref<!tpu.dma_semaphore, #tpu.memory_space<semaphore_mem>>) src(%arg13 : memref<128x128xf32, #tpu.memory_space<vmem>>) dst(%dma_wait3A_536 : memref<10016x128xf32, #tpu.memory_space<vmem_shared>>)
      %dma_start3A_537 = arith.constant 7 : i32
      %dma_start3A_538 = arith.constant 0 : i32
      %dma_start3A_539 = tpu.memref_slice %arg9[%dma_start3A_537, %dma_start3A_538] : memref<8x128xi32, #tpu.memory_space<vmem>> -> memref<1x128xi32, #tpu.memory_space<vmem>>
      %dma_start3A_540 = tpu.memref_squeeze %dma_start3A_539 : memref<1x128xi32, #tpu.memory_space<vmem>> -> memref<128xi32, #tpu.memory_space<vmem>>
      %dma_start3A_541 = arith.constant 0 : i32
      %dma_start3A_542 = arith.constant 0 : i32
      %dma_start3A_543 = tpu.memref_slice %arg2[%dma_start3A_541, %dma_start3A_542] : memref<10000x128xf32, #tpu.memory_space<hbm>> -> memref<10000x128xf32, #tpu.memory_space<hbm>>
      tpu.enqueue_indirect_dma source(%dma_start3A_543 : memref<10000x128xf32, #tpu.memory_space<hbm>>) target(%arg13 : memref<128x128xf32, #tpu.memory_space<vmem>>) offsets(%dma_start3A_540 : memref<128xi32, #tpu.memory_space<vmem>>) semaphore(%arg17 : memref<!tpu.dma_semaphore, #tpu.memory_space<semaphore_mem>>)
      %dma_wait3A_544 = arith.constant 0 : i32
      %dma_wait3A_545 = arith.constant 0 : i32
      %dma_wait3A_546 = tpu.memref_slice %arg8[%dma_wait3A_544, %dma_wait3A_545] : memref<8x128xi32, #tpu.memory_space<vmem>> -> memref<1x128xi32, #tpu.memory_space<vmem>>
      %dma_wait3A_547 = tpu.memref_squeeze %dma_wait3A_546 : memref<1x128xi32, #tpu.memory_space<vmem>> -> memref<128xi32, #tpu.memory_space<vmem>>
      %dma_wait3A_548 = arith.constant 0 : i32
      %dma_wait3A_549 = arith.constant 0 : i32
      %dma_wait3A_550 = tpu.memref_slice %arg2[%dma_wait3A_548, %dma_wait3A_549] : memref<10000x128xf32, #tpu.memory_space<hbm>> -> memref<10000x128xf32, #tpu.memory_space<hbm>>
      tpu.wait_indirect_dma semaphore(%arg16 : memref<!tpu.dma_semaphore, #tpu.memory_space<semaphore_mem>>) src(%dma_wait3A_550 : memref<10000x128xf32, #tpu.memory_space<hbm>>) dst(%arg12 : memref<128x128xf32, #tpu.memory_space<vmem>>)
      %dma_start3A_551 = arith.constant 6 : i32
      %dma_start3A_552 = arith.constant 0 : i32
      %dma_start3A_553 = tpu.memref_slice %arg11[%dma_start3A_551, %dma_start3A_552] : memref<8x128xi32, #tpu.memory_space<vmem>> -> memref<1x128xi32, #tpu.memory_space<vmem>>
      %dma_start3A_554 = tpu.memref_squeeze %dma_start3A_553 : memref<1x128xi32, #tpu.memory_space<vmem>> -> memref<128xi32, #tpu.memory_space<vmem>>
      %dma_start3A_555 = arith.constant 0 : i32
      %dma_start3A_556 = arith.constant 0 : i32
      %dma_start3A_557 = tpu.memref_slice %arg7[%dma_start3A_555, %dma_start3A_556] : memref<10016x128xf32, #tpu.memory_space<vmem_shared>> -> memref<10016x128xf32, #tpu.memory_space<vmem_shared>>
      tpu.enqueue_indirect_dma source(%arg12 : memref<128x128xf32, #tpu.memory_space<vmem>>) target(%dma_start3A_557 : memref<10016x128xf32, #tpu.memory_space<vmem_shared>>) offsets(%dma_start3A_554 : memref<128xi32, #tpu.memory_space<vmem>>) semaphore(%arg18 : memref<!tpu.dma_semaphore, #tpu.memory_space<semaphore_mem>>) {add = true}
      %dma_wait3A_558 = arith.constant 0 : i32
      %dma_wait3A_559 = arith.constant 0 : i32
      %dma_wait3A_560 = tpu.memref_slice %arg10[%dma_wait3A_558, %dma_wait3A_559] : memref<8x128xi32, #tpu.memory_space<vmem>> -> memref<1x128xi32, #tpu.memory_space<vmem>>
      %dma_wait3A_561 = tpu.memref_squeeze %dma_wait3A_560 : memref<1x128xi32, #tpu.memory_space<vmem>> -> memref<128xi32, #tpu.memory_space<vmem>>
      %dma_wait3A_562 = arith.constant 0 : i32
      %dma_wait3A_563 = arith.constant 0 : i32
      %dma_wait3A_564 = tpu.memref_slice %arg7[%dma_wait3A_562, %dma_wait3A_563] : memref<10016x128xf32, #tpu.memory_space<vmem_shared>> -> memref<10016x128xf32, #tpu.memory_space<vmem_shared>>
      tpu.wait_indirect_dma semaphore(%arg18 : memref<!tpu.dma_semaphore, #tpu.memory_space<semaphore_mem>>) src(%arg12 : memref<128x128xf32, #tpu.memory_space<vmem>>) dst(%dma_wait3A_564 : memref<10016x128xf32, #tpu.memory_space<vmem_shared>>)
      %add3A_565 = arith.constant 2 : i32
      %add3A_566 = arith.addi %mul3A_117, %add3A_565 : i32
      %lt3A_567 = arith.constant 10 : i32
      %lt3A_568 = arith.cmpi slt, %add3A_566, %lt3A_567 : i32
      %convert_element_type3A_569 = arith.extui %lt3A_568 : i1 to i32
      %cond3A_570 = arith.constant 0 : i32
      %cond3A_571 = arith.cmpi ne, %convert_element_type3A_569, %cond3A_570 : i32
      scf.if %cond3A_571 {
        %dma_wait3A_586 = arith.constant 0 : i32
        %dma_wait3A_587 = arith.constant 0 : i32
        %dma_wait3A_588 = tpu.memref_slice %arg3[%add3A, %dma_wait3A_586, %dma_wait3A_587] : memref<32x80x128xi32, #tpu.memory_space<hbm>> -> memref<1x8x128xi32, #tpu.memory_space<hbm>>
        %dma_wait3A_589 = tpu.memref_squeeze %dma_wait3A_588 : memref<1x8x128xi32, #tpu.memory_space<hbm>> -> memref<8x128xi32, #tpu.memory_space<hbm>>
        %dma_wait3A_590 = arith.constant 0 : i32
        %dma_wait3A_591 = arith.constant 0 : i32
        %dma_wait3A_592 = tpu.memref_slice %arg3[%add3A, %dma_wait3A_590, %dma_wait3A_591] : memref<32x80x128xi32, #tpu.memory_space<hbm>> -> memref<1x8x128xi32, #tpu.memory_space<hbm>>
        %dma_wait3A_593 = tpu.memref_squeeze %dma_wait3A_592 : memref<1x8x128xi32, #tpu.memory_space<hbm>> -> memref<8x128xi32, #tpu.memory_space<hbm>>
        tpu.wait_dma2 semaphore(%arg14 : memref<!tpu.dma_semaphore, #tpu.memory_space<semaphore_mem>>) src(%dma_wait3A_593 : memref<8x128xi32, #tpu.memory_space<hbm>>) dst(%arg8 : memref<8x128xi32, #tpu.memory_space<vmem>>)
        %dma_wait3A_594 = arith.constant 0 : i32
        %dma_wait3A_595 = arith.constant 0 : i32
        %dma_wait3A_596 = tpu.memref_slice %arg4[%add3A, %dma_wait3A_594, %dma_wait3A_595] : memref<32x80x128xi32, #tpu.memory_space<hbm>> -> memref<1x8x128xi32, #tpu.memory_space<hbm>>
        %dma_wait3A_597 = tpu.memref_squeeze %dma_wait3A_596 : memref<1x8x128xi32, #tpu.memory_space<hbm>> -> memref<8x128xi32, #tpu.memory_space<hbm>>
        %dma_wait3A_598 = arith.constant 0 : i32
        %dma_wait3A_599 = arith.constant 0 : i32
        %dma_wait3A_600 = tpu.memref_slice %arg4[%add3A, %dma_wait3A_598, %dma_wait3A_599] : memref<32x80x128xi32, #tpu.memory_space<hbm>> -> memref<1x8x128xi32, #tpu.memory_space<hbm>>
        %dma_wait3A_601 = tpu.memref_squeeze %dma_wait3A_600 : memref<1x8x128xi32, #tpu.memory_space<hbm>> -> memref<8x128xi32, #tpu.memory_space<hbm>>
        tpu.wait_dma2 semaphore(%arg14 : memref<!tpu.dma_semaphore, #tpu.memory_space<semaphore_mem>>) src(%dma_wait3A_601 : memref<8x128xi32, #tpu.memory_space<hbm>>) dst(%arg10 : memref<8x128xi32, #tpu.memory_space<vmem>>)
        %dma_start3A_602 = arith.constant 0 : i32
        %dma_start3A_603 = arith.constant 0 : i32
        %dma_start3A_604 = tpu.memref_slice %arg8[%dma_start3A_602, %dma_start3A_603] : memref<8x128xi32, #tpu.memory_space<vmem>> -> memref<1x128xi32, #tpu.memory_space<vmem>>
        %dma_start3A_605 = tpu.memref_squeeze %dma_start3A_604 : memref<1x128xi32, #tpu.memory_space<vmem>> -> memref<128xi32, #tpu.memory_space<vmem>>
        %dma_start3A_606 = arith.constant 0 : i32
        %dma_start3A_607 = arith.constant 0 : i32
        %dma_start3A_608 = tpu.memref_slice %arg2[%dma_start3A_606, %dma_start3A_607] : memref<10000x128xf32, #tpu.memory_space<hbm>> -> memref<10000x128xf32, #tpu.memory_space<hbm>>
        tpu.enqueue_indirect_dma source(%dma_start3A_608 : memref<10000x128xf32, #tpu.memory_space<hbm>>) target(%arg12 : memref<128x128xf32, #tpu.memory_space<vmem>>) offsets(%dma_start3A_605 : memref<128xi32, #tpu.memory_space<vmem>>) semaphore(%arg16 : memref<!tpu.dma_semaphore, #tpu.memory_space<semaphore_mem>>)
      } else {
      }
      %dma_wait3A_572 = arith.constant 0 : i32
      %dma_wait3A_573 = arith.constant 0 : i32
      %dma_wait3A_574 = tpu.memref_slice %arg8[%dma_wait3A_572, %dma_wait3A_573] : memref<8x128xi32, #tpu.memory_space<vmem>> -> memref<1x128xi32, #tpu.memory_space<vmem>>
      %dma_wait3A_575 = tpu.memref_squeeze %dma_wait3A_574 : memref<1x128xi32, #tpu.memory_space<vmem>> -> memref<128xi32, #tpu.memory_space<vmem>>
      %dma_wait3A_576 = arith.constant 0 : i32
      %dma_wait3A_577 = arith.constant 0 : i32
      %dma_wait3A_578 = tpu.memref_slice %arg2[%dma_wait3A_576, %dma_wait3A_577] : memref<10000x128xf32, #tpu.memory_space<hbm>> -> memref<10000x128xf32, #tpu.memory_space<hbm>>
      tpu.wait_indirect_dma semaphore(%arg17 : memref<!tpu.dma_semaphore, #tpu.memory_space<semaphore_mem>>) src(%dma_wait3A_578 : memref<10000x128xf32, #tpu.memory_space<hbm>>) dst(%arg13 : memref<128x128xf32, #tpu.memory_space<vmem>>)
      %dma_start3A_579 = arith.constant 7 : i32
      %dma_start3A_580 = arith.constant 0 : i32
      %dma_start3A_581 = tpu.memref_slice %arg11[%dma_start3A_579, %dma_start3A_580] : memref<8x128xi32, #tpu.memory_space<vmem>> -> memref<1x128xi32, #tpu.memory_space<vmem>>
      %dma_start3A_582 = tpu.memref_squeeze %dma_start3A_581 : memref<1x128xi32, #tpu.memory_space<vmem>> -> memref<128xi32, #tpu.memory_space<vmem>>
      %dma_start3A_583 = arith.constant 0 : i32
      %dma_start3A_584 = arith.constant 0 : i32
      %dma_start3A_585 = tpu.memref_slice %arg7[%dma_start3A_583, %dma_start3A_584] : memref<10016x128xf32, #tpu.memory_space<vmem_shared>> -> memref<10016x128xf32, #tpu.memory_space<vmem_shared>>
      tpu.enqueue_indirect_dma source(%arg13 : memref<128x128xf32, #tpu.memory_space<vmem>>) target(%dma_start3A_585 : memref<10016x128xf32, #tpu.memory_space<vmem_shared>>) offsets(%dma_start3A_582 : memref<128xi32, #tpu.memory_space<vmem>>) semaphore(%arg19 : memref<!tpu.dma_semaphore, #tpu.memory_space<semaphore_mem>>) {add = true}
    }
    %scan3A_76 = arith.constant 5 : i32
    %dma_wait3A_77 = arith.constant 0 : i32
    %dma_wait3A_78 = arith.constant 0 : i32
    %dma_wait3A_79 = tpu.memref_slice %arg10[%dma_wait3A_77, %dma_wait3A_78] : memref<8x128xi32, #tpu.memory_space<vmem>> -> memref<1x128xi32, #tpu.memory_space<vmem>>
    %dma_wait3A_80 = tpu.memref_squeeze %dma_wait3A_79 : memref<1x128xi32, #tpu.memory_space<vmem>> -> memref<128xi32, #tpu.memory_space<vmem>>
    %dma_wait3A_81 = arith.constant 0 : i32
    %dma_wait3A_82 = arith.constant 0 : i32
    %dma_wait3A_83 = tpu.memref_slice %arg7[%dma_wait3A_81, %dma_wait3A_82] : memref<10016x128xf32, #tpu.memory_space<vmem_shared>> -> memref<10016x128xf32, #tpu.memory_space<vmem_shared>>
    tpu.wait_indirect_dma semaphore(%arg19 : memref<!tpu.dma_semaphore, #tpu.memory_space<semaphore_mem>>) src(%arg13 : memref<128x128xf32, #tpu.memory_space<vmem>>) dst(%dma_wait3A_83 : memref<10016x128xf32, #tpu.memory_space<vmem_shared>>)
    %barrier3A_84 = arith.constant 0 : index
    tpu.barrier barrier_id(%barrier3A_84)
    %eq3A_85 = arith.constant 0 : i32
    %eq3A_86 = arith.cmpi eq, %arg0, %eq3A_85 : i32
    %lt3A_87 = arith.constant 15 : i32
    %lt3A_88 = arith.cmpi slt, %arg1, %lt3A_87 : i32
    %and3A = arith.andi %eq3A_86, %lt3A_88 : i1
    %convert_element_type3A_89 = arith.extui %and3A : i1 to i32
    %cond3A_90 = arith.constant 0 : i32
    %cond3A_91 = arith.cmpi ne, %convert_element_type3A_89, %cond3A_90 : i32
    scf.if %cond3A_91 {
      "tpu.region"() ({
        %run_scoped3A = tpu.sem_alloc : memref<!tpu.dma_semaphore, #tpu.memory_space<semaphore_mem>>
        %dma_start3A_115 = arith.constant 0 : i32
        %dma_start3A_116 = tpu.memref_slice %arg5[%mul3A_2, %dma_start3A_115] : memref<10000x128xf32, #tpu.memory_space<hbm>> -> memref<632x128xf32, #tpu.memory_space<hbm>>
        %dma_start3A_117 = arith.constant 0 : i32
        %dma_start3A_118 = tpu.memref_slice %arg7[%mul3A_2, %dma_start3A_117] : memref<10016x128xf32, #tpu.memory_space<vmem_shared>> -> memref<632x128xf32, #tpu.memory_space<vmem_shared>>
        tpu.enqueue_dma source(%dma_start3A_118 : memref<632x128xf32, #tpu.memory_space<vmem_shared>>) target(%dma_start3A_116 : memref<632x128xf32, #tpu.memory_space<hbm>>) target_semaphore(%run_scoped3A : memref<!tpu.dma_semaphore, #tpu.memory_space<semaphore_mem>>)
        %dma_wait3A_119 = arith.constant 0 : i32
        %dma_wait3A_120 = tpu.memref_slice %arg5[%mul3A_2, %dma_wait3A_119] : memref<10000x128xf32, #tpu.memory_space<hbm>> -> memref<632x128xf32, #tpu.memory_space<hbm>>
        %dma_wait3A_121 = arith.constant 0 : i32
        %dma_wait3A_122 = tpu.memref_slice %arg7[%mul3A_2, %dma_wait3A_121] : memref<10016x128xf32, #tpu.memory_space<vmem_shared>> -> memref<632x128xf32, #tpu.memory_space<vmem_shared>>
        tpu.wait_dma2 semaphore(%run_scoped3A : memref<!tpu.dma_semaphore, #tpu.memory_space<semaphore_mem>>) src(%dma_wait3A_122 : memref<632x128xf32, #tpu.memory_space<vmem_shared>>) dst(%dma_wait3A_120 : memref<632x128xf32, #tpu.memory_space<hbm>>)
        tpu.yield
      }) : () -> ()
    } else {
    }
    %eq3A_92 = arith.constant 0 : i32
    %eq3A_93 = arith.cmpi eq, %arg0, %eq3A_92 : i32
    %eq3A_94 = arith.constant 15 : i32
    %eq3A_95 = arith.cmpi eq, %arg1, %eq3A_94 : i32
    %and3A_96 = arith.andi %eq3A_93, %eq3A_95 : i1
    %convert_element_type3A_97 = arith.extui %and3A_96 : i1 to i32
    %cond3A_98 = arith.constant 0 : i32
    %cond3A_99 = arith.cmpi ne, %convert_element_type3A_97, %cond3A_98 : i32
    scf.if %cond3A_99 {
      "tpu.region"() ({
        %run_scoped3A = tpu.sem_alloc : memref<!tpu.dma_semaphore, #tpu.memory_space<semaphore_mem>>
        %dma_start3A_115 = arith.constant 0 : i32
        %dma_start3A_116 = tpu.memref_slice %arg5[%mul3A_2, %dma_start3A_115] : memref<10000x128xf32, #tpu.memory_space<hbm>> -> memref<520x128xf32, #tpu.memory_space<hbm>>
        %dma_start3A_117 = arith.constant 0 : i32
        %dma_start3A_118 = tpu.memref_slice %arg7[%mul3A_2, %dma_start3A_117] : memref<10016x128xf32, #tpu.memory_space<vmem_shared>> -> memref<520x128xf32, #tpu.memory_space<vmem_shared>>
        tpu.enqueue_dma source(%dma_start3A_118 : memref<520x128xf32, #tpu.memory_space<vmem_shared>>) target(%dma_start3A_116 : memref<520x128xf32, #tpu.memory_space<hbm>>) target_semaphore(%run_scoped3A : memref<!tpu.dma_semaphore, #tpu.memory_space<semaphore_mem>>)
        %dma_wait3A_119 = arith.constant 0 : i32
        %dma_wait3A_120 = tpu.memref_slice %arg5[%mul3A_2, %dma_wait3A_119] : memref<10000x128xf32, #tpu.memory_space<hbm>> -> memref<520x128xf32, #tpu.memory_space<hbm>>
        %dma_wait3A_121 = arith.constant 0 : i32
        %dma_wait3A_122 = tpu.memref_slice %arg7[%mul3A_2, %dma_wait3A_121] : memref<10016x128xf32, #tpu.memory_space<vmem_shared>> -> memref<520x128xf32, #tpu.memory_space<vmem_shared>>
        tpu.wait_dma2 semaphore(%run_scoped3A : memref<!tpu.dma_semaphore, #tpu.memory_space<semaphore_mem>>) src(%dma_wait3A_122 : memref<520x128xf32, #tpu.memory_space<vmem_shared>>) dst(%dma_wait3A_120 : memref<520x128xf32, #tpu.memory_space<hbm>>)
        tpu.yield
      }) : () -> ()
    } else {
    }
    %ne3A = arith.constant 0 : i32
    %ne3A_100 = arith.cmpi ne, %arg0, %ne3A : i32
    %lt3A_101 = arith.constant 15 : i32
    %lt3A_102 = arith.cmpi slt, %arg1, %lt3A_101 : i32
    %and3A_103 = arith.andi %ne3A_100, %lt3A_102 : i1
    %convert_element_type3A_104 = arith.extui %and3A_103 : i1 to i32
    %cond3A_105 = arith.constant 0 : i32
    %cond3A_106 = arith.cmpi ne, %convert_element_type3A_104, %cond3A_105 : i32
    scf.if %cond3A_106 {
      "tpu.region"() ({
        %run_scoped3A = tpu.sem_alloc : memref<!tpu.dma_semaphore, #tpu.memory_space<semaphore_mem>>
        %dma_start3A_115 = arith.constant 0 : i32
        %dma_start3A_116 = tpu.memref_slice %arg6[%mul3A_2, %dma_start3A_115] : memref<10000x128xf32, #tpu.memory_space<hbm>> -> memref<632x128xf32, #tpu.memory_space<hbm>>
        %dma_start3A_117 = arith.constant 0 : i32
        %dma_start3A_118 = tpu.memref_slice %arg7[%mul3A_2, %dma_start3A_117] : memref<10016x128xf32, #tpu.memory_space<vmem_shared>> -> memref<632x128xf32, #tpu.memory_space<vmem_shared>>
        tpu.enqueue_dma source(%dma_start3A_118 : memref<632x128xf32, #tpu.memory_space<vmem_shared>>) target(%dma_start3A_116 : memref<632x128xf32, #tpu.memory_space<hbm>>) target_semaphore(%run_scoped3A : memref<!tpu.dma_semaphore, #tpu.memory_space<semaphore_mem>>)
        %dma_wait3A_119 = arith.constant 0 : i32
        %dma_wait3A_120 = tpu.memref_slice %arg6[%mul3A_2, %dma_wait3A_119] : memref<10000x128xf32, #tpu.memory_space<hbm>> -> memref<632x128xf32, #tpu.memory_space<hbm>>
        %dma_wait3A_121 = arith.constant 0 : i32
        %dma_wait3A_122 = tpu.memref_slice %arg7[%mul3A_2, %dma_wait3A_121] : memref<10016x128xf32, #tpu.memory_space<vmem_shared>> -> memref<632x128xf32, #tpu.memory_space<vmem_shared>>
        tpu.wait_dma2 semaphore(%run_scoped3A : memref<!tpu.dma_semaphore, #tpu.memory_space<semaphore_mem>>) src(%dma_wait3A_122 : memref<632x128xf32, #tpu.memory_space<vmem_shared>>) dst(%dma_wait3A_120 : memref<632x128xf32, #tpu.memory_space<hbm>>)
        tpu.yield
      }) : () -> ()
    } else {
    }
    %ne3A_107 = arith.constant 0 : i32
    %ne3A_108 = arith.cmpi ne, %arg0, %ne3A_107 : i32
    %eq3A_109 = arith.constant 15 : i32
    %eq3A_110 = arith.cmpi eq, %arg1, %eq3A_109 : i32
    %and3A_111 = arith.andi %ne3A_108, %eq3A_110 : i1
    %convert_element_type3A_112 = arith.extui %and3A_111 : i1 to i32
    %cond3A_113 = arith.constant 0 : i32
    %cond3A_114 = arith.cmpi ne, %convert_element_type3A_112, %cond3A_113 : i32
    scf.if %cond3A_114 {
      "tpu.region"() ({
        %run_scoped3A = tpu.sem_alloc : memref<!tpu.dma_semaphore, #tpu.memory_space<semaphore_mem>>
        %dma_start3A_115 = arith.constant 0 : i32
        %dma_start3A_116 = tpu.memref_slice %arg6[%mul3A_2, %dma_start3A_115] : memref<10000x128xf32, #tpu.memory_space<hbm>> -> memref<520x128xf32, #tpu.memory_space<hbm>>
        %dma_start3A_117 = arith.constant 0 : i32
        %dma_start3A_118 = tpu.memref_slice %arg7[%mul3A_2, %dma_start3A_117] : memref<10016x128xf32, #tpu.memory_space<vmem_shared>> -> memref<520x128xf32, #tpu.memory_space<vmem_shared>>
        tpu.enqueue_dma source(%dma_start3A_118 : memref<520x128xf32, #tpu.memory_space<vmem_shared>>) target(%dma_start3A_116 : memref<520x128xf32, #tpu.memory_space<hbm>>) target_semaphore(%run_scoped3A : memref<!tpu.dma_semaphore, #tpu.memory_space<semaphore_mem>>)
        %dma_wait3A_119 = arith.constant 0 : i32
        %dma_wait3A_120 = tpu.memref_slice %arg6[%mul3A_2, %dma_wait3A_119] : memref<10000x128xf32, #tpu.memory_space<hbm>> -> memref<520x128xf32, #tpu.memory_space<hbm>>
        %dma_wait3A_121 = arith.constant 0 : i32
        %dma_wait3A_122 = tpu.memref_slice %arg7[%mul3A_2, %dma_wait3A_121] : memref<10016x128xf32, #tpu.memory_space<vmem_shared>> -> memref<520x128xf32, #tpu.memory_space<vmem_shared>>
        tpu.wait_dma2 semaphore(%run_scoped3A : memref<!tpu.dma_semaphore, #tpu.memory_space<semaphore_mem>>) src(%dma_wait3A_122 : memref<520x128xf32, #tpu.memory_space<vmem_shared>>) dst(%dma_wait3A_120 : memref<520x128xf32, #tpu.memory_space<hbm>>)
        tpu.yield
      }) : () -> ()
    } else {
    }
    return
  }
}

#map = affine_map<(d0, d1) -> (0, 0)>
#map1 = affine_map<(d0, d1) -> (0, 0, 0)>
module attributes {stable_mosaic.version = 14 : i64} {
  func.func @_agg_body(%arg0: i32, %arg1: i32, %arg2: memref<10000x128xf32, #tpu.memory_space<hbm>>, %arg3: memref<32x80x128xi32, #tpu.memory_space<hbm>>, %arg4: memref<32x80x128xi32, #tpu.memory_space<hbm>>, %arg5: memref<10000x128xf32, #tpu.memory_space<hbm>>, %arg6: memref<10000x128xf32, #tpu.memory_space<hbm>>, %arg7: memref<10016x128xf32, #tpu.memory_space<vmem_shared>>, %arg8: memref<8x128xi32, #tpu.memory_space<vmem>>, %arg9: memref<8x128xi32, #tpu.memory_space<vmem>>, %arg10: memref<8x128xi32, #tpu.memory_space<vmem>>, %arg11: memref<8x128xi32, #tpu.memory_space<vmem>>, %arg12: memref<128x128xf32, #tpu.memory_space<vmem>>, %arg13: memref<128x128xf32, #tpu.memory_space<vmem>>, %arg14: memref<!tpu.dma_semaphore, #tpu.memory_space<semaphore_mem>>, %arg15: memref<!tpu.dma_semaphore, #tpu.memory_space<semaphore_mem>>, %arg16: memref<!tpu.dma_semaphore, #tpu.memory_space<semaphore_mem>>, %arg17: memref<!tpu.dma_semaphore, #tpu.memory_space<semaphore_mem>>, %arg18: memref<!tpu.dma_semaphore, #tpu.memory_space<semaphore_mem>>, %arg19: memref<!tpu.dma_semaphore, #tpu.memory_space<semaphore_mem>>) attributes {dimension_semantics = [#tpu.dimension_semantics<core_parallel>, #tpu.dimension_semantics<subcore_parallel>], iteration_bounds = array<i64: 2, 16>, scalar_prefetch = 0 : i64, scratch_operands = 13 : i64, tpu.core_type = #tpu.core_type<sc_vector_subcore>, window_params = [{transform_indices = #map}, {transform_indices = #map1}, {transform_indices = #map1}, {transform_indices = #map}, {transform_indices = #map}]} {
    %mul3A = arith.constant 16 : i32
    %mul3A_0 = arith.muli %arg0, %mul3A : i32
    %add3A = arith.addi %mul3A_0, %arg1 : i32
    %mul3A_1 = arith.constant 632 : i32
    %mul3A_2 = arith.muli %arg1, %mul3A_1 : i32
    %lt3A = arith.constant 15 : i32
    %lt3A_3 = arith.cmpi slt, %arg1, %lt3A : i32
    %convert_element_type3A = arith.extui %lt3A_3 : i1 to i32
    %cond3A = arith.constant 0 : i32
    %cond3A_4 = arith.cmpi ne, %convert_element_type3A, %cond3A : i32
    scf.if %cond3A_4 {
      %dma_start3A_115 = arith.constant 0 : i32
      %dma_start3A_116 = tpu.memref_slice %arg7[%mul3A_2, %dma_start3A_115] : memref<10016x128xf32, #tpu.memory_space<vmem_shared>> -> memref<632x128xf32, #tpu.memory_space<vmem_shared>>
      %dma_start3A_117 = arith.constant 0 : i32
      %dma_start3A_118 = tpu.memref_slice %arg2[%mul3A_2, %dma_start3A_117] : memref<10000x128xf32, #tpu.memory_space<hbm>> -> memref<632x128xf32, #tpu.memory_space<hbm>>
      tpu.enqueue_dma source(%dma_start3A_118 : memref<632x128xf32, #tpu.memory_space<hbm>>) target(%dma_start3A_116 : memref<632x128xf32, #tpu.memory_space<vmem_shared>>) target_semaphore(%arg18 : memref<!tpu.dma_semaphore, #tpu.memory_space<semaphore_mem>>)
    } else {
    }
    %eq3A = arith.constant 15 : i32
    %eq3A_5 = arith.cmpi eq, %arg1, %eq3A : i32
    %convert_element_type3A_6 = arith.extui %eq3A_5 : i1 to i32
    %cond3A_7 = arith.constant 0 : i32
    %cond3A_8 = arith.cmpi ne, %convert_element_type3A_6, %cond3A_7 : i32
    scf.if %cond3A_8 {
      %dma_start3A_115 = arith.constant 0 : i32
      %dma_start3A_116 = tpu.memref_slice %arg7[%mul3A_2, %dma_start3A_115] : memref<10016x128xf32, #tpu.memory_space<vmem_shared>> -> memref<520x128xf32, #tpu.memory_space<vmem_shared>>
      %dma_start3A_117 = arith.constant 0 : i32
      %dma_start3A_118 = tpu.memref_slice %arg2[%mul3A_2, %dma_start3A_117] : memref<10000x128xf32, #tpu.memory_space<hbm>> -> memref<520x128xf32, #tpu.memory_space<hbm>>
      tpu.enqueue_dma source(%dma_start3A_118 : memref<520x128xf32, #tpu.memory_space<hbm>>) target(%dma_start3A_116 : memref<520x128xf32, #tpu.memory_space<vmem_shared>>) target_semaphore(%arg18 : memref<!tpu.dma_semaphore, #tpu.memory_space<semaphore_mem>>)
    } else {
    }
    %dma_start3A = arith.constant 0 : i32
    %dma_start3A_9 = arith.constant 0 : i32
    %dma_start3A_10 = tpu.memref_slice %arg3[%add3A, %dma_start3A, %dma_start3A_9] : memref<32x80x128xi32, #tpu.memory_space<hbm>> -> memref<1x8x128xi32, #tpu.memory_space<hbm>>
    %dma_start3A_11 = tpu.memref_squeeze %dma_start3A_10 : memref<1x8x128xi32, #tpu.memory_space<hbm>> -> memref<8x128xi32, #tpu.memory_space<hbm>>
    %dma_start3A_12 = arith.constant 0 : i32
    %dma_start3A_13 = arith.constant 0 : i32
    %dma_start3A_14 = tpu.memref_slice %arg3[%add3A, %dma_start3A_12, %dma_start3A_13] : memref<32x80x128xi32, #tpu.memory_space<hbm>> -> memref<1x8x128xi32, #tpu.memory_space<hbm>>
    %dma_start3A_15 = tpu.memref_squeeze %dma_start3A_14 : memref<1x8x128xi32, #tpu.memory_space<hbm>> -> memref<8x128xi32, #tpu.memory_space<hbm>>
    tpu.enqueue_dma source(%dma_start3A_15 : memref<8x128xi32, #tpu.memory_space<hbm>>) target(%arg8 : memref<8x128xi32, #tpu.memory_space<vmem>>) target_semaphore(%arg14 : memref<!tpu.dma_semaphore, #tpu.memory_space<semaphore_mem>>)
    %dma_start3A_16 = arith.constant 0 : i32
    %dma_start3A_17 = arith.constant 0 : i32
    %dma_start3A_18 = tpu.memref_slice %arg4[%add3A, %dma_start3A_16, %dma_start3A_17] : memref<32x80x128xi32, #tpu.memory_space<hbm>> -> memref<1x8x128xi32, #tpu.memory_space<hbm>>
    %dma_start3A_19 = tpu.memref_squeeze %dma_start3A_18 : memref<1x8x128xi32, #tpu.memory_space<hbm>> -> memref<8x128xi32, #tpu.memory_space<hbm>>
    %dma_start3A_20 = arith.constant 0 : i32
    %dma_start3A_21 = arith.constant 0 : i32
    %dma_start3A_22 = tpu.memref_slice %arg4[%add3A, %dma_start3A_20, %dma_start3A_21] : memref<32x80x128xi32, #tpu.memory_space<hbm>> -> memref<1x8x128xi32, #tpu.memory_space<hbm>>
    %dma_start3A_23 = tpu.memref_squeeze %dma_start3A_22 : memref<1x8x128xi32, #tpu.memory_space<hbm>> -> memref<8x128xi32, #tpu.memory_space<hbm>>
    tpu.enqueue_dma source(%dma_start3A_23 : memref<8x128xi32, #tpu.memory_space<hbm>>) target(%arg10 : memref<8x128xi32, #tpu.memory_space<vmem>>) target_semaphore(%arg14 : memref<!tpu.dma_semaphore, #tpu.memory_space<semaphore_mem>>)
    %dma_start3A_24 = arith.constant 8 : i32
    %dma_start3A_25 = arith.constant 0 : i32
    %dma_start3A_26 = tpu.memref_slice %arg3[%add3A, %dma_start3A_24, %dma_start3A_25] : memref<32x80x128xi32, #tpu.memory_space<hbm>> -> memref<1x8x128xi32, #tpu.memory_space<hbm>>
    %dma_start3A_27 = tpu.memref_squeeze %dma_start3A_26 : memref<1x8x128xi32, #tpu.memory_space<hbm>> -> memref<8x128xi32, #tpu.memory_space<hbm>>
    %dma_start3A_28 = arith.constant 8 : i32
    %dma_start3A_29 = arith.constant 0 : i32
    %dma_start3A_30 = tpu.memref_slice %arg3[%add3A, %dma_start3A_28, %dma_start3A_29] : memref<32x80x128xi32, #tpu.memory_space<hbm>> -> memref<1x8x128xi32, #tpu.memory_space<hbm>>
    %dma_start3A_31 = tpu.memref_squeeze %dma_start3A_30 : memref<1x8x128xi32, #tpu.memory_space<hbm>> -> memref<8x128xi32, #tpu.memory_space<hbm>>
    tpu.enqueue_dma source(%dma_start3A_31 : memref<8x128xi32, #tpu.memory_space<hbm>>) target(%arg9 : memref<8x128xi32, #tpu.memory_space<vmem>>) target_semaphore(%arg15 : memref<!tpu.dma_semaphore, #tpu.memory_space<semaphore_mem>>)
    %dma_start3A_32 = arith.constant 8 : i32
    %dma_start3A_33 = arith.constant 0 : i32
    %dma_start3A_34 = tpu.memref_slice %arg4[%add3A, %dma_start3A_32, %dma_start3A_33] : memref<32x80x128xi32, #tpu.memory_space<hbm>> -> memref<1x8x128xi32, #tpu.memory_space<hbm>>
    %dma_start3A_35 = tpu.memref_squeeze %dma_start3A_34 : memref<1x8x128xi32, #tpu.memory_space<hbm>> -> memref<8x128xi32, #tpu.memory_space<hbm>>
    %dma_start3A_36 = arith.constant 8 : i32
    %dma_start3A_37 = arith.constant 0 : i32
    %dma_start3A_38 = tpu.memref_slice %arg4[%add3A, %dma_start3A_36, %dma_start3A_37] : memref<32x80x128xi32, #tpu.memory_space<hbm>> -> memref<1x8x128xi32, #tpu.memory_space<hbm>>
    %dma_start3A_39 = tpu.memref_squeeze %dma_start3A_38 : memref<1x8x128xi32, #tpu.memory_space<hbm>> -> memref<8x128xi32, #tpu.memory_space<hbm>>
    tpu.enqueue_dma source(%dma_start3A_39 : memref<8x128xi32, #tpu.memory_space<hbm>>) target(%arg11 : memref<8x128xi32, #tpu.memory_space<vmem>>) target_semaphore(%arg15 : memref<!tpu.dma_semaphore, #tpu.memory_space<semaphore_mem>>)
    %dma_wait3A = arith.constant 0 : i32
    %dma_wait3A_40 = arith.constant 0 : i32
    %dma_wait3A_41 = tpu.memref_slice %arg3[%add3A, %dma_wait3A, %dma_wait3A_40] : memref<32x80x128xi32, #tpu.memory_space<hbm>> -> memref<1x8x128xi32, #tpu.memory_space<hbm>>
    %dma_wait3A_42 = tpu.memref_squeeze %dma_wait3A_41 : memref<1x8x128xi32, #tpu.memory_space<hbm>> -> memref<8x128xi32, #tpu.memory_space<hbm>>
    %dma_wait3A_43 = arith.constant 0 : i32
    %dma_wait3A_44 = arith.constant 0 : i32
    %dma_wait3A_45 = tpu.memref_slice %arg3[%add3A, %dma_wait3A_43, %dma_wait3A_44] : memref<32x80x128xi32, #tpu.memory_space<hbm>> -> memref<1x8x128xi32, #tpu.memory_space<hbm>>
    %dma_wait3A_46 = tpu.memref_squeeze %dma_wait3A_45 : memref<1x8x128xi32, #tpu.memory_space<hbm>> -> memref<8x128xi32, #tpu.memory_space<hbm>>
    tpu.wait_dma2 semaphore(%arg14 : memref<!tpu.dma_semaphore, #tpu.memory_space<semaphore_mem>>) src(%dma_wait3A_46 : memref<8x128xi32, #tpu.memory_space<hbm>>) dst(%arg8 : memref<8x128xi32, #tpu.memory_space<vmem>>)
    %dma_wait3A_47 = arith.constant 0 : i32
    %dma_wait3A_48 = arith.constant 0 : i32
    %dma_wait3A_49 = tpu.memref_slice %arg4[%add3A, %dma_wait3A_47, %dma_wait3A_48] : memref<32x80x128xi32, #tpu.memory_space<hbm>> -> memref<1x8x128xi32, #tpu.memory_space<hbm>>
    %dma_wait3A_50 = tpu.memref_squeeze %dma_wait3A_49 : memref<1x8x128xi32, #tpu.memory_space<hbm>> -> memref<8x128xi32, #tpu.memory_space<hbm>>
    %dma_wait3A_51 = arith.constant 0 : i32
    %dma_wait3A_52 = arith.constant 0 : i32
    %dma_wait3A_53 = tpu.memref_slice %arg4[%add3A, %dma_wait3A_51, %dma_wait3A_52] : memref<32x80x128xi32, #tpu.memory_space<hbm>> -> memref<1x8x128xi32, #tpu.memory_space<hbm>>
    %dma_wait3A_54 = tpu.memref_squeeze %dma_wait3A_53 : memref<1x8x128xi32, #tpu.memory_space<hbm>> -> memref<8x128xi32, #tpu.memory_space<hbm>>
    tpu.wait_dma2 semaphore(%arg14 : memref<!tpu.dma_semaphore, #tpu.memory_space<semaphore_mem>>) src(%dma_wait3A_54 : memref<8x128xi32, #tpu.memory_space<hbm>>) dst(%arg10 : memref<8x128xi32, #tpu.memory_space<vmem>>)
    %dma_start3A_55 = arith.constant 0 : i32
    %dma_start3A_56 = arith.constant 0 : i32
    %dma_start3A_57 = tpu.memref_slice %arg8[%dma_start3A_55, %dma_start3A_56] : memref<8x128xi32, #tpu.memory_space<vmem>> -> memref<1x128xi32, #tpu.memory_space<vmem>>
    %dma_start3A_58 = tpu.memref_squeeze %dma_start3A_57 : memref<1x128xi32, #tpu.memory_space<vmem>> -> memref<128xi32, #tpu.memory_space<vmem>>
    %dma_start3A_59 = arith.constant 0 : i32
    %dma_start3A_60 = arith.constant 0 : i32
    %dma_start3A_61 = tpu.memref_slice %arg2[%dma_start3A_59, %dma_start3A_60] : memref<10000x128xf32, #tpu.memory_space<hbm>> -> memref<10000x128xf32, #tpu.memory_space<hbm>>
    tpu.enqueue_indirect_dma source(%dma_start3A_61 : memref<10000x128xf32, #tpu.memory_space<hbm>>) target(%arg12 : memref<128x128xf32, #tpu.memory_space<vmem>>) offsets(%dma_start3A_58 : memref<128xi32, #tpu.memory_space<vmem>>) semaphore(%arg16 : memref<!tpu.dma_semaphore, #tpu.memory_space<semaphore_mem>>)
    %lt3A_62 = arith.constant 15 : i32
    %lt3A_63 = arith.cmpi slt, %arg1, %lt3A_62 : i32
    %convert_element_type3A_64 = arith.extui %lt3A_63 : i1 to i32
    %cond3A_65 = arith.constant 0 : i32
    %cond3A_66 = arith.cmpi ne, %convert_element_type3A_64, %cond3A_65 : i32
    scf.if %cond3A_66 {
      %dma_wait3A_115 = arith.constant 0 : i32
      %dma_wait3A_116 = tpu.memref_slice %arg7[%mul3A_2, %dma_wait3A_115] : memref<10016x128xf32, #tpu.memory_space<vmem_shared>> -> memref<632x128xf32, #tpu.memory_space<vmem_shared>>
      %dma_wait3A_117 = arith.constant 0 : i32
      %dma_wait3A_118 = tpu.memref_slice %arg2[%mul3A_2, %dma_wait3A_117] : memref<10000x128xf32, #tpu.memory_space<hbm>> -> memref<632x128xf32, #tpu.memory_space<hbm>>
      tpu.wait_dma2 semaphore(%arg18 : memref<!tpu.dma_semaphore, #tpu.memory_space<semaphore_mem>>) src(%dma_wait3A_118 : memref<632x128xf32, #tpu.memory_space<hbm>>) dst(%dma_wait3A_116 : memref<632x128xf32, #tpu.memory_space<vmem_shared>>)
    } else {
    }
    %eq3A_67 = arith.constant 15 : i32
    %eq3A_68 = arith.cmpi eq, %arg1, %eq3A_67 : i32
    %convert_element_type3A_69 = arith.extui %eq3A_68 : i1 to i32
    %cond3A_70 = arith.constant 0 : i32
    %cond3A_71 = arith.cmpi ne, %convert_element_type3A_69, %cond3A_70 : i32
    scf.if %cond3A_71 {
      %dma_wait3A_115 = arith.constant 0 : i32
      %dma_wait3A_116 = tpu.memref_slice %arg7[%mul3A_2, %dma_wait3A_115] : memref<10016x128xf32, #tpu.memory_space<vmem_shared>> -> memref<520x128xf32, #tpu.memory_space<vmem_shared>>
      %dma_wait3A_117 = arith.constant 0 : i32
      %dma_wait3A_118 = tpu.memref_slice %arg2[%mul3A_2, %dma_wait3A_117] : memref<10000x128xf32, #tpu.memory_space<hbm>> -> memref<520x128xf32, #tpu.memory_space<hbm>>
      tpu.wait_dma2 semaphore(%arg18 : memref<!tpu.dma_semaphore, #tpu.memory_space<semaphore_mem>>) src(%dma_wait3A_118 : memref<520x128xf32, #tpu.memory_space<hbm>>) dst(%dma_wait3A_116 : memref<520x128xf32, #tpu.memory_space<vmem_shared>>)
    } else {
    }
    %barrier3A = arith.constant 0 : index
    tpu.barrier barrier_id(%barrier3A)
    %scan3A = arith.constant 0 : i32
    %scan3A_72 = arith.constant 0 : i32
    %scan3A_73 = arith.constant 5 : i32
    %scan3A_74 = arith.addi %scan3A_72, %scan3A_73 : i32
    %scan3A_75 = arith.constant 1 : i32
    scf.for %scan3A_115 = %scan3A_72 to %scan3A_74 step %scan3A_75  : i32 {
      %mul3A_116 = arith.constant 2 : i32
      %mul3A_117 = arith.muli %mul3A_116, %scan3A_115 : i32
      %gt3A = arith.constant 0 : i32
      %gt3A_118 = arith.cmpi sgt, %scan3A_115, %gt3A : i32
      %convert_element_type3A_119 = arith.extui %gt3A_118 : i1 to i32
      %cond3A_120 = arith.constant 0 : i32
      %cond3A_121 = arith.cmpi ne, %convert_element_type3A_119, %cond3A_120 : i32
      scf.if %cond3A_121 {
        %dma_wait3A_586 = arith.constant 0 : i32
        %dma_wait3A_587 = arith.constant 0 : i32
        %dma_wait3A_588 = tpu.memref_slice %arg10[%dma_wait3A_586, %dma_wait3A_587] : memref<8x128xi32, #tpu.memory_space<vmem>> -> memref<1x128xi32, #tpu.memory_space<vmem>>
        %dma_wait3A_589 = tpu.memref_squeeze %dma_wait3A_588 : memref<1x128xi32, #tpu.memory_space<vmem>> -> memref<128xi32, #tpu.memory_space<vmem>>
        %dma_wait3A_590 = arith.constant 0 : i32
        %dma_wait3A_591 = arith.constant 0 : i32
        %dma_wait3A_592 = tpu.memref_slice %arg7[%dma_wait3A_590, %dma_wait3A_591] : memref<10016x128xf32, #tpu.memory_space<vmem_shared>> -> memref<10016x128xf32, #tpu.memory_space<vmem_shared>>
        tpu.wait_indirect_dma semaphore(%arg19 : memref<!tpu.dma_semaphore, #tpu.memory_space<semaphore_mem>>) src(%arg13 : memref<128x128xf32, #tpu.memory_space<vmem>>) dst(%dma_wait3A_592 : memref<10016x128xf32, #tpu.memory_space<vmem_shared>>)
        %add3A_593 = arith.constant 1 : i32
        %add3A_594 = arith.addi %mul3A_117, %add3A_593 : i32
        %mul3A_595 = arith.constant 8 : i32
        %mul3A_596 = arith.muli %mul3A_595, %add3A_594 : i32
        %dma_start3A_597 = arith.constant 0 : i32
        %dma_start3A_598 = tpu.memref_slice %arg3[%add3A, %mul3A_596, %dma_start3A_597] : memref<32x80x128xi32, #tpu.memory_space<hbm>> -> memref<1x8x128xi32, #tpu.memory_space<hbm>>
        %dma_start3A_599 = tpu.memref_squeeze %dma_start3A_598 : memref<1x8x128xi32, #tpu.memory_space<hbm>> -> memref<8x128xi32, #tpu.memory_space<hbm>>
        %dma_start3A_600 = arith.constant 0 : i32
        %dma_start3A_601 = tpu.memref_slice %arg3[%add3A, %mul3A_596, %dma_start3A_600] : memref<32x80x128xi32, #tpu.memory_space<hbm>> -> memref<1x8x128xi32, #tpu.memory_space<hbm>>
        %dma_start3A_602 = tpu.memref_squeeze %dma_start3A_601 : memref<1x8x128xi32, #tpu.memory_space<hbm>> -> memref<8x128xi32, #tpu.memory_space<hbm>>
        tpu.enqueue_dma source(%dma_start3A_602 : memref<8x128xi32, #tpu.memory_space<hbm>>) target(%arg9 : memref<8x128xi32, #tpu.memory_space<vmem>>) target_semaphore(%arg15 : memref<!tpu.dma_semaphore, #tpu.memory_space<semaphore_mem>>)
        %mul3A_603 = arith.constant 8 : i32
        %mul3A_604 = arith.muli %mul3A_603, %add3A_594 : i32
        %dma_start3A_605 = arith.constant 0 : i32
        %dma_start3A_606 = tpu.memref_slice %arg4[%add3A, %mul3A_604, %dma_start3A_605] : memref<32x80x128xi32, #tpu.memory_space<hbm>> -> memref<1x8x128xi32, #tpu.memory_space<hbm>>
        %dma_start3A_607 = tpu.memref_squeeze %dma_start3A_606 : memref<1x8x128xi32, #tpu.memory_space<hbm>> -> memref<8x128xi32, #tpu.memory_space<hbm>>
        %dma_start3A_608 = arith.constant 0 : i32
        %dma_start3A_609 = tpu.memref_slice %arg4[%add3A, %mul3A_604, %dma_start3A_608] : memref<32x80x128xi32, #tpu.memory_space<hbm>> -> memref<1x8x128xi32, #tpu.memory_space<hbm>>
        %dma_start3A_610 = tpu.memref_squeeze %dma_start3A_609 : memref<1x8x128xi32, #tpu.memory_space<hbm>> -> memref<8x128xi32, #tpu.memory_space<hbm>>
        tpu.enqueue_dma source(%dma_start3A_610 : memref<8x128xi32, #tpu.memory_space<hbm>>) target(%arg11 : memref<8x128xi32, #tpu.memory_space<vmem>>) target_semaphore(%arg15 : memref<!tpu.dma_semaphore, #tpu.memory_space<semaphore_mem>>)
      } else {
      }
      %dma_start3A_122 = arith.constant 1 : i32
      %dma_start3A_123 = arith.constant 0 : i32
      %dma_start3A_124 = tpu.memref_slice %arg8[%dma_start3A_122, %dma_start3A_123] : memref<8x128xi32, #tpu.memory_space<vmem>> -> memref<1x128xi32, #tpu.memory_space<vmem>>
      %dma_start3A_125 = tpu.memref_squeeze %dma_start3A_124 : memref<1x128xi32, #tpu.memory_space<vmem>> -> memref<128xi32, #tpu.memory_space<vmem>>
      %dma_start3A_126 = arith.constant 0 : i32
      %dma_start3A_127 = arith.constant 0 : i32
      %dma_start3A_128 = tpu.memref_slice %arg2[%dma_start3A_126, %dma_start3A_127] : memref<10000x128xf32, #tpu.memory_space<hbm>> -> memref<10000x128xf32, #tpu.memory_space<hbm>>
      tpu.enqueue_indirect_dma source(%dma_start3A_128 : memref<10000x128xf32, #tpu.memory_space<hbm>>) target(%arg13 : memref<128x128xf32, #tpu.memory_space<vmem>>) offsets(%dma_start3A_125 : memref<128xi32, #tpu.memory_space<vmem>>) semaphore(%arg17 : memref<!tpu.dma_semaphore, #tpu.memory_space<semaphore_mem>>)
      %dma_wait3A_129 = arith.constant 0 : i32
      %dma_wait3A_130 = arith.constant 0 : i32
      %dma_wait3A_131 = tpu.memref_slice %arg8[%dma_wait3A_129, %dma_wait3A_130] : memref<8x128xi32, #tpu.memory_space<vmem>> -> memref<1x128xi32, #tpu.memory_space<vmem>>
      %dma_wait3A_132 = tpu.memref_squeeze %dma_wait3A_131 : memref<1x128xi32, #tpu.memory_space<vmem>> -> memref<128xi32, #tpu.memory_space<vmem>>
      %dma_wait3A_133 = arith.constant 0 : i32
      %dma_wait3A_134 = arith.constant 0 : i32
      %dma_wait3A_135 = tpu.memref_slice %arg2[%dma_wait3A_133, %dma_wait3A_134] : memref<10000x128xf32, #tpu.memory_space<hbm>> -> memref<10000x128xf32, #tpu.memory_space<hbm>>
      tpu.wait_indirect_dma semaphore(%arg16 : memref<!tpu.dma_semaphore, #tpu.memory_space<semaphore_mem>>) src(%dma_wait3A_135 : memref<10000x128xf32, #tpu.memory_space<hbm>>) dst(%arg12 : memref<128x128xf32, #tpu.memory_space<vmem>>)
      %dma_start3A_136 = arith.constant 0 : i32
      %dma_start3A_137 = arith.constant 0 : i32
      %dma_start3A_138 = tpu.memref_slice %arg10[%dma_start3A_136, %dma_start3A_137] : memref<8x128xi32, #tpu.memory_space<vmem>> -> memref<1x128xi32, #tpu.memory_space<vmem>>
      %dma_start3A_139 = tpu.memref_squeeze %dma_start3A_138 : memref<1x128xi32, #tpu.memory_space<vmem>> -> memref<128xi32, #tpu.memory_space<vmem>>
      %dma_start3A_140 = arith.constant 0 : i32
      %dma_start3A_141 = arith.constant 0 : i32
      %dma_start3A_142 = tpu.memref_slice %arg7[%dma_start3A_140, %dma_start3A_141] : memref<10016x128xf32, #tpu.memory_space<vmem_shared>> -> memref<10016x128xf32, #tpu.memory_space<vmem_shared>>
      tpu.enqueue_indirect_dma source(%arg12 : memref<128x128xf32, #tpu.memory_space<vmem>>) target(%dma_start3A_142 : memref<10016x128xf32, #tpu.memory_space<vmem_shared>>) offsets(%dma_start3A_139 : memref<128xi32, #tpu.memory_space<vmem>>) semaphore(%arg18 : memref<!tpu.dma_semaphore, #tpu.memory_space<semaphore_mem>>) {add = true}
      %dma_wait3A_143 = arith.constant 0 : i32
      %dma_wait3A_144 = arith.constant 0 : i32
      %dma_wait3A_145 = tpu.memref_slice %arg10[%dma_wait3A_143, %dma_wait3A_144] : memref<8x128xi32, #tpu.memory_space<vmem>> -> memref<1x128xi32, #tpu.memory_space<vmem>>
      %dma_wait3A_146 = tpu.memref_squeeze %dma_wait3A_145 : memref<1x128xi32, #tpu.memory_space<vmem>> -> memref<128xi32, #tpu.memory_space<vmem>>
      %dma_wait3A_147 = arith.constant 0 : i32
      %dma_wait3A_148 = arith.constant 0 : i32
      %dma_wait3A_149 = tpu.memref_slice %arg7[%dma_wait3A_147, %dma_wait3A_148] : memref<10016x128xf32, #tpu.memory_space<vmem_shared>> -> memref<10016x128xf32, #tpu.memory_space<vmem_shared>>
      tpu.wait_indirect_dma semaphore(%arg18 : memref<!tpu.dma_semaphore, #tpu.memory_space<semaphore_mem>>) src(%arg12 : memref<128x128xf32, #tpu.memory_space<vmem>>) dst(%dma_wait3A_149 : memref<10016x128xf32, #tpu.memory_space<vmem_shared>>)
      %dma_start3A_150 = arith.constant 2 : i32
      %dma_start3A_151 = arith.constant 0 : i32
      %dma_start3A_152 = tpu.memref_slice %arg8[%dma_start3A_150, %dma_start3A_151] : memref<8x128xi32, #tpu.memory_space<vmem>> -> memref<1x128xi32, #tpu.memory_space<vmem>>
      %dma_start3A_153 = tpu.memref_squeeze %dma_start3A_152 : memref<1x128xi32, #tpu.memory_space<vmem>> -> memref<128xi32, #tpu.memory_space<vmem>>
      %dma_start3A_154 = arith.constant 0 : i32
      %dma_start3A_155 = arith.constant 0 : i32
      %dma_start3A_156 = tpu.memref_slice %arg2[%dma_start3A_154, %dma_start3A_155] : memref<10000x128xf32, #tpu.memory_space<hbm>> -> memref<10000x128xf32, #tpu.memory_space<hbm>>
      tpu.enqueue_indirect_dma source(%dma_start3A_156 : memref<10000x128xf32, #tpu.memory_space<hbm>>) target(%arg12 : memref<128x128xf32, #tpu.memory_space<vmem>>) offsets(%dma_start3A_153 : memref<128xi32, #tpu.memory_space<vmem>>) semaphore(%arg16 : memref<!tpu.dma_semaphore, #tpu.memory_space<semaphore_mem>>)
      %dma_wait3A_157 = arith.constant 0 : i32
      %dma_wait3A_158 = arith.constant 0 : i32
      %dma_wait3A_159 = tpu.memref_slice %arg8[%dma_wait3A_157, %dma_wait3A_158] : memref<8x128xi32, #tpu.memory_space<vmem>> -> memref<1x128xi32, #tpu.memory_space<vmem>>
      %dma_wait3A_160 = tpu.memref_squeeze %dma_wait3A_159 : memref<1x128xi32, #tpu.memory_space<vmem>> -> memref<128xi32, #tpu.memory_space<vmem>>
      %dma_wait3A_161 = arith.constant 0 : i32
      %dma_wait3A_162 = arith.constant 0 : i32
      %dma_wait3A_163 = tpu.memref_slice %arg2[%dma_wait3A_161, %dma_wait3A_162] : memref<10000x128xf32, #tpu.memory_space<hbm>> -> memref<10000x128xf32, #tpu.memory_space<hbm>>
      tpu.wait_indirect_dma semaphore(%arg17 : memref<!tpu.dma_semaphore, #tpu.memory_space<semaphore_mem>>) src(%dma_wait3A_163 : memref<10000x128xf32, #tpu.memory_space<hbm>>) dst(%arg13 : memref<128x128xf32, #tpu.memory_space<vmem>>)
      %dma_start3A_164 = arith.constant 1 : i32
      %dma_start3A_165 = arith.constant 0 : i32
      %dma_start3A_166 = tpu.memref_slice %arg10[%dma_start3A_164, %dma_start3A_165] : memref<8x128xi32, #tpu.memory_space<vmem>> -> memref<1x128xi32, #tpu.memory_space<vmem>>
      %dma_start3A_167 = tpu.memref_squeeze %dma_start3A_166 : memref<1x128xi32, #tpu.memory_space<vmem>> -> memref<128xi32, #tpu.memory_space<vmem>>
      %dma_start3A_168 = arith.constant 0 : i32
      %dma_start3A_169 = arith.constant 0 : i32
      %dma_start3A_170 = tpu.memref_slice %arg7[%dma_start3A_168, %dma_start3A_169] : memref<10016x128xf32, #tpu.memory_space<vmem_shared>> -> memref<10016x128xf32, #tpu.memory_space<vmem_shared>>
      tpu.enqueue_indirect_dma source(%arg13 : memref<128x128xf32, #tpu.memory_space<vmem>>) target(%dma_start3A_170 : memref<10016x128xf32, #tpu.memory_space<vmem_shared>>) offsets(%dma_start3A_167 : memref<128xi32, #tpu.memory_space<vmem>>) semaphore(%arg19 : memref<!tpu.dma_semaphore, #tpu.memory_space<semaphore_mem>>) {add = true}
      %dma_wait3A_171 = arith.constant 0 : i32
      %dma_wait3A_172 = arith.constant 0 : i32
      %dma_wait3A_173 = tpu.memref_slice %arg10[%dma_wait3A_171, %dma_wait3A_172] : memref<8x128xi32, #tpu.memory_space<vmem>> -> memref<1x128xi32, #tpu.memory_space<vmem>>
      %dma_wait3A_174 = tpu.memref_squeeze %dma_wait3A_173 : memref<1x128xi32, #tpu.memory_space<vmem>> -> memref<128xi32, #tpu.memory_space<vmem>>
      %dma_wait3A_175 = arith.constant 0 : i32
      %dma_wait3A_176 = arith.constant 0 : i32
      %dma_wait3A_177 = tpu.memref_slice %arg7[%dma_wait3A_175, %dma_wait3A_176] : memref<10016x128xf32, #tpu.memory_space<vmem_shared>> -> memref<10016x128xf32, #tpu.memory_space<vmem_shared>>
      tpu.wait_indirect_dma semaphore(%arg19 : memref<!tpu.dma_semaphore, #tpu.memory_space<semaphore_mem>>) src(%arg13 : memref<128x128xf32, #tpu.memory_space<vmem>>) dst(%dma_wait3A_177 : memref<10016x128xf32, #tpu.memory_space<vmem_shared>>)
      %dma_start3A_178 = arith.constant 3 : i32
      %dma_start3A_179 = arith.constant 0 : i32
      %dma_start3A_180 = tpu.memref_slice %arg8[%dma_start3A_178, %dma_start3A_179] : memref<8x128xi32, #tpu.memory_space<vmem>> -> memref<1x128xi32, #tpu.memory_space<vmem>>
      %dma_start3A_181 = tpu.memref_squeeze %dma_start3A_180 : memref<1x128xi32, #tpu.memory_space<vmem>> -> memref<128xi32, #tpu.memory_space<vmem>>
      %dma_start3A_182 = arith.constant 0 : i32
      %dma_start3A_183 = arith.constant 0 : i32
      %dma_start3A_184 = tpu.memref_slice %arg2[%dma_start3A_182, %dma_start3A_183] : memref<10000x128xf32, #tpu.memory_space<hbm>> -> memref<10000x128xf32, #tpu.memory_space<hbm>>
      tpu.enqueue_indirect_dma source(%dma_start3A_184 : memref<10000x128xf32, #tpu.memory_space<hbm>>) target(%arg13 : memref<128x128xf32, #tpu.memory_space<vmem>>) offsets(%dma_start3A_181 : memref<128xi32, #tpu.memory_space<vmem>>) semaphore(%arg17 : memref<!tpu.dma_semaphore, #tpu.memory_space<semaphore_mem>>)
      %dma_wait3A_185 = arith.constant 0 : i32
      %dma_wait3A_186 = arith.constant 0 : i32
      %dma_wait3A_187 = tpu.memref_slice %arg8[%dma_wait3A_185, %dma_wait3A_186] : memref<8x128xi32, #tpu.memory_space<vmem>> -> memref<1x128xi32, #tpu.memory_space<vmem>>
      %dma_wait3A_188 = tpu.memref_squeeze %dma_wait3A_187 : memref<1x128xi32, #tpu.memory_space<vmem>> -> memref<128xi32, #tpu.memory_space<vmem>>
      %dma_wait3A_189 = arith.constant 0 : i32
      %dma_wait3A_190 = arith.constant 0 : i32
      %dma_wait3A_191 = tpu.memref_slice %arg2[%dma_wait3A_189, %dma_wait3A_190] : memref<10000x128xf32, #tpu.memory_space<hbm>> -> memref<10000x128xf32, #tpu.memory_space<hbm>>
      tpu.wait_indirect_dma semaphore(%arg16 : memref<!tpu.dma_semaphore, #tpu.memory_space<semaphore_mem>>) src(%dma_wait3A_191 : memref<10000x128xf32, #tpu.memory_space<hbm>>) dst(%arg12 : memref<128x128xf32, #tpu.memory_space<vmem>>)
      %dma_start3A_192 = arith.constant 2 : i32
      %dma_start3A_193 = arith.constant 0 : i32
      %dma_start3A_194 = tpu.memref_slice %arg10[%dma_start3A_192, %dma_start3A_193] : memref<8x128xi32, #tpu.memory_space<vmem>> -> memref<1x128xi32, #tpu.memory_space<vmem>>
      %dma_start3A_195 = tpu.memref_squeeze %dma_start3A_194 : memref<1x128xi32, #tpu.memory_space<vmem>> -> memref<128xi32, #tpu.memory_space<vmem>>
      %dma_start3A_196 = arith.constant 0 : i32
      %dma_start3A_197 = arith.constant 0 : i32
      %dma_start3A_198 = tpu.memref_slice %arg7[%dma_start3A_196, %dma_start3A_197] : memref<10016x128xf32, #tpu.memory_space<vmem_shared>> -> memref<10016x128xf32, #tpu.memory_space<vmem_shared>>
      tpu.enqueue_indirect_dma source(%arg12 : memref<128x128xf32, #tpu.memory_space<vmem>>) target(%dma_start3A_198 : memref<10016x128xf32, #tpu.memory_space<vmem_shared>>) offsets(%dma_start3A_195 : memref<128xi32, #tpu.memory_space<vmem>>) semaphore(%arg18 : memref<!tpu.dma_semaphore, #tpu.memory_space<semaphore_mem>>) {add = true}
      %dma_wait3A_199 = arith.constant 0 : i32
      %dma_wait3A_200 = arith.constant 0 : i32
      %dma_wait3A_201 = tpu.memref_slice %arg10[%dma_wait3A_199, %dma_wait3A_200] : memref<8x128xi32, #tpu.memory_space<vmem>> -> memref<1x128xi32, #tpu.memory_space<vmem>>
      %dma_wait3A_202 = tpu.memref_squeeze %dma_wait3A_201 : memref<1x128xi32, #tpu.memory_space<vmem>> -> memref<128xi32, #tpu.memory_space<vmem>>
      %dma_wait3A_203 = arith.constant 0 : i32
      %dma_wait3A_204 = arith.constant 0 : i32
      %dma_wait3A_205 = tpu.memref_slice %arg7[%dma_wait3A_203, %dma_wait3A_204] : memref<10016x128xf32, #tpu.memory_space<vmem_shared>> -> memref<10016x128xf32, #tpu.memory_space<vmem_shared>>
      tpu.wait_indirect_dma semaphore(%arg18 : memref<!tpu.dma_semaphore, #tpu.memory_space<semaphore_mem>>) src(%arg12 : memref<128x128xf32, #tpu.memory_space<vmem>>) dst(%dma_wait3A_205 : memref<10016x128xf32, #tpu.memory_space<vmem_shared>>)
      %dma_start3A_206 = arith.constant 4 : i32
      %dma_start3A_207 = arith.constant 0 : i32
      %dma_start3A_208 = tpu.memref_slice %arg8[%dma_start3A_206, %dma_start3A_207] : memref<8x128xi32, #tpu.memory_space<vmem>> -> memref<1x128xi32, #tpu.memory_space<vmem>>
      %dma_start3A_209 = tpu.memref_squeeze %dma_start3A_208 : memref<1x128xi32, #tpu.memory_space<vmem>> -> memref<128xi32, #tpu.memory_space<vmem>>
      %dma_start3A_210 = arith.constant 0 : i32
      %dma_start3A_211 = arith.constant 0 : i32
      %dma_start3A_212 = tpu.memref_slice %arg2[%dma_start3A_210, %dma_start3A_211] : memref<10000x128xf32, #tpu.memory_space<hbm>> -> memref<10000x128xf32, #tpu.memory_space<hbm>>
      tpu.enqueue_indirect_dma source(%dma_start3A_212 : memref<10000x128xf32, #tpu.memory_space<hbm>>) target(%arg12 : memref<128x128xf32, #tpu.memory_space<vmem>>) offsets(%dma_start3A_209 : memref<128xi32, #tpu.memory_space<vmem>>) semaphore(%arg16 : memref<!tpu.dma_semaphore, #tpu.memory_space<semaphore_mem>>)
      %dma_wait3A_213 = arith.constant 0 : i32
      %dma_wait3A_214 = arith.constant 0 : i32
      %dma_wait3A_215 = tpu.memref_slice %arg8[%dma_wait3A_213, %dma_wait3A_214] : memref<8x128xi32, #tpu.memory_space<vmem>> -> memref<1x128xi32, #tpu.memory_space<vmem>>
      %dma_wait3A_216 = tpu.memref_squeeze %dma_wait3A_215 : memref<1x128xi32, #tpu.memory_space<vmem>> -> memref<128xi32, #tpu.memory_space<vmem>>
      %dma_wait3A_217 = arith.constant 0 : i32
      %dma_wait3A_218 = arith.constant 0 : i32
      %dma_wait3A_219 = tpu.memref_slice %arg2[%dma_wait3A_217, %dma_wait3A_218] : memref<10000x128xf32, #tpu.memory_space<hbm>> -> memref<10000x128xf32, #tpu.memory_space<hbm>>
      tpu.wait_indirect_dma semaphore(%arg17 : memref<!tpu.dma_semaphore, #tpu.memory_space<semaphore_mem>>) src(%dma_wait3A_219 : memref<10000x128xf32, #tpu.memory_space<hbm>>) dst(%arg13 : memref<128x128xf32, #tpu.memory_space<vmem>>)
      %dma_start3A_220 = arith.constant 3 : i32
      %dma_start3A_221 = arith.constant 0 : i32
      %dma_start3A_222 = tpu.memref_slice %arg10[%dma_start3A_220, %dma_start3A_221] : memref<8x128xi32, #tpu.memory_space<vmem>> -> memref<1x128xi32, #tpu.memory_space<vmem>>
      %dma_start3A_223 = tpu.memref_squeeze %dma_start3A_222 : memref<1x128xi32, #tpu.memory_space<vmem>> -> memref<128xi32, #tpu.memory_space<vmem>>
      %dma_start3A_224 = arith.constant 0 : i32
      %dma_start3A_225 = arith.constant 0 : i32
      %dma_start3A_226 = tpu.memref_slice %arg7[%dma_start3A_224, %dma_start3A_225] : memref<10016x128xf32, #tpu.memory_space<vmem_shared>> -> memref<10016x128xf32, #tpu.memory_space<vmem_shared>>
      tpu.enqueue_indirect_dma source(%arg13 : memref<128x128xf32, #tpu.memory_space<vmem>>) target(%dma_start3A_226 : memref<10016x128xf32, #tpu.memory_space<vmem_shared>>) offsets(%dma_start3A_223 : memref<128xi32, #tpu.memory_space<vmem>>) semaphore(%arg19 : memref<!tpu.dma_semaphore, #tpu.memory_space<semaphore_mem>>) {add = true}
      %dma_wait3A_227 = arith.constant 0 : i32
      %dma_wait3A_228 = arith.constant 0 : i32
      %dma_wait3A_229 = tpu.memref_slice %arg10[%dma_wait3A_227, %dma_wait3A_228] : memref<8x128xi32, #tpu.memory_space<vmem>> -> memref<1x128xi32, #tpu.memory_space<vmem>>
      %dma_wait3A_230 = tpu.memref_squeeze %dma_wait3A_229 : memref<1x128xi32, #tpu.memory_space<vmem>> -> memref<128xi32, #tpu.memory_space<vmem>>
      %dma_wait3A_231 = arith.constant 0 : i32
      %dma_wait3A_232 = arith.constant 0 : i32
      %dma_wait3A_233 = tpu.memref_slice %arg7[%dma_wait3A_231, %dma_wait3A_232] : memref<10016x128xf32, #tpu.memory_space<vmem_shared>> -> memref<10016x128xf32, #tpu.memory_space<vmem_shared>>
      tpu.wait_indirect_dma semaphore(%arg19 : memref<!tpu.dma_semaphore, #tpu.memory_space<semaphore_mem>>) src(%arg13 : memref<128x128xf32, #tpu.memory_space<vmem>>) dst(%dma_wait3A_233 : memref<10016x128xf32, #tpu.memory_space<vmem_shared>>)
      %dma_start3A_234 = arith.constant 5 : i32
      %dma_start3A_235 = arith.constant 0 : i32
      %dma_start3A_236 = tpu.memref_slice %arg8[%dma_start3A_234, %dma_start3A_235] : memref<8x128xi32, #tpu.memory_space<vmem>> -> memref<1x128xi32, #tpu.memory_space<vmem>>
      %dma_start3A_237 = tpu.memref_squeeze %dma_start3A_236 : memref<1x128xi32, #tpu.memory_space<vmem>> -> memref<128xi32, #tpu.memory_space<vmem>>
      %dma_start3A_238 = arith.constant 0 : i32
      %dma_start3A_239 = arith.constant 0 : i32
      %dma_start3A_240 = tpu.memref_slice %arg2[%dma_start3A_238, %dma_start3A_239] : memref<10000x128xf32, #tpu.memory_space<hbm>> -> memref<10000x128xf32, #tpu.memory_space<hbm>>
      tpu.enqueue_indirect_dma source(%dma_start3A_240 : memref<10000x128xf32, #tpu.memory_space<hbm>>) target(%arg13 : memref<128x128xf32, #tpu.memory_space<vmem>>) offsets(%dma_start3A_237 : memref<128xi32, #tpu.memory_space<vmem>>) semaphore(%arg17 : memref<!tpu.dma_semaphore, #tpu.memory_space<semaphore_mem>>)
      %dma_wait3A_241 = arith.constant 0 : i32
      %dma_wait3A_242 = arith.constant 0 : i32
      %dma_wait3A_243 = tpu.memref_slice %arg8[%dma_wait3A_241, %dma_wait3A_242] : memref<8x128xi32, #tpu.memory_space<vmem>> -> memref<1x128xi32, #tpu.memory_space<vmem>>
      %dma_wait3A_244 = tpu.memref_squeeze %dma_wait3A_243 : memref<1x128xi32, #tpu.memory_space<vmem>> -> memref<128xi32, #tpu.memory_space<vmem>>
      %dma_wait3A_245 = arith.constant 0 : i32
      %dma_wait3A_246 = arith.constant 0 : i32
      %dma_wait3A_247 = tpu.memref_slice %arg2[%dma_wait3A_245, %dma_wait3A_246] : memref<10000x128xf32, #tpu.memory_space<hbm>> -> memref<10000x128xf32, #tpu.memory_space<hbm>>
      tpu.wait_indirect_dma semaphore(%arg16 : memref<!tpu.dma_semaphore, #tpu.memory_space<semaphore_mem>>) src(%dma_wait3A_247 : memref<10000x128xf32, #tpu.memory_space<hbm>>) dst(%arg12 : memref<128x128xf32, #tpu.memory_space<vmem>>)
      %dma_start3A_248 = arith.constant 4 : i32
      %dma_start3A_249 = arith.constant 0 : i32
      %dma_start3A_250 = tpu.memref_slice %arg10[%dma_start3A_248, %dma_start3A_249] : memref<8x128xi32, #tpu.memory_space<vmem>> -> memref<1x128xi32, #tpu.memory_space<vmem>>
      %dma_start3A_251 = tpu.memref_squeeze %dma_start3A_250 : memref<1x128xi32, #tpu.memory_space<vmem>> -> memref<128xi32, #tpu.memory_space<vmem>>
      %dma_start3A_252 = arith.constant 0 : i32
      %dma_start3A_253 = arith.constant 0 : i32
      %dma_start3A_254 = tpu.memref_slice %arg7[%dma_start3A_252, %dma_start3A_253] : memref<10016x128xf32, #tpu.memory_space<vmem_shared>> -> memref<10016x128xf32, #tpu.memory_space<vmem_shared>>
      tpu.enqueue_indirect_dma source(%arg12 : memref<128x128xf32, #tpu.memory_space<vmem>>) target(%dma_start3A_254 : memref<10016x128xf32, #tpu.memory_space<vmem_shared>>) offsets(%dma_start3A_251 : memref<128xi32, #tpu.memory_space<vmem>>) semaphore(%arg18 : memref<!tpu.dma_semaphore, #tpu.memory_space<semaphore_mem>>) {add = true}
      %dma_wait3A_255 = arith.constant 0 : i32
      %dma_wait3A_256 = arith.constant 0 : i32
      %dma_wait3A_257 = tpu.memref_slice %arg10[%dma_wait3A_255, %dma_wait3A_256] : memref<8x128xi32, #tpu.memory_space<vmem>> -> memref<1x128xi32, #tpu.memory_space<vmem>>
      %dma_wait3A_258 = tpu.memref_squeeze %dma_wait3A_257 : memref<1x128xi32, #tpu.memory_space<vmem>> -> memref<128xi32, #tpu.memory_space<vmem>>
      %dma_wait3A_259 = arith.constant 0 : i32
      %dma_wait3A_260 = arith.constant 0 : i32
      %dma_wait3A_261 = tpu.memref_slice %arg7[%dma_wait3A_259, %dma_wait3A_260] : memref<10016x128xf32, #tpu.memory_space<vmem_shared>> -> memref<10016x128xf32, #tpu.memory_space<vmem_shared>>
      tpu.wait_indirect_dma semaphore(%arg18 : memref<!tpu.dma_semaphore, #tpu.memory_space<semaphore_mem>>) src(%arg12 : memref<128x128xf32, #tpu.memory_space<vmem>>) dst(%dma_wait3A_261 : memref<10016x128xf32, #tpu.memory_space<vmem_shared>>)
      %dma_start3A_262 = arith.constant 6 : i32
      %dma_start3A_263 = arith.constant 0 : i32
      %dma_start3A_264 = tpu.memref_slice %arg8[%dma_start3A_262, %dma_start3A_263] : memref<8x128xi32, #tpu.memory_space<vmem>> -> memref<1x128xi32, #tpu.memory_space<vmem>>
      %dma_start3A_265 = tpu.memref_squeeze %dma_start3A_264 : memref<1x128xi32, #tpu.memory_space<vmem>> -> memref<128xi32, #tpu.memory_space<vmem>>
      %dma_start3A_266 = arith.constant 0 : i32
      %dma_start3A_267 = arith.constant 0 : i32
      %dma_start3A_268 = tpu.memref_slice %arg2[%dma_start3A_266, %dma_start3A_267] : memref<10000x128xf32, #tpu.memory_space<hbm>> -> memref<10000x128xf32, #tpu.memory_space<hbm>>
      tpu.enqueue_indirect_dma source(%dma_start3A_268 : memref<10000x128xf32, #tpu.memory_space<hbm>>) target(%arg12 : memref<128x128xf32, #tpu.memory_space<vmem>>) offsets(%dma_start3A_265 : memref<128xi32, #tpu.memory_space<vmem>>) semaphore(%arg16 : memref<!tpu.dma_semaphore, #tpu.memory_space<semaphore_mem>>)
      %dma_wait3A_269 = arith.constant 0 : i32
      %dma_wait3A_270 = arith.constant 0 : i32
      %dma_wait3A_271 = tpu.memref_slice %arg8[%dma_wait3A_269, %dma_wait3A_270] : memref<8x128xi32, #tpu.memory_space<vmem>> -> memref<1x128xi32, #tpu.memory_space<vmem>>
      %dma_wait3A_272 = tpu.memref_squeeze %dma_wait3A_271 : memref<1x128xi32, #tpu.memory_space<vmem>> -> memref<128xi32, #tpu.memory_space<vmem>>
      %dma_wait3A_273 = arith.constant 0 : i32
      %dma_wait3A_274 = arith.constant 0 : i32
      %dma_wait3A_275 = tpu.memref_slice %arg2[%dma_wait3A_273, %dma_wait3A_274] : memref<10000x128xf32, #tpu.memory_space<hbm>> -> memref<10000x128xf32, #tpu.memory_space<hbm>>
      tpu.wait_indirect_dma semaphore(%arg17 : memref<!tpu.dma_semaphore, #tpu.memory_space<semaphore_mem>>) src(%dma_wait3A_275 : memref<10000x128xf32, #tpu.memory_space<hbm>>) dst(%arg13 : memref<128x128xf32, #tpu.memory_space<vmem>>)
      %dma_start3A_276 = arith.constant 5 : i32
      %dma_start3A_277 = arith.constant 0 : i32
      %dma_start3A_278 = tpu.memref_slice %arg10[%dma_start3A_276, %dma_start3A_277] : memref<8x128xi32, #tpu.memory_space<vmem>> -> memref<1x128xi32, #tpu.memory_space<vmem>>
      %dma_start3A_279 = tpu.memref_squeeze %dma_start3A_278 : memref<1x128xi32, #tpu.memory_space<vmem>> -> memref<128xi32, #tpu.memory_space<vmem>>
      %dma_start3A_280 = arith.constant 0 : i32
      %dma_start3A_281 = arith.constant 0 : i32
      %dma_start3A_282 = tpu.memref_slice %arg7[%dma_start3A_280, %dma_start3A_281] : memref<10016x128xf32, #tpu.memory_space<vmem_shared>> -> memref<10016x128xf32, #tpu.memory_space<vmem_shared>>
      tpu.enqueue_indirect_dma source(%arg13 : memref<128x128xf32, #tpu.memory_space<vmem>>) target(%dma_start3A_282 : memref<10016x128xf32, #tpu.memory_space<vmem_shared>>) offsets(%dma_start3A_279 : memref<128xi32, #tpu.memory_space<vmem>>) semaphore(%arg19 : memref<!tpu.dma_semaphore, #tpu.memory_space<semaphore_mem>>) {add = true}
      %dma_wait3A_283 = arith.constant 0 : i32
      %dma_wait3A_284 = arith.constant 0 : i32
      %dma_wait3A_285 = tpu.memref_slice %arg10[%dma_wait3A_283, %dma_wait3A_284] : memref<8x128xi32, #tpu.memory_space<vmem>> -> memref<1x128xi32, #tpu.memory_space<vmem>>
      %dma_wait3A_286 = tpu.memref_squeeze %dma_wait3A_285 : memref<1x128xi32, #tpu.memory_space<vmem>> -> memref<128xi32, #tpu.memory_space<vmem>>
      %dma_wait3A_287 = arith.constant 0 : i32
      %dma_wait3A_288 = arith.constant 0 : i32
      %dma_wait3A_289 = tpu.memref_slice %arg7[%dma_wait3A_287, %dma_wait3A_288] : memref<10016x128xf32, #tpu.memory_space<vmem_shared>> -> memref<10016x128xf32, #tpu.memory_space<vmem_shared>>
      tpu.wait_indirect_dma semaphore(%arg19 : memref<!tpu.dma_semaphore, #tpu.memory_space<semaphore_mem>>) src(%arg13 : memref<128x128xf32, #tpu.memory_space<vmem>>) dst(%dma_wait3A_289 : memref<10016x128xf32, #tpu.memory_space<vmem_shared>>)
      %dma_start3A_290 = arith.constant 7 : i32
      %dma_start3A_291 = arith.constant 0 : i32
      %dma_start3A_292 = tpu.memref_slice %arg8[%dma_start3A_290, %dma_start3A_291] : memref<8x128xi32, #tpu.memory_space<vmem>> -> memref<1x128xi32, #tpu.memory_space<vmem>>
      %dma_start3A_293 = tpu.memref_squeeze %dma_start3A_292 : memref<1x128xi32, #tpu.memory_space<vmem>> -> memref<128xi32, #tpu.memory_space<vmem>>
      %dma_start3A_294 = arith.constant 0 : i32
      %dma_start3A_295 = arith.constant 0 : i32
      %dma_start3A_296 = tpu.memref_slice %arg2[%dma_start3A_294, %dma_start3A_295] : memref<10000x128xf32, #tpu.memory_space<hbm>> -> memref<10000x128xf32, #tpu.memory_space<hbm>>
      tpu.enqueue_indirect_dma source(%dma_start3A_296 : memref<10000x128xf32, #tpu.memory_space<hbm>>) target(%arg13 : memref<128x128xf32, #tpu.memory_space<vmem>>) offsets(%dma_start3A_293 : memref<128xi32, #tpu.memory_space<vmem>>) semaphore(%arg17 : memref<!tpu.dma_semaphore, #tpu.memory_space<semaphore_mem>>)
      %dma_wait3A_297 = arith.constant 0 : i32
      %dma_wait3A_298 = arith.constant 0 : i32
      %dma_wait3A_299 = tpu.memref_slice %arg8[%dma_wait3A_297, %dma_wait3A_298] : memref<8x128xi32, #tpu.memory_space<vmem>> -> memref<1x128xi32, #tpu.memory_space<vmem>>
      %dma_wait3A_300 = tpu.memref_squeeze %dma_wait3A_299 : memref<1x128xi32, #tpu.memory_space<vmem>> -> memref<128xi32, #tpu.memory_space<vmem>>
      %dma_wait3A_301 = arith.constant 0 : i32
      %dma_wait3A_302 = arith.constant 0 : i32
      %dma_wait3A_303 = tpu.memref_slice %arg2[%dma_wait3A_301, %dma_wait3A_302] : memref<10000x128xf32, #tpu.memory_space<hbm>> -> memref<10000x128xf32, #tpu.memory_space<hbm>>
      tpu.wait_indirect_dma semaphore(%arg16 : memref<!tpu.dma_semaphore, #tpu.memory_space<semaphore_mem>>) src(%dma_wait3A_303 : memref<10000x128xf32, #tpu.memory_space<hbm>>) dst(%arg12 : memref<128x128xf32, #tpu.memory_space<vmem>>)
      %dma_start3A_304 = arith.constant 6 : i32
      %dma_start3A_305 = arith.constant 0 : i32
      %dma_start3A_306 = tpu.memref_slice %arg10[%dma_start3A_304, %dma_start3A_305] : memref<8x128xi32, #tpu.memory_space<vmem>> -> memref<1x128xi32, #tpu.memory_space<vmem>>
      %dma_start3A_307 = tpu.memref_squeeze %dma_start3A_306 : memref<1x128xi32, #tpu.memory_space<vmem>> -> memref<128xi32, #tpu.memory_space<vmem>>
      %dma_start3A_308 = arith.constant 0 : i32
      %dma_start3A_309 = arith.constant 0 : i32
      %dma_start3A_310 = tpu.memref_slice %arg7[%dma_start3A_308, %dma_start3A_309] : memref<10016x128xf32, #tpu.memory_space<vmem_shared>> -> memref<10016x128xf32, #tpu.memory_space<vmem_shared>>
      tpu.enqueue_indirect_dma source(%arg12 : memref<128x128xf32, #tpu.memory_space<vmem>>) target(%dma_start3A_310 : memref<10016x128xf32, #tpu.memory_space<vmem_shared>>) offsets(%dma_start3A_307 : memref<128xi32, #tpu.memory_space<vmem>>) semaphore(%arg18 : memref<!tpu.dma_semaphore, #tpu.memory_space<semaphore_mem>>) {add = true}
      %dma_wait3A_311 = arith.constant 0 : i32
      %dma_wait3A_312 = arith.constant 0 : i32
      %dma_wait3A_313 = tpu.memref_slice %arg10[%dma_wait3A_311, %dma_wait3A_312] : memref<8x128xi32, #tpu.memory_space<vmem>> -> memref<1x128xi32, #tpu.memory_space<vmem>>
      %dma_wait3A_314 = tpu.memref_squeeze %dma_wait3A_313 : memref<1x128xi32, #tpu.memory_space<vmem>> -> memref<128xi32, #tpu.memory_space<vmem>>
      %dma_wait3A_315 = arith.constant 0 : i32
      %dma_wait3A_316 = arith.constant 0 : i32
      %dma_wait3A_317 = tpu.memref_slice %arg7[%dma_wait3A_315, %dma_wait3A_316] : memref<10016x128xf32, #tpu.memory_space<vmem_shared>> -> memref<10016x128xf32, #tpu.memory_space<vmem_shared>>
      tpu.wait_indirect_dma semaphore(%arg18 : memref<!tpu.dma_semaphore, #tpu.memory_space<semaphore_mem>>) src(%arg12 : memref<128x128xf32, #tpu.memory_space<vmem>>) dst(%dma_wait3A_317 : memref<10016x128xf32, #tpu.memory_space<vmem_shared>>)
      %dma_wait3A_318 = arith.constant 0 : i32
      %dma_wait3A_319 = arith.constant 0 : i32
      %dma_wait3A_320 = tpu.memref_slice %arg3[%add3A, %dma_wait3A_318, %dma_wait3A_319] : memref<32x80x128xi32, #tpu.memory_space<hbm>> -> memref<1x8x128xi32, #tpu.memory_space<hbm>>
      %dma_wait3A_321 = tpu.memref_squeeze %dma_wait3A_320 : memref<1x8x128xi32, #tpu.memory_space<hbm>> -> memref<8x128xi32, #tpu.memory_space<hbm>>
      %dma_wait3A_322 = arith.constant 0 : i32
      %dma_wait3A_323 = arith.constant 0 : i32
      %dma_wait3A_324 = tpu.memref_slice %arg3[%add3A, %dma_wait3A_322, %dma_wait3A_323] : memref<32x80x128xi32, #tpu.memory_space<hbm>> -> memref<1x8x128xi32, #tpu.memory_space<hbm>>
      %dma_wait3A_325 = tpu.memref_squeeze %dma_wait3A_324 : memref<1x8x128xi32, #tpu.memory_space<hbm>> -> memref<8x128xi32, #tpu.memory_space<hbm>>
      tpu.wait_dma2 semaphore(%arg15 : memref<!tpu.dma_semaphore, #tpu.memory_space<semaphore_mem>>) src(%dma_wait3A_325 : memref<8x128xi32, #tpu.memory_space<hbm>>) dst(%arg9 : memref<8x128xi32, #tpu.memory_space<vmem>>)
      %dma_wait3A_326 = arith.constant 0 : i32
      %dma_wait3A_327 = arith.constant 0 : i32
      %dma_wait3A_328 = tpu.memref_slice %arg4[%add3A, %dma_wait3A_326, %dma_wait3A_327] : memref<32x80x128xi32, #tpu.memory_space<hbm>> -> memref<1x8x128xi32, #tpu.memory_space<hbm>>
      %dma_wait3A_329 = tpu.memref_squeeze %dma_wait3A_328 : memref<1x8x128xi32, #tpu.memory_space<hbm>> -> memref<8x128xi32, #tpu.memory_space<hbm>>
      %dma_wait3A_330 = arith.constant 0 : i32
      %dma_wait3A_331 = arith.constant 0 : i32
      %dma_wait3A_332 = tpu.memref_slice %arg4[%add3A, %dma_wait3A_330, %dma_wait3A_331] : memref<32x80x128xi32, #tpu.memory_space<hbm>> -> memref<1x8x128xi32, #tpu.memory_space<hbm>>
      %dma_wait3A_333 = tpu.memref_squeeze %dma_wait3A_332 : memref<1x8x128xi32, #tpu.memory_space<hbm>> -> memref<8x128xi32, #tpu.memory_space<hbm>>
      tpu.wait_dma2 semaphore(%arg15 : memref<!tpu.dma_semaphore, #tpu.memory_space<semaphore_mem>>) src(%dma_wait3A_333 : memref<8x128xi32, #tpu.memory_space<hbm>>) dst(%arg11 : memref<8x128xi32, #tpu.memory_space<vmem>>)
      %dma_start3A_334 = arith.constant 0 : i32
      %dma_start3A_335 = arith.constant 0 : i32
      %dma_start3A_336 = tpu.memref_slice %arg9[%dma_start3A_334, %dma_start3A_335] : memref<8x128xi32, #tpu.memory_space<vmem>> -> memref<1x128xi32, #tpu.memory_space<vmem>>
      %dma_start3A_337 = tpu.memref_squeeze %dma_start3A_336 : memref<1x128xi32, #tpu.memory_space<vmem>> -> memref<128xi32, #tpu.memory_space<vmem>>
      %dma_start3A_338 = arith.constant 0 : i32
      %dma_start3A_339 = arith.constant 0 : i32
      %dma_start3A_340 = tpu.memref_slice %arg2[%dma_start3A_338, %dma_start3A_339] : memref<10000x128xf32, #tpu.memory_space<hbm>> -> memref<10000x128xf32, #tpu.memory_space<hbm>>
      tpu.enqueue_indirect_dma source(%dma_start3A_340 : memref<10000x128xf32, #tpu.memory_space<hbm>>) target(%arg12 : memref<128x128xf32, #tpu.memory_space<vmem>>) offsets(%dma_start3A_337 : memref<128xi32, #tpu.memory_space<vmem>>) semaphore(%arg16 : memref<!tpu.dma_semaphore, #tpu.memory_space<semaphore_mem>>)
      %dma_wait3A_341 = arith.constant 0 : i32
      %dma_wait3A_342 = arith.constant 0 : i32
      %dma_wait3A_343 = tpu.memref_slice %arg8[%dma_wait3A_341, %dma_wait3A_342] : memref<8x128xi32, #tpu.memory_space<vmem>> -> memref<1x128xi32, #tpu.memory_space<vmem>>
      %dma_wait3A_344 = tpu.memref_squeeze %dma_wait3A_343 : memref<1x128xi32, #tpu.memory_space<vmem>> -> memref<128xi32, #tpu.memory_space<vmem>>
      %dma_wait3A_345 = arith.constant 0 : i32
      %dma_wait3A_346 = arith.constant 0 : i32
      %dma_wait3A_347 = tpu.memref_slice %arg2[%dma_wait3A_345, %dma_wait3A_346] : memref<10000x128xf32, #tpu.memory_space<hbm>> -> memref<10000x128xf32, #tpu.memory_space<hbm>>
      tpu.wait_indirect_dma semaphore(%arg17 : memref<!tpu.dma_semaphore, #tpu.memory_space<semaphore_mem>>) src(%dma_wait3A_347 : memref<10000x128xf32, #tpu.memory_space<hbm>>) dst(%arg13 : memref<128x128xf32, #tpu.memory_space<vmem>>)
      %dma_start3A_348 = arith.constant 7 : i32
      %dma_start3A_349 = arith.constant 0 : i32
      %dma_start3A_350 = tpu.memref_slice %arg10[%dma_start3A_348, %dma_start3A_349] : memref<8x128xi32, #tpu.memory_space<vmem>> -> memref<1x128xi32, #tpu.memory_space<vmem>>
      %dma_start3A_351 = tpu.memref_squeeze %dma_start3A_350 : memref<1x128xi32, #tpu.memory_space<vmem>> -> memref<128xi32, #tpu.memory_space<vmem>>
      %dma_start3A_352 = arith.constant 0 : i32
      %dma_start3A_353 = arith.constant 0 : i32
      %dma_start3A_354 = tpu.memref_slice %arg7[%dma_start3A_352, %dma_start3A_353] : memref<10016x128xf32, #tpu.memory_space<vmem_shared>> -> memref<10016x128xf32, #tpu.memory_space<vmem_shared>>
      tpu.enqueue_indirect_dma source(%arg13 : memref<128x128xf32, #tpu.memory_space<vmem>>) target(%dma_start3A_354 : memref<10016x128xf32, #tpu.memory_space<vmem_shared>>) offsets(%dma_start3A_351 : memref<128xi32, #tpu.memory_space<vmem>>) semaphore(%arg19 : memref<!tpu.dma_semaphore, #tpu.memory_space<semaphore_mem>>) {add = true}
      %dma_wait3A_355 = arith.constant 0 : i32
      %dma_wait3A_356 = arith.constant 0 : i32
      %dma_wait3A_357 = tpu.memref_slice %arg10[%dma_wait3A_355, %dma_wait3A_356] : memref<8x128xi32, #tpu.memory_space<vmem>> -> memref<1x128xi32, #tpu.memory_space<vmem>>
      %dma_wait3A_358 = tpu.memref_squeeze %dma_wait3A_357 : memref<1x128xi32, #tpu.memory_space<vmem>> -> memref<128xi32, #tpu.memory_space<vmem>>
      %dma_wait3A_359 = arith.constant 0 : i32
      %dma_wait3A_360 = arith.constant 0 : i32
      %dma_wait3A_361 = tpu.memref_slice %arg7[%dma_wait3A_359, %dma_wait3A_360] : memref<10016x128xf32, #tpu.memory_space<vmem_shared>> -> memref<10016x128xf32, #tpu.memory_space<vmem_shared>>
      tpu.wait_indirect_dma semaphore(%arg19 : memref<!tpu.dma_semaphore, #tpu.memory_space<semaphore_mem>>) src(%arg13 : memref<128x128xf32, #tpu.memory_space<vmem>>) dst(%dma_wait3A_361 : memref<10016x128xf32, #tpu.memory_space<vmem_shared>>)
      %add3A_362 = arith.constant 2 : i32
      %add3A_363 = arith.addi %mul3A_117, %add3A_362 : i32
      %lt3A_364 = arith.constant 10 : i32
      %lt3A_365 = arith.cmpi slt, %add3A_363, %lt3A_364 : i32
      %convert_element_type3A_366 = arith.extui %lt3A_365 : i1 to i32
      %cond3A_367 = arith.constant 0 : i32
      %cond3A_368 = arith.cmpi ne, %convert_element_type3A_366, %cond3A_367 : i32
      scf.if %cond3A_368 {
        %add3A_586 = arith.constant 2 : i32
        %add3A_587 = arith.addi %mul3A_117, %add3A_586 : i32
        %mul3A_588 = arith.constant 8 : i32
        %mul3A_589 = arith.muli %mul3A_588, %add3A_587 : i32
        %dma_start3A_590 = arith.constant 0 : i32
        %dma_start3A_591 = tpu.memref_slice %arg3[%add3A, %mul3A_589, %dma_start3A_590] : memref<32x80x128xi32, #tpu.memory_space<hbm>> -> memref<1x8x128xi32, #tpu.memory_space<hbm>>
        %dma_start3A_592 = tpu.memref_squeeze %dma_start3A_591 : memref<1x8x128xi32, #tpu.memory_space<hbm>> -> memref<8x128xi32, #tpu.memory_space<hbm>>
        %dma_start3A_593 = arith.constant 0 : i32
        %dma_start3A_594 = tpu.memref_slice %arg3[%add3A, %mul3A_589, %dma_start3A_593] : memref<32x80x128xi32, #tpu.memory_space<hbm>> -> memref<1x8x128xi32, #tpu.memory_space<hbm>>
        %dma_start3A_595 = tpu.memref_squeeze %dma_start3A_594 : memref<1x8x128xi32, #tpu.memory_space<hbm>> -> memref<8x128xi32, #tpu.memory_space<hbm>>
        tpu.enqueue_dma source(%dma_start3A_595 : memref<8x128xi32, #tpu.memory_space<hbm>>) target(%arg8 : memref<8x128xi32, #tpu.memory_space<vmem>>) target_semaphore(%arg14 : memref<!tpu.dma_semaphore, #tpu.memory_space<semaphore_mem>>)
        %mul3A_596 = arith.constant 8 : i32
        %mul3A_597 = arith.muli %mul3A_596, %add3A_587 : i32
        %dma_start3A_598 = arith.constant 0 : i32
        %dma_start3A_599 = tpu.memref_slice %arg4[%add3A, %mul3A_597, %dma_start3A_598] : memref<32x80x128xi32, #tpu.memory_space<hbm>> -> memref<1x8x128xi32, #tpu.memory_space<hbm>>
        %dma_start3A_600 = tpu.memref_squeeze %dma_start3A_599 : memref<1x8x128xi32, #tpu.memory_space<hbm>> -> memref<8x128xi32, #tpu.memory_space<hbm>>
        %dma_start3A_601 = arith.constant 0 : i32
        %dma_start3A_602 = tpu.memref_slice %arg4[%add3A, %mul3A_597, %dma_start3A_601] : memref<32x80x128xi32, #tpu.memory_space<hbm>> -> memref<1x8x128xi32, #tpu.memory_space<hbm>>
        %dma_start3A_603 = tpu.memref_squeeze %dma_start3A_602 : memref<1x8x128xi32, #tpu.memory_space<hbm>> -> memref<8x128xi32, #tpu.memory_space<hbm>>
        tpu.enqueue_dma source(%dma_start3A_603 : memref<8x128xi32, #tpu.memory_space<hbm>>) target(%arg10 : memref<8x128xi32, #tpu.memory_space<vmem>>) target_semaphore(%arg14 : memref<!tpu.dma_semaphore, #tpu.memory_space<semaphore_mem>>)
      } else {
      }
      %dma_start3A_369 = arith.constant 1 : i32
      %dma_start3A_370 = arith.constant 0 : i32
      %dma_start3A_371 = tpu.memref_slice %arg9[%dma_start3A_369, %dma_start3A_370] : memref<8x128xi32, #tpu.memory_space<vmem>> -> memref<1x128xi32, #tpu.memory_space<vmem>>
      %dma_start3A_372 = tpu.memref_squeeze %dma_start3A_371 : memref<1x128xi32, #tpu.memory_space<vmem>> -> memref<128xi32, #tpu.memory_space<vmem>>
      %dma_start3A_373 = arith.constant 0 : i32
      %dma_start3A_374 = arith.constant 0 : i32
      %dma_start3A_375 = tpu.memref_slice %arg2[%dma_start3A_373, %dma_start3A_374] : memref<10000x128xf32, #tpu.memory_space<hbm>> -> memref<10000x128xf32, #tpu.memory_space<hbm>>
      tpu.enqueue_indirect_dma source(%dma_start3A_375 : memref<10000x128xf32, #tpu.memory_space<hbm>>) target(%arg13 : memref<128x128xf32, #tpu.memory_space<vmem>>) offsets(%dma_start3A_372 : memref<128xi32, #tpu.memory_space<vmem>>) semaphore(%arg17 : memref<!tpu.dma_semaphore, #tpu.memory_space<semaphore_mem>>)
      %dma_wait3A_376 = arith.constant 0 : i32
      %dma_wait3A_377 = arith.constant 0 : i32
      %dma_wait3A_378 = tpu.memref_slice %arg8[%dma_wait3A_376, %dma_wait3A_377] : memref<8x128xi32, #tpu.memory_space<vmem>> -> memref<1x128xi32, #tpu.memory_space<vmem>>
      %dma_wait3A_379 = tpu.memref_squeeze %dma_wait3A_378 : memref<1x128xi32, #tpu.memory_space<vmem>> -> memref<128xi32, #tpu.memory_space<vmem>>
      %dma_wait3A_380 = arith.constant 0 : i32
      %dma_wait3A_381 = arith.constant 0 : i32
      %dma_wait3A_382 = tpu.memref_slice %arg2[%dma_wait3A_380, %dma_wait3A_381] : memref<10000x128xf32, #tpu.memory_space<hbm>> -> memref<10000x128xf32, #tpu.memory_space<hbm>>
      tpu.wait_indirect_dma semaphore(%arg16 : memref<!tpu.dma_semaphore, #tpu.memory_space<semaphore_mem>>) src(%dma_wait3A_382 : memref<10000x128xf32, #tpu.memory_space<hbm>>) dst(%arg12 : memref<128x128xf32, #tpu.memory_space<vmem>>)
      %dma_start3A_383 = arith.constant 0 : i32
      %dma_start3A_384 = arith.constant 0 : i32
      %dma_start3A_385 = tpu.memref_slice %arg11[%dma_start3A_383, %dma_start3A_384] : memref<8x128xi32, #tpu.memory_space<vmem>> -> memref<1x128xi32, #tpu.memory_space<vmem>>
      %dma_start3A_386 = tpu.memref_squeeze %dma_start3A_385 : memref<1x128xi32, #tpu.memory_space<vmem>> -> memref<128xi32, #tpu.memory_space<vmem>>
      %dma_start3A_387 = arith.constant 0 : i32
      %dma_start3A_388 = arith.constant 0 : i32
      %dma_start3A_389 = tpu.memref_slice %arg7[%dma_start3A_387, %dma_start3A_388] : memref<10016x128xf32, #tpu.memory_space<vmem_shared>> -> memref<10016x128xf32, #tpu.memory_space<vmem_shared>>
      tpu.enqueue_indirect_dma source(%arg12 : memref<128x128xf32, #tpu.memory_space<vmem>>) target(%dma_start3A_389 : memref<10016x128xf32, #tpu.memory_space<vmem_shared>>) offsets(%dma_start3A_386 : memref<128xi32, #tpu.memory_space<vmem>>) semaphore(%arg18 : memref<!tpu.dma_semaphore, #tpu.memory_space<semaphore_mem>>) {add = true}
      %dma_wait3A_390 = arith.constant 0 : i32
      %dma_wait3A_391 = arith.constant 0 : i32
      %dma_wait3A_392 = tpu.memref_slice %arg10[%dma_wait3A_390, %dma_wait3A_391] : memref<8x128xi32, #tpu.memory_space<vmem>> -> memref<1x128xi32, #tpu.memory_space<vmem>>
      %dma_wait3A_393 = tpu.memref_squeeze %dma_wait3A_392 : memref<1x128xi32, #tpu.memory_space<vmem>> -> memref<128xi32, #tpu.memory_space<vmem>>
      %dma_wait3A_394 = arith.constant 0 : i32
      %dma_wait3A_395 = arith.constant 0 : i32
      %dma_wait3A_396 = tpu.memref_slice %arg7[%dma_wait3A_394, %dma_wait3A_395] : memref<10016x128xf32, #tpu.memory_space<vmem_shared>> -> memref<10016x128xf32, #tpu.memory_space<vmem_shared>>
      tpu.wait_indirect_dma semaphore(%arg18 : memref<!tpu.dma_semaphore, #tpu.memory_space<semaphore_mem>>) src(%arg12 : memref<128x128xf32, #tpu.memory_space<vmem>>) dst(%dma_wait3A_396 : memref<10016x128xf32, #tpu.memory_space<vmem_shared>>)
      %dma_start3A_397 = arith.constant 2 : i32
      %dma_start3A_398 = arith.constant 0 : i32
      %dma_start3A_399 = tpu.memref_slice %arg9[%dma_start3A_397, %dma_start3A_398] : memref<8x128xi32, #tpu.memory_space<vmem>> -> memref<1x128xi32, #tpu.memory_space<vmem>>
      %dma_start3A_400 = tpu.memref_squeeze %dma_start3A_399 : memref<1x128xi32, #tpu.memory_space<vmem>> -> memref<128xi32, #tpu.memory_space<vmem>>
      %dma_start3A_401 = arith.constant 0 : i32
      %dma_start3A_402 = arith.constant 0 : i32
      %dma_start3A_403 = tpu.memref_slice %arg2[%dma_start3A_401, %dma_start3A_402] : memref<10000x128xf32, #tpu.memory_space<hbm>> -> memref<10000x128xf32, #tpu.memory_space<hbm>>
      tpu.enqueue_indirect_dma source(%dma_start3A_403 : memref<10000x128xf32, #tpu.memory_space<hbm>>) target(%arg12 : memref<128x128xf32, #tpu.memory_space<vmem>>) offsets(%dma_start3A_400 : memref<128xi32, #tpu.memory_space<vmem>>) semaphore(%arg16 : memref<!tpu.dma_semaphore, #tpu.memory_space<semaphore_mem>>)
      %dma_wait3A_404 = arith.constant 0 : i32
      %dma_wait3A_405 = arith.constant 0 : i32
      %dma_wait3A_406 = tpu.memref_slice %arg8[%dma_wait3A_404, %dma_wait3A_405] : memref<8x128xi32, #tpu.memory_space<vmem>> -> memref<1x128xi32, #tpu.memory_space<vmem>>
      %dma_wait3A_407 = tpu.memref_squeeze %dma_wait3A_406 : memref<1x128xi32, #tpu.memory_space<vmem>> -> memref<128xi32, #tpu.memory_space<vmem>>
      %dma_wait3A_408 = arith.constant 0 : i32
      %dma_wait3A_409 = arith.constant 0 : i32
      %dma_wait3A_410 = tpu.memref_slice %arg2[%dma_wait3A_408, %dma_wait3A_409] : memref<10000x128xf32, #tpu.memory_space<hbm>> -> memref<10000x128xf32, #tpu.memory_space<hbm>>
      tpu.wait_indirect_dma semaphore(%arg17 : memref<!tpu.dma_semaphore, #tpu.memory_space<semaphore_mem>>) src(%dma_wait3A_410 : memref<10000x128xf32, #tpu.memory_space<hbm>>) dst(%arg13 : memref<128x128xf32, #tpu.memory_space<vmem>>)
      %dma_start3A_411 = arith.constant 1 : i32
      %dma_start3A_412 = arith.constant 0 : i32
      %dma_start3A_413 = tpu.memref_slice %arg11[%dma_start3A_411, %dma_start3A_412] : memref<8x128xi32, #tpu.memory_space<vmem>> -> memref<1x128xi32, #tpu.memory_space<vmem>>
      %dma_start3A_414 = tpu.memref_squeeze %dma_start3A_413 : memref<1x128xi32, #tpu.memory_space<vmem>> -> memref<128xi32, #tpu.memory_space<vmem>>
      %dma_start3A_415 = arith.constant 0 : i32
      %dma_start3A_416 = arith.constant 0 : i32
      %dma_start3A_417 = tpu.memref_slice %arg7[%dma_start3A_415, %dma_start3A_416] : memref<10016x128xf32, #tpu.memory_space<vmem_shared>> -> memref<10016x128xf32, #tpu.memory_space<vmem_shared>>
      tpu.enqueue_indirect_dma source(%arg13 : memref<128x128xf32, #tpu.memory_space<vmem>>) target(%dma_start3A_417 : memref<10016x128xf32, #tpu.memory_space<vmem_shared>>) offsets(%dma_start3A_414 : memref<128xi32, #tpu.memory_space<vmem>>) semaphore(%arg19 : memref<!tpu.dma_semaphore, #tpu.memory_space<semaphore_mem>>) {add = true}
      %dma_wait3A_418 = arith.constant 0 : i32
      %dma_wait3A_419 = arith.constant 0 : i32
      %dma_wait3A_420 = tpu.memref_slice %arg10[%dma_wait3A_418, %dma_wait3A_419] : memref<8x128xi32, #tpu.memory_space<vmem>> -> memref<1x128xi32, #tpu.memory_space<vmem>>
      %dma_wait3A_421 = tpu.memref_squeeze %dma_wait3A_420 : memref<1x128xi32, #tpu.memory_space<vmem>> -> memref<128xi32, #tpu.memory_space<vmem>>
      %dma_wait3A_422 = arith.constant 0 : i32
      %dma_wait3A_423 = arith.constant 0 : i32
      %dma_wait3A_424 = tpu.memref_slice %arg7[%dma_wait3A_422, %dma_wait3A_423] : memref<10016x128xf32, #tpu.memory_space<vmem_shared>> -> memref<10016x128xf32, #tpu.memory_space<vmem_shared>>
      tpu.wait_indirect_dma semaphore(%arg19 : memref<!tpu.dma_semaphore, #tpu.memory_space<semaphore_mem>>) src(%arg13 : memref<128x128xf32, #tpu.memory_space<vmem>>) dst(%dma_wait3A_424 : memref<10016x128xf32, #tpu.memory_space<vmem_shared>>)
      %dma_start3A_425 = arith.constant 3 : i32
      %dma_start3A_426 = arith.constant 0 : i32
      %dma_start3A_427 = tpu.memref_slice %arg9[%dma_start3A_425, %dma_start3A_426] : memref<8x128xi32, #tpu.memory_space<vmem>> -> memref<1x128xi32, #tpu.memory_space<vmem>>
      %dma_start3A_428 = tpu.memref_squeeze %dma_start3A_427 : memref<1x128xi32, #tpu.memory_space<vmem>> -> memref<128xi32, #tpu.memory_space<vmem>>
      %dma_start3A_429 = arith.constant 0 : i32
      %dma_start3A_430 = arith.constant 0 : i32
      %dma_start3A_431 = tpu.memref_slice %arg2[%dma_start3A_429, %dma_start3A_430] : memref<10000x128xf32, #tpu.memory_space<hbm>> -> memref<10000x128xf32, #tpu.memory_space<hbm>>
      tpu.enqueue_indirect_dma source(%dma_start3A_431 : memref<10000x128xf32, #tpu.memory_space<hbm>>) target(%arg13 : memref<128x128xf32, #tpu.memory_space<vmem>>) offsets(%dma_start3A_428 : memref<128xi32, #tpu.memory_space<vmem>>) semaphore(%arg17 : memref<!tpu.dma_semaphore, #tpu.memory_space<semaphore_mem>>)
      %dma_wait3A_432 = arith.constant 0 : i32
      %dma_wait3A_433 = arith.constant 0 : i32
      %dma_wait3A_434 = tpu.memref_slice %arg8[%dma_wait3A_432, %dma_wait3A_433] : memref<8x128xi32, #tpu.memory_space<vmem>> -> memref<1x128xi32, #tpu.memory_space<vmem>>
      %dma_wait3A_435 = tpu.memref_squeeze %dma_wait3A_434 : memref<1x128xi32, #tpu.memory_space<vmem>> -> memref<128xi32, #tpu.memory_space<vmem>>
      %dma_wait3A_436 = arith.constant 0 : i32
      %dma_wait3A_437 = arith.constant 0 : i32
      %dma_wait3A_438 = tpu.memref_slice %arg2[%dma_wait3A_436, %dma_wait3A_437] : memref<10000x128xf32, #tpu.memory_space<hbm>> -> memref<10000x128xf32, #tpu.memory_space<hbm>>
      tpu.wait_indirect_dma semaphore(%arg16 : memref<!tpu.dma_semaphore, #tpu.memory_space<semaphore_mem>>) src(%dma_wait3A_438 : memref<10000x128xf32, #tpu.memory_space<hbm>>) dst(%arg12 : memref<128x128xf32, #tpu.memory_space<vmem>>)
      %dma_start3A_439 = arith.constant 2 : i32
      %dma_start3A_440 = arith.constant 0 : i32
      %dma_start3A_441 = tpu.memref_slice %arg11[%dma_start3A_439, %dma_start3A_440] : memref<8x128xi32, #tpu.memory_space<vmem>> -> memref<1x128xi32, #tpu.memory_space<vmem>>
      %dma_start3A_442 = tpu.memref_squeeze %dma_start3A_441 : memref<1x128xi32, #tpu.memory_space<vmem>> -> memref<128xi32, #tpu.memory_space<vmem>>
      %dma_start3A_443 = arith.constant 0 : i32
      %dma_start3A_444 = arith.constant 0 : i32
      %dma_start3A_445 = tpu.memref_slice %arg7[%dma_start3A_443, %dma_start3A_444] : memref<10016x128xf32, #tpu.memory_space<vmem_shared>> -> memref<10016x128xf32, #tpu.memory_space<vmem_shared>>
      tpu.enqueue_indirect_dma source(%arg12 : memref<128x128xf32, #tpu.memory_space<vmem>>) target(%dma_start3A_445 : memref<10016x128xf32, #tpu.memory_space<vmem_shared>>) offsets(%dma_start3A_442 : memref<128xi32, #tpu.memory_space<vmem>>) semaphore(%arg18 : memref<!tpu.dma_semaphore, #tpu.memory_space<semaphore_mem>>) {add = true}
      %dma_wait3A_446 = arith.constant 0 : i32
      %dma_wait3A_447 = arith.constant 0 : i32
      %dma_wait3A_448 = tpu.memref_slice %arg10[%dma_wait3A_446, %dma_wait3A_447] : memref<8x128xi32, #tpu.memory_space<vmem>> -> memref<1x128xi32, #tpu.memory_space<vmem>>
      %dma_wait3A_449 = tpu.memref_squeeze %dma_wait3A_448 : memref<1x128xi32, #tpu.memory_space<vmem>> -> memref<128xi32, #tpu.memory_space<vmem>>
      %dma_wait3A_450 = arith.constant 0 : i32
      %dma_wait3A_451 = arith.constant 0 : i32
      %dma_wait3A_452 = tpu.memref_slice %arg7[%dma_wait3A_450, %dma_wait3A_451] : memref<10016x128xf32, #tpu.memory_space<vmem_shared>> -> memref<10016x128xf32, #tpu.memory_space<vmem_shared>>
      tpu.wait_indirect_dma semaphore(%arg18 : memref<!tpu.dma_semaphore, #tpu.memory_space<semaphore_mem>>) src(%arg12 : memref<128x128xf32, #tpu.memory_space<vmem>>) dst(%dma_wait3A_452 : memref<10016x128xf32, #tpu.memory_space<vmem_shared>>)
      %dma_start3A_453 = arith.constant 4 : i32
      %dma_start3A_454 = arith.constant 0 : i32
      %dma_start3A_455 = tpu.memref_slice %arg9[%dma_start3A_453, %dma_start3A_454] : memref<8x128xi32, #tpu.memory_space<vmem>> -> memref<1x128xi32, #tpu.memory_space<vmem>>
      %dma_start3A_456 = tpu.memref_squeeze %dma_start3A_455 : memref<1x128xi32, #tpu.memory_space<vmem>> -> memref<128xi32, #tpu.memory_space<vmem>>
      %dma_start3A_457 = arith.constant 0 : i32
      %dma_start3A_458 = arith.constant 0 : i32
      %dma_start3A_459 = tpu.memref_slice %arg2[%dma_start3A_457, %dma_start3A_458] : memref<10000x128xf32, #tpu.memory_space<hbm>> -> memref<10000x128xf32, #tpu.memory_space<hbm>>
      tpu.enqueue_indirect_dma source(%dma_start3A_459 : memref<10000x128xf32, #tpu.memory_space<hbm>>) target(%arg12 : memref<128x128xf32, #tpu.memory_space<vmem>>) offsets(%dma_start3A_456 : memref<128xi32, #tpu.memory_space<vmem>>) semaphore(%arg16 : memref<!tpu.dma_semaphore, #tpu.memory_space<semaphore_mem>>)
      %dma_wait3A_460 = arith.constant 0 : i32
      %dma_wait3A_461 = arith.constant 0 : i32
      %dma_wait3A_462 = tpu.memref_slice %arg8[%dma_wait3A_460, %dma_wait3A_461] : memref<8x128xi32, #tpu.memory_space<vmem>> -> memref<1x128xi32, #tpu.memory_space<vmem>>
      %dma_wait3A_463 = tpu.memref_squeeze %dma_wait3A_462 : memref<1x128xi32, #tpu.memory_space<vmem>> -> memref<128xi32, #tpu.memory_space<vmem>>
      %dma_wait3A_464 = arith.constant 0 : i32
      %dma_wait3A_465 = arith.constant 0 : i32
      %dma_wait3A_466 = tpu.memref_slice %arg2[%dma_wait3A_464, %dma_wait3A_465] : memref<10000x128xf32, #tpu.memory_space<hbm>> -> memref<10000x128xf32, #tpu.memory_space<hbm>>
      tpu.wait_indirect_dma semaphore(%arg17 : memref<!tpu.dma_semaphore, #tpu.memory_space<semaphore_mem>>) src(%dma_wait3A_466 : memref<10000x128xf32, #tpu.memory_space<hbm>>) dst(%arg13 : memref<128x128xf32, #tpu.memory_space<vmem>>)
      %dma_start3A_467 = arith.constant 3 : i32
      %dma_start3A_468 = arith.constant 0 : i32
      %dma_start3A_469 = tpu.memref_slice %arg11[%dma_start3A_467, %dma_start3A_468] : memref<8x128xi32, #tpu.memory_space<vmem>> -> memref<1x128xi32, #tpu.memory_space<vmem>>
      %dma_start3A_470 = tpu.memref_squeeze %dma_start3A_469 : memref<1x128xi32, #tpu.memory_space<vmem>> -> memref<128xi32, #tpu.memory_space<vmem>>
      %dma_start3A_471 = arith.constant 0 : i32
      %dma_start3A_472 = arith.constant 0 : i32
      %dma_start3A_473 = tpu.memref_slice %arg7[%dma_start3A_471, %dma_start3A_472] : memref<10016x128xf32, #tpu.memory_space<vmem_shared>> -> memref<10016x128xf32, #tpu.memory_space<vmem_shared>>
      tpu.enqueue_indirect_dma source(%arg13 : memref<128x128xf32, #tpu.memory_space<vmem>>) target(%dma_start3A_473 : memref<10016x128xf32, #tpu.memory_space<vmem_shared>>) offsets(%dma_start3A_470 : memref<128xi32, #tpu.memory_space<vmem>>) semaphore(%arg19 : memref<!tpu.dma_semaphore, #tpu.memory_space<semaphore_mem>>) {add = true}
      %dma_wait3A_474 = arith.constant 0 : i32
      %dma_wait3A_475 = arith.constant 0 : i32
      %dma_wait3A_476 = tpu.memref_slice %arg10[%dma_wait3A_474, %dma_wait3A_475] : memref<8x128xi32, #tpu.memory_space<vmem>> -> memref<1x128xi32, #tpu.memory_space<vmem>>
      %dma_wait3A_477 = tpu.memref_squeeze %dma_wait3A_476 : memref<1x128xi32, #tpu.memory_space<vmem>> -> memref<128xi32, #tpu.memory_space<vmem>>
      %dma_wait3A_478 = arith.constant 0 : i32
      %dma_wait3A_479 = arith.constant 0 : i32
      %dma_wait3A_480 = tpu.memref_slice %arg7[%dma_wait3A_478, %dma_wait3A_479] : memref<10016x128xf32, #tpu.memory_space<vmem_shared>> -> memref<10016x128xf32, #tpu.memory_space<vmem_shared>>
      tpu.wait_indirect_dma semaphore(%arg19 : memref<!tpu.dma_semaphore, #tpu.memory_space<semaphore_mem>>) src(%arg13 : memref<128x128xf32, #tpu.memory_space<vmem>>) dst(%dma_wait3A_480 : memref<10016x128xf32, #tpu.memory_space<vmem_shared>>)
      %dma_start3A_481 = arith.constant 5 : i32
      %dma_start3A_482 = arith.constant 0 : i32
      %dma_start3A_483 = tpu.memref_slice %arg9[%dma_start3A_481, %dma_start3A_482] : memref<8x128xi32, #tpu.memory_space<vmem>> -> memref<1x128xi32, #tpu.memory_space<vmem>>
      %dma_start3A_484 = tpu.memref_squeeze %dma_start3A_483 : memref<1x128xi32, #tpu.memory_space<vmem>> -> memref<128xi32, #tpu.memory_space<vmem>>
      %dma_start3A_485 = arith.constant 0 : i32
      %dma_start3A_486 = arith.constant 0 : i32
      %dma_start3A_487 = tpu.memref_slice %arg2[%dma_start3A_485, %dma_start3A_486] : memref<10000x128xf32, #tpu.memory_space<hbm>> -> memref<10000x128xf32, #tpu.memory_space<hbm>>
      tpu.enqueue_indirect_dma source(%dma_start3A_487 : memref<10000x128xf32, #tpu.memory_space<hbm>>) target(%arg13 : memref<128x128xf32, #tpu.memory_space<vmem>>) offsets(%dma_start3A_484 : memref<128xi32, #tpu.memory_space<vmem>>) semaphore(%arg17 : memref<!tpu.dma_semaphore, #tpu.memory_space<semaphore_mem>>)
      %dma_wait3A_488 = arith.constant 0 : i32
      %dma_wait3A_489 = arith.constant 0 : i32
      %dma_wait3A_490 = tpu.memref_slice %arg8[%dma_wait3A_488, %dma_wait3A_489] : memref<8x128xi32, #tpu.memory_space<vmem>> -> memref<1x128xi32, #tpu.memory_space<vmem>>
      %dma_wait3A_491 = tpu.memref_squeeze %dma_wait3A_490 : memref<1x128xi32, #tpu.memory_space<vmem>> -> memref<128xi32, #tpu.memory_space<vmem>>
      %dma_wait3A_492 = arith.constant 0 : i32
      %dma_wait3A_493 = arith.constant 0 : i32
      %dma_wait3A_494 = tpu.memref_slice %arg2[%dma_wait3A_492, %dma_wait3A_493] : memref<10000x128xf32, #tpu.memory_space<hbm>> -> memref<10000x128xf32, #tpu.memory_space<hbm>>
      tpu.wait_indirect_dma semaphore(%arg16 : memref<!tpu.dma_semaphore, #tpu.memory_space<semaphore_mem>>) src(%dma_wait3A_494 : memref<10000x128xf32, #tpu.memory_space<hbm>>) dst(%arg12 : memref<128x128xf32, #tpu.memory_space<vmem>>)
      %dma_start3A_495 = arith.constant 4 : i32
      %dma_start3A_496 = arith.constant 0 : i32
      %dma_start3A_497 = tpu.memref_slice %arg11[%dma_start3A_495, %dma_start3A_496] : memref<8x128xi32, #tpu.memory_space<vmem>> -> memref<1x128xi32, #tpu.memory_space<vmem>>
      %dma_start3A_498 = tpu.memref_squeeze %dma_start3A_497 : memref<1x128xi32, #tpu.memory_space<vmem>> -> memref<128xi32, #tpu.memory_space<vmem>>
      %dma_start3A_499 = arith.constant 0 : i32
      %dma_start3A_500 = arith.constant 0 : i32
      %dma_start3A_501 = tpu.memref_slice %arg7[%dma_start3A_499, %dma_start3A_500] : memref<10016x128xf32, #tpu.memory_space<vmem_shared>> -> memref<10016x128xf32, #tpu.memory_space<vmem_shared>>
      tpu.enqueue_indirect_dma source(%arg12 : memref<128x128xf32, #tpu.memory_space<vmem>>) target(%dma_start3A_501 : memref<10016x128xf32, #tpu.memory_space<vmem_shared>>) offsets(%dma_start3A_498 : memref<128xi32, #tpu.memory_space<vmem>>) semaphore(%arg18 : memref<!tpu.dma_semaphore, #tpu.memory_space<semaphore_mem>>) {add = true}
      %dma_wait3A_502 = arith.constant 0 : i32
      %dma_wait3A_503 = arith.constant 0 : i32
      %dma_wait3A_504 = tpu.memref_slice %arg10[%dma_wait3A_502, %dma_wait3A_503] : memref<8x128xi32, #tpu.memory_space<vmem>> -> memref<1x128xi32, #tpu.memory_space<vmem>>
      %dma_wait3A_505 = tpu.memref_squeeze %dma_wait3A_504 : memref<1x128xi32, #tpu.memory_space<vmem>> -> memref<128xi32, #tpu.memory_space<vmem>>
      %dma_wait3A_506 = arith.constant 0 : i32
      %dma_wait3A_507 = arith.constant 0 : i32
      %dma_wait3A_508 = tpu.memref_slice %arg7[%dma_wait3A_506, %dma_wait3A_507] : memref<10016x128xf32, #tpu.memory_space<vmem_shared>> -> memref<10016x128xf32, #tpu.memory_space<vmem_shared>>
      tpu.wait_indirect_dma semaphore(%arg18 : memref<!tpu.dma_semaphore, #tpu.memory_space<semaphore_mem>>) src(%arg12 : memref<128x128xf32, #tpu.memory_space<vmem>>) dst(%dma_wait3A_508 : memref<10016x128xf32, #tpu.memory_space<vmem_shared>>)
      %dma_start3A_509 = arith.constant 6 : i32
      %dma_start3A_510 = arith.constant 0 : i32
      %dma_start3A_511 = tpu.memref_slice %arg9[%dma_start3A_509, %dma_start3A_510] : memref<8x128xi32, #tpu.memory_space<vmem>> -> memref<1x128xi32, #tpu.memory_space<vmem>>
      %dma_start3A_512 = tpu.memref_squeeze %dma_start3A_511 : memref<1x128xi32, #tpu.memory_space<vmem>> -> memref<128xi32, #tpu.memory_space<vmem>>
      %dma_start3A_513 = arith.constant 0 : i32
      %dma_start3A_514 = arith.constant 0 : i32
      %dma_start3A_515 = tpu.memref_slice %arg2[%dma_start3A_513, %dma_start3A_514] : memref<10000x128xf32, #tpu.memory_space<hbm>> -> memref<10000x128xf32, #tpu.memory_space<hbm>>
      tpu.enqueue_indirect_dma source(%dma_start3A_515 : memref<10000x128xf32, #tpu.memory_space<hbm>>) target(%arg12 : memref<128x128xf32, #tpu.memory_space<vmem>>) offsets(%dma_start3A_512 : memref<128xi32, #tpu.memory_space<vmem>>) semaphore(%arg16 : memref<!tpu.dma_semaphore, #tpu.memory_space<semaphore_mem>>)
      %dma_wait3A_516 = arith.constant 0 : i32
      %dma_wait3A_517 = arith.constant 0 : i32
      %dma_wait3A_518 = tpu.memref_slice %arg8[%dma_wait3A_516, %dma_wait3A_517] : memref<8x128xi32, #tpu.memory_space<vmem>> -> memref<1x128xi32, #tpu.memory_space<vmem>>
      %dma_wait3A_519 = tpu.memref_squeeze %dma_wait3A_518 : memref<1x128xi32, #tpu.memory_space<vmem>> -> memref<128xi32, #tpu.memory_space<vmem>>
      %dma_wait3A_520 = arith.constant 0 : i32
      %dma_wait3A_521 = arith.constant 0 : i32
      %dma_wait3A_522 = tpu.memref_slice %arg2[%dma_wait3A_520, %dma_wait3A_521] : memref<10000x128xf32, #tpu.memory_space<hbm>> -> memref<10000x128xf32, #tpu.memory_space<hbm>>
      tpu.wait_indirect_dma semaphore(%arg17 : memref<!tpu.dma_semaphore, #tpu.memory_space<semaphore_mem>>) src(%dma_wait3A_522 : memref<10000x128xf32, #tpu.memory_space<hbm>>) dst(%arg13 : memref<128x128xf32, #tpu.memory_space<vmem>>)
      %dma_start3A_523 = arith.constant 5 : i32
      %dma_start3A_524 = arith.constant 0 : i32
      %dma_start3A_525 = tpu.memref_slice %arg11[%dma_start3A_523, %dma_start3A_524] : memref<8x128xi32, #tpu.memory_space<vmem>> -> memref<1x128xi32, #tpu.memory_space<vmem>>
      %dma_start3A_526 = tpu.memref_squeeze %dma_start3A_525 : memref<1x128xi32, #tpu.memory_space<vmem>> -> memref<128xi32, #tpu.memory_space<vmem>>
      %dma_start3A_527 = arith.constant 0 : i32
      %dma_start3A_528 = arith.constant 0 : i32
      %dma_start3A_529 = tpu.memref_slice %arg7[%dma_start3A_527, %dma_start3A_528] : memref<10016x128xf32, #tpu.memory_space<vmem_shared>> -> memref<10016x128xf32, #tpu.memory_space<vmem_shared>>
      tpu.enqueue_indirect_dma source(%arg13 : memref<128x128xf32, #tpu.memory_space<vmem>>) target(%dma_start3A_529 : memref<10016x128xf32, #tpu.memory_space<vmem_shared>>) offsets(%dma_start3A_526 : memref<128xi32, #tpu.memory_space<vmem>>) semaphore(%arg19 : memref<!tpu.dma_semaphore, #tpu.memory_space<semaphore_mem>>) {add = true}
      %dma_wait3A_530 = arith.constant 0 : i32
      %dma_wait3A_531 = arith.constant 0 : i32
      %dma_wait3A_532 = tpu.memref_slice %arg10[%dma_wait3A_530, %dma_wait3A_531] : memref<8x128xi32, #tpu.memory_space<vmem>> -> memref<1x128xi32, #tpu.memory_space<vmem>>
      %dma_wait3A_533 = tpu.memref_squeeze %dma_wait3A_532 : memref<1x128xi32, #tpu.memory_space<vmem>> -> memref<128xi32, #tpu.memory_space<vmem>>
      %dma_wait3A_534 = arith.constant 0 : i32
      %dma_wait3A_535 = arith.constant 0 : i32
      %dma_wait3A_536 = tpu.memref_slice %arg7[%dma_wait3A_534, %dma_wait3A_535] : memref<10016x128xf32, #tpu.memory_space<vmem_shared>> -> memref<10016x128xf32, #tpu.memory_space<vmem_shared>>
      tpu.wait_indirect_dma semaphore(%arg19 : memref<!tpu.dma_semaphore, #tpu.memory_space<semaphore_mem>>) src(%arg13 : memref<128x128xf32, #tpu.memory_space<vmem>>) dst(%dma_wait3A_536 : memref<10016x128xf32, #tpu.memory_space<vmem_shared>>)
      %dma_start3A_537 = arith.constant 7 : i32
      %dma_start3A_538 = arith.constant 0 : i32
      %dma_start3A_539 = tpu.memref_slice %arg9[%dma_start3A_537, %dma_start3A_538] : memref<8x128xi32, #tpu.memory_space<vmem>> -> memref<1x128xi32, #tpu.memory_space<vmem>>
      %dma_start3A_540 = tpu.memref_squeeze %dma_start3A_539 : memref<1x128xi32, #tpu.memory_space<vmem>> -> memref<128xi32, #tpu.memory_space<vmem>>
      %dma_start3A_541 = arith.constant 0 : i32
      %dma_start3A_542 = arith.constant 0 : i32
      %dma_start3A_543 = tpu.memref_slice %arg2[%dma_start3A_541, %dma_start3A_542] : memref<10000x128xf32, #tpu.memory_space<hbm>> -> memref<10000x128xf32, #tpu.memory_space<hbm>>
      tpu.enqueue_indirect_dma source(%dma_start3A_543 : memref<10000x128xf32, #tpu.memory_space<hbm>>) target(%arg13 : memref<128x128xf32, #tpu.memory_space<vmem>>) offsets(%dma_start3A_540 : memref<128xi32, #tpu.memory_space<vmem>>) semaphore(%arg17 : memref<!tpu.dma_semaphore, #tpu.memory_space<semaphore_mem>>)
      %dma_wait3A_544 = arith.constant 0 : i32
      %dma_wait3A_545 = arith.constant 0 : i32
      %dma_wait3A_546 = tpu.memref_slice %arg8[%dma_wait3A_544, %dma_wait3A_545] : memref<8x128xi32, #tpu.memory_space<vmem>> -> memref<1x128xi32, #tpu.memory_space<vmem>>
      %dma_wait3A_547 = tpu.memref_squeeze %dma_wait3A_546 : memref<1x128xi32, #tpu.memory_space<vmem>> -> memref<128xi32, #tpu.memory_space<vmem>>
      %dma_wait3A_548 = arith.constant 0 : i32
      %dma_wait3A_549 = arith.constant 0 : i32
      %dma_wait3A_550 = tpu.memref_slice %arg2[%dma_wait3A_548, %dma_wait3A_549] : memref<10000x128xf32, #tpu.memory_space<hbm>> -> memref<10000x128xf32, #tpu.memory_space<hbm>>
      tpu.wait_indirect_dma semaphore(%arg16 : memref<!tpu.dma_semaphore, #tpu.memory_space<semaphore_mem>>) src(%dma_wait3A_550 : memref<10000x128xf32, #tpu.memory_space<hbm>>) dst(%arg12 : memref<128x128xf32, #tpu.memory_space<vmem>>)
      %dma_start3A_551 = arith.constant 6 : i32
      %dma_start3A_552 = arith.constant 0 : i32
      %dma_start3A_553 = tpu.memref_slice %arg11[%dma_start3A_551, %dma_start3A_552] : memref<8x128xi32, #tpu.memory_space<vmem>> -> memref<1x128xi32, #tpu.memory_space<vmem>>
      %dma_start3A_554 = tpu.memref_squeeze %dma_start3A_553 : memref<1x128xi32, #tpu.memory_space<vmem>> -> memref<128xi32, #tpu.memory_space<vmem>>
      %dma_start3A_555 = arith.constant 0 : i32
      %dma_start3A_556 = arith.constant 0 : i32
      %dma_start3A_557 = tpu.memref_slice %arg7[%dma_start3A_555, %dma_start3A_556] : memref<10016x128xf32, #tpu.memory_space<vmem_shared>> -> memref<10016x128xf32, #tpu.memory_space<vmem_shared>>
      tpu.enqueue_indirect_dma source(%arg12 : memref<128x128xf32, #tpu.memory_space<vmem>>) target(%dma_start3A_557 : memref<10016x128xf32, #tpu.memory_space<vmem_shared>>) offsets(%dma_start3A_554 : memref<128xi32, #tpu.memory_space<vmem>>) semaphore(%arg18 : memref<!tpu.dma_semaphore, #tpu.memory_space<semaphore_mem>>) {add = true}
      %dma_wait3A_558 = arith.constant 0 : i32
      %dma_wait3A_559 = arith.constant 0 : i32
      %dma_wait3A_560 = tpu.memref_slice %arg10[%dma_wait3A_558, %dma_wait3A_559] : memref<8x128xi32, #tpu.memory_space<vmem>> -> memref<1x128xi32, #tpu.memory_space<vmem>>
      %dma_wait3A_561 = tpu.memref_squeeze %dma_wait3A_560 : memref<1x128xi32, #tpu.memory_space<vmem>> -> memref<128xi32, #tpu.memory_space<vmem>>
      %dma_wait3A_562 = arith.constant 0 : i32
      %dma_wait3A_563 = arith.constant 0 : i32
      %dma_wait3A_564 = tpu.memref_slice %arg7[%dma_wait3A_562, %dma_wait3A_563] : memref<10016x128xf32, #tpu.memory_space<vmem_shared>> -> memref<10016x128xf32, #tpu.memory_space<vmem_shared>>
      tpu.wait_indirect_dma semaphore(%arg18 : memref<!tpu.dma_semaphore, #tpu.memory_space<semaphore_mem>>) src(%arg12 : memref<128x128xf32, #tpu.memory_space<vmem>>) dst(%dma_wait3A_564 : memref<10016x128xf32, #tpu.memory_space<vmem_shared>>)
      %add3A_565 = arith.constant 2 : i32
      %add3A_566 = arith.addi %mul3A_117, %add3A_565 : i32
      %lt3A_567 = arith.constant 10 : i32
      %lt3A_568 = arith.cmpi slt, %add3A_566, %lt3A_567 : i32
      %convert_element_type3A_569 = arith.extui %lt3A_568 : i1 to i32
      %cond3A_570 = arith.constant 0 : i32
      %cond3A_571 = arith.cmpi ne, %convert_element_type3A_569, %cond3A_570 : i32
      scf.if %cond3A_571 {
        %dma_wait3A_586 = arith.constant 0 : i32
        %dma_wait3A_587 = arith.constant 0 : i32
        %dma_wait3A_588 = tpu.memref_slice %arg3[%add3A, %dma_wait3A_586, %dma_wait3A_587] : memref<32x80x128xi32, #tpu.memory_space<hbm>> -> memref<1x8x128xi32, #tpu.memory_space<hbm>>
        %dma_wait3A_589 = tpu.memref_squeeze %dma_wait3A_588 : memref<1x8x128xi32, #tpu.memory_space<hbm>> -> memref<8x128xi32, #tpu.memory_space<hbm>>
        %dma_wait3A_590 = arith.constant 0 : i32
        %dma_wait3A_591 = arith.constant 0 : i32
        %dma_wait3A_592 = tpu.memref_slice %arg3[%add3A, %dma_wait3A_590, %dma_wait3A_591] : memref<32x80x128xi32, #tpu.memory_space<hbm>> -> memref<1x8x128xi32, #tpu.memory_space<hbm>>
        %dma_wait3A_593 = tpu.memref_squeeze %dma_wait3A_592 : memref<1x8x128xi32, #tpu.memory_space<hbm>> -> memref<8x128xi32, #tpu.memory_space<hbm>>
        tpu.wait_dma2 semaphore(%arg14 : memref<!tpu.dma_semaphore, #tpu.memory_space<semaphore_mem>>) src(%dma_wait3A_593 : memref<8x128xi32, #tpu.memory_space<hbm>>) dst(%arg8 : memref<8x128xi32, #tpu.memory_space<vmem>>)
        %dma_wait3A_594 = arith.constant 0 : i32
        %dma_wait3A_595 = arith.constant 0 : i32
        %dma_wait3A_596 = tpu.memref_slice %arg4[%add3A, %dma_wait3A_594, %dma_wait3A_595] : memref<32x80x128xi32, #tpu.memory_space<hbm>> -> memref<1x8x128xi32, #tpu.memory_space<hbm>>
        %dma_wait3A_597 = tpu.memref_squeeze %dma_wait3A_596 : memref<1x8x128xi32, #tpu.memory_space<hbm>> -> memref<8x128xi32, #tpu.memory_space<hbm>>
        %dma_wait3A_598 = arith.constant 0 : i32
        %dma_wait3A_599 = arith.constant 0 : i32
        %dma_wait3A_600 = tpu.memref_slice %arg4[%add3A, %dma_wait3A_598, %dma_wait3A_599] : memref<32x80x128xi32, #tpu.memory_space<hbm>> -> memref<1x8x128xi32, #tpu.memory_space<hbm>>
        %dma_wait3A_601 = tpu.memref_squeeze %dma_wait3A_600 : memref<1x8x128xi32, #tpu.memory_space<hbm>> -> memref<8x128xi32, #tpu.memory_space<hbm>>
        tpu.wait_dma2 semaphore(%arg14 : memref<!tpu.dma_semaphore, #tpu.memory_space<semaphore_mem>>) src(%dma_wait3A_601 : memref<8x128xi32, #tpu.memory_space<hbm>>) dst(%arg10 : memref<8x128xi32, #tpu.memory_space<vmem>>)
        %dma_start3A_602 = arith.constant 0 : i32
        %dma_start3A_603 = arith.constant 0 : i32
        %dma_start3A_604 = tpu.memref_slice %arg8[%dma_start3A_602, %dma_start3A_603] : memref<8x128xi32, #tpu.memory_space<vmem>> -> memref<1x128xi32, #tpu.memory_space<vmem>>
        %dma_start3A_605 = tpu.memref_squeeze %dma_start3A_604 : memref<1x128xi32, #tpu.memory_space<vmem>> -> memref<128xi32, #tpu.memory_space<vmem>>
        %dma_start3A_606 = arith.constant 0 : i32
        %dma_start3A_607 = arith.constant 0 : i32
        %dma_start3A_608 = tpu.memref_slice %arg2[%dma_start3A_606, %dma_start3A_607] : memref<10000x128xf32, #tpu.memory_space<hbm>> -> memref<10000x128xf32, #tpu.memory_space<hbm>>
        tpu.enqueue_indirect_dma source(%dma_start3A_608 : memref<10000x128xf32, #tpu.memory_space<hbm>>) target(%arg12 : memref<128x128xf32, #tpu.memory_space<vmem>>) offsets(%dma_start3A_605 : memref<128xi32, #tpu.memory_space<vmem>>) semaphore(%arg16 : memref<!tpu.dma_semaphore, #tpu.memory_space<semaphore_mem>>)
      } else {
      }
      %dma_wait3A_572 = arith.constant 0 : i32
      %dma_wait3A_573 = arith.constant 0 : i32
      %dma_wait3A_574 = tpu.memref_slice %arg8[%dma_wait3A_572, %dma_wait3A_573] : memref<8x128xi32, #tpu.memory_space<vmem>> -> memref<1x128xi32, #tpu.memory_space<vmem>>
      %dma_wait3A_575 = tpu.memref_squeeze %dma_wait3A_574 : memref<1x128xi32, #tpu.memory_space<vmem>> -> memref<128xi32, #tpu.memory_space<vmem>>
      %dma_wait3A_576 = arith.constant 0 : i32
      %dma_wait3A_577 = arith.constant 0 : i32
      %dma_wait3A_578 = tpu.memref_slice %arg2[%dma_wait3A_576, %dma_wait3A_577] : memref<10000x128xf32, #tpu.memory_space<hbm>> -> memref<10000x128xf32, #tpu.memory_space<hbm>>
      tpu.wait_indirect_dma semaphore(%arg17 : memref<!tpu.dma_semaphore, #tpu.memory_space<semaphore_mem>>) src(%dma_wait3A_578 : memref<10000x128xf32, #tpu.memory_space<hbm>>) dst(%arg13 : memref<128x128xf32, #tpu.memory_space<vmem>>)
      %dma_start3A_579 = arith.constant 7 : i32
      %dma_start3A_580 = arith.constant 0 : i32
      %dma_start3A_581 = tpu.memref_slice %arg11[%dma_start3A_579, %dma_start3A_580] : memref<8x128xi32, #tpu.memory_space<vmem>> -> memref<1x128xi32, #tpu.memory_space<vmem>>
      %dma_start3A_582 = tpu.memref_squeeze %dma_start3A_581 : memref<1x128xi32, #tpu.memory_space<vmem>> -> memref<128xi32, #tpu.memory_space<vmem>>
      %dma_start3A_583 = arith.constant 0 : i32
      %dma_start3A_584 = arith.constant 0 : i32
      %dma_start3A_585 = tpu.memref_slice %arg7[%dma_start3A_583, %dma_start3A_584] : memref<10016x128xf32, #tpu.memory_space<vmem_shared>> -> memref<10016x128xf32, #tpu.memory_space<vmem_shared>>
      tpu.enqueue_indirect_dma source(%arg13 : memref<128x128xf32, #tpu.memory_space<vmem>>) target(%dma_start3A_585 : memref<10016x128xf32, #tpu.memory_space<vmem_shared>>) offsets(%dma_start3A_582 : memref<128xi32, #tpu.memory_space<vmem>>) semaphore(%arg19 : memref<!tpu.dma_semaphore, #tpu.memory_space<semaphore_mem>>) {add = true}
    }
    %scan3A_76 = arith.constant 5 : i32
    %dma_wait3A_77 = arith.constant 0 : i32
    %dma_wait3A_78 = arith.constant 0 : i32
    %dma_wait3A_79 = tpu.memref_slice %arg10[%dma_wait3A_77, %dma_wait3A_78] : memref<8x128xi32, #tpu.memory_space<vmem>> -> memref<1x128xi32, #tpu.memory_space<vmem>>
    %dma_wait3A_80 = tpu.memref_squeeze %dma_wait3A_79 : memref<1x128xi32, #tpu.memory_space<vmem>> -> memref<128xi32, #tpu.memory_space<vmem>>
    %dma_wait3A_81 = arith.constant 0 : i32
    %dma_wait3A_82 = arith.constant 0 : i32
    %dma_wait3A_83 = tpu.memref_slice %arg7[%dma_wait3A_81, %dma_wait3A_82] : memref<10016x128xf32, #tpu.memory_space<vmem_shared>> -> memref<10016x128xf32, #tpu.memory_space<vmem_shared>>
    tpu.wait_indirect_dma semaphore(%arg19 : memref<!tpu.dma_semaphore, #tpu.memory_space<semaphore_mem>>) src(%arg13 : memref<128x128xf32, #tpu.memory_space<vmem>>) dst(%dma_wait3A_83 : memref<10016x128xf32, #tpu.memory_space<vmem_shared>>)
    %barrier3A_84 = arith.constant 0 : index
    tpu.barrier barrier_id(%barrier3A_84)
    %eq3A_85 = arith.constant 0 : i32
    %eq3A_86 = arith.cmpi eq, %arg0, %eq3A_85 : i32
    %lt3A_87 = arith.constant 15 : i32
    %lt3A_88 = arith.cmpi slt, %arg1, %lt3A_87 : i32
    %and3A = arith.andi %eq3A_86, %lt3A_88 : i1
    %convert_element_type3A_89 = arith.extui %and3A : i1 to i32
    %cond3A_90 = arith.constant 0 : i32
    %cond3A_91 = arith.cmpi ne, %convert_element_type3A_89, %cond3A_90 : i32
    scf.if %cond3A_91 {
      "tpu.region"() ({
        %run_scoped3A = tpu.sem_alloc : memref<!tpu.dma_semaphore, #tpu.memory_space<semaphore_mem>>
        %dma_start3A_115 = arith.constant 0 : i32
        %dma_start3A_116 = tpu.memref_slice %arg5[%mul3A_2, %dma_start3A_115] : memref<10000x128xf32, #tpu.memory_space<hbm>> -> memref<632x128xf32, #tpu.memory_space<hbm>>
        %dma_start3A_117 = arith.constant 0 : i32
        %dma_start3A_118 = tpu.memref_slice %arg7[%mul3A_2, %dma_start3A_117] : memref<10016x128xf32, #tpu.memory_space<vmem_shared>> -> memref<632x128xf32, #tpu.memory_space<vmem_shared>>
        tpu.enqueue_dma source(%dma_start3A_118 : memref<632x128xf32, #tpu.memory_space<vmem_shared>>) target(%dma_start3A_116 : memref<632x128xf32, #tpu.memory_space<hbm>>) target_semaphore(%run_scoped3A : memref<!tpu.dma_semaphore, #tpu.memory_space<semaphore_mem>>)
        %dma_wait3A_119 = arith.constant 0 : i32
        %dma_wait3A_120 = tpu.memref_slice %arg5[%mul3A_2, %dma_wait3A_119] : memref<10000x128xf32, #tpu.memory_space<hbm>> -> memref<632x128xf32, #tpu.memory_space<hbm>>
        %dma_wait3A_121 = arith.constant 0 : i32
        %dma_wait3A_122 = tpu.memref_slice %arg7[%mul3A_2, %dma_wait3A_121] : memref<10016x128xf32, #tpu.memory_space<vmem_shared>> -> memref<632x128xf32, #tpu.memory_space<vmem_shared>>
        tpu.wait_dma2 semaphore(%run_scoped3A : memref<!tpu.dma_semaphore, #tpu.memory_space<semaphore_mem>>) src(%dma_wait3A_122 : memref<632x128xf32, #tpu.memory_space<vmem_shared>>) dst(%dma_wait3A_120 : memref<632x128xf32, #tpu.memory_space<hbm>>)
        tpu.yield
      }) : () -> ()
    } else {
    }
    %eq3A_92 = arith.constant 0 : i32
    %eq3A_93 = arith.cmpi eq, %arg0, %eq3A_92 : i32
    %eq3A_94 = arith.constant 15 : i32
    %eq3A_95 = arith.cmpi eq, %arg1, %eq3A_94 : i32
    %and3A_96 = arith.andi %eq3A_93, %eq3A_95 : i1
    %convert_element_type3A_97 = arith.extui %and3A_96 : i1 to i32
    %cond3A_98 = arith.constant 0 : i32
    %cond3A_99 = arith.cmpi ne, %convert_element_type3A_97, %cond3A_98 : i32
    scf.if %cond3A_99 {
      "tpu.region"() ({
        %run_scoped3A = tpu.sem_alloc : memref<!tpu.dma_semaphore, #tpu.memory_space<semaphore_mem>>
        %dma_start3A_115 = arith.constant 0 : i32
        %dma_start3A_116 = tpu.memref_slice %arg5[%mul3A_2, %dma_start3A_115] : memref<10000x128xf32, #tpu.memory_space<hbm>> -> memref<520x128xf32, #tpu.memory_space<hbm>>
        %dma_start3A_117 = arith.constant 0 : i32
        %dma_start3A_118 = tpu.memref_slice %arg7[%mul3A_2, %dma_start3A_117] : memref<10016x128xf32, #tpu.memory_space<vmem_shared>> -> memref<520x128xf32, #tpu.memory_space<vmem_shared>>
        tpu.enqueue_dma source(%dma_start3A_118 : memref<520x128xf32, #tpu.memory_space<vmem_shared>>) target(%dma_start3A_116 : memref<520x128xf32, #tpu.memory_space<hbm>>) target_semaphore(%run_scoped3A : memref<!tpu.dma_semaphore, #tpu.memory_space<semaphore_mem>>)
        %dma_wait3A_119 = arith.constant 0 : i32
        %dma_wait3A_120 = tpu.memref_slice %arg5[%mul3A_2, %dma_wait3A_119] : memref<10000x128xf32, #tpu.memory_space<hbm>> -> memref<520x128xf32, #tpu.memory_space<hbm>>
        %dma_wait3A_121 = arith.constant 0 : i32
        %dma_wait3A_122 = tpu.memref_slice %arg7[%mul3A_2, %dma_wait3A_121] : memref<10016x128xf32, #tpu.memory_space<vmem_shared>> -> memref<520x128xf32, #tpu.memory_space<vmem_shared>>
        tpu.wait_dma2 semaphore(%run_scoped3A : memref<!tpu.dma_semaphore, #tpu.memory_space<semaphore_mem>>) src(%dma_wait3A_122 : memref<520x128xf32, #tpu.memory_space<vmem_shared>>) dst(%dma_wait3A_120 : memref<520x128xf32, #tpu.memory_space<hbm>>)
        tpu.yield
      }) : () -> ()
    } else {
    }
    %ne3A = arith.constant 0 : i32
    %ne3A_100 = arith.cmpi ne, %arg0, %ne3A : i32
    %lt3A_101 = arith.constant 15 : i32
    %lt3A_102 = arith.cmpi slt, %arg1, %lt3A_101 : i32
    %and3A_103 = arith.andi %ne3A_100, %lt3A_102 : i1
    %convert_element_type3A_104 = arith.extui %and3A_103 : i1 to i32
    %cond3A_105 = arith.constant 0 : i32
    %cond3A_106 = arith.cmpi ne, %convert_element_type3A_104, %cond3A_105 : i32
    scf.if %cond3A_106 {
      "tpu.region"() ({
        %run_scoped3A = tpu.sem_alloc : memref<!tpu.dma_semaphore, #tpu.memory_space<semaphore_mem>>
        %dma_start3A_115 = arith.constant 0 : i32
        %dma_start3A_116 = tpu.memref_slice %arg6[%mul3A_2, %dma_start3A_115] : memref<10000x128xf32, #tpu.memory_space<hbm>> -> memref<632x128xf32, #tpu.memory_space<hbm>>
        %dma_start3A_117 = arith.constant 0 : i32
        %dma_start3A_118 = tpu.memref_slice %arg7[%mul3A_2, %dma_start3A_117] : memref<10016x128xf32, #tpu.memory_space<vmem_shared>> -> memref<632x128xf32, #tpu.memory_space<vmem_shared>>
        tpu.enqueue_dma source(%dma_start3A_118 : memref<632x128xf32, #tpu.memory_space<vmem_shared>>) target(%dma_start3A_116 : memref<632x128xf32, #tpu.memory_space<hbm>>) target_semaphore(%run_scoped3A : memref<!tpu.dma_semaphore, #tpu.memory_space<semaphore_mem>>)
        %dma_wait3A_119 = arith.constant 0 : i32
        %dma_wait3A_120 = tpu.memref_slice %arg6[%mul3A_2, %dma_wait3A_119] : memref<10000x128xf32, #tpu.memory_space<hbm>> -> memref<632x128xf32, #tpu.memory_space<hbm>>
        %dma_wait3A_121 = arith.constant 0 : i32
        %dma_wait3A_122 = tpu.memref_slice %arg7[%mul3A_2, %dma_wait3A_121] : memref<10016x128xf32, #tpu.memory_space<vmem_shared>> -> memref<632x128xf32, #tpu.memory_space<vmem_shared>>
        tpu.wait_dma2 semaphore(%run_scoped3A : memref<!tpu.dma_semaphore, #tpu.memory_space<semaphore_mem>>) src(%dma_wait3A_122 : memref<632x128xf32, #tpu.memory_space<vmem_shared>>) dst(%dma_wait3A_120 : memref<632x128xf32, #tpu.memory_space<hbm>>)
        tpu.yield
      }) : () -> ()
    } else {
    }
    %ne3A_107 = arith.constant 0 : i32
    %ne3A_108 = arith.cmpi ne, %arg0, %ne3A_107 : i32
    %eq3A_109 = arith.constant 15 : i32
    %eq3A_110 = arith.cmpi eq, %arg1, %eq3A_109 : i32
    %and3A_111 = arith.andi %ne3A_108, %eq3A_110 : i1
    %convert_element_type3A_112 = arith.extui %and3A_111 : i1 to i32
    %cond3A_113 = arith.constant 0 : i32
    %cond3A_114 = arith.cmpi ne, %convert_element_type3A_112, %cond3A_113 : i32
    scf.if %cond3A_114 {
      "tpu.region"() ({
        %run_scoped3A = tpu.sem_alloc : memref<!tpu.dma_semaphore, #tpu.memory_space<semaphore_mem>>
        %dma_start3A_115 = arith.constant 0 : i32
        %dma_start3A_116 = tpu.memref_slice %arg6[%mul3A_2, %dma_start3A_115] : memref<10000x128xf32, #tpu.memory_space<hbm>> -> memref<520x128xf32, #tpu.memory_space<hbm>>
        %dma_start3A_117 = arith.constant 0 : i32
        %dma_start3A_118 = tpu.memref_slice %arg7[%mul3A_2, %dma_start3A_117] : memref<10016x128xf32, #tpu.memory_space<vmem_shared>> -> memref<520x128xf32, #tpu.memory_space<vmem_shared>>
        tpu.enqueue_dma source(%dma_start3A_118 : memref<520x128xf32, #tpu.memory_space<vmem_shared>>) target(%dma_start3A_116 : memref<520x128xf32, #tpu.memory_space<hbm>>) target_semaphore(%run_scoped3A : memref<!tpu.dma_semaphore, #tpu.memory_space<semaphore_mem>>)
        %dma_wait3A_119 = arith.constant 0 : i32
        %dma_wait3A_120 = tpu.memref_slice %arg6[%mul3A_2, %dma_wait3A_119] : memref<10000x128xf32, #tpu.memory_space<hbm>> -> memref<520x128xf32, #tpu.memory_space<hbm>>
        %dma_wait3A_121 = arith.constant 0 : i32
        %dma_wait3A_122 = tpu.memref_slice %arg7[%mul3A_2, %dma_wait3A_121] : memref<10016x128xf32, #tpu.memory_space<vmem_shared>> -> memref<520x128xf32, #tpu.memory_space<vmem_shared>>
        tpu.wait_dma2 semaphore(%run_scoped3A : memref<!tpu.dma_semaphore, #tpu.memory_space<semaphore_mem>>) src(%dma_wait3A_122 : memref<520x128xf32, #tpu.memory_space<vmem_shared>>) dst(%dma_wait3A_120 : memref<520x128xf32, #tpu.memory_space<hbm>>)
        tpu.yield
      }) : () -> ()
    } else {
    }
    return
  }
}

module attributes {stable_mosaic.version = 14 : i64} {
  func.func @_mlp_body(%arg0: i32, %arg1: memref<5000x128xf32, #tpu.memory_space<vmem>>, %arg2: memref<5000x128xf32, #tpu.memory_space<vmem>>, %arg3: memref<5000x128xf32, #tpu.memory_space<vmem>>, %arg4: memref<128x128xf32, #tpu.memory_space<vmem>>, %arg5: memref<1x128xf32, #tpu.memory_space<vmem>>, %arg6: memref<128x128xf32, #tpu.memory_space<vmem>>, %arg7: memref<1x128xf32, #tpu.memory_space<vmem>>, %arg8: memref<5000x128xf32, #tpu.memory_space<vmem>>) attributes {dimension_semantics = [#tpu.dimension_semantics<arbitrary>], iteration_bounds = array<i64: 2>, scalar_prefetch = 0 : i64, scratch_operands = 0 : i64, tpu.core_type = #tpu.core_type<tc>, window_params = [{transform_indices = @transform_0, window_bounds = array<i64: 5000, 128>}, {transform_indices = @transform_1, window_bounds = array<i64: 5000, 128>}, {transform_indices = @transform_2, window_bounds = array<i64: 5000, 128>}, {pipeline_mode = #tpu.pipeline_mode<synchronous>, transform_indices = @transform_3, window_bounds = array<i64: 128, 128>}, {pipeline_mode = #tpu.pipeline_mode<synchronous>, transform_indices = @transform_4, window_bounds = array<i64: 1, 128>}, {pipeline_mode = #tpu.pipeline_mode<synchronous>, transform_indices = @transform_5, window_bounds = array<i64: 128, 128>}, {pipeline_mode = #tpu.pipeline_mode<synchronous>, transform_indices = @transform_6, window_bounds = array<i64: 1, 128>}, {transform_indices = @transform_7, window_bounds = array<i64: 5000, 128>}]} {
    %get3A = arith.constant 0 : index
    %get3A_0 = arith.constant 0 : index
    %get3A_1 = vector.load %arg1[%get3A, %get3A_0] : memref<5000x128xf32, #tpu.memory_space<vmem>>, vector<5000x128xf32>
    %get3A_2 = arith.constant 0 : index
    %get3A_3 = arith.constant 0 : index
    %get3A_4 = vector.load %arg2[%get3A_2, %get3A_3] : memref<5000x128xf32, #tpu.memory_space<vmem>>, vector<5000x128xf32>
    %add3A = arith.addf %get3A_1, %get3A_4 : vector<5000x128xf32>
    %get3A_5 = arith.constant 0 : index
    %get3A_6 = arith.constant 0 : index
    %get3A_7 = vector.load %arg3[%get3A_5, %get3A_6] : memref<5000x128xf32, #tpu.memory_space<vmem>>, vector<5000x128xf32>
    %sub3A = arith.subf %add3A, %get3A_7 : vector<5000x128xf32>
    %get3A_8 = arith.constant 0 : index
    %get3A_9 = arith.constant 0 : index
    %get3A_10 = vector.load %arg4[%get3A_8, %get3A_9] : memref<128x128xf32, #tpu.memory_space<vmem>>, vector<128x128xf32>
    %dot_general3A = arith.constant dense<0.000000e+00> : vector<5000x128xf32>
    %dot_general3A_11 = tpu.matmul %sub3A, %get3A_10, %dot_general3A {dimension_numbers = #tpu.dot_dimension_numbers<[1], [0], [0], [1], [0, 0, 1, 1], [], []>, transpose_lhs_hint = false} : vector<5000x128xf32>, vector<128x128xf32>, vector<5000x128xf32> -> vector<5000x128xf32>
    %get3A_12 = arith.constant 0 : index
    %get3A_13 = arith.constant 0 : index
    %get3A_14 = vector.load %arg5[%get3A_12, %get3A_13] : memref<1x128xf32, #tpu.memory_space<vmem>>, vector<1x128xf32>
    %add3A_15 = vector.broadcast %get3A_14 : vector<1x128xf32> to vector<5000x128xf32>
    %add3A_16 = arith.addf %dot_general3A_11, %add3A_15 : vector<5000x128xf32>
    %max3A = arith.constant 0.000000e+00 : f32
    %max3A_17 = vector.broadcast %max3A : f32 to vector<5000x128xf32>
    %max3A_18 = arith.maximumf %add3A_16, %max3A_17 : vector<5000x128xf32>
    %get3A_19 = arith.constant 0 : index
    %get3A_20 = arith.constant 0 : index
    %get3A_21 = vector.load %arg6[%get3A_19, %get3A_20] : memref<128x128xf32, #tpu.memory_space<vmem>>, vector<128x128xf32>
    %dot_general3A_22 = arith.constant dense<0.000000e+00> : vector<5000x128xf32>
    %dot_general3A_23 = tpu.matmul %max3A_18, %get3A_21, %dot_general3A_22 {dimension_numbers = #tpu.dot_dimension_numbers<[1], [0], [0], [1], [0, 0, 1, 1], [], []>, transpose_lhs_hint = false} : vector<5000x128xf32>, vector<128x128xf32>, vector<5000x128xf32> -> vector<5000x128xf32>
    %get3A_24 = arith.constant 0 : index
    %get3A_25 = arith.constant 0 : index
    %get3A_26 = vector.load %arg7[%get3A_24, %get3A_25] : memref<1x128xf32, #tpu.memory_space<vmem>>, vector<1x128xf32>
    %add3A_27 = vector.broadcast %get3A_26 : vector<1x128xf32> to vector<5000x128xf32>
    %add3A_28 = arith.addf %dot_general3A_23, %add3A_27 : vector<5000x128xf32>
    %max3A_29 = arith.constant 0.000000e+00 : f32
    %max3A_30 = vector.broadcast %max3A_29 : f32 to vector<5000x128xf32>
    %max3A_31 = arith.maximumf %add3A_28, %max3A_30 : vector<5000x128xf32>
    %swap3A = arith.constant 0 : index
    %swap3A_32 = arith.constant 0 : index
    %swap3A_33 = vector.load %arg8[%swap3A, %swap3A_32] : memref<5000x128xf32, #tpu.memory_space<vmem>>, vector<5000x128xf32>
    tpu.vector_store %arg8[%swap3A, %swap3A_32], %max3A_31 {strides = array<i32>} : memref<5000x128xf32, #tpu.memory_space<vmem>>, vector<5000x128xf32>,
    return
  }
  func.func @transform_0(%arg0: i32) -> (i32, i32) {
    %c0_i32 = arith.constant 0 : i32
    %c0_i32_0 = arith.constant 0 : i32
    return %arg0, %c0_i32 : i32, i32
  }
  func.func @transform_1(%arg0: i32) -> (i32, i32) {
    %c0_i32 = arith.constant 0 : i32
    %c0_i32_0 = arith.constant 0 : i32
    return %arg0, %c0_i32 : i32, i32
  }
  func.func @transform_2(%arg0: i32) -> (i32, i32) {
    %c0_i32 = arith.constant 0 : i32
    %c0_i32_0 = arith.constant 0 : i32
    return %arg0, %c0_i32 : i32, i32
  }
  func.func @transform_3(%arg0: i32) -> (i32, i32) {
    %c0_i32 = arith.constant 0 : i32
    %c0_i32_0 = arith.constant 0 : i32
    %c0_i32_1 = arith.constant 0 : i32
    return %c0_i32, %c0_i32_0 : i32, i32
  }
  func.func @transform_4(%arg0: i32) -> (i32, i32) {
    %c0_i32 = arith.constant 0 : i32
    %c0_i32_0 = arith.constant 0 : i32
    %c0_i32_1 = arith.constant 0 : i32
    return %c0_i32, %c0_i32_0 : i32, i32
  }
  func.func @transform_5(%arg0: i32) -> (i32, i32) {
    %c0_i32 = arith.constant 0 : i32
    %c0_i32_0 = arith.constant 0 : i32
    %c0_i32_1 = arith.constant 0 : i32
    return %c0_i32, %c0_i32_0 : i32, i32
  }
  func.func @transform_6(%arg0: i32) -> (i32, i32) {
    %c0_i32 = arith.constant 0 : i32
    %c0_i32_0 = arith.constant 0 : i32
    %c0_i32_1 = arith.constant 0 : i32
    return %c0_i32, %c0_i32_0 : i32, i32
  }
  func.func @transform_7(%arg0: i32) -> (i32, i32) {
    %c0_i32 = arith.constant 0 : i32
    %c0_i32_0 = arith.constant 0 : i32
    return %arg0, %c0_i32 : i32, i32
  }
}

module attributes {stable_mosaic.version = 14 : i64} {
  func.func @_mlp_pool_body(%arg0: i32, %arg1: memref<5000x128xf32, #tpu.memory_space<vmem>>, %arg2: memref<5000x128xf32, #tpu.memory_space<vmem>>, %arg3: memref<5000x128xf32, #tpu.memory_space<vmem>>, %arg4: memref<128x128xf32, #tpu.memory_space<vmem>>, %arg5: memref<1x128xf32, #tpu.memory_space<vmem>>, %arg6: memref<128x128xf32, #tpu.memory_space<vmem>>, %arg7: memref<1x128xf32, #tpu.memory_space<vmem>>, %arg8: memref<5000x1xi32, #tpu.memory_space<vmem>>, %arg9: memref<64x128xf32, #tpu.memory_space<vmem>>) attributes {dimension_semantics = [#tpu.dimension_semantics<arbitrary>], iteration_bounds = array<i64: 2>, scalar_prefetch = 0 : i64, scratch_operands = 0 : i64, tpu.core_type = #tpu.core_type<tc>, window_params = [{transform_indices = @transform_0, window_bounds = array<i64: 5000, 128>}, {transform_indices = @transform_1, window_bounds = array<i64: 5000, 128>}, {transform_indices = @transform_2, window_bounds = array<i64: 5000, 128>}, {pipeline_mode = #tpu.pipeline_mode<synchronous>, transform_indices = @transform_3, window_bounds = array<i64: 128, 128>}, {pipeline_mode = #tpu.pipeline_mode<synchronous>, transform_indices = @transform_4, window_bounds = array<i64: 1, 128>}, {pipeline_mode = #tpu.pipeline_mode<synchronous>, transform_indices = @transform_5, window_bounds = array<i64: 128, 128>}, {pipeline_mode = #tpu.pipeline_mode<synchronous>, transform_indices = @transform_6, window_bounds = array<i64: 1, 128>}, {transform_indices = @transform_7, window_bounds = array<i64: 5000, 1>}, {pipeline_mode = #tpu.pipeline_mode<synchronous>, transform_indices = @transform_8, window_bounds = array<i64: 64, 128>}]} {
    %get3A = arith.constant 0 : index
    %get3A_0 = arith.constant 0 : index
    %get3A_1 = vector.load %arg1[%get3A, %get3A_0] : memref<5000x128xf32, #tpu.memory_space<vmem>>, vector<5000x128xf32>
    %get3A_2 = arith.constant 0 : index
    %get3A_3 = arith.constant 0 : index
    %get3A_4 = vector.load %arg2[%get3A_2, %get3A_3] : memref<5000x128xf32, #tpu.memory_space<vmem>>, vector<5000x128xf32>
    %add3A = arith.addf %get3A_1, %get3A_4 : vector<5000x128xf32>
    %get3A_5 = arith.constant 0 : index
    %get3A_6 = arith.constant 0 : index
    %get3A_7 = vector.load %arg3[%get3A_5, %get3A_6] : memref<5000x128xf32, #tpu.memory_space<vmem>>, vector<5000x128xf32>
    %sub3A = arith.subf %add3A, %get3A_7 : vector<5000x128xf32>
    %get3A_8 = arith.constant 0 : index
    %get3A_9 = arith.constant 0 : index
    %get3A_10 = vector.load %arg4[%get3A_8, %get3A_9] : memref<128x128xf32, #tpu.memory_space<vmem>>, vector<128x128xf32>
    %dot_general3A = arith.constant dense<0.000000e+00> : vector<5000x128xf32>
    %dot_general3A_11 = tpu.matmul %sub3A, %get3A_10, %dot_general3A {dimension_numbers = #tpu.dot_dimension_numbers<[1], [0], [0], [1], [0, 0, 1, 1], [], []>, transpose_lhs_hint = false} : vector<5000x128xf32>, vector<128x128xf32>, vector<5000x128xf32> -> vector<5000x128xf32>
    %get3A_12 = arith.constant 0 : index
    %get3A_13 = arith.constant 0 : index
    %get3A_14 = vector.load %arg5[%get3A_12, %get3A_13] : memref<1x128xf32, #tpu.memory_space<vmem>>, vector<1x128xf32>
    %add3A_15 = vector.broadcast %get3A_14 : vector<1x128xf32> to vector<5000x128xf32>
    %add3A_16 = arith.addf %dot_general3A_11, %add3A_15 : vector<5000x128xf32>
    %max3A = arith.constant 0.000000e+00 : f32
    %max3A_17 = vector.broadcast %max3A : f32 to vector<5000x128xf32>
    %max3A_18 = arith.maximumf %add3A_16, %max3A_17 : vector<5000x128xf32>
    %get3A_19 = arith.constant 0 : index
    %get3A_20 = arith.constant 0 : index
    %get3A_21 = vector.load %arg6[%get3A_19, %get3A_20] : memref<128x128xf32, #tpu.memory_space<vmem>>, vector<128x128xf32>
    %dot_general3A_22 = arith.constant dense<0.000000e+00> : vector<5000x128xf32>
    %dot_general3A_23 = tpu.matmul %max3A_18, %get3A_21, %dot_general3A_22 {dimension_numbers = #tpu.dot_dimension_numbers<[1], [0], [0], [1], [0, 0, 1, 1], [], []>, transpose_lhs_hint = false} : vector<5000x128xf32>, vector<128x128xf32>, vector<5000x128xf32> -> vector<5000x128xf32>
    %get3A_24 = arith.constant 0 : index
    %get3A_25 = arith.constant 0 : index
    %get3A_26 = vector.load %arg7[%get3A_24, %get3A_25] : memref<1x128xf32, #tpu.memory_space<vmem>>, vector<1x128xf32>
    %add3A_27 = vector.broadcast %get3A_26 : vector<1x128xf32> to vector<5000x128xf32>
    %add3A_28 = arith.addf %dot_general3A_23, %add3A_27 : vector<5000x128xf32>
    %max3A_29 = arith.constant 0.000000e+00 : f32
    %max3A_30 = vector.broadcast %max3A_29 : f32 to vector<5000x128xf32>
    %max3A_31 = arith.maximumf %add3A_28, %max3A_30 : vector<5000x128xf32>
    %get3A_32 = arith.constant 0 : index
    %get3A_33 = arith.constant 0 : index
    %get3A_34 = vector.load %arg8[%get3A_32, %get3A_33] : memref<5000x1xi32, #tpu.memory_space<vmem>>, vector<5000x1xi32>
    %iota3A = tpu.iota {dimensions = array<i32: 1>} : vector<5000x64xi32>
    %eq3A = vector.broadcast %get3A_34 : vector<5000x1xi32> to vector<5000x64xi32>
    %eq3A_35 = arith.cmpi eq, %eq3A, %iota3A : vector<5000x64xi32>
    %convert_element_type3A = arith.extui %eq3A_35 : vector<5000x64xi1> to vector<5000x64xi32>
    %convert_element_type3A_36 = arith.sitofp %convert_element_type3A : vector<5000x64xi32> to vector<5000x64xf32>
    %dot_general3A_37 = arith.constant dense<0.000000e+00> : vector<64x128xf32>
    %dot_general3A_38 = tpu.matmul %convert_element_type3A_36, %max3A_31, %dot_general3A_37 {dimension_numbers = #tpu.dot_dimension_numbers<[0], [0], [1], [1], [0, 1, 1, 1], [], []>, transpose_lhs_hint = false} : vector<5000x64xf32>, vector<5000x128xf32>, vector<64x128xf32> -> vector<64x128xf32>
    %eq3A_39 = arith.constant 0 : i32
    %eq3A_40 = arith.cmpi eq, %arg0, %eq3A_39 : i32
    %convert_element_type3A_41 = arith.extui %eq3A_40 : i1 to i32
    %cond3A = arith.constant 0 : i32
    %cond3A_42 = arith.cmpi ne, %convert_element_type3A_41, %cond3A : i32
    scf.if %cond3A_42 {
      %swap3A = arith.constant 0 : index
      %swap3A_47 = arith.constant 0 : index
      %swap3A_48 = vector.load %arg9[%swap3A, %swap3A_47] : memref<64x128xf32, #tpu.memory_space<vmem>>, vector<64x128xf32>
      tpu.vector_store %arg9[%swap3A, %swap3A_47], %dot_general3A_38 {strides = array<i32>} : memref<64x128xf32, #tpu.memory_space<vmem>>, vector<64x128xf32>,
    } else {
    }
    %gt3A = arith.constant 0 : i32
    %gt3A_43 = arith.cmpi sgt, %arg0, %gt3A : i32
    %convert_element_type3A_44 = arith.extui %gt3A_43 : i1 to i32
    %cond3A_45 = arith.constant 0 : i32
    %cond3A_46 = arith.cmpi ne, %convert_element_type3A_44, %cond3A_45 : i32
    scf.if %cond3A_46 {
      %get3A_47 = arith.constant 0 : index
      %get3A_48 = arith.constant 0 : index
      %get3A_49 = vector.load %arg9[%get3A_47, %get3A_48] : memref<64x128xf32, #tpu.memory_space<vmem>>, vector<64x128xf32>
      %add3A_50 = arith.addf %get3A_49, %dot_general3A_38 : vector<64x128xf32>
      %swap3A = arith.constant 0 : index
      %swap3A_51 = arith.constant 0 : index
      %swap3A_52 = vector.load %arg9[%swap3A, %swap3A_51] : memref<64x128xf32, #tpu.memory_space<vmem>>, vector<64x128xf32>
      tpu.vector_store %arg9[%swap3A, %swap3A_51], %add3A_50 {strides = array<i32>} : memref<64x128xf32, #tpu.memory_space<vmem>>, vector<64x128xf32>,
    } else {
    }
    return
  }
  func.func @transform_0(%arg0: i32) -> (i32, i32) {
    %c0_i32 = arith.constant 0 : i32
    %c0_i32_0 = arith.constant 0 : i32
    return %arg0, %c0_i32 : i32, i32
  }
  func.func @transform_1(%arg0: i32) -> (i32, i32) {
    %c0_i32 = arith.constant 0 : i32
    %c0_i32_0 = arith.constant 0 : i32
    return %arg0, %c0_i32 : i32, i32
  }
  func.func @transform_2(%arg0: i32) -> (i32, i32) {
    %c0_i32 = arith.constant 0 : i32
    %c0_i32_0 = arith.constant 0 : i32
    return %arg0, %c0_i32 : i32, i32
  }
  func.func @transform_3(%arg0: i32) -> (i32, i32) {
    %c0_i32 = arith.constant 0 : i32
    %c0_i32_0 = arith.constant 0 : i32
    %c0_i32_1 = arith.constant 0 : i32
    return %c0_i32, %c0_i32_0 : i32, i32
  }
  func.func @transform_4(%arg0: i32) -> (i32, i32) {
    %c0_i32 = arith.constant 0 : i32
    %c0_i32_0 = arith.constant 0 : i32
    %c0_i32_1 = arith.constant 0 : i32
    return %c0_i32, %c0_i32_0 : i32, i32
  }
  func.func @transform_5(%arg0: i32) -> (i32, i32) {
    %c0_i32 = arith.constant 0 : i32
    %c0_i32_0 = arith.constant 0 : i32
    %c0_i32_1 = arith.constant 0 : i32
    return %c0_i32, %c0_i32_0 : i32, i32
  }
  func.func @transform_6(%arg0: i32) -> (i32, i32) {
    %c0_i32 = arith.constant 0 : i32
    %c0_i32_0 = arith.constant 0 : i32
    %c0_i32_1 = arith.constant 0 : i32
    return %c0_i32, %c0_i32_0 : i32, i32
  }
  func.func @transform_7(%arg0: i32) -> (i32, i32) {
    %c0_i32 = arith.constant 0 : i32
    %c0_i32_0 = arith.constant 0 : i32
    return %arg0, %c0_i32 : i32, i32
  }
  func.func @transform_8(%arg0: i32) -> (i32, i32) {
    %c0_i32 = arith.constant 0 : i32
    %c0_i32_0 = arith.constant 0 : i32
    %c0_i32_1 = arith.constant 0 : i32
    return %c0_i32, %c0_i32_0 : i32, i32
  }
}

</mosaic_0001>

<sc_bundles>
// kernel: kernel.11.cloned.1.call-start
scs
__scs_entry_jumppad:
0x0: {  	(pc) =	sbr.rel $0x88, $3  }
0x1: {  	(tag) =	ssettag $0x0;
	lr =	simm.s32 $0x1  }
0x2: {  	[smem:$0x3F92] =	sst lr;
	_ =	strace $0xD0000000  }
0x3: {  	_ = 	snop  }
0x4: {  	_ = 	snop  }
0x5: {  	_ = 	snop  }
0x6: {  	_ = 	snop  }
0x7: {  	_ = 	snop  }
__scs_overlays_trampoline_lowered:
0x8: {  	[smem:$0x3FA1] =	sst s0  }
0x9: {  	[smem:$0x3FA2] =	sst s1  }
0xa: {  	[smem:$0x3FA3] =	sst s2  }
0xb: {  	[smem:$0x3FA4] =	sst s3  }
0xc: {  	[smem:$0x3FA5] =	sst s4  }
0xd: {  	[smem:$0x3FA6] =	sst s5  }
0xe: {  	[smem:$0x3FA7] =	sst s6  }
0xf: {  	[smem:$0x3FA8] =	sst s7  }
0x10: {  	[smem:$0x3FA9] =	sst s8  }
0x11: {  	[smem:$0x3FAA] =	sst s9;
	s0 =	simm.s32 @!p0 $0x0  }
0x12: {  	s1 =	sld [smem:$0x3F90];
	s0 =	simm.s32 @p0 $0x1  }
0x13: {  	[smem:$0x3FAB] =	sst s0;
	s0 =	simm.s32 @!p1 $0x0  }
0x14: {  	s2 =	sld [smem:$0x3F8F];
	s0 =	simm.s32 @p1 $0x1  }
0x15: {  	[smem:$0x3FAC] =	sst s0;
	s0 =	simm.s32 @!p2 $0x0  }
0x16: {  	s3 =	sld [smem:$0x3FDB];
	s0 =	simm.s32 @p2 $0x1  }
0x17: {  	s4 =	simm.s32 $0x1BF5;
	[smem:$0x3FAE] =	sst s0  }
0x18: {  	s0 =	sld [smem:$0x3F91];
	_ =	swait.ge [sflag:s4], $0x0  }
0x19: {  	s7 =	sld [smem:$0x3F92]  }
0x1a: {  	s8 =	sadd.s32 $0xFFFFE003, lr  }
0x1b: {  	s9 =	sadd.s32 $0xFFFFFEF7, lr;
	s5 =	simm.s32 $0xFFFFFFFF;
	p2 =	slt.u32 s8, $0xFFFFF086  }
0x1c: {  	p1 =	slt.u32 s9, $0xF7A;
	s5 =	simm.s32 @!p2 $0x0  }
0x1d: {  	s5 =	simm.s32 @p1 $0x1;
	p0 =	seq.s32 s7, s2  }
0x1e: {  	s7 =	smul.u32 @!p0 $0xF7A, s2;
	p2 =	seq.s32 @!p0 s5, $0x0  }
0x1f: {  	s9 =	smul.u32 $0xF7A, s1;
	s8 =	simm.s32 @!p0 $0x1BF5;
	p2 =	por !p2, p0  }
0x20: {  	[sflag:s8] =	ssyncset.s32 @!p0 $0xFFFFF086;
	s6 =	sadd.s32 @!p0 s3, s7;
	s7 =	simm.s32 @!p0 $0x108  }
0x21: {  	s3 =	sadd.s32 s3, s9;
	s6 =	sadd.s32 @!p0 $0x88, s6;
	s7 =	simm.s32 @p2 $0x1082  }
0x22: {  	[simem:s7], [sflag:s8] =	dma.local @!p0 [hbm:s6], $0xF7A  }
0x23: {  	s9 =	sor.u32 $0xD0000000, s2;
	s6 =	simm.s32 $0x108;
	_ =	swait.ge @!p0 [sflag:s8], $0x0  }
0x24: {  	s3 =	sadd.s32 $0x88, s3;
	s6 =	simm.s32 @!p1 $0x1082;
	[sflag:s4] =	ssyncset.s32 $0xFFFFF086  }
0x25: {  	[simem:s6], [sflag:s4] =	dma.local [hbm:s3], $0xF7A  }
0x26: {  	[smem:$0x3F92] =	sst s1;
	(tag) =	ssettag s2;
	_ =	strace s9  }
0x27: {  	s1 =	sld [smem:$0x3FA2]  }
0x28: {  	s2 =	sld [smem:$0x3FA3]  }
0x29: {  	s4 =	sld [smem:$0x3FA5]  }
0x2a: {  	p0 =	seq.s32 s5, $0x0;
	s5 =	sld [smem:$0x3FA6]  }
0x2b: {  	s6 =	sld [smem:$0x3FA7]  }
0x2c: {  	s7 =	sld [smem:$0x3FA8]  }
0x2d: {  	s3 =	simm.s32 $0x108;
	s8 =	sld [smem:$0x3FA9]  }
0x2e: {  	s3 =	simm.s32 @!p0 $0x1082;
	s9 =	sld [smem:$0x3FAA]  }
0x2f: {  	lr =	sadd.s32 s0, s3;
	s0 =	sld [smem:$0x3FA1]  }
0x30: {  	s3 =	sld [smem:$0x3FA4]  }
0x31: {  	[smem:$0x3FAD] =	sst s10  }
0x32: {  	s10 =	sld [smem:$0x3FAB];
	_ =	sdelay $0x3  }
0x33: {  	p0 =	seq.s32 s10, $0x1;
	s10 =	sld [smem:$0x3FAD];
	_ =	sdelay $0x3  }
0x34: {  	[smem:$0x3FAD] =	sst s10  }
0x35: {  	s10 =	sld [smem:$0x3FAC];
	_ =	sdelay $0x3  }
0x36: {  	p1 =	seq.s32 s10, $0x1;
	s10 =	sld [smem:$0x3FAD];
	_ =	sdelay $0x3  }
0x37: {  	[smem:$0x3FAD] =	sst s10  }
0x38: {  	s10 =	sld [smem:$0x3FAE]  }
0x39: {  	_ = 	snop;
	(pc) =	sbr.ind lr, $3  }
0x3a: {  	_ = 	snop  }
0x3b: {  	_ = 	snop  }
0x3c: {  	p2 =	seq.s32 s10, $0x1;
	s10 =	sld [smem:$0x3FAD]  }
0x3d: {  	_ =	shalt  }
0x3e: {  	_ =	shalt  }
0x3f: {  	_ =	shalt  }
0x40: {  	_ =	shalt  }
0x41: {  	_ =	shalt  }
0x42: {  	_ =	shalt  }
0x43: {  	_ =	shalt  }
0x44: {  	_ =	shalt  }
0x45: {  	_ =	shalt  }
0x46: {  	_ =	shalt  }
0x47: {  	_ =	shalt  }
0x48: {  	_ =	shalt  }
0x49: {  	_ =	shalt  }
0x4a: {  	_ =	shalt  }
0x4b: {  	_ =	shalt  }
0x4c: {  	_ =	shalt  }
0x4d: {  	_ =	shalt  }
0x4e: {  	_ =	shalt  }
0x4f: {  	_ =	shalt  }
0x50: {  	_ =	shalt  }
0x51: {  	_ =	shalt  }
0x52: {  	_ =	shalt  }
0x53: {  	_ =	shalt  }
0x54: {  	_ =	shalt  }
0x55: {  	_ =	shalt  }
0x56: {  	_ =	shalt  }
0x57: {  	_ =	shalt  }
0x58: {  	_ =	shalt  }
0x59: {  	_ =	shalt  }
0x5a: {  	_ =	shalt  }
0x5b: {  	_ =	shalt  }
0x5c: {  	_ =	shalt  }
0x5d: {  	_ =	shalt  }
0x5e: {  	_ =	shalt  }
0x5f: {  	_ =	shalt  }
0x60: {  	_ =	shalt  }
0x61: {  	_ =	shalt  }
0x62: {  	_ =	shalt  }
0x63: {  	_ =	shalt  }
0x64: {  	_ =	shalt  }
0x65: {  	_ =	shalt  }
0x66: {  	_ =	shalt  }
0x67: {  	_ =	shalt  }
0x68: {  	_ =	shalt  }
0x69: {  	_ =	shalt  }
0x6a: {  	_ =	shalt  }
0x6b: {  	_ =	shalt  }
0x6c: {  	_ =	shalt  }
0x6d: {  	_ =	shalt  }
0x6e: {  	_ =	shalt  }
0x6f: {  	_ =	shalt  }
0x70: {  	_ =	shalt  }
0x71: {  	_ =	shalt  }
0x72: {  	_ =	shalt  }
0x73: {  	_ =	shalt  }
0x74: {  	_ =	shalt  }
0x75: {  	_ =	shalt  }
0x76: {  	_ =	shalt  }
0x77: {  	_ =	shalt  }
0x78: {  	_ =	shalt  }
0x79: {  	_ =	shalt  }
0x7a: {  	_ =	shalt  }
0x7b: {  	_ =	shalt  }
0x7c: {  	_ =	shalt  }
0x7d: {  	_ =	shalt  }
0x7e: {  	_ =	shalt  }
0x7f: {  	_ =	shalt  }
0x80: {  	_ =	shalt  }
0x81: {  	_ =	shalt  }
0x82: {  	_ =	shalt  }
0x83: {  	_ =	shalt  }
0x84: {  	_ =	shalt  }
0x85: {  	_ =	shalt  }
0x86: {  	_ =	shalt  }
0x87: {  	_ =	shalt  }
.Lfunc_end0:
.L_simem_size_0:
called_computation.1_lowered:
.L_overlay_start_0:
0x88: {  	s2 =	sld [smem:$0x3FD9]  }
0x89: {  	s3 =	sld [smem:$0x3FFE];
	_ =	sdelay $0x1  }
0x8a: {  	s1 =	srdreg.scid  }
0x8b: {  	s0 =	sand.u32 $0x1, s1  }
0x8c: {  	s16 =	sshll.u32 s0, $0xA;
	s2 =	sadd.s32 s3, s2  }
0x8d: {  	s2 =	sadd.s32 s2, s16  }
0x8e: {  	[smem:$0x3FB9] =	sst s2  }
0x8f: {  	_ = 	snop  }
0x90: {  	(tm) =	ssettm $0x1  }
0x91: {  	s17 =	sld [smem:$0x3FFB];
	_ =	sdelay $0x3  }
0x92: {  	_ =	strace s17  }
0x93: {  	s2 =	sld [smem:$0x3FFC];
	_ =	sdelay $0x3  }
0x94: {  	_ =	strace s2  }
0x95: {  	s2 =	sld [smem:$0x3FFD];
	_ =	sdelay $0x3  }
0x96: {  	_ =	strace s2  }
0x97: {  	_ =	strace $0x8FFFFFFF  }
0x98: {  	s18 =	sld [smem:$0x3FDB];
	_ =	sdelay $0x1  }
0x99: {  	s19 =	simm.s32 $_scs_section_size  }
0x9a: {  	s4 =	simm.s32 $_size__tile_overlayer_lowered;
	s5 =	simm.s32 $_tile_overlayer_lowered  }
0x9b: {  	s22 =	simm.s32 $0x1BFF;
	s21 =	sshll.u32 s5, $0x1;
	s2 =	sadd.s32 s19, s18  }
0x9c: {  	s6 =	simm.s32 $0x0;
	s20 =	sshll.u32 s4, $0x1;
	s4 =	sadd.s32 s21, s2  }
0x9d: {  	[timem:s6], [sflag:s22] =	dma.local [hbm:s4], s20  }
0x9e: {  	_ =	swait.ge [sflag:s22], s20  }
0x9f: {  	s3 =	ssub.s32 $0x0, s20;
	[sflag:s22] =	ssyncset.done $0x0  }
0xa0: {  	[sflag:s22] =	ssyncadd.s32 s3;
	_ =	sdelay $0x1  }
0xa1: {  	s23 =	simm.s32 $0x1B8B  }
0xa2: {  	_ =	swait.ge [sflag:s23], $0x1  }
0xa3: {  	[sflag:s23] =	ssyncset.done $0x0  }
0xa4: {  	s25 =	simm.s32 $0x1B8E;
	s24 =	sld [smem:$0x3FFE];
	[sflag:s23] =	ssyncadd.s32 $0xFFFFFFFF  }
0xa5: {  	s26 =	simm.s32 $execute0_lowered;
	[smem:$0x3FD2] =	sst s25  }
0xa6: {  	s4 =	sshll.u32 s26, $0x1;
	_ =	strace $0x80000049;
	[dreg:$0x1] =	wrdreg $0xFFFFFFFF  }
0xa7: {  	s28 =	simm.s32 $_size_execute0_lowered;
	s2 =	sadd.s32 s2, s4;
	[dreg:$0x0] =	wrdreg $0x0  }
0xa8: {  	s4 =	sshll.u32 s28, $0x1;
	[dreg:$0x2] =	wrdreg s2  }
0xa9: {  	[dreg:$0x3] =	wrdreg s4  }
0xaa: {  	[dreg:$0x4] =	wrdreg $0xC0  }
0xab: {  	_ =	task [dreg:s6], $0x5FFFF  }
0xac: {  	[dreg:$0x1] =	wrdreg $0xFFFFFFFF  }
0xad: {  	[dreg:$0x0] =	wrdreg $0x60  }
0xae: {  	[dreg:$0x2] =	wrdreg s24  }
0xaf: {  	[dreg:$0x3] =	wrdreg $0x0  }
0xb0: {  	[dreg:$0x4] =	wrdreg $0x9  }
0xb1: {  	_ =	task.clear_ibuf [dreg:s6], $0x5FFFF;
	_ =	strace $0x90000049  }
0xb2: {  	s29 =	simm.s32 $0x9;
	_ =	strace $0x8000004B  }
0xb3: {  	_ =	swait.ge [sflag:s29], $0x1  }
0xb4: {  	[sflag:s29] =	ssyncadd.s32 $0xFFFFFFFF  }
0xb5: {  	_ =	strace $0x9000004B  }
0xb6: {  	_ =	sfence  }
0xb7: {  	s30 =	sld [smem:$0x0];
	_ =	sdelay $0x2  }
0xb8: {  	s31 =	sshll.u32 s1, $0xD;
	s1 =	sshrl.u32 s1, $0x2  }
0xb9: {  	s3 =	sand.u32 $0x4000, s31;
	s1 =	sadd.s32 s1, s30  }
0xba: {  	s0 =	sor.u32 s3, s0;
	s1 =	sshll.u32 s1, $0x11  }
0xbb: {  	s0 =	sor.u32 s1, s0  }
0xbc: {  	s0 =	sadd.s32 $0x8F2B, s0  }
0xbd: {  	[sflag:s0] =	ssyncadd.remote.s32 $0x1  }
0xbe: {  	_ =	sfence.sel $0xFFFF  }
0xbf: {  	[dreg:$0x0] =	wrdreg $0xFFFFFFFF;
	(pc) =	sbr.abs _section_cstart, $3  }
0xc0: {  	[dreg:$0x1] =	wrdreg $0xFFFFFFFF  }
0xc1: {  	_ =	task.clear_ibuf [dreg:s6], $0x2FFFF;
	_ =	strace $0x9FFFFFFF  }
0xc2: {  	(tm) =	ssettm $0x7FFFFFFF  }
0xc3: {  	_ =	shalt  }
tec
execute0_lowered:
.L_overlay_start_1:
0x0: {  	(tag) =	ssettag $0x1  }
0x1: {  	s10 =	rddreg [dreg:$0x0]  }
0x2: {  	s1 =	rddreg [dreg:$0x1];
	s3 =	simm.s32 $0x0;
	s0 =	srdreg.scid  }
0x3: {  	s2 =	stileid.u32;
	s16 =	simm.s32 $0x13980;
	s17 =	simm.s32 $0x13A00  }
0x4: {  	s19 =	simm.s32 $0x14180;
	s20 =	simm.s32 $0x13A80;
	[smem:$0x7FF] =	sst s3  }
0x5: {  	s4 =	sadd.s32 $0x18600, s10;
	s5 =	sadd.s32 $0x4600, s10;
	s6 =	sadd.s32 $0xE600, s10  }
0x6: {  	s14 =	sadd.s32 $0x3F800, s10;
	s15 =	sadd.s32 $0x66A00, s10;
	s10 =	sadd.s32 $0x3D680, s10  }
0x7: {  	s21 =	simm.s32 $0x14200;
	_ =	strace $0x8000004A;
	[smem:$0x7F2] =	sst s10  }
0x8: {  	s22 =	simm.s32 $0x13B00;
	s23 =	simm.s32 $0x14280;
	[dreg:$0x5] =	wrdreg s16  }
0x9: {  	s28 =	simm.s32 $0x14900;
	s29 =	simm.s32 $0x18900;
	[dreg:$0x6] =	wrdreg s17  }
0xa: {  	s30 =	simm.s32 $0x3;
	s31 =	simm.s32 $0x5;
	[dreg:$0x7] =	wrdreg s19  }
0xb: {  	s7 =	sand.u32 $0x1, s0;
	s8 =	smul.u32 $0x2800, s2;
	[dreg:$0x8] =	wrdreg s20  }
0xc: {  	p0 =	seq.s32 s2, $0xF;
	s26 =	smul.u32 $0x4F000, s2;
	[dreg:$0x9] =	wrdreg s21  }
0xd: {  	p3 =	sne.s32 s2, $0xF;
	s0 =	smul.u32 $0x28000, s7;
	[dreg:$0xa] =	wrdreg s22  }
0xe: {  	s9 =	ssub.s32 $0x2, s7;
	s11 =	sshll.u32 s7, $0x4;
	[dreg:$0xb] =	wrdreg s23  }
0xf: {  	s19 =	simm.s32 $0x14380;
	s21 =	simm.s32 $0x13C80;
	[smem:$0x7F8] =	sst s14  }
0x10: {  	s22 =	simm.s32 $0x14400;
	p2 =	seq.s32 s7, $0x0;
	[smem:$0x7FB] =	sst s15  }
0x11: {  	s23 =	simm.s32 $0x14480;
	p4 =	seq.s32 s7, $0x1;
	[dreg:$0xf] =	wrdreg s19  }
0x12: {  	s7 =	simm.s32 $0x6;
	s24 =	sshrl.u32 s9, $0x1;
	[dreg:$0x10] =	wrdreg s21  }
0x13: {  	s13 =	sor.u32 s2, s11;
	s18 =	sshrl.u32 s26, $0x2;
	[dreg:$0x11] =	wrdreg s22  }
0x14: {  	s26 =	simm.s32 $0x14300;
	p1 =	por !p2, !p3;
	[dreg:$0x12] =	wrdreg s23  }
0x15: {  	p2 =	por !p2, !p0;
	s19 =	simm.s32 $0x13F80;
	[dreg:$0xd] =	wrdreg s26  }
0x16: {  	s10 =	simm.s32 @!p4 $0x0;
	s21 =	simm.s32 $0x14700;
	[dreg:$0x1a] =	wrdreg s19  }
0x17: {  	p3 =	por !p3, !p4;
	s22 =	simm.s32 $0x14000;
	[dreg:$0x1b] =	wrdreg s21  }
0x18: {  	s23 =	simm.s32 $0x14780;
	s0 =	sadd.s32 s8, s0;
	[dreg:$0x1c] =	wrdreg s22  }
0x19: {  	s8 =	ssub.s32 s9, s24;
	s24 =	simm.s32 $0x13B80;
	[dreg:$0x1d] =	wrdreg s23  }
0x1a: {  	s13 =	smul.u32 $0x2800, s13;
	s10 =	simm.s32 @p4 $0x1;
	[dreg:$0xc] =	wrdreg s24  }
0x1b: {  	s12 =	sor.u32 $0x400, s0;
	s24 =	simm.s32 $0x13D80;
	[smem:$0x7FA] =	sst s10  }
0x1c: {  	s25 =	sshrl.u32 s12, $0x3;
	[dreg:$0x13] =	wrdreg s24;
	s24 =	simm.s32 $0x14080  }
0x1d: {  	s9 =	sadd.s32 $0x128400, s1;
	s12 =	sadd.s32 s25, s6;
	[dreg:$0x1e] =	wrdreg s24  }
0x1e: {  	s13 =	sshrl.u32 s13, $0x3;
	s11 =	sadd.s32 s25, s5;
	[dreg:$0x3] =	wrdreg s12  }
0x1f: {  	p1 =	por !p1, !p1;
	s25 =	sadd.s32 s5, s13;
	[dreg:$0x4] =	wrdreg s11  }
0x20: {  	s17 =	sadd.s32 s6, s13;
	s13 =	sor.u32 $0x80, s13;
	[smem:$0x7F4] =	sst s25  }
0x21: {  	s11 =	sadd.s32 s18, s1;
	[smem:$0x7F5] =	sst s17;
	s18 =	simm.s32 $0x13C00  }
0x22: {  	p2 =	por !p2, !p2;
	s20 =	sadd.s32 s5, s13;
	[dreg:$0xe] =	wrdreg s18  }
0x23: {  	p3 =	por !p3, !p3;
	s13 =	sadd.s32 s6, s13;
	[smem:$0x7F6] =	sst s20  }
0x24: {  	s22 =	simm.s32 $0x14100;
	s25 =	simm.s32 $0x13E00;
	[smem:$0x7F7] =	sst s13  }
0x25: {  	s23 =	simm.s32 $0x13D00;
	s17 =	simm.s32 $0x13F00;
	[dreg:$0x14] =	wrdreg s25  }
0x26: {  	s19 =	smax.u32 s8, $0x1;
	s13 =	simm.s32 $0x14580;
	[dreg:$0x18] =	wrdreg s17  }
0x27: {  	s12 =	smul.u32 $0x2780, s2;
	s18 =	simm.s32 $0x14680;
	[dreg:$0x15] =	wrdreg s13  }
0x28: {  	p4 =	por !p3, p2;
	s25 =	simm.s32 $0x14800;
	[dreg:$0x19] =	wrdreg s18  }
0x29: {  	s8 =	simm.s32 $0x2;
	s16 =	sadd.s32 s4, s12;
	[dreg:$0x1f] =	wrdreg s25  }
0x2a: {  	s10 =	simm.s32 $0x0;
	s26 =	sadd.s32 s14, s12;
	[smem:$0x7F3] =	sst s16  }
.Ltmp0:
0x2b: {  	s14 =	simm.s32 $0x13E80;
	[smem:$0x7F9] =	sst s26;
	(pc) =	sbr.rel .LBB2_1-.Ltmp0, $4  }
0x2c: {  	s24 =	simm.s32 $0x14500;
	s20 =	sadd.s32 s15, s12;
	[dreg:$0x16] =	wrdreg s14  }
0x2d: {  	s25 =	simm.s32 $0x1;
	s16 =	simm.s32 $0x14600;
	[smem:$0x7FC] =	sst s20  }
0x2e: {  	s20 =	sadd.s32 $0x800, s0;
	s26 =	simm.s32 $0x14880;
	[dreg:$0x17] =	wrdreg s16  }
0x2f: {  	s0 =	simm.s32 $0x4;
	[smem:$0x7FD] =	sst s26;
	s26 =	simm.s32 $0x80  }
.LBB2_5:
0x30: {  	s10 =	sadd.s32 $0x1, s10  }
0x31: {  	p3 =	sne.s32 s10, s19  }
.Ltmp1:
0x32: {  	_ = 	snop;
	(pc) =	sbr.rel @!p3 .LBB2_6-.Ltmp1, $1  }
0x33: {  	_ =	sdelay $0x3  }
.LBB2_1:
0x34: {  	s14 =	sld [smem:$0x7F2];
	_ =	sdelay $0x1  }
0x35: {  	s12 =	sshrl.u32 @p0 s9, $0x3;
	s13 =	simm.s32 @p0 $0x1FC5  }
0x36: {  	[spmem:s12], [sflag:s13] =	dma.local @p0 [hbm:s14], $0x2080  }
0x37: {  	s14 =	sld [smem:$0x7F3]  }
0x38: {  	s12 =	sshll.u32 @!p0 s2, $0x6  }
0x39: {  	s13 =	sshrl.u32 @!p0 s11, $0x3;
	s12 =	sor.u32 @!p0 $0x1C05, s12  }
0x3a: {  	[spmem:s13], [sflag:s12] =	dma.local @!p0 [hbm:s14], $0x2780  }
0x3b: {  	s12 =	sld [smem:$0x7F4];
	_ =	sdelay $0x1  }
0x3c: {  	s15 =	simm.s32 $0x13900;
	s16 =	sld [smem:$0x7F5]  }
0x3d: {  	[tilespmem:s15], [sflag:$0x1] =	stream.linear.gather [hbm4b:s12+s3], $0x400, $0x38;
	[tilespmem:$0x1C900] =	vst v63  }
0x3e: {  	s17 =	sld [smem:$0x7F6]  }
0x3f: {  	[tilespmem:s22], [sflag:$0x1] =	stream.linear.gather [hbm4b:s16+s3], $0x400, $0x38;
	[tilespmem:$0x1C900] =	vst v63  }
0x40: {  	s18 =	sld [smem:$0x7F7]  }
0x41: {  	[tilespmem:s23], [sflag:$0x2] =	stream.linear.gather [hbm4b:s17+s3], $0x400, $0x38;
	[tilespmem:$0x1C900] =	vst v63  }
0x42: {  	_ = 	snop  }
0x43: {  	[tilespmem:s24], [sflag:$0x2] =	stream.linear.gather [hbm4b:s18+s3], $0x400, $0x38;
	[tilespmem:$0x1C900] =	vst v63  }
0x44: {  	_ =	swait.ge [sflag:s25], $0x400  }
0x45: {  	[sflag:s25] =	ssyncset.done $0x0  }
0x46: {  	[sflag:s25] =	ssyncadd.s32 $0xFFFFFC00  }
0x47: {  	_ =	swait.ge [sflag:s25], $0x400  }
0x48: {  	[sflag:s25] =	ssyncset.done $0x0  }
0x49: {  	s12 =	simm.s32 @p0 $0x5;
	[sflag:s25] =	ssyncadd.s32 $0xFFFFFC00  }
0x4a: {  	[tilespmem:s28], [sflag:$0x3] =	stream.indirect.gather [hbm4b:s4+s26], $0x80, s15, s26, $0xb8;
	[tilespmem:$0x1C900] =	vst v63  }
0x4b: {  	_ =	swait.ge @p0 [sflag:s12], $0x2080  }
0x4c: {  	[sflag:s12] =	ssyncset.done @p0 $0x0  }
0x4d: {  	[sflag:s12] =	ssyncadd.s32 @p0 $0xFFFFDF80;
	s12 =	simm.s32 @!p0 $0x5  }
0x4e: {  	_ =	swait.ge @!p0 [sflag:s12], $0x2780  }
0x4f: {  	p3 =	por $0x1, $0x1;
	[sflag:s12] =	ssyncset.done @!p0 $0x0  }
0x50: {  	p3 =	por p3, p3;
	[sflag:s12] =	ssyncadd.s32 @!p0 $0xFFFFD880  }
0x51: {  	s12 =	simm.s32 @!p3 $0x6;
	[bflag:$0x0] =	sbarrier.arrive $0xFFFF  }
0x52: {  	_ =	swait.ge @!p3 [sflag:s12], $0x4000  }
0x53: {  	s13 =	rddreg [dreg:$0x4]  }
0x54: {  	s14 =	simm.s32 @!p3 $0x13D00;
	[sflag:s12] =	ssyncset.done @!p3 $0x0;
	s15 =	rddreg [dreg:$0x3]  }
0x55: {  	[sflag:s12] =	ssyncadd.s32 @!p3 $0xFFFFC000;
	s12 =	sadd.s32 @!p3 $0x0, s13;
	s13 =	simm.s32 @!p3 $0x0  }
0x56: {  	[tilespmem:s14], [sflag:$0x2] =	stream.linear.gather @!p3 [hbm4b:s12+s13], $0x400, $0x38;
	[tilespmem:$0x1C900] =	vst v63  }
0x57: {  	s12 =	sadd.s32 @!p3 $0x0, s15;
	s14 =	simm.s32 @!p3 $0x14500  }
0x58: {  	[tilespmem:s14], [sflag:$0x2] =	stream.linear.gather @!p3 [hbm4b:s12+s13], $0x400, $0x38;
	[tilespmem:$0x1C900] =	vst v63  }
0x59: {  	s21 =	rddreg [dreg:$0x5]  }
0x5a: {  	[tilespmem:s29], [sflag:$0x4] =	stream.indirect.gather [hbm4b:s4+s26], $0x80, s21, s26, $0xb8;
	[tilespmem:$0x1C900] =	vst v63  }
0x5b: {  	_ =	swait.ge [sflag:s30], $0x4000  }
0x5c: {  	[sflag:s30] =	ssyncset.done $0x0  }
0x5d: {  	[sflag:s30] =	ssyncadd.s32 $0xFFFFC000  }
0x5e: {  	[spmem:s1] =	stream.indirect.scatter.add.f32 [tilespmem:s28], [sflag:$0x5], $0x80, s22, s26, $0xb8;
	[tilespmem:$0x1C900] =	vst v63  }
0x5f: {  	_ =	swait.ge [sflag:s31], $0x4000  }
0x60: {  	[sflag:s31] =	ssyncset.done $0x0  }
0x61: {  	s15 =	rddreg [dreg:$0x6];
	[sflag:s31] =	ssyncadd.s32 $0xFFFFC000  }
0x62: {  	[tilespmem:s28], [sflag:$0x3] =	stream.indirect.gather [hbm4b:s4+s26], $0x80, s15, s26, $0xb8;
	[tilespmem:$0x1C900] =	vst v63  }
0x63: {  	_ =	swait.ge [sflag:s0], $0x4000  }
0x64: {  	[sflag:s0] =	ssyncset.done $0x0  }
0x65: {  	s16 =	rddreg [dreg:$0x7];
	[sflag:s0] =	ssyncadd.s32 $0xFFFFC000  }
0x66: {  	[spmem:s1] =	stream.indirect.scatter.add.f32 [tilespmem:s29], [sflag:$0x6], $0x80, s16, s26, $0xb8;
	[tilespmem:$0x1C900] =	vst v63  }
0x67: {  	_ =	swait.ge [sflag:s7], $0x4000  }
0x68: {  	[sflag:s7] =	ssyncset.done $0x0  }
0x69: {  	s17 =	rddreg [dreg:$0x8];
	[sflag:s7] =	ssyncadd.s32 $0xFFFFC000  }
0x6a: {  	[tilespmem:s29], [sflag:$0x4] =	stream.indirect.gather [hbm4b:s4+s26], $0x80, s17, s26, $0xb8;
	[tilespmem:$0x1C900] =	vst v63  }
0x6b: {  	_ =	swait.ge [sflag:s30], $0x4000  }
0x6c: {  	[sflag:s30] =	ssyncset.done $0x0  }
0x6d: {  	s18 =	rddreg [dreg:$0x9];
	[sflag:s30] =	ssyncadd.s32 $0xFFFFC000  }
0x6e: {  	[spmem:s1] =	stream.indirect.scatter.add.f32 [tilespmem:s28], [sflag:$0x5], $0x80, s18, s26, $0xb8;
	[tilespmem:$0x1C900] =	vst v63  }
0x6f: {  	_ =	swait.ge [sflag:s31], $0x4000  }
0x70: {  	[sflag:s31] =	ssyncset.done $0x0  }
0x71: {  	s21 =	rddreg [dreg:$0xa];
	[sflag:s31] =	ssyncadd.s32 $0xFFFFC000  }
0x72: {  	[tilespmem:s28], [sflag:$0x3] =	stream.indirect.gather [hbm4b:s4+s26], $0x80, s21, s26, $0xb8;
	[tilespmem:$0x1C900] =	vst v63  }
0x73: {  	_ =	swait.ge [sflag:s0], $0x4000  }
0x74: {  	[sflag:s0] =	ssyncset.done $0x0  }
0x75: {  	s13 =	rddreg [dreg:$0xb];
	[sflag:s0] =	ssyncadd.s32 $0xFFFFC000  }
0x76: {  	[spmem:s1] =	stream.indirect.scatter.add.f32 [tilespmem:s29], [sflag:$0x6], $0x80, s13, s26, $0xb8;
	[tilespmem:$0x1C900] =	vst v63  }
0x77: {  	_ =	swait.ge [sflag:s7], $0x4000  }
0x78: {  	[sflag:s7] =	ssyncset.done $0x0  }
0x79: {  	s14 =	rddreg [dreg:$0xc];
	[sflag:s7] =	ssyncadd.s32 $0xFFFFC000  }
0x7a: {  	[tilespmem:s29], [sflag:$0x4] =	stream.indirect.gather [hbm4b:s4+s26], $0x80, s14, s26, $0xb8;
	[tilespmem:$0x1C900] =	vst v63  }
0x7b: {  	_ =	swait.ge [sflag:s30], $0x4000  }
0x7c: {  	[sflag:s30] =	ssyncset.done $0x0  }
0x7d: {  	s15 =	rddreg [dreg:$0xd];
	[sflag:s30] =	ssyncadd.s32 $0xFFFFC000  }
0x7e: {  	[spmem:s1] =	stream.indirect.scatter.add.f32 [tilespmem:s28], [sflag:$0x5], $0x80, s15, s26, $0xb8;
	[tilespmem:$0x1C900] =	vst v63  }
0x7f: {  	_ =	swait.ge [sflag:s31], $0x4000  }
0x80: {  	[sflag:s31] =	ssyncset.done $0x0  }
0x81: {  	s16 =	rddreg [dreg:$0xe];
	[sflag:s31] =	ssyncadd.s32 $0xFFFFC000  }
0x82: {  	[tilespmem:s28], [sflag:$0x3] =	stream.indirect.gather [hbm4b:s4+s26], $0x80, s16, s26, $0xb8;
	[tilespmem:$0x1C900] =	vst v63  }
0x83: {  	_ =	swait.ge [sflag:s0], $0x4000  }
0x84: {  	[sflag:s0] =	ssyncset.done $0x0  }
0x85: {  	s17 =	rddreg [dreg:$0xf];
	[sflag:s0] =	ssyncadd.s32 $0xFFFFC000  }
0x86: {  	[spmem:s1] =	stream.indirect.scatter.add.f32 [tilespmem:s29], [sflag:$0x6], $0x80, s17, s26, $0xb8;
	[tilespmem:$0x1C900] =	vst v63  }
0x87: {  	_ =	swait.ge [sflag:s7], $0x4000  }
0x88: {  	[sflag:s7] =	ssyncset.done $0x0  }
0x89: {  	s18 =	rddreg [dreg:$0x10];
	[sflag:s7] =	ssyncadd.s32 $0xFFFFC000  }
0x8a: {  	[tilespmem:s29], [sflag:$0x4] =	stream.indirect.gather [hbm4b:s4+s26], $0x80, s18, s26, $0xb8;
	[tilespmem:$0x1C900] =	vst v63  }
0x8b: {  	_ =	swait.ge [sflag:s30], $0x4000  }
0x8c: {  	[sflag:s30] =	ssyncset.done $0x0  }
0x8d: {  	s21 =	rddreg [dreg:$0x11];
	[sflag:s30] =	ssyncadd.s32 $0xFFFFC000  }
0x8e: {  	[spmem:s1] =	stream.indirect.scatter.add.f32 [tilespmem:s28], [sflag:$0x5], $0x80, s21, s26, $0xb8;
	[tilespmem:$0x1C900] =	vst v63  }
0x8f: {  	_ =	swait.ge [sflag:s31], $0x4000  }
0x90: {  	[sflag:s31] =	ssyncset.done $0x0  }
0x91: {  	[sflag:s31] =	ssyncadd.s32 $0xFFFFC000  }
0x92: {  	_ =	swait.ge [sflag:s8], $0x400  }
0x93: {  	[sflag:s8] =	ssyncset.done $0x0  }
0x94: {  	[sflag:s8] =	ssyncadd.s32 $0xFFFFFC00  }
0x95: {  	_ =	swait.ge [sflag:s8], $0x400  }
0x96: {  	[sflag:s8] =	ssyncset.done $0x0  }
0x97: {  	[sflag:s8] =	ssyncadd.s32 $0xFFFFFC00  }
0x98: {  	[tilespmem:s28], [sflag:$0x3] =	stream.indirect.gather [hbm4b:s4+s26], $0x80, s23, s26, $0xb8;
	[tilespmem:$0x1C900] =	vst v63  }
0x99: {  	_ =	swait.ge [sflag:s0], $0x4000  }
0x9a: {  	[sflag:s0] =	ssyncset.done $0x0  }
0x9b: {  	s13 =	rddreg [dreg:$0x12];
	[sflag:s0] =	ssyncadd.s32 $0xFFFFC000  }
0x9c: {  	[spmem:s1] =	stream.indirect.scatter.add.f32 [tilespmem:s29], [sflag:$0x6], $0x80, s13, s26, $0xb8;
	[tilespmem:$0x1C900] =	vst v63  }
0x9d: {  	p3 =	por $0x0, $0x0;
	_ =	swait.ge [sflag:s7], $0x4000  }
0x9e: {  	s12 =	simm.s32 @!p3 $0x13900;
	s13 =	sshrl.u32 @!p3 s20, $0x3;
	[sflag:s7] =	ssyncset.done $0x0  }
0x9f: {  	s15 =	simm.s32 @!p3 $0x0;
	s14 =	sadd.s32 @!p3 s5, s13;
	[sflag:s7] =	ssyncadd.s32 $0xFFFFC000  }
0xa0: {  	[tilespmem:s12], [sflag:$0x1] =	stream.linear.gather @!p3 [hbm4b:s14+s15], $0x400, $0x38;
	[tilespmem:$0x1C900] =	vst v63  }
0xa1: {  	s13 =	sadd.s32 @!p3 s6, s13;
	s14 =	simm.s32 @!p3 $0x14100  }
0xa2: {  	[tilespmem:s14], [sflag:$0x1] =	stream.linear.gather @!p3 [hbm4b:s13+s15], $0x400, $0x38;
	[tilespmem:$0x1C900] =	vst v63  }
0xa3: {  	s16 =	rddreg [dreg:$0x13]  }
0xa4: {  	[tilespmem:s29], [sflag:$0x4] =	stream.indirect.gather [hbm4b:s4+s26], $0x80, s16, s26, $0xb8;
	[tilespmem:$0x1C900] =	vst v63  }
0xa5: {  	_ =	swait.ge [sflag:s30], $0x4000  }
0xa6: {  	[sflag:s30] =	ssyncset.done $0x0  }
0xa7: {  	[sflag:s30] =	ssyncadd.s32 $0xFFFFC000  }
0xa8: {  	[spmem:s1] =	stream.indirect.scatter.add.f32 [tilespmem:s28], [sflag:$0x5], $0x80, s24, s26, $0xb8;
	[tilespmem:$0x1C900] =	vst v63  }
0xa9: {  	_ =	swait.ge [sflag:s31], $0x4000  }
0xaa: {  	[sflag:s31] =	ssyncset.done $0x0  }
0xab: {  	s14 =	rddreg [dreg:$0x14];
	[sflag:s31] =	ssyncadd.s32 $0xFFFFC000  }
0xac: {  	[tilespmem:s28], [sflag:$0x3] =	stream.indirect.gather [hbm4b:s4+s26], $0x80, s14, s26, $0xb8;
	[tilespmem:$0x1C900] =	vst v63  }
0xad: {  	_ =	swait.ge [sflag:s0], $0x4000  }
0xae: {  	[sflag:s0] =	ssyncset.done $0x0  }
0xaf: {  	s15 =	rddreg [dreg:$0x15];
	[sflag:s0] =	ssyncadd.s32 $0xFFFFC000  }
0xb0: {  	[spmem:s1] =	stream.indirect.scatter.add.f32 [tilespmem:s29], [sflag:$0x6], $0x80, s15, s26, $0xb8;
	[tilespmem:$0x1C900] =	vst v63  }
0xb1: {  	_ =	swait.ge [sflag:s7], $0x4000  }
0xb2: {  	[sflag:s7] =	ssyncset.done $0x0  }
0xb3: {  	s16 =	rddreg [dreg:$0x16];
	[sflag:s7] =	ssyncadd.s32 $0xFFFFC000  }
0xb4: {  	[tilespmem:s29], [sflag:$0x4] =	stream.indirect.gather [hbm4b:s4+s26], $0x80, s16, s26, $0xb8;
	[tilespmem:$0x1C900] =	vst v63  }
0xb5: {  	_ =	swait.ge [sflag:s30], $0x4000  }
0xb6: {  	[sflag:s30] =	ssyncset.done $0x0  }
0xb7: {  	s17 =	rddreg [dreg:$0x17];
	[sflag:s30] =	ssyncadd.s32 $0xFFFFC000  }
0xb8: {  	[spmem:s1] =	stream.indirect.scatter.add.f32 [tilespmem:s28], [sflag:$0x5], $0x80, s17, s26, $0xb8;
	[tilespmem:$0x1C900] =	vst v63  }
0xb9: {  	_ =	swait.ge [sflag:s31], $0x4000  }
0xba: {  	[sflag:s31] =	ssyncset.done $0x0  }
0xbb: {  	s18 =	rddreg [dreg:$0x18];
	[sflag:s31] =	ssyncadd.s32 $0xFFFFC000  }
0xbc: {  	[tilespmem:s28], [sflag:$0x3] =	stream.indirect.gather [hbm4b:s4+s26], $0x80, s18, s26, $0xb8;
	[tilespmem:$0x1C900] =	vst v63  }
0xbd: {  	_ =	swait.ge [sflag:s0], $0x4000  }
0xbe: {  	[sflag:s0] =	ssyncset.done $0x0  }
0xbf: {  	s21 =	rddreg [dreg:$0x19];
	[sflag:s0] =	ssyncadd.s32 $0xFFFFC000  }
0xc0: {  	[spmem:s1] =	stream.indirect.scatter.add.f32 [tilespmem:s29], [sflag:$0x6], $0x80, s21, s26, $0xb8;
	[tilespmem:$0x1C900] =	vst v63  }
0xc1: {  	_ =	swait.ge [sflag:s7], $0x4000  }
0xc2: {  	[sflag:s7] =	ssyncset.done $0x0  }
0xc3: {  	s14 =	rddreg [dreg:$0x1a];
	[sflag:s7] =	ssyncadd.s32 $0xFFFFC000  }
0xc4: {  	[tilespmem:s29], [sflag:$0x4] =	stream.indirect.gather [hbm4b:s4+s26], $0x80, s14, s26, $0xb8;
	[tilespmem:$0x1C900] =	vst v63  }
0xc5: {  	_ =	swait.ge [sflag:s30], $0x4000  }
0xc6: {  	[sflag:s30] =	ssyncset.done $0x0  }
0xc7: {  	s15 =	rddreg [dreg:$0x1b];
	[sflag:s30] =	ssyncadd.s32 $0xFFFFC000  }
0xc8: {  	[spmem:s1] =	stream.indirect.scatter.add.f32 [tilespmem:s28], [sflag:$0x5], $0x80, s15, s26, $0xb8;
	[tilespmem:$0x1C900] =	vst v63  }
0xc9: {  	_ =	swait.ge [sflag:s31], $0x4000  }
0xca: {  	[sflag:s31] =	ssyncset.done $0x0  }
0xcb: {  	s16 =	rddreg [dreg:$0x1c];
	[sflag:s31] =	ssyncadd.s32 $0xFFFFC000  }
0xcc: {  	[tilespmem:s28], [sflag:$0x3] =	stream.indirect.gather [hbm4b:s4+s26], $0x80, s16, s26, $0xb8;
	[tilespmem:$0x1C900] =	vst v63  }
0xcd: {  	_ =	swait.ge [sflag:s0], $0x4000  }
0xce: {  	[sflag:s0] =	ssyncset.done $0x0  }
0xcf: {  	s17 =	rddreg [dreg:$0x1d];
	[sflag:s0] =	ssyncadd.s32 $0xFFFFC000  }
0xd0: {  	[spmem:s1] =	stream.indirect.scatter.add.f32 [tilespmem:s29], [sflag:$0x6], $0x80, s17, s26, $0xb8;
	[tilespmem:$0x1C900] =	vst v63  }
0xd1: {  	_ =	swait.ge [sflag:s7], $0x4000  }
0xd2: {  	[sflag:s7] =	ssyncset.done $0x0  }
0xd3: {  	s18 =	rddreg [dreg:$0x1e];
	[sflag:s7] =	ssyncadd.s32 $0xFFFFC000  }
0xd4: {  	[tilespmem:s29], [sflag:$0x4] =	stream.indirect.gather [hbm4b:s4+s26], $0x80, s18, s26, $0xb8;
	[tilespmem:$0x1C900] =	vst v63  }
0xd5: {  	_ =	swait.ge [sflag:s30], $0x4000  }
0xd6: {  	[sflag:s30] =	ssyncset.done $0x0  }
0xd7: {  	s21 =	rddreg [dreg:$0x1f];
	[sflag:s30] =	ssyncadd.s32 $0xFFFFC000  }
0xd8: {  	[spmem:s1] =	stream.indirect.scatter.add.f32 [tilespmem:s28], [sflag:$0x5], $0x80, s21, s26, $0xb8;
	[tilespmem:$0x1C900] =	vst v63  }
0xd9: {  	_ =	swait.ge [sflag:s31], $0x4000  }
0xda: {  	[sflag:s31] =	ssyncset.done $0x0  }
0xdb: {  	s13 =	simm.s32 @!p3 $0x1;
	[sflag:s31] =	ssyncadd.s32 $0xFFFFC000  }
0xdc: {  	_ =	swait.ge @!p3 [sflag:s13], $0x400  }
0xdd: {  	[sflag:s13] =	ssyncset.done @!p3 $0x0  }
0xde: {  	[sflag:s13] =	ssyncadd.s32 @!p3 $0xFFFFFC00  }
0xdf: {  	_ =	swait.ge @!p3 [sflag:s13], $0x400  }
0xe0: {  	p6 =	por $0x0, $0x0;
	[sflag:s13] =	ssyncset.done @!p3 $0x0  }
0xe1: {  	s14 =	simm.s32 @!p3 $0x14900;
	[sflag:s13] =	ssyncadd.s32 @!p3 $0xFFFFFC00;
	s13 =	simm.s32 @!p3 $0x80  }
0xe2: {  	[tilespmem:s14], [sflag:$0x3] =	stream.indirect.gather @!p3 [hbm4b:s4+s13], $0x80, s12, s13, $0xb8;
	[tilespmem:$0x1C900] =	vst v63  }
0xe3: {  	p5 =	por p6, p6;
	_ =	swait.ge [sflag:s0], $0x4000  }
0xe4: {  	s12 =	simm.s32 $0x100;
	s14 =	simm.s32 $0x200;
	[sflag:s0] =	ssyncset.done $0x0  }
0xe5: {  	s13 =	sadd.s32 $0x800, s20;
	s15 =	sld [smem:$0x7FD];
	[sflag:s0] =	ssyncadd.s32 $0xFFFFC000  }
.LBB2_2:
0xe6: {  	_ = 	snop  }
0xe7: {  	s16 =	simm.s32 @!p5 $0x6  }
0xe8: {  	[spmem:s1] =	stream.indirect.scatter.add.f32 [tilespmem:s29], [sflag:$0x6], $0x80, s15, s26, $0xb8;
	[tilespmem:$0x1C900] =	vst v63  }
0xe9: {  	_ =	swait.ge @!p5 [sflag:s16], $0x4000  }
0xea: {  	s17 =	rddreg [dreg:$0x4]  }
0xeb: {  	s21 =	simm.s32 @!p5 $0x13D00;
	[sflag:s16] =	ssyncset.done @!p5 $0x0;
	s18 =	rddreg [dreg:$0x3]  }
0xec: {  	[sflag:s16] =	ssyncadd.s32 @!p5 $0xFFFFC000;
	s16 =	sadd.s32 @!p5 s12, s17;
	s17 =	simm.s32 @!p5 $0x0  }
0xed: {  	[tilespmem:s21], [sflag:$0x2] =	stream.linear.gather @!p5 [hbm4b:s16+s17], $0x400, $0x38;
	[tilespmem:$0x1C900] =	vst v63  }
0xee: {  	s16 =	sadd.s32 @!p5 s12, s18;
	s18 =	simm.s32 @!p5 $0x14500  }
0xef: {  	[tilespmem:s18], [sflag:$0x2] =	stream.linear.gather @!p5 [hbm4b:s16+s17], $0x400, $0x38;
	[tilespmem:$0x1C900] =	vst v63  }
0xf0: {  	s21 =	rddreg [dreg:$0x5]  }
0xf1: {  	[tilespmem:s29], [sflag:$0x4] =	stream.indirect.gather [hbm4b:s4+s26], $0x80, s21, s26, $0xb8;
	[tilespmem:$0x1C900] =	vst v63  }
0xf2: {  	_ =	swait.ge [sflag:s30], $0x4000  }
0xf3: {  	[sflag:s30] =	ssyncset.done $0x0  }
0xf4: {  	[sflag:s30] =	ssyncadd.s32 $0xFFFFC000  }
0xf5: {  	[spmem:s1] =	stream.indirect.scatter.add.f32 [tilespmem:s28], [sflag:$0x5], $0x80, s22, s26, $0xb8;
	[tilespmem:$0x1C900] =	vst v63  }
0xf6: {  	_ =	swait.ge [sflag:s31], $0x4000  }
0xf7: {  	[sflag:s31] =	ssyncset.done $0x0  }
0xf8: {  	s21 =	rddreg [dreg:$0x6];
	[sflag:s31] =	ssyncadd.s32 $0xFFFFC000  }
0xf9: {  	[tilespmem:s28], [sflag:$0x3] =	stream.indirect.gather [hbm4b:s4+s26], $0x80, s21, s26, $0xb8;
	[tilespmem:$0x1C900] =	vst v63  }
0xfa: {  	_ =	swait.ge [sflag:s0], $0x4000  }
0xfb: {  	[sflag:s0] =	ssyncset.done $0x0  }
0xfc: {  	s17 =	rddreg [dreg:$0x7];
	[sflag:s0] =	ssyncadd.s32 $0xFFFFC000  }
0xfd: {  	[spmem:s1] =	stream.indirect.scatter.add.f32 [tilespmem:s29], [sflag:$0x6], $0x80, s17, s26, $0xb8;
	[tilespmem:$0x1C900] =	vst v63  }
0xfe: {  	_ =	swait.ge [sflag:s7], $0x4000  }
0xff: {  	[sflag:s7] =	ssyncset.done $0x0  }
0x100: {  	s18 =	rddreg [dreg:$0x8];
	[sflag:s7] =	ssyncadd.s32 $0xFFFFC000  }
0x101: {  	[tilespmem:s29], [sflag:$0x4] =	stream.indirect.gather [hbm4b:s4+s26], $0x80, s18, s26, $0xb8;
	[tilespmem:$0x1C900] =	vst v63  }
0x102: {  	_ =	swait.ge [sflag:s30], $0x4000  }
0x103: {  	[sflag:s30] =	ssyncset.done $0x0  }
0x104: {  	s21 =	rddreg [dreg:$0x9];
	[sflag:s30] =	ssyncadd.s32 $0xFFFFC000  }
0x105: {  	[spmem:s1] =	stream.indirect.scatter.add.f32 [tilespmem:s28], [sflag:$0x5], $0x80, s21, s26, $0xb8;
	[tilespmem:$0x1C900] =	vst v63  }
0x106: {  	_ =	swait.ge [sflag:s31], $0x4000  }
0x107: {  	[sflag:s31] =	ssyncset.done $0x0  }
0x108: {  	s17 =	rddreg [dreg:$0xa];
	[sflag:s31] =	ssyncadd.s32 $0xFFFFC000  }
0x109: {  	[tilespmem:s28], [sflag:$0x3] =	stream.indirect.gather [hbm4b:s4+s26], $0x80, s17, s26, $0xb8;
	[tilespmem:$0x1C900] =	vst v63  }
0x10a: {  	_ =	swait.ge [sflag:s0], $0x4000  }
0x10b: {  	[sflag:s0] =	ssyncset.done $0x0  }
0x10c: {  	s18 =	rddreg [dreg:$0xb];
	[sflag:s0] =	ssyncadd.s32 $0xFFFFC000  }
0x10d: {  	[spmem:s1] =	stream.indirect.scatter.add.f32 [tilespmem:s29], [sflag:$0x6], $0x80, s18, s26, $0xb8;
	[tilespmem:$0x1C900] =	vst v63  }
0x10e: {  	_ =	swait.ge [sflag:s7], $0x4000  }
0x10f: {  	[sflag:s7] =	ssyncset.done $0x0  }
0x110: {  	s21 =	rddreg [dreg:$0xc];
	[sflag:s7] =	ssyncadd.s32 $0xFFFFC000  }
0x111: {  	[tilespmem:s29], [sflag:$0x4] =	stream.indirect.gather [hbm4b:s4+s26], $0x80, s21, s26, $0xb8;
	[tilespmem:$0x1C900] =	vst v63  }
0x112: {  	_ =	swait.ge [sflag:s30], $0x4000  }
0x113: {  	[sflag:s30] =	ssyncset.done $0x0  }
0x114: {  	s17 =	rddreg [dreg:$0xd];
	[sflag:s30] =	ssyncadd.s32 $0xFFFFC000  }
0x115: {  	[spmem:s1] =	stream.indirect.scatter.add.f32 [tilespmem:s28], [sflag:$0x5], $0x80, s17, s26, $0xb8;
	[tilespmem:$0x1C900] =	vst v63  }
0x116: {  	_ =	swait.ge [sflag:s31], $0x4000  }
0x117: {  	[sflag:s31] =	ssyncset.done $0x0  }
0x118: {  	s18 =	rddreg [dreg:$0xe];
	[sflag:s31] =	ssyncadd.s32 $0xFFFFC000  }
0x119: {  	[tilespmem:s28], [sflag:$0x3] =	stream.indirect.gather [hbm4b:s4+s26], $0x80, s18, s26, $0xb8;
	[tilespmem:$0x1C900] =	vst v63  }
0x11a: {  	_ =	swait.ge [sflag:s0], $0x4000  }
0x11b: {  	[sflag:s0] =	ssyncset.done $0x0  }
0x11c: {  	s21 =	rddreg [dreg:$0xf];
	[sflag:s0] =	ssyncadd.s32 $0xFFFFC000  }
0x11d: {  	[spmem:s1] =	stream.indirect.scatter.add.f32 [tilespmem:s29], [sflag:$0x6], $0x80, s21, s26, $0xb8;
	[tilespmem:$0x1C900] =	vst v63  }
0x11e: {  	_ =	swait.ge [sflag:s7], $0x4000  }
0x11f: {  	[sflag:s7] =	ssyncset.done $0x0  }
0x120: {  	s17 =	rddreg [dreg:$0x10];
	[sflag:s7] =	ssyncadd.s32 $0xFFFFC000  }
0x121: {  	[tilespmem:s29], [sflag:$0x4] =	stream.indirect.gather [hbm4b:s4+s26], $0x80, s17, s26, $0xb8;
	[tilespmem:$0x1C900] =	vst v63  }
0x122: {  	_ =	swait.ge [sflag:s30], $0x4000  }
0x123: {  	[sflag:s30] =	ssyncset.done $0x0  }
0x124: {  	s18 =	rddreg [dreg:$0x11];
	[sflag:s30] =	ssyncadd.s32 $0xFFFFC000  }
0x125: {  	[spmem:s1] =	stream.indirect.scatter.add.f32 [tilespmem:s28], [sflag:$0x5], $0x80, s18, s26, $0xb8;
	[tilespmem:$0x1C900] =	vst v63  }
0x126: {  	_ =	swait.ge [sflag:s31], $0x4000  }
0x127: {  	[sflag:s31] =	ssyncset.done $0x0  }
0x128: {  	[sflag:s31] =	ssyncadd.s32 $0xFFFFC000  }
0x129: {  	_ =	swait.ge [sflag:s8], $0x400  }
0x12a: {  	[sflag:s8] =	ssyncset.done $0x0  }
0x12b: {  	[sflag:s8] =	ssyncadd.s32 $0xFFFFFC00  }
0x12c: {  	_ =	swait.ge [sflag:s8], $0x400  }
0x12d: {  	[sflag:s8] =	ssyncset.done $0x0  }
0x12e: {  	[sflag:s8] =	ssyncadd.s32 $0xFFFFFC00  }
0x12f: {  	[tilespmem:s28], [sflag:$0x3] =	stream.indirect.gather [hbm4b:s4+s26], $0x80, s23, s26, $0xb8;
	[tilespmem:$0x1C900] =	vst v63  }
0x130: {  	s15 =	smov.u32 s14;
	_ =	swait.ge [sflag:s0], $0x4000  }
0x131: {  	p3 =	seq.s32 s15, $0x0;
	[sflag:s0] =	ssyncset.done $0x0  }
0x132: {  	p5 =	por p3, p3;
	s21 =	rddreg [dreg:$0x12];
	[sflag:s0] =	ssyncadd.s32 $0xFFFFC000  }
0x133: {  	[spmem:s1] =	stream.indirect.scatter.add.f32 [tilespmem:s29], [sflag:$0x6], $0x80, s21, s26, $0xb8;
	[tilespmem:$0x1C900] =	vst v63  }
0x134: {  	p3 =	seq.s32 s12, $0x400;
	s12 =	smov.u32 s15;
	_ =	swait.ge [sflag:s7], $0x4000  }
0x135: {  	s16 =	sshrl.u32 @!p3 s13, $0x3;
	s15 =	simm.s32 @!p3 $0x13900;
	[sflag:s7] =	ssyncset.done $0x0  }
0x136: {  	s17 =	sadd.s32 @!p3 s5, s16;
	s18 =	simm.s32 @!p3 $0x0;
	[sflag:s7] =	ssyncadd.s32 $0xFFFFC000  }
0x137: {  	[tilespmem:s15], [sflag:$0x1] =	stream.linear.gather @!p3 [hbm4b:s17+s18], $0x400, $0x38;
	[tilespmem:$0x1C900] =	vst v63  }
0x138: {  	s16 =	sadd.s32 @!p3 s6, s16;
	s17 =	simm.s32 @!p3 $0x14100  }
0x139: {  	[tilespmem:s17], [sflag:$0x1] =	stream.linear.gather @!p3 [hbm4b:s16+s18], $0x400, $0x38;
	[tilespmem:$0x1C900] =	vst v63  }
0x13a: {  	s21 =	rddreg [dreg:$0x13]  }
0x13b: {  	[tilespmem:s29], [sflag:$0x4] =	stream.indirect.gather [hbm4b:s4+s26], $0x80, s21, s26, $0xb8;
	[tilespmem:$0x1C900] =	vst v63  }
0x13c: {  	_ =	swait.ge [sflag:s30], $0x4000  }
0x13d: {  	[sflag:s30] =	ssyncset.done $0x0  }
0x13e: {  	[sflag:s30] =	ssyncadd.s32 $0xFFFFC000  }
0x13f: {  	[spmem:s1] =	stream.indirect.scatter.add.f32 [tilespmem:s28], [sflag:$0x5], $0x80, s24, s26, $0xb8;
	[tilespmem:$0x1C900] =	vst v63  }
0x140: {  	_ =	swait.ge [sflag:s31], $0x4000  }
0x141: {  	[sflag:s31] =	ssyncset.done $0x0  }
0x142: {  	s17 =	rddreg [dreg:$0x14];
	[sflag:s31] =	ssyncadd.s32 $0xFFFFC000  }
0x143: {  	[tilespmem:s28], [sflag:$0x3] =	stream.indirect.gather [hbm4b:s4+s26], $0x80, s17, s26, $0xb8;
	[tilespmem:$0x1C900] =	vst v63  }
0x144: {  	_ =	swait.ge [sflag:s0], $0x4000  }
0x145: {  	[sflag:s0] =	ssyncset.done $0x0  }
0x146: {  	s18 =	rddreg [dreg:$0x15];
	[sflag:s0] =	ssyncadd.s32 $0xFFFFC000  }
0x147: {  	[spmem:s1] =	stream.indirect.scatter.add.f32 [tilespmem:s29], [sflag:$0x6], $0x80, s18, s26, $0xb8;
	[tilespmem:$0x1C900] =	vst v63  }
0x148: {  	_ =	swait.ge [sflag:s7], $0x4000  }
0x149: {  	[sflag:s7] =	ssyncset.done $0x0  }
0x14a: {  	s21 =	rddreg [dreg:$0x16];
	[sflag:s7] =	ssyncadd.s32 $0xFFFFC000  }
0x14b: {  	[tilespmem:s29], [sflag:$0x4] =	stream.indirect.gather [hbm4b:s4+s26], $0x80, s21, s26, $0xb8;
	[tilespmem:$0x1C900] =	vst v63  }
0x14c: {  	_ =	swait.ge [sflag:s30], $0x4000  }
0x14d: {  	[sflag:s30] =	ssyncset.done $0x0  }
0x14e: {  	s17 =	rddreg [dreg:$0x17];
	[sflag:s30] =	ssyncadd.s32 $0xFFFFC000  }
0x14f: {  	[spmem:s1] =	stream.indirect.scatter.add.f32 [tilespmem:s28], [sflag:$0x5], $0x80, s17, s26, $0xb8;
	[tilespmem:$0x1C900] =	vst v63  }
0x150: {  	_ =	swait.ge [sflag:s31], $0x4000  }
0x151: {  	[sflag:s31] =	ssyncset.done $0x0  }
0x152: {  	s18 =	rddreg [dreg:$0x18];
	[sflag:s31] =	ssyncadd.s32 $0xFFFFC000  }
0x153: {  	[tilespmem:s28], [sflag:$0x3] =	stream.indirect.gather [hbm4b:s4+s26], $0x80, s18, s26, $0xb8;
	[tilespmem:$0x1C900] =	vst v63  }
0x154: {  	_ =	swait.ge [sflag:s0], $0x4000  }
0x155: {  	[sflag:s0] =	ssyncset.done $0x0  }
0x156: {  	s21 =	rddreg [dreg:$0x19];
	[sflag:s0] =	ssyncadd.s32 $0xFFFFC000  }
0x157: {  	[spmem:s1] =	stream.indirect.scatter.add.f32 [tilespmem:s29], [sflag:$0x6], $0x80, s21, s26, $0xb8;
	[tilespmem:$0x1C900] =	vst v63  }
0x158: {  	_ =	swait.ge [sflag:s7], $0x4000  }
0x159: {  	[sflag:s7] =	ssyncset.done $0x0  }
0x15a: {  	s17 =	rddreg [dreg:$0x1a];
	[sflag:s7] =	ssyncadd.s32 $0xFFFFC000  }
0x15b: {  	[tilespmem:s29], [sflag:$0x4] =	stream.indirect.gather [hbm4b:s4+s26], $0x80, s17, s26, $0xb8;
	[tilespmem:$0x1C900] =	vst v63  }
0x15c: {  	_ =	swait.ge [sflag:s30], $0x4000  }
0x15d: {  	[sflag:s30] =	ssyncset.done $0x0  }
0x15e: {  	s18 =	rddreg [dreg:$0x1b];
	[sflag:s30] =	ssyncadd.s32 $0xFFFFC000  }
0x15f: {  	[spmem:s1] =	stream.indirect.scatter.add.f32 [tilespmem:s28], [sflag:$0x5], $0x80, s18, s26, $0xb8;
	[tilespmem:$0x1C900] =	vst v63  }
0x160: {  	_ =	swait.ge [sflag:s31], $0x4000  }
0x161: {  	[sflag:s31] =	ssyncset.done $0x0  }
0x162: {  	s21 =	rddreg [dreg:$0x1c];
	[sflag:s31] =	ssyncadd.s32 $0xFFFFC000  }
0x163: {  	[tilespmem:s28], [sflag:$0x3] =	stream.indirect.gather [hbm4b:s4+s26], $0x80, s21, s26, $0xb8;
	[tilespmem:$0x1C900] =	vst v63  }
0x164: {  	_ =	swait.ge [sflag:s0], $0x4000  }
0x165: {  	[sflag:s0] =	ssyncset.done $0x0  }
0x166: {  	s17 =	rddreg [dreg:$0x1d];
	[sflag:s0] =	ssyncadd.s32 $0xFFFFC000  }
0x167: {  	[spmem:s1] =	stream.indirect.scatter.add.f32 [tilespmem:s29], [sflag:$0x6], $0x80, s17, s26, $0xb8;
	[tilespmem:$0x1C900] =	vst v63  }
0x168: {  	_ =	swait.ge [sflag:s7], $0x4000  }
0x169: {  	[sflag:s7] =	ssyncset.done $0x0  }
0x16a: {  	s18 =	rddreg [dreg:$0x1e];
	[sflag:s7] =	ssyncadd.s32 $0xFFFFC000  }
0x16b: {  	[tilespmem:s29], [sflag:$0x4] =	stream.indirect.gather [hbm4b:s4+s26], $0x80, s18, s26, $0xb8;
	[tilespmem:$0x1C900] =	vst v63  }
0x16c: {  	_ =	swait.ge [sflag:s30], $0x4000  }
0x16d: {  	[sflag:s30] =	ssyncset.done $0x0  }
0x16e: {  	s21 =	rddreg [dreg:$0x1f];
	[sflag:s30] =	ssyncadd.s32 $0xFFFFC000  }
0x16f: {  	[spmem:s1] =	stream.indirect.scatter.add.f32 [tilespmem:s28], [sflag:$0x5], $0x80, s21, s26, $0xb8;
	[tilespmem:$0x1C900] =	vst v63  }
0x170: {  	_ =	swait.ge [sflag:s31], $0x4000  }
0x171: {  	[sflag:s31] =	ssyncset.done $0x0  }
0x172: {  	s16 =	simm.s32 @!p3 $0x1;
	[sflag:s31] =	ssyncadd.s32 $0xFFFFC000  }
0x173: {  	_ =	swait.ge @!p3 [sflag:s16], $0x400  }
0x174: {  	[sflag:s16] =	ssyncset.done @!p3 $0x0  }
0x175: {  	[sflag:s16] =	ssyncadd.s32 @!p3 $0xFFFFFC00  }
0x176: {  	s14 =	sadd.s32 $0x100, s14;
	_ =	swait.ge @!p3 [sflag:s16], $0x400  }
0x177: {  	p6 =	sne.s32 s14, $0x500;
	s17 =	simm.s32 @!p3 $0x14900;
	[sflag:s16] =	ssyncset.done @!p3 $0x0  }
.Ltmp2:
0x178: {  	[sflag:s16] =	ssyncadd.s32 @!p3 $0xFFFFFC00;
	s16 =	simm.s32 @!p3 $0x80;
	(pc) =	sbr.rel @p6 .LBB2_2-.Ltmp2, $4  }
0x179: {  	[tilespmem:s17], [sflag:$0x3] =	stream.indirect.gather @!p3 [hbm4b:s4+s16], $0x80, s15, s16, $0xb8;
	[tilespmem:$0x1C900] =	vst v63  }
0x17a: {  	_ =	swait.ge [sflag:s0], $0x4000  }
0x17b: {  	[sflag:s0] =	ssyncset.done $0x0  }
0x17c: {  	s13 =	sadd.s32 $0x800, s13;
	s15 =	sld [smem:$0x7FD];
	[sflag:s0] =	ssyncadd.s32 $0xFFFFC000  }
0x17d: {  	_ = 	snop  }
0x17e: {  	s14 =	simm.s32 @!p5 $0x6  }
0x17f: {  	[spmem:s1] =	stream.indirect.scatter.add.f32 [tilespmem:s29], [sflag:$0x6], $0x80, s15, s26, $0xb8;
	[tilespmem:$0x1C900] =	vst v63  }
0x180: {  	_ =	swait.ge @!p5 [sflag:s14], $0x4000  }
0x181: {  	s15 =	rddreg [dreg:$0x4]  }
0x182: {  	s16 =	simm.s32 @!p5 $0x13D00;
	[sflag:s14] =	ssyncset.done @!p5 $0x0;
	s17 =	rddreg [dreg:$0x3]  }
0x183: {  	[sflag:s14] =	ssyncadd.s32 @!p5 $0xFFFFC000;
	s14 =	sadd.s32 @!p5 s12, s15;
	s15 =	simm.s32 @!p5 $0x0  }
0x184: {  	[tilespmem:s16], [sflag:$0x2] =	stream.linear.gather @!p5 [hbm4b:s14+s15], $0x400, $0x38;
	[tilespmem:$0x1C900] =	vst v63  }
0x185: {  	s14 =	sadd.s32 @!p5 s12, s17;
	s16 =	simm.s32 @!p5 $0x14500  }
0x186: {  	[tilespmem:s16], [sflag:$0x2] =	stream.linear.gather @!p5 [hbm4b:s14+s15], $0x400, $0x38;
	[tilespmem:$0x1C900] =	vst v63  }
0x187: {  	s21 =	rddreg [dreg:$0x5]  }
0x188: {  	[tilespmem:s29], [sflag:$0x4] =	stream.indirect.gather [hbm4b:s4+s26], $0x80, s21, s26, $0xb8;
	[tilespmem:$0x1C900] =	vst v63  }
0x189: {  	_ =	swait.ge [sflag:s30], $0x4000  }
0x18a: {  	[sflag:s30] =	ssyncset.done $0x0  }
0x18b: {  	[sflag:s30] =	ssyncadd.s32 $0xFFFFC000  }
0x18c: {  	[spmem:s1] =	stream.indirect.scatter.add.f32 [tilespmem:s28], [sflag:$0x5], $0x80, s22, s26, $0xb8;
	[tilespmem:$0x1C900] =	vst v63  }
0x18d: {  	_ =	swait.ge [sflag:s31], $0x4000  }
0x18e: {  	[sflag:s31] =	ssyncset.done $0x0  }
0x18f: {  	s15 =	rddreg [dreg:$0x6];
	[sflag:s31] =	ssyncadd.s32 $0xFFFFC000  }
0x190: {  	[tilespmem:s28], [sflag:$0x3] =	stream.indirect.gather [hbm4b:s4+s26], $0x80, s15, s26, $0xb8;
	[tilespmem:$0x1C900] =	vst v63  }
0x191: {  	_ =	swait.ge [sflag:s0], $0x4000  }
0x192: {  	[sflag:s0] =	ssyncset.done $0x0  }
0x193: {  	s16 =	rddreg [dreg:$0x7];
	[sflag:s0] =	ssyncadd.s32 $0xFFFFC000  }
0x194: {  	[spmem:s1] =	stream.indirect.scatter.add.f32 [tilespmem:s29], [sflag:$0x6], $0x80, s16, s26, $0xb8;
	[tilespmem:$0x1C900] =	vst v63  }
0x195: {  	_ =	swait.ge [sflag:s7], $0x4000  }
0x196: {  	[sflag:s7] =	ssyncset.done $0x0  }
0x197: {  	s17 =	rddreg [dreg:$0x8];
	[sflag:s7] =	ssyncadd.s32 $0xFFFFC000  }
0x198: {  	[tilespmem:s29], [sflag:$0x4] =	stream.indirect.gather [hbm4b:s4+s26], $0x80, s17, s26, $0xb8;
	[tilespmem:$0x1C900] =	vst v63  }
0x199: {  	_ =	swait.ge [sflag:s30], $0x4000  }
0x19a: {  	[sflag:s30] =	ssyncset.done $0x0  }
0x19b: {  	s18 =	rddreg [dreg:$0x9];
	[sflag:s30] =	ssyncadd.s32 $0xFFFFC000  }
0x19c: {  	[spmem:s1] =	stream.indirect.scatter.add.f32 [tilespmem:s28], [sflag:$0x5], $0x80, s18, s26, $0xb8;
	[tilespmem:$0x1C900] =	vst v63  }
0x19d: {  	_ =	swait.ge [sflag:s31], $0x4000  }
0x19e: {  	[sflag:s31] =	ssyncset.done $0x0  }
0x19f: {  	s21 =	rddreg [dreg:$0xa];
	[sflag:s31] =	ssyncadd.s32 $0xFFFFC000  }
0x1a0: {  	[tilespmem:s28], [sflag:$0x3] =	stream.indirect.gather [hbm4b:s4+s26], $0x80, s21, s26, $0xb8;
	[tilespmem:$0x1C900] =	vst v63  }
0x1a1: {  	_ =	swait.ge [sflag:s0], $0x4000  }
0x1a2: {  	[sflag:s0] =	ssyncset.done $0x0  }
0x1a3: {  	s15 =	rddreg [dreg:$0xb];
	[sflag:s0] =	ssyncadd.s32 $0xFFFFC000  }
0x1a4: {  	[spmem:s1] =	stream.indirect.scatter.add.f32 [tilespmem:s29], [sflag:$0x6], $0x80, s15, s26, $0xb8;
	[tilespmem:$0x1C900] =	vst v63  }
0x1a5: {  	_ =	swait.ge [sflag:s7], $0x4000  }
0x1a6: {  	[sflag:s7] =	ssyncset.done $0x0  }
0x1a7: {  	s16 =	rddreg [dreg:$0xc];
	[sflag:s7] =	ssyncadd.s32 $0xFFFFC000  }
0x1a8: {  	[tilespmem:s29], [sflag:$0x4] =	stream.indirect.gather [hbm4b:s4+s26], $0x80, s16, s26, $0xb8;
	[tilespmem:$0x1C900] =	vst v63  }
0x1a9: {  	_ =	swait.ge [sflag:s30], $0x4000  }
0x1aa: {  	[sflag:s30] =	ssyncset.done $0x0  }
0x1ab: {  	s17 =	rddreg [dreg:$0xd];
	[sflag:s30] =	ssyncadd.s32 $0xFFFFC000  }
0x1ac: {  	[spmem:s1] =	stream.indirect.scatter.add.f32 [tilespmem:s28], [sflag:$0x5], $0x80, s17, s26, $0xb8;
	[tilespmem:$0x1C900] =	vst v63  }
0x1ad: {  	_ =	swait.ge [sflag:s31], $0x4000  }
0x1ae: {  	[sflag:s31] =	ssyncset.done $0x0  }
0x1af: {  	s18 =	rddreg [dreg:$0xe];
	[sflag:s31] =	ssyncadd.s32 $0xFFFFC000  }
0x1b0: {  	[tilespmem:s28], [sflag:$0x3] =	stream.indirect.gather [hbm4b:s4+s26], $0x80, s18, s26, $0xb8;
	[tilespmem:$0x1C900] =	vst v63  }
0x1b1: {  	_ =	swait.ge [sflag:s0], $0x4000  }
0x1b2: {  	[sflag:s0] =	ssyncset.done $0x0  }
0x1b3: {  	s21 =	rddreg [dreg:$0xf];
	[sflag:s0] =	ssyncadd.s32 $0xFFFFC000  }
0x1b4: {  	[spmem:s1] =	stream.indirect.scatter.add.f32 [tilespmem:s29], [sflag:$0x6], $0x80, s21, s26, $0xb8;
	[tilespmem:$0x1C900] =	vst v63  }
0x1b5: {  	_ =	swait.ge [sflag:s7], $0x4000  }
0x1b6: {  	[sflag:s7] =	ssyncset.done $0x0  }
0x1b7: {  	s15 =	rddreg [dreg:$0x10];
	[sflag:s7] =	ssyncadd.s32 $0xFFFFC000  }
0x1b8: {  	[tilespmem:s29], [sflag:$0x4] =	stream.indirect.gather [hbm4b:s4+s26], $0x80, s15, s26, $0xb8;
	[tilespmem:$0x1C900] =	vst v63  }
0x1b9: {  	_ =	swait.ge [sflag:s30], $0x4000  }
0x1ba: {  	[sflag:s30] =	ssyncset.done $0x0  }
0x1bb: {  	s16 =	rddreg [dreg:$0x11];
	[sflag:s30] =	ssyncadd.s32 $0xFFFFC000  }
0x1bc: {  	[spmem:s1] =	stream.indirect.scatter.add.f32 [tilespmem:s28], [sflag:$0x5], $0x80, s16, s26, $0xb8;
	[tilespmem:$0x1C900] =	vst v63  }
0x1bd: {  	_ =	swait.ge [sflag:s31], $0x4000  }
0x1be: {  	[sflag:s31] =	ssyncset.done $0x0  }
0x1bf: {  	[sflag:s31] =	ssyncadd.s32 $0xFFFFC000  }
0x1c0: {  	_ =	swait.ge [sflag:s8], $0x400  }
0x1c1: {  	[sflag:s8] =	ssyncset.done $0x0  }
0x1c2: {  	[sflag:s8] =	ssyncadd.s32 $0xFFFFFC00  }
0x1c3: {  	_ =	swait.ge [sflag:s8], $0x400  }
0x1c4: {  	[sflag:s8] =	ssyncset.done $0x0  }
0x1c5: {  	[sflag:s8] =	ssyncadd.s32 $0xFFFFFC00  }
0x1c6: {  	[tilespmem:s28], [sflag:$0x3] =	stream.indirect.gather [hbm4b:s4+s26], $0x80, s23, s26, $0xb8;
	[tilespmem:$0x1C900] =	vst v63  }
0x1c7: {  	_ =	swait.ge [sflag:s0], $0x4000  }
0x1c8: {  	[sflag:s0] =	ssyncset.done $0x0  }
0x1c9: {  	s17 =	rddreg [dreg:$0x12];
	[sflag:s0] =	ssyncadd.s32 $0xFFFFC000  }
0x1ca: {  	[spmem:s1] =	stream.indirect.scatter.add.f32 [tilespmem:s29], [sflag:$0x6], $0x80, s17, s26, $0xb8;
	[tilespmem:$0x1C900] =	vst v63  }
0x1cb: {  	p3 =	seq.s32 s12, $0x400;
	_ =	swait.ge [sflag:s7], $0x4000  }
0x1cc: {  	s13 =	sshrl.u32 @!p3 s13, $0x3;
	s12 =	simm.s32 @!p3 $0x13900;
	[sflag:s7] =	ssyncset.done $0x0  }
0x1cd: {  	s14 =	sadd.s32 @!p3 s5, s13;
	s15 =	simm.s32 @!p3 $0x0;
	[sflag:s7] =	ssyncadd.s32 $0xFFFFC000  }
0x1ce: {  	[tilespmem:s12], [sflag:$0x1] =	stream.linear.gather @!p3 [hbm4b:s14+s15], $0x400, $0x38;
	[tilespmem:$0x1C900] =	vst v63  }
0x1cf: {  	s13 =	sadd.s32 @!p3 s6, s13;
	s14 =	simm.s32 @!p3 $0x14100  }
0x1d0: {  	[tilespmem:s14], [sflag:$0x1] =	stream.linear.gather @!p3 [hbm4b:s13+s15], $0x400, $0x38;
	[tilespmem:$0x1C900] =	vst v63  }
0x1d1: {  	s18 =	rddreg [dreg:$0x13]  }
0x1d2: {  	[tilespmem:s29], [sflag:$0x4] =	stream.indirect.gather [hbm4b:s4+s26], $0x80, s18, s26, $0xb8;
	[tilespmem:$0x1C900] =	vst v63  }
0x1d3: {  	_ =	swait.ge [sflag:s30], $0x4000  }
0x1d4: {  	[sflag:s30] =	ssyncset.done $0x0  }
0x1d5: {  	[sflag:s30] =	ssyncadd.s32 $0xFFFFC000  }
0x1d6: {  	[spmem:s1] =	stream.indirect.scatter.add.f32 [tilespmem:s28], [sflag:$0x5], $0x80, s24, s26, $0xb8;
	[tilespmem:$0x1C900] =	vst v63  }
0x1d7: {  	_ =	swait.ge [sflag:s31], $0x4000  }
0x1d8: {  	[sflag:s31] =	ssyncset.done $0x0  }
0x1d9: {  	s21 =	rddreg [dreg:$0x14];
	[sflag:s31] =	ssyncadd.s32 $0xFFFFC000  }
0x1da: {  	[tilespmem:s28], [sflag:$0x3] =	stream.indirect.gather [hbm4b:s4+s26], $0x80, s21, s26, $0xb8;
	[tilespmem:$0x1C900] =	vst v63  }
0x1db: {  	_ =	swait.ge [sflag:s0], $0x4000  }
0x1dc: {  	[sflag:s0] =	ssyncset.done $0x0  }
0x1dd: {  	s14 =	rddreg [dreg:$0x15];
	[sflag:s0] =	ssyncadd.s32 $0xFFFFC000  }
0x1de: {  	[spmem:s1] =	stream.indirect.scatter.add.f32 [tilespmem:s29], [sflag:$0x6], $0x80, s14, s26, $0xb8;
	[tilespmem:$0x1C900] =	vst v63  }
0x1df: {  	_ =	swait.ge [sflag:s7], $0x4000  }
0x1e0: {  	[sflag:s7] =	ssyncset.done $0x0  }
0x1e1: {  	s15 =	rddreg [dreg:$0x16];
	[sflag:s7] =	ssyncadd.s32 $0xFFFFC000  }
0x1e2: {  	[tilespmem:s29], [sflag:$0x4] =	stream.indirect.gather [hbm4b:s4+s26], $0x80, s15, s26, $0xb8;
	[tilespmem:$0x1C900] =	vst v63  }
0x1e3: {  	_ =	swait.ge [sflag:s30], $0x4000  }
0x1e4: {  	[sflag:s30] =	ssyncset.done $0x0  }
0x1e5: {  	s16 =	rddreg [dreg:$0x17];
	[sflag:s30] =	ssyncadd.s32 $0xFFFFC000  }
0x1e6: {  	[spmem:s1] =	stream.indirect.scatter.add.f32 [tilespmem:s28], [sflag:$0x5], $0x80, s16, s26, $0xb8;
	[tilespmem:$0x1C900] =	vst v63  }
0x1e7: {  	_ =	swait.ge [sflag:s31], $0x4000  }
0x1e8: {  	[sflag:s31] =	ssyncset.done $0x0  }
0x1e9: {  	s17 =	rddreg [dreg:$0x18];
	[sflag:s31] =	ssyncadd.s32 $0xFFFFC000  }
0x1ea: {  	[tilespmem:s28], [sflag:$0x3] =	stream.indirect.gather [hbm4b:s4+s26], $0x80, s17, s26, $0xb8;
	[tilespmem:$0x1C900] =	vst v63  }
0x1eb: {  	_ =	swait.ge [sflag:s0], $0x4000  }
0x1ec: {  	[sflag:s0] =	ssyncset.done $0x0  }
0x1ed: {  	s18 =	rddreg [dreg:$0x19];
	[sflag:s0] =	ssyncadd.s32 $0xFFFFC000  }
0x1ee: {  	[spmem:s1] =	stream.indirect.scatter.add.f32 [tilespmem:s29], [sflag:$0x6], $0x80, s18, s26, $0xb8;
	[tilespmem:$0x1C900] =	vst v63  }
0x1ef: {  	_ =	swait.ge [sflag:s7], $0x4000  }
0x1f0: {  	[sflag:s7] =	ssyncset.done $0x0  }
0x1f1: {  	s21 =	rddreg [dreg:$0x1a];
	[sflag:s7] =	ssyncadd.s32 $0xFFFFC000  }
0x1f2: {  	[tilespmem:s29], [sflag:$0x4] =	stream.indirect.gather [hbm4b:s4+s26], $0x80, s21, s26, $0xb8;
	[tilespmem:$0x1C900] =	vst v63  }
0x1f3: {  	_ =	swait.ge [sflag:s30], $0x4000  }
0x1f4: {  	[sflag:s30] =	ssyncset.done $0x0  }
0x1f5: {  	s14 =	rddreg [dreg:$0x1b];
	[sflag:s30] =	ssyncadd.s32 $0xFFFFC000  }
0x1f6: {  	[spmem:s1] =	stream.indirect.scatter.add.f32 [tilespmem:s28], [sflag:$0x5], $0x80, s14, s26, $0xb8;
	[tilespmem:$0x1C900] =	vst v63  }
0x1f7: {  	_ =	swait.ge [sflag:s31], $0x4000  }
0x1f8: {  	[sflag:s31] =	ssyncset.done $0x0  }
0x1f9: {  	s15 =	rddreg [dreg:$0x1c];
	[sflag:s31] =	ssyncadd.s32 $0xFFFFC000  }
0x1fa: {  	[tilespmem:s28], [sflag:$0x3] =	stream.indirect.gather [hbm4b:s4+s26], $0x80, s15, s26, $0xb8;
	[tilespmem:$0x1C900] =	vst v63  }
0x1fb: {  	_ =	swait.ge [sflag:s0], $0x4000  }
0x1fc: {  	[sflag:s0] =	ssyncset.done $0x0  }
0x1fd: {  	s16 =	rddreg [dreg:$0x1d];
	[sflag:s0] =	ssyncadd.s32 $0xFFFFC000  }
0x1fe: {  	[spmem:s1] =	stream.indirect.scatter.add.f32 [tilespmem:s29], [sflag:$0x6], $0x80, s16, s26, $0xb8;
	[tilespmem:$0x1C900] =	vst v63  }
0x1ff: {  	_ =	swait.ge [sflag:s7], $0x4000  }
0x200: {  	[sflag:s7] =	ssyncset.done $0x0  }
0x201: {  	s17 =	rddreg [dreg:$0x1e];
	[sflag:s7] =	ssyncadd.s32 $0xFFFFC000  }
0x202: {  	[tilespmem:s29], [sflag:$0x4] =	stream.indirect.gather [hbm4b:s4+s26], $0x80, s17, s26, $0xb8;
	[tilespmem:$0x1C900] =	vst v63  }
0x203: {  	_ =	swait.ge [sflag:s30], $0x4000  }
0x204: {  	[sflag:s30] =	ssyncset.done $0x0  }
0x205: {  	s18 =	rddreg [dreg:$0x1f];
	[sflag:s30] =	ssyncadd.s32 $0xFFFFC000  }
0x206: {  	[spmem:s1] =	stream.indirect.scatter.add.f32 [tilespmem:s28], [sflag:$0x5], $0x80, s18, s26, $0xb8;
	[tilespmem:$0x1C900] =	vst v63  }
0x207: {  	_ =	swait.ge [sflag:s31], $0x4000  }
0x208: {  	[sflag:s31] =	ssyncset.done $0x0  }
0x209: {  	s13 =	simm.s32 @!p3 $0x1;
	[sflag:s31] =	ssyncadd.s32 $0xFFFFC000  }
0x20a: {  	_ =	swait.ge @!p3 [sflag:s13], $0x400  }
0x20b: {  	[sflag:s13] =	ssyncset.done @!p3 $0x0  }
0x20c: {  	[sflag:s13] =	ssyncadd.s32 @!p3 $0xFFFFFC00  }
0x20d: {  	_ =	swait.ge @!p3 [sflag:s13], $0x400  }
0x20e: {  	[sflag:s13] =	ssyncset.done @!p3 $0x0  }
0x20f: {  	s14 =	simm.s32 @!p3 $0x14900;
	[sflag:s13] =	ssyncadd.s32 @!p3 $0xFFFFFC00;
	s13 =	simm.s32 @!p3 $0x80  }
0x210: {  	[tilespmem:s14], [sflag:$0x3] =	stream.indirect.gather @!p3 [hbm4b:s4+s13], $0x80, s12, s13, $0xb8;
	[tilespmem:$0x1C900] =	vst v63  }
0x211: {  	_ =	swait.ge [sflag:s0], $0x4000  }
0x212: {  	s21 =	sld [smem:$0x7FD]  }
0x213: {  	[sflag:s0] =	ssyncset.done $0x0  }
0x214: {  	[sflag:s0] =	ssyncadd.s32 $0xFFFFC000  }
0x215: {  	[spmem:s1] =	stream.indirect.scatter.add.f32 [tilespmem:s29], [sflag:$0x6], $0x80, s21, s26, $0xb8;
	[tilespmem:$0x1C900] =	vst v63  }
0x216: {  	_ =	swait.ge [sflag:s7], $0x4000  }
0x217: {  	[sflag:s7] =	ssyncset.done $0x0  }
0x218: {  	[sflag:s7] =	ssyncadd.s32 $0xFFFFC000  }
0x219: {  	[bflag:$0x0] =	sbarrier.arrive $0xFFFF  }
0x21a: {  	s14 =	sld [smem:$0x7F9]  }
0x21b: {  	s12 =	sshll.u32 @p1 s2, $0x6  }
0x21c: {  	s13 =	sshrl.u32 @p1 s11, $0x3;
	s12 =	sor.u32 @p1 $0x1C07, s12  }
0x21d: {  	[hbm:s14], [sflag:s12] =	dma.local @p1 [spmem:s13], $0x2780  }
0x21e: {  	s12 =	simm.s32 @p1 $0x7  }
0x21f: {  	_ =	swait.ge @p1 [sflag:s12], $0x2780  }
0x220: {  	s14 =	sld [smem:$0x7FC]  }
0x221: {  	s13 =	sshll.u32 @!p4 s2, $0x6;
	[sflag:s12] =	ssyncset.done @p1 $0x0  }
0x222: {  	[sflag:s12] =	ssyncadd.s32 @p1 $0xFFFFD880;
	s12 =	sor.u32 @!p4 $0x1C07, s13;
	s13 =	sshrl.u32 @!p4 s11, $0x3  }
0x223: {  	[hbm:s14], [sflag:s12] =	dma.local @!p4 [spmem:s13], $0x2780  }
0x224: {  	s12 =	sld [smem:$0x7FA];
	_ =	sdelay $0x2  }
0x225: {  	p3 =	por @!p4 $0x1, $0x1;
	p5 =	seq.s32 s12, $0x1  }
0x226: {  	p5 =	por @!p4 p3, p3  }
0x227: {  	p3 =	por @!p2 !p5, !p0  }
0x228: {  	p3 =	por @!p2 !p3, !p3  }
0x229: {  	p3 =	por p2, p3  }
.Ltmp3:
0x22a: {  	_ = 	snop;
	(pc) =	sbr.rel @!p3 .LBB2_5-.Ltmp3, $4  }
0x22b: {  	s12 =	simm.s32 @!p4 $0x7  }
0x22c: {  	_ =	swait.ge @!p4 [sflag:s12], $0x2780  }
0x22d: {  	[sflag:s12] =	ssyncset.done @!p4 $0x0  }
0x22e: {  	[sflag:s12] =	ssyncadd.s32 @!p4 $0xFFFFD880  }
0x22f: {  	s12 =	sld [smem:$0x7FB]  }
0x230: {  	s13 =	sld [smem:$0x7F8];
	_ =	sdelay $0x2  }
0x231: {  	s18 =	sshrl.u32 s9, $0x3;
	s14 =	simm.s32 $0x1FC7;
	s12 =	smov.u32 @p2 s13  }
.Ltmp4:
0x232: {  	s21 =	simm.s32 $0x7;
	s12 =	sadd.s32 $0x25080, s12;
	(pc) =	sbr.rel .LBB2_5-.Ltmp4, $4  }
0x233: {  	[hbm:s12], [sflag:s14] =	dma.local [spmem:s18], $0x2080  }
0x234: {  	_ =	swait.ge [sflag:s21], $0x2080  }
0x235: {  	[sflag:s21] =	ssyncset.done $0x0  }
0x236: {  	[sflag:s21] =	ssyncadd.s32 $0xFFFFDF80  }
.LBB2_6:
0x237: {  	_ =	sfence.sel $0x180000  }
0x238: {  	[bflag:$0x0] =	sbarrier.arrive $0xFFFF  }
0x239: {  	_ =	strace $0x9000004A  }
0x23a: {  	[bflag:$0x2] =	sbarrier.arrive $0xFFFF  }
0x23b: {  	p0 =	sne.s32 s2, $0x0;
	s0 =	rddreg [dreg:$0x2]  }
0x23c: {  	s0 =	sadd.s32 @!p0 $0x100000, s0  }
0x23d: {  	[sflag:s0] =	ssyncadd.tile.s32 @!p0 $0x1;
	_ =	shalt  }
.Lfunc_end2:
_tile_overlayer_lowered:
.L_overlay_start_2:
0x23e: {  	(tag) =	ssettag $0x2  }
0x23f: {  	s0 =	rddreg [dreg:$0x0];
	s2 =	stileid.u32  }
0x240: {  	s1 =	rddreg [dreg:$0x1];
	p0 =	sne.s32 s2, $0x0  }
0x241: {  	s3 =	rddreg [dreg:$0x2];
	[bflag:$0x3] =	sbarrier.arrive $0xFFFF;
	s2 =	simm.s32 @!p0 $0x1C07  }
0x242: {  	[timem:s3], [sflag:s2] =	dma.local @!p0 [hbm:s0], s1  }
0x243: {  	s0 =	simm.s32 @!p0 $0x7  }
0x244: {  	_ =	swait.ge @!p0 [sflag:s0], s1  }
0x245: {  	s1 =	ssub.s32 @!p0 $0x0, s1;
	[sflag:s0] =	ssyncset.done @!p0 $0x0  }
0x246: {  	[sflag:s0] =	ssyncadd.s32 @!p0 s1  }
0x247: {  	[bflag:$0x3] =	sbarrier.arrive $0xFFFF  }
0x248: {  	_ =	shalt  }

// kernel: kernel.14.cloned.1.call-start
scs
__scs_entry_jumppad:
0x0: {  	(pc) =	sbr.rel $0x88, $3  }
0x1: {  	(tag) =	ssettag $0x0;
	lr =	simm.s32 $0x1  }
0x2: {  	[smem:$0x3F92] =	sst lr;
	_ =	strace $0xD0000000  }
0x3: {  	_ = 	snop  }
0x4: {  	_ = 	snop  }
0x5: {  	_ = 	snop  }
0x6: {  	_ = 	snop  }
0x7: {  	_ = 	snop  }
__scs_overlays_trampoline_lowered:
0x8: {  	[smem:$0x3FA1] =	sst s0  }
0x9: {  	[smem:$0x3FA2] =	sst s1  }
0xa: {  	[smem:$0x3FA3] =	sst s2  }
0xb: {  	[smem:$0x3FA4] =	sst s3  }
0xc: {  	[smem:$0x3FA5] =	sst s4  }
0xd: {  	[smem:$0x3FA6] =	sst s5  }
0xe: {  	[smem:$0x3FA7] =	sst s6  }
0xf: {  	[smem:$0x3FA8] =	sst s7  }
0x10: {  	[smem:$0x3FA9] =	sst s8  }
0x11: {  	[smem:$0x3FAA] =	sst s9;
	s0 =	simm.s32 @!p0 $0x0  }
0x12: {  	s1 =	sld [smem:$0x3F90];
	s0 =	simm.s32 @p0 $0x1  }
0x13: {  	[smem:$0x3FAB] =	sst s0;
	s0 =	simm.s32 @!p1 $0x0  }
0x14: {  	s2 =	sld [smem:$0x3F8F];
	s0 =	simm.s32 @p1 $0x1  }
0x15: {  	[smem:$0x3FAC] =	sst s0;
	s0 =	simm.s32 @!p2 $0x0  }
0x16: {  	s3 =	sld [smem:$0x3FDB];
	s0 =	simm.s32 @p2 $0x1  }
0x17: {  	s4 =	simm.s32 $0x1BF5;
	[smem:$0x3FAE] =	sst s0  }
0x18: {  	s0 =	sld [smem:$0x3F91];
	_ =	swait.ge [sflag:s4], $0x0  }
0x19: {  	s7 =	sld [smem:$0x3F92]  }
0x1a: {  	s8 =	sadd.s32 $0xFFFFE003, lr  }
0x1b: {  	s9 =	sadd.s32 $0xFFFFFEF7, lr;
	s5 =	simm.s32 $0xFFFFFFFF;
	p2 =	slt.u32 s8, $0xFFFFF086  }
0x1c: {  	p1 =	slt.u32 s9, $0xF7A;
	s5 =	simm.s32 @!p2 $0x0  }
0x1d: {  	s5 =	simm.s32 @p1 $0x1;
	p0 =	seq.s32 s7, s2  }
0x1e: {  	s7 =	smul.u32 @!p0 $0xF7A, s2;
	p2 =	seq.s32 @!p0 s5, $0x0  }
0x1f: {  	s9 =	smul.u32 $0xF7A, s1;
	s8 =	simm.s32 @!p0 $0x1BF5;
	p2 =	por !p2, p0  }
0x20: {  	[sflag:s8] =	ssyncset.s32 @!p0 $0xFFFFF086;
	s6 =	sadd.s32 @!p0 s3, s7;
	s7 =	simm.s32 @!p0 $0x108  }
0x21: {  	s3 =	sadd.s32 s3, s9;
	s6 =	sadd.s32 @!p0 $0x88, s6;
	s7 =	simm.s32 @p2 $0x1082  }
0x22: {  	[simem:s7], [sflag:s8] =	dma.local @!p0 [hbm:s6], $0xF7A  }
0x23: {  	s9 =	sor.u32 $0xD0000000, s2;
	s6 =	simm.s32 $0x108;
	_ =	swait.ge @!p0 [sflag:s8], $0x0  }
0x24: {  	s3 =	sadd.s32 $0x88, s3;
	s6 =	simm.s32 @!p1 $0x1082;
	[sflag:s4] =	ssyncset.s32 $0xFFFFF086  }
0x25: {  	[simem:s6], [sflag:s4] =	dma.local [hbm:s3], $0xF7A  }
0x26: {  	[smem:$0x3F92] =	sst s1;
	(tag) =	ssettag s2;
	_ =	strace s9  }
0x27: {  	s1 =	sld [smem:$0x3FA2]  }
0x28: {  	s2 =	sld [smem:$0x3FA3]  }
0x29: {  	s4 =	sld [smem:$0x3FA5]  }
0x2a: {  	p0 =	seq.s32 s5, $0x0;
	s5 =	sld [smem:$0x3FA6]  }
0x2b: {  	s6 =	sld [smem:$0x3FA7]  }
0x2c: {  	s7 =	sld [smem:$0x3FA8]  }
0x2d: {  	s3 =	simm.s32 $0x108;
	s8 =	sld [smem:$0x3FA9]  }
0x2e: {  	s3 =	simm.s32 @!p0 $0x1082;
	s9 =	sld [smem:$0x3FAA]  }
0x2f: {  	lr =	sadd.s32 s0, s3;
	s0 =	sld [smem:$0x3FA1]  }
0x30: {  	s3 =	sld [smem:$0x3FA4]  }
0x31: {  	[smem:$0x3FAD] =	sst s10  }
0x32: {  	s10 =	sld [smem:$0x3FAB];
	_ =	sdelay $0x3  }
0x33: {  	p0 =	seq.s32 s10, $0x1;
	s10 =	sld [smem:$0x3FAD];
	_ =	sdelay $0x3  }
0x34: {  	[smem:$0x3FAD] =	sst s10  }
0x35: {  	s10 =	sld [smem:$0x3FAC];
	_ =	sdelay $0x3  }
0x36: {  	p1 =	seq.s32 s10, $0x1;
	s10 =	sld [smem:$0x3FAD];
	_ =	sdelay $0x3  }
0x37: {  	[smem:$0x3FAD] =	sst s10  }
0x38: {  	s10 =	sld [smem:$0x3FAE]  }
0x39: {  	_ = 	snop;
	(pc) =	sbr.ind lr, $3  }
0x3a: {  	_ = 	snop  }
0x3b: {  	_ = 	snop  }
0x3c: {  	p2 =	seq.s32 s10, $0x1;
	s10 =	sld [smem:$0x3FAD]  }
0x3d: {  	_ =	shalt  }
0x3e: {  	_ =	shalt  }
0x3f: {  	_ =	shalt  }
0x40: {  	_ =	shalt  }
0x41: {  	_ =	shalt  }
0x42: {  	_ =	shalt  }
0x43: {  	_ =	shalt  }
0x44: {  	_ =	shalt  }
0x45: {  	_ =	shalt  }
0x46: {  	_ =	shalt  }
0x47: {  	_ =	shalt  }
0x48: {  	_ =	shalt  }
0x49: {  	_ =	shalt  }
0x4a: {  	_ =	shalt  }
0x4b: {  	_ =	shalt  }
0x4c: {  	_ =	shalt  }
0x4d: {  	_ =	shalt  }
0x4e: {  	_ =	shalt  }
0x4f: {  	_ =	shalt  }
0x50: {  	_ =	shalt  }
0x51: {  	_ =	shalt  }
0x52: {  	_ =	shalt  }
0x53: {  	_ =	shalt  }
0x54: {  	_ =	shalt  }
0x55: {  	_ =	shalt  }
0x56: {  	_ =	shalt  }
0x57: {  	_ =	shalt  }
0x58: {  	_ =	shalt  }
0x59: {  	_ =	shalt  }
0x5a: {  	_ =	shalt  }
0x5b: {  	_ =	shalt  }
0x5c: {  	_ =	shalt  }
0x5d: {  	_ =	shalt  }
0x5e: {  	_ =	shalt  }
0x5f: {  	_ =	shalt  }
0x60: {  	_ =	shalt  }
0x61: {  	_ =	shalt  }
0x62: {  	_ =	shalt  }
0x63: {  	_ =	shalt  }
0x64: {  	_ =	shalt  }
0x65: {  	_ =	shalt  }
0x66: {  	_ =	shalt  }
0x67: {  	_ =	shalt  }
0x68: {  	_ =	shalt  }
0x69: {  	_ =	shalt  }
0x6a: {  	_ =	shalt  }
0x6b: {  	_ =	shalt  }
0x6c: {  	_ =	shalt  }
0x6d: {  	_ =	shalt  }
0x6e: {  	_ =	shalt  }
0x6f: {  	_ =	shalt  }
0x70: {  	_ =	shalt  }
0x71: {  	_ =	shalt  }
0x72: {  	_ =	shalt  }
0x73: {  	_ =	shalt  }
0x74: {  	_ =	shalt  }
0x75: {  	_ =	shalt  }
0x76: {  	_ =	shalt  }
0x77: {  	_ =	shalt  }
0x78: {  	_ =	shalt  }
0x79: {  	_ =	shalt  }
0x7a: {  	_ =	shalt  }
0x7b: {  	_ =	shalt  }
0x7c: {  	_ =	shalt  }
0x7d: {  	_ =	shalt  }
0x7e: {  	_ =	shalt  }
0x7f: {  	_ =	shalt  }
0x80: {  	_ =	shalt  }
0x81: {  	_ =	shalt  }
0x82: {  	_ =	shalt  }
0x83: {  	_ =	shalt  }
0x84: {  	_ =	shalt  }
0x85: {  	_ =	shalt  }
0x86: {  	_ =	shalt  }
0x87: {  	_ =	shalt  }
.Lfunc_end0:
.L_simem_size_0:
called_computation.2_lowered:
.L_overlay_start_0:
0x88: {  	s2 =	sld [smem:$0x3FD9]  }
0x89: {  	s3 =	sld [smem:$0x3FFE];
	_ =	sdelay $0x1  }
0x8a: {  	s1 =	srdreg.scid  }
0x8b: {  	s0 =	sand.u32 $0x1, s1  }
0x8c: {  	s16 =	sshll.u32 s0, $0xA;
	s2 =	sadd.s32 s3, s2  }
0x8d: {  	s2 =	sadd.s32 s2, s16  }
0x8e: {  	[smem:$0x3FB9] =	sst s2  }
0x8f: {  	_ = 	snop  }
0x90: {  	(tm) =	ssettm $0x1  }
0x91: {  	s17 =	sld [smem:$0x3FFB];
	_ =	sdelay $0x3  }
0x92: {  	_ =	strace s17  }
0x93: {  	s2 =	sld [smem:$0x3FFC];
	_ =	sdelay $0x3  }
0x94: {  	_ =	strace s2  }
0x95: {  	s2 =	sld [smem:$0x3FFD];
	_ =	sdelay $0x3  }
0x96: {  	_ =	strace s2  }
0x97: {  	_ =	strace $0x8FFFFFFF  }
0x98: {  	s18 =	sld [smem:$0x3FDB];
	_ =	sdelay $0x1  }
0x99: {  	s19 =	simm.s32 $_scs_section_size  }
0x9a: {  	s4 =	simm.s32 $_size__tile_overlayer_lowered;
	s5 =	simm.s32 $_tile_overlayer_lowered  }
0x9b: {  	s22 =	simm.s32 $0x1BFF;
	s21 =	sshll.u32 s5, $0x1;
	s2 =	sadd.s32 s19, s18  }
0x9c: {  	s6 =	simm.s32 $0x0;
	s20 =	sshll.u32 s4, $0x1;
	s4 =	sadd.s32 s21, s2  }
0x9d: {  	[timem:s6], [sflag:s22] =	dma.local [hbm:s4], s20  }
0x9e: {  	_ =	swait.ge [sflag:s22], s20  }
0x9f: {  	s3 =	ssub.s32 $0x0, s20;
	[sflag:s22] =	ssyncset.done $0x0  }
0xa0: {  	[sflag:s22] =	ssyncadd.s32 s3;
	_ =	sdelay $0x1  }
0xa1: {  	s23 =	simm.s32 $0x1B8B  }
0xa2: {  	_ =	swait.ge [sflag:s23], $0x1  }
0xa3: {  	[sflag:s23] =	ssyncset.done $0x0  }
0xa4: {  	s25 =	simm.s32 $0x1B8E;
	s24 =	sld [smem:$0x3FFE];
	[sflag:s23] =	ssyncadd.s32 $0xFFFFFFFF  }
0xa5: {  	s26 =	simm.s32 $execute0_lowered;
	[smem:$0x3FD2] =	sst s25  }
0xa6: {  	s4 =	sshll.u32 s26, $0x1;
	_ =	strace $0x8000004C;
	[dreg:$0x1] =	wrdreg $0xFFFFFFFF  }
0xa7: {  	s28 =	simm.s32 $_size_execute0_lowered;
	s2 =	sadd.s32 s2, s4;
	[dreg:$0x0] =	wrdreg $0x0  }
0xa8: {  	s4 =	sshll.u32 s28, $0x1;
	[dreg:$0x2] =	wrdreg s2  }
0xa9: {  	[dreg:$0x3] =	wrdreg s4  }
0xaa: {  	[dreg:$0x4] =	wrdreg $0xC0  }
0xab: {  	_ =	task [dreg:s6], $0x5FFFF  }
0xac: {  	[dreg:$0x1] =	wrdreg $0xFFFFFFFF  }
0xad: {  	[dreg:$0x0] =	wrdreg $0x60  }
0xae: {  	[dreg:$0x2] =	wrdreg s24  }
0xaf: {  	[dreg:$0x3] =	wrdreg $0x0  }
0xb0: {  	[dreg:$0x4] =	wrdreg $0x9  }
0xb1: {  	_ =	task.clear_ibuf [dreg:s6], $0x5FFFF;
	_ =	strace $0x9000004C  }
0xb2: {  	s29 =	simm.s32 $0x9;
	_ =	strace $0x8000004E  }
0xb3: {  	_ =	swait.ge [sflag:s29], $0x1  }
0xb4: {  	[sflag:s29] =	ssyncadd.s32 $0xFFFFFFFF  }
0xb5: {  	_ =	strace $0x9000004E  }
0xb6: {  	_ =	sfence  }
0xb7: {  	s30 =	sld [smem:$0x0];
	_ =	sdelay $0x2  }
0xb8: {  	s31 =	sshll.u32 s1, $0xD;
	s1 =	sshrl.u32 s1, $0x2  }
0xb9: {  	s3 =	sand.u32 $0x4000, s31;
	s1 =	sadd.s32 s1, s30  }
0xba: {  	s0 =	sor.u32 s3, s0;
	s1 =	sshll.u32 s1, $0x11  }
0xbb: {  	s0 =	sor.u32 s1, s0  }
0xbc: {  	s0 =	sadd.s32 $0x8F2B, s0  }
0xbd: {  	[sflag:s0] =	ssyncadd.remote.s32 $0x1  }
0xbe: {  	_ =	sfence.sel $0xFFFF  }
0xbf: {  	[dreg:$0x0] =	wrdreg $0xFFFFFFFF;
	(pc) =	sbr.abs _section_cstart, $3  }
0xc0: {  	[dreg:$0x1] =	wrdreg $0xFFFFFFFF  }
0xc1: {  	_ =	task.clear_ibuf [dreg:s6], $0x2FFFF;
	_ =	strace $0x9FFFFFFF  }
0xc2: {  	(tm) =	ssettm $0x7FFFFFFF  }
0xc3: {  	_ =	shalt  }
tec
execute0_lowered:
.L_overlay_start_1:
0x0: {  	(tag) =	ssettag $0x1  }
0x1: {  	s10 =	rddreg [dreg:$0x0]  }
0x2: {  	s1 =	rddreg [dreg:$0x1];
	s3 =	simm.s32 $0x0;
	s0 =	srdreg.scid  }
0x3: {  	s2 =	stileid.u32;
	s16 =	simm.s32 $0x13980;
	s17 =	simm.s32 $0x13A00  }
0x4: {  	s19 =	simm.s32 $0x14180;
	s20 =	simm.s32 $0x13A80;
	[smem:$0x7FF] =	sst s3  }
0x5: {  	s4 =	sadd.s32 $0x18600, s10;
	s5 =	sadd.s32 $0x4600, s10;
	s6 =	sadd.s32 $0xE600, s10  }
0x6: {  	s14 =	sadd.s32 $0x3F800, s10;
	s15 =	sadd.s32 $0x66A00, s10;
	s10 =	sadd.s32 $0x3D680, s10  }
0x7: {  	s21 =	simm.s32 $0x14200;
	_ =	strace $0x8000004D;
	[smem:$0x7F2] =	sst s10  }
0x8: {  	s22 =	simm.s32 $0x13B00;
	s23 =	simm.s32 $0x14280;
	[dreg:$0x5] =	wrdreg s16  }
0x9: {  	s28 =	simm.s32 $0x14900;
	s29 =	simm.s32 $0x18900;
	[dreg:$0x6] =	wrdreg s17  }
0xa: {  	s30 =	simm.s32 $0x3;
	s31 =	simm.s32 $0x5;
	[dreg:$0x7] =	wrdreg s19  }
0xb: {  	s7 =	sand.u32 $0x1, s0;
	s8 =	smul.u32 $0x2800, s2;
	[dreg:$0x8] =	wrdreg s20  }
0xc: {  	p0 =	seq.s32 s2, $0xF;
	s26 =	smul.u32 $0x4F000, s2;
	[dreg:$0x9] =	wrdreg s21  }
0xd: {  	p3 =	sne.s32 s2, $0xF;
	s0 =	smul.u32 $0x28000, s7;
	[dreg:$0xa] =	wrdreg s22  }
0xe: {  	s9 =	ssub.s32 $0x2, s7;
	s11 =	sshll.u32 s7, $0x4;
	[dreg:$0xb] =	wrdreg s23  }
0xf: {  	s19 =	simm.s32 $0x14380;
	s21 =	simm.s32 $0x13C80;
	[smem:$0x7F8] =	sst s14  }
0x10: {  	s22 =	simm.s32 $0x14400;
	p2 =	seq.s32 s7, $0x0;
	[smem:$0x7FB] =	sst s15  }
0x11: {  	s23 =	simm.s32 $0x14480;
	p4 =	seq.s32 s7, $0x1;
	[dreg:$0xf] =	wrdreg s19  }
0x12: {  	s7 =	simm.s32 $0x6;
	s24 =	sshrl.u32 s9, $0x1;
	[dreg:$0x10] =	wrdreg s21  }
0x13: {  	s13 =	sor.u32 s2, s11;
	s18 =	sshrl.u32 s26, $0x2;
	[dreg:$0x11] =	wrdreg s22  }
0x14: {  	s26 =	simm.s32 $0x14300;
	p1 =	por !p2, !p3;
	[dreg:$0x12] =	wrdreg s23  }
0x15: {  	p2 =	por !p2, !p0;
	s19 =	simm.s32 $0x13F80;
	[dreg:$0xd] =	wrdreg s26  }
0x16: {  	s10 =	simm.s32 @!p4 $0x0;
	s21 =	simm.s32 $0x14700;
	[dreg:$0x1a] =	wrdreg s19  }
0x17: {  	p3 =	por !p3, !p4;
	s22 =	simm.s32 $0x14000;
	[dreg:$0x1b] =	wrdreg s21  }
0x18: {  	s23 =	simm.s32 $0x14780;
	s0 =	sadd.s32 s8, s0;
	[dreg:$0x1c] =	wrdreg s22  }
0x19: {  	s8 =	ssub.s32 s9, s24;
	s24 =	simm.s32 $0x13B80;
	[dreg:$0x1d] =	wrdreg s23  }
0x1a: {  	s13 =	smul.u32 $0x2800, s13;
	s10 =	simm.s32 @p4 $0x1;
	[dreg:$0xc] =	wrdreg s24  }
0x1b: {  	s12 =	sor.u32 $0x400, s0;
	s24 =	simm.s32 $0x13D80;
	[smem:$0x7FA] =	sst s10  }
0x1c: {  	s25 =	sshrl.u32 s12, $0x3;
	[dreg:$0x13] =	wrdreg s24;
	s24 =	simm.s32 $0x14080  }
0x1d: {  	s9 =	sadd.s32 $0x128400, s1;
	s12 =	sadd.s32 s25, s6;
	[dreg:$0x1e] =	wrdreg s24  }
0x1e: {  	s13 =	sshrl.u32 s13, $0x3;
	s11 =	sadd.s32 s25, s5;
	[dreg:$0x3] =	wrdreg s12  }
0x1f: {  	p1 =	por !p1, !p1;
	s25 =	sadd.s32 s5, s13;
	[dreg:$0x4] =	wrdreg s11  }
0x20: {  	s17 =	sadd.s32 s6, s13;
	s13 =	sor.u32 $0x80, s13;
	[smem:$0x7F4] =	sst s25  }
0x21: {  	s11 =	sadd.s32 s18, s1;
	[smem:$0x7F5] =	sst s17;
	s18 =	simm.s32 $0x13C00  }
0x22: {  	p2 =	por !p2, !p2;
	s20 =	sadd.s32 s5, s13;
	[dreg:$0xe] =	wrdreg s18  }
0x23: {  	p3 =	por !p3, !p3;
	s13 =	sadd.s32 s6, s13;
	[smem:$0x7F6] =	sst s20  }
0x24: {  	s22 =	simm.s32 $0x14100;
	s25 =	simm.s32 $0x13E00;
	[smem:$0x7F7] =	sst s13  }
0x25: {  	s23 =	simm.s32 $0x13D00;
	s17 =	simm.s32 $0x13F00;
	[dreg:$0x14] =	wrdreg s25  }
0x26: {  	s19 =	smax.u32 s8, $0x1;
	s13 =	simm.s32 $0x14580;
	[dreg:$0x18] =	wrdreg s17  }
0x27: {  	s12 =	smul.u32 $0x2780, s2;
	s18 =	simm.s32 $0x14680;
	[dreg:$0x15] =	wrdreg s13  }
0x28: {  	p4 =	por !p3, p2;
	s25 =	simm.s32 $0x14800;
	[dreg:$0x19] =	wrdreg s18  }
0x29: {  	s8 =	simm.s32 $0x2;
	s16 =	sadd.s32 s4, s12;
	[dreg:$0x1f] =	wrdreg s25  }
0x2a: {  	s10 =	simm.s32 $0x0;
	s26 =	sadd.s32 s14, s12;
	[smem:$0x7F3] =	sst s16  }
.Ltmp0:
0x2b: {  	s14 =	simm.s32 $0x13E80;
	[smem:$0x7F9] =	sst s26;
	(pc) =	sbr.rel .LBB2_1-.Ltmp0, $4  }
0x2c: {  	s24 =	simm.s32 $0x14500;
	s20 =	sadd.s32 s15, s12;
	[dreg:$0x16] =	wrdreg s14  }
0x2d: {  	s25 =	simm.s32 $0x1;
	s16 =	simm.s32 $0x14600;
	[smem:$0x7FC] =	sst s20  }
0x2e: {  	s20 =	sadd.s32 $0x800, s0;
	s26 =	simm.s32 $0x14880;
	[dreg:$0x17] =	wrdreg s16  }
0x2f: {  	s0 =	simm.s32 $0x4;
	[smem:$0x7FD] =	sst s26;
	s26 =	simm.s32 $0x80  }
.LBB2_5:
0x30: {  	s10 =	sadd.s32 $0x1, s10  }
0x31: {  	p3 =	sne.s32 s10, s19  }
.Ltmp1:
0x32: {  	_ = 	snop;
	(pc) =	sbr.rel @!p3 .LBB2_6-.Ltmp1, $1  }
0x33: {  	_ =	sdelay $0x3  }
.LBB2_1:
0x34: {  	s14 =	sld [smem:$0x7F2];
	_ =	sdelay $0x1  }
0x35: {  	s12 =	sshrl.u32 @p0 s9, $0x3;
	s13 =	simm.s32 @p0 $0x1FC5  }
0x36: {  	[spmem:s12], [sflag:s13] =	dma.local @p0 [hbm:s14], $0x2080  }
0x37: {  	s14 =	sld [smem:$0x7F3]  }
0x38: {  	s12 =	sshll.u32 @!p0 s2, $0x6  }
0x39: {  	s13 =	sshrl.u32 @!p0 s11, $0x3;
	s12 =	sor.u32 @!p0 $0x1C05, s12  }
0x3a: {  	[spmem:s13], [sflag:s12] =	dma.local @!p0 [hbm:s14], $0x2780  }
0x3b: {  	s12 =	sld [smem:$0x7F4];
	_ =	sdelay $0x1  }
0x3c: {  	s15 =	simm.s32 $0x13900;
	s16 =	sld [smem:$0x7F5]  }
0x3d: {  	[tilespmem:s15], [sflag:$0x1] =	stream.linear.gather [hbm4b:s12+s3], $0x400, $0x38;
	[tilespmem:$0x1C900] =	vst v63  }
0x3e: {  	s17 =	sld [smem:$0x7F6]  }
0x3f: {  	[tilespmem:s22], [sflag:$0x1] =	stream.linear.gather [hbm4b:s16+s3], $0x400, $0x38;
	[tilespmem:$0x1C900] =	vst v63  }
0x40: {  	s18 =	sld [smem:$0x7F7]  }
0x41: {  	[tilespmem:s23], [sflag:$0x2] =	stream.linear.gather [hbm4b:s17+s3], $0x400, $0x38;
	[tilespmem:$0x1C900] =	vst v63  }
0x42: {  	_ = 	snop  }
0x43: {  	[tilespmem:s24], [sflag:$0x2] =	stream.linear.gather [hbm4b:s18+s3], $0x400, $0x38;
	[tilespmem:$0x1C900] =	vst v63  }
0x44: {  	_ =	swait.ge [sflag:s25], $0x400  }
0x45: {  	[sflag:s25] =	ssyncset.done $0x0  }
0x46: {  	[sflag:s25] =	ssyncadd.s32 $0xFFFFFC00  }
0x47: {  	_ =	swait.ge [sflag:s25], $0x400  }
0x48: {  	[sflag:s25] =	ssyncset.done $0x0  }
0x49: {  	s12 =	simm.s32 @p0 $0x5;
	[sflag:s25] =	ssyncadd.s32 $0xFFFFFC00  }
0x4a: {  	[tilespmem:s28], [sflag:$0x3] =	stream.indirect.gather [hbm4b:s4+s26], $0x80, s15, s26, $0xb8;
	[tilespmem:$0x1C900] =	vst v63  }
0x4b: {  	_ =	swait.ge @p0 [sflag:s12], $0x2080  }
0x4c: {  	[sflag:s12] =	ssyncset.done @p0 $0x0  }
0x4d: {  	[sflag:s12] =	ssyncadd.s32 @p0 $0xFFFFDF80;
	s12 =	simm.s32 @!p0 $0x5  }
0x4e: {  	_ =	swait.ge @!p0 [sflag:s12], $0x2780  }
0x4f: {  	p3 =	por $0x1, $0x1;
	[sflag:s12] =	ssyncset.done @!p0 $0x0  }
0x50: {  	p3 =	por p3, p3;
	[sflag:s12] =	ssyncadd.s32 @!p0 $0xFFFFD880  }
0x51: {  	s12 =	simm.s32 @!p3 $0x6;
	[bflag:$0x0] =	sbarrier.arrive $0xFFFF  }
0x52: {  	_ =	swait.ge @!p3 [sflag:s12], $0x4000  }
0x53: {  	s13 =	rddreg [dreg:$0x4]  }
0x54: {  	s14 =	simm.s32 @!p3 $0x13D00;
	[sflag:s12] =	ssyncset.done @!p3 $0x0;
	s15 =	rddreg [dreg:$0x3]  }
0x55: {  	[sflag:s12] =	ssyncadd.s32 @!p3 $0xFFFFC000;
	s12 =	sadd.s32 @!p3 $0x0, s13;
	s13 =	simm.s32 @!p3 $0x0  }
0x56: {  	[tilespmem:s14], [sflag:$0x2] =	stream.linear.gather @!p3 [hbm4b:s12+s13], $0x400, $0x38;
	[tilespmem:$0x1C900] =	vst v63  }
0x57: {  	s12 =	sadd.s32 @!p3 $0x0, s15;
	s14 =	simm.s32 @!p3 $0x14500  }
0x58: {  	[tilespmem:s14], [sflag:$0x2] =	stream.linear.gather @!p3 [hbm4b:s12+s13], $0x400, $0x38;
	[tilespmem:$0x1C900] =	vst v63  }
0x59: {  	s21 =	rddreg [dreg:$0x5]  }
0x5a: {  	[tilespmem:s29], [sflag:$0x4] =	stream.indirect.gather [hbm4b:s4+s26], $0x80, s21, s26, $0xb8;
	[tilespmem:$0x1C900] =	vst v63  }
0x5b: {  	_ =	swait.ge [sflag:s30], $0x4000  }
0x5c: {  	[sflag:s30] =	ssyncset.done $0x0  }
0x5d: {  	[sflag:s30] =	ssyncadd.s32 $0xFFFFC000  }
0x5e: {  	[spmem:s1] =	stream.indirect.scatter.add.f32 [tilespmem:s28], [sflag:$0x5], $0x80, s22, s26, $0xb8;
	[tilespmem:$0x1C900] =	vst v63  }
0x5f: {  	_ =	swait.ge [sflag:s31], $0x4000  }
0x60: {  	[sflag:s31] =	ssyncset.done $0x0  }
0x61: {  	s15 =	rddreg [dreg:$0x6];
	[sflag:s31] =	ssyncadd.s32 $0xFFFFC000  }
0x62: {  	[tilespmem:s28], [sflag:$0x3] =	stream.indirect.gather [hbm4b:s4+s26], $0x80, s15, s26, $0xb8;
	[tilespmem:$0x1C900] =	vst v63  }
0x63: {  	_ =	swait.ge [sflag:s0], $0x4000  }
0x64: {  	[sflag:s0] =	ssyncset.done $0x0  }
0x65: {  	s16 =	rddreg [dreg:$0x7];
	[sflag:s0] =	ssyncadd.s32 $0xFFFFC000  }
0x66: {  	[spmem:s1] =	stream.indirect.scatter.add.f32 [tilespmem:s29], [sflag:$0x6], $0x80, s16, s26, $0xb8;
	[tilespmem:$0x1C900] =	vst v63  }
0x67: {  	_ =	swait.ge [sflag:s7], $0x4000  }
0x68: {  	[sflag:s7] =	ssyncset.done $0x0  }
0x69: {  	s17 =	rddreg [dreg:$0x8];
	[sflag:s7] =	ssyncadd.s32 $0xFFFFC000  }
0x6a: {  	[tilespmem:s29], [sflag:$0x4] =	stream.indirect.gather [hbm4b:s4+s26], $0x80, s17, s26, $0xb8;
	[tilespmem:$0x1C900] =	vst v63  }
0x6b: {  	_ =	swait.ge [sflag:s30], $0x4000  }
0x6c: {  	[sflag:s30] =	ssyncset.done $0x0  }
0x6d: {  	s18 =	rddreg [dreg:$0x9];
	[sflag:s30] =	ssyncadd.s32 $0xFFFFC000  }
0x6e: {  	[spmem:s1] =	stream.indirect.scatter.add.f32 [tilespmem:s28], [sflag:$0x5], $0x80, s18, s26, $0xb8;
	[tilespmem:$0x1C900] =	vst v63  }
0x6f: {  	_ =	swait.ge [sflag:s31], $0x4000  }
0x70: {  	[sflag:s31] =	ssyncset.done $0x0  }
0x71: {  	s21 =	rddreg [dreg:$0xa];
	[sflag:s31] =	ssyncadd.s32 $0xFFFFC000  }
0x72: {  	[tilespmem:s28], [sflag:$0x3] =	stream.indirect.gather [hbm4b:s4+s26], $0x80, s21, s26, $0xb8;
	[tilespmem:$0x1C900] =	vst v63  }
0x73: {  	_ =	swait.ge [sflag:s0], $0x4000  }
0x74: {  	[sflag:s0] =	ssyncset.done $0x0  }
0x75: {  	s13 =	rddreg [dreg:$0xb];
	[sflag:s0] =	ssyncadd.s32 $0xFFFFC000  }
0x76: {  	[spmem:s1] =	stream.indirect.scatter.add.f32 [tilespmem:s29], [sflag:$0x6], $0x80, s13, s26, $0xb8;
	[tilespmem:$0x1C900] =	vst v63  }
0x77: {  	_ =	swait.ge [sflag:s7], $0x4000  }
0x78: {  	[sflag:s7] =	ssyncset.done $0x0  }
0x79: {  	s14 =	rddreg [dreg:$0xc];
	[sflag:s7] =	ssyncadd.s32 $0xFFFFC000  }
0x7a: {  	[tilespmem:s29], [sflag:$0x4] =	stream.indirect.gather [hbm4b:s4+s26], $0x80, s14, s26, $0xb8;
	[tilespmem:$0x1C900] =	vst v63  }
0x7b: {  	_ =	swait.ge [sflag:s30], $0x4000  }
0x7c: {  	[sflag:s30] =	ssyncset.done $0x0  }
0x7d: {  	s15 =	rddreg [dreg:$0xd];
	[sflag:s30] =	ssyncadd.s32 $0xFFFFC000  }
0x7e: {  	[spmem:s1] =	stream.indirect.scatter.add.f32 [tilespmem:s28], [sflag:$0x5], $0x80, s15, s26, $0xb8;
	[tilespmem:$0x1C900] =	vst v63  }
0x7f: {  	_ =	swait.ge [sflag:s31], $0x4000  }
0x80: {  	[sflag:s31] =	ssyncset.done $0x0  }
0x81: {  	s16 =	rddreg [dreg:$0xe];
	[sflag:s31] =	ssyncadd.s32 $0xFFFFC000  }
0x82: {  	[tilespmem:s28], [sflag:$0x3] =	stream.indirect.gather [hbm4b:s4+s26], $0x80, s16, s26, $0xb8;
	[tilespmem:$0x1C900] =	vst v63  }
0x83: {  	_ =	swait.ge [sflag:s0], $0x4000  }
0x84: {  	[sflag:s0] =	ssyncset.done $0x0  }
0x85: {  	s17 =	rddreg [dreg:$0xf];
	[sflag:s0] =	ssyncadd.s32 $0xFFFFC000  }
0x86: {  	[spmem:s1] =	stream.indirect.scatter.add.f32 [tilespmem:s29], [sflag:$0x6], $0x80, s17, s26, $0xb8;
	[tilespmem:$0x1C900] =	vst v63  }
0x87: {  	_ =	swait.ge [sflag:s7], $0x4000  }
0x88: {  	[sflag:s7] =	ssyncset.done $0x0  }
0x89: {  	s18 =	rddreg [dreg:$0x10];
	[sflag:s7] =	ssyncadd.s32 $0xFFFFC000  }
0x8a: {  	[tilespmem:s29], [sflag:$0x4] =	stream.indirect.gather [hbm4b:s4+s26], $0x80, s18, s26, $0xb8;
	[tilespmem:$0x1C900] =	vst v63  }
0x8b: {  	_ =	swait.ge [sflag:s30], $0x4000  }
0x8c: {  	[sflag:s30] =	ssyncset.done $0x0  }
0x8d: {  	s21 =	rddreg [dreg:$0x11];
	[sflag:s30] =	ssyncadd.s32 $0xFFFFC000  }
0x8e: {  	[spmem:s1] =	stream.indirect.scatter.add.f32 [tilespmem:s28], [sflag:$0x5], $0x80, s21, s26, $0xb8;
	[tilespmem:$0x1C900] =	vst v63  }
0x8f: {  	_ =	swait.ge [sflag:s31], $0x4000  }
0x90: {  	[sflag:s31] =	ssyncset.done $0x0  }
0x91: {  	[sflag:s31] =	ssyncadd.s32 $0xFFFFC000  }
0x92: {  	_ =	swait.ge [sflag:s8], $0x400  }
0x93: {  	[sflag:s8] =	ssyncset.done $0x0  }
0x94: {  	[sflag:s8] =	ssyncadd.s32 $0xFFFFFC00  }
0x95: {  	_ =	swait.ge [sflag:s8], $0x400  }
0x96: {  	[sflag:s8] =	ssyncset.done $0x0  }
0x97: {  	[sflag:s8] =	ssyncadd.s32 $0xFFFFFC00  }
0x98: {  	[tilespmem:s28], [sflag:$0x3] =	stream.indirect.gather [hbm4b:s4+s26], $0x80, s23, s26, $0xb8;
	[tilespmem:$0x1C900] =	vst v63  }
0x99: {  	_ =	swait.ge [sflag:s0], $0x4000  }
0x9a: {  	[sflag:s0] =	ssyncset.done $0x0  }
0x9b: {  	s13 =	rddreg [dreg:$0x12];
	[sflag:s0] =	ssyncadd.s32 $0xFFFFC000  }
0x9c: {  	[spmem:s1] =	stream.indirect.scatter.add.f32 [tilespmem:s29], [sflag:$0x6], $0x80, s13, s26, $0xb8;
	[tilespmem:$0x1C900] =	vst v63  }
0x9d: {  	p3 =	por $0x0, $0x0;
	_ =	swait.ge [sflag:s7], $0x4000  }
0x9e: {  	s12 =	simm.s32 @!p3 $0x13900;
	s13 =	sshrl.u32 @!p3 s20, $0x3;
	[sflag:s7] =	ssyncset.done $0x0  }
0x9f: {  	s15 =	simm.s32 @!p3 $0x0;
	s14 =	sadd.s32 @!p3 s5, s13;
	[sflag:s7] =	ssyncadd.s32 $0xFFFFC000  }
0xa0: {  	[tilespmem:s12], [sflag:$0x1] =	stream.linear.gather @!p3 [hbm4b:s14+s15], $0x400, $0x38;
	[tilespmem:$0x1C900] =	vst v63  }
0xa1: {  	s13 =	sadd.s32 @!p3 s6, s13;
	s14 =	simm.s32 @!p3 $0x14100  }
0xa2: {  	[tilespmem:s14], [sflag:$0x1] =	stream.linear.gather @!p3 [hbm4b:s13+s15], $0x400, $0x38;
	[tilespmem:$0x1C900] =	vst v63  }
0xa3: {  	s16 =	rddreg [dreg:$0x13]  }
0xa4: {  	[tilespmem:s29], [sflag:$0x4] =	stream.indirect.gather [hbm4b:s4+s26], $0x80, s16, s26, $0xb8;
	[tilespmem:$0x1C900] =	vst v63  }
0xa5: {  	_ =	swait.ge [sflag:s30], $0x4000  }
0xa6: {  	[sflag:s30] =	ssyncset.done $0x0  }
0xa7: {  	[sflag:s30] =	ssyncadd.s32 $0xFFFFC000  }
0xa8: {  	[spmem:s1] =	stream.indirect.scatter.add.f32 [tilespmem:s28], [sflag:$0x5], $0x80, s24, s26, $0xb8;
	[tilespmem:$0x1C900] =	vst v63  }
0xa9: {  	_ =	swait.ge [sflag:s31], $0x4000  }
0xaa: {  	[sflag:s31] =	ssyncset.done $0x0  }
0xab: {  	s14 =	rddreg [dreg:$0x14];
	[sflag:s31] =	ssyncadd.s32 $0xFFFFC000  }
0xac: {  	[tilespmem:s28], [sflag:$0x3] =	stream.indirect.gather [hbm4b:s4+s26], $0x80, s14, s26, $0xb8;
	[tilespmem:$0x1C900] =	vst v63  }
0xad: {  	_ =	swait.ge [sflag:s0], $0x4000  }
0xae: {  	[sflag:s0] =	ssyncset.done $0x0  }
0xaf: {  	s15 =	rddreg [dreg:$0x15];
	[sflag:s0] =	ssyncadd.s32 $0xFFFFC000  }
0xb0: {  	[spmem:s1] =	stream.indirect.scatter.add.f32 [tilespmem:s29], [sflag:$0x6], $0x80, s15, s26, $0xb8;
	[tilespmem:$0x1C900] =	vst v63  }
0xb1: {  	_ =	swait.ge [sflag:s7], $0x4000  }
0xb2: {  	[sflag:s7] =	ssyncset.done $0x0  }
0xb3: {  	s16 =	rddreg [dreg:$0x16];
	[sflag:s7] =	ssyncadd.s32 $0xFFFFC000  }
0xb4: {  	[tilespmem:s29], [sflag:$0x4] =	stream.indirect.gather [hbm4b:s4+s26], $0x80, s16, s26, $0xb8;
	[tilespmem:$0x1C900] =	vst v63  }
0xb5: {  	_ =	swait.ge [sflag:s30], $0x4000  }
0xb6: {  	[sflag:s30] =	ssyncset.done $0x0  }
0xb7: {  	s17 =	rddreg [dreg:$0x17];
	[sflag:s30] =	ssyncadd.s32 $0xFFFFC000  }
0xb8: {  	[spmem:s1] =	stream.indirect.scatter.add.f32 [tilespmem:s28], [sflag:$0x5], $0x80, s17, s26, $0xb8;
	[tilespmem:$0x1C900] =	vst v63  }
0xb9: {  	_ =	swait.ge [sflag:s31], $0x4000  }
0xba: {  	[sflag:s31] =	ssyncset.done $0x0  }
0xbb: {  	s18 =	rddreg [dreg:$0x18];
	[sflag:s31] =	ssyncadd.s32 $0xFFFFC000  }
0xbc: {  	[tilespmem:s28], [sflag:$0x3] =	stream.indirect.gather [hbm4b:s4+s26], $0x80, s18, s26, $0xb8;
	[tilespmem:$0x1C900] =	vst v63  }
0xbd: {  	_ =	swait.ge [sflag:s0], $0x4000  }
0xbe: {  	[sflag:s0] =	ssyncset.done $0x0  }
0xbf: {  	s21 =	rddreg [dreg:$0x19];
	[sflag:s0] =	ssyncadd.s32 $0xFFFFC000  }
0xc0: {  	[spmem:s1] =	stream.indirect.scatter.add.f32 [tilespmem:s29], [sflag:$0x6], $0x80, s21, s26, $0xb8;
	[tilespmem:$0x1C900] =	vst v63  }
0xc1: {  	_ =	swait.ge [sflag:s7], $0x4000  }
0xc2: {  	[sflag:s7] =	ssyncset.done $0x0  }
0xc3: {  	s14 =	rddreg [dreg:$0x1a];
	[sflag:s7] =	ssyncadd.s32 $0xFFFFC000  }
0xc4: {  	[tilespmem:s29], [sflag:$0x4] =	stream.indirect.gather [hbm4b:s4+s26], $0x80, s14, s26, $0xb8;
	[tilespmem:$0x1C900] =	vst v63  }
0xc5: {  	_ =	swait.ge [sflag:s30], $0x4000  }
0xc6: {  	[sflag:s30] =	ssyncset.done $0x0  }
0xc7: {  	s15 =	rddreg [dreg:$0x1b];
	[sflag:s30] =	ssyncadd.s32 $0xFFFFC000  }
0xc8: {  	[spmem:s1] =	stream.indirect.scatter.add.f32 [tilespmem:s28], [sflag:$0x5], $0x80, s15, s26, $0xb8;
	[tilespmem:$0x1C900] =	vst v63  }
0xc9: {  	_ =	swait.ge [sflag:s31], $0x4000  }
0xca: {  	[sflag:s31] =	ssyncset.done $0x0  }
0xcb: {  	s16 =	rddreg [dreg:$0x1c];
	[sflag:s31] =	ssyncadd.s32 $0xFFFFC000  }
0xcc: {  	[tilespmem:s28], [sflag:$0x3] =	stream.indirect.gather [hbm4b:s4+s26], $0x80, s16, s26, $0xb8;
	[tilespmem:$0x1C900] =	vst v63  }
0xcd: {  	_ =	swait.ge [sflag:s0], $0x4000  }
0xce: {  	[sflag:s0] =	ssyncset.done $0x0  }
0xcf: {  	s17 =	rddreg [dreg:$0x1d];
	[sflag:s0] =	ssyncadd.s32 $0xFFFFC000  }
0xd0: {  	[spmem:s1] =	stream.indirect.scatter.add.f32 [tilespmem:s29], [sflag:$0x6], $0x80, s17, s26, $0xb8;
	[tilespmem:$0x1C900] =	vst v63  }
0xd1: {  	_ =	swait.ge [sflag:s7], $0x4000  }
0xd2: {  	[sflag:s7] =	ssyncset.done $0x0  }
0xd3: {  	s18 =	rddreg [dreg:$0x1e];
	[sflag:s7] =	ssyncadd.s32 $0xFFFFC000  }
0xd4: {  	[tilespmem:s29], [sflag:$0x4] =	stream.indirect.gather [hbm4b:s4+s26], $0x80, s18, s26, $0xb8;
	[tilespmem:$0x1C900] =	vst v63  }
0xd5: {  	_ =	swait.ge [sflag:s30], $0x4000  }
0xd6: {  	[sflag:s30] =	ssyncset.done $0x0  }
0xd7: {  	s21 =	rddreg [dreg:$0x1f];
	[sflag:s30] =	ssyncadd.s32 $0xFFFFC000  }
0xd8: {  	[spmem:s1] =	stream.indirect.scatter.add.f32 [tilespmem:s28], [sflag:$0x5], $0x80, s21, s26, $0xb8;
	[tilespmem:$0x1C900] =	vst v63  }
0xd9: {  	_ =	swait.ge [sflag:s31], $0x4000  }
0xda: {  	[sflag:s31] =	ssyncset.done $0x0  }
0xdb: {  	s13 =	simm.s32 @!p3 $0x1;
	[sflag:s31] =	ssyncadd.s32 $0xFFFFC000  }
0xdc: {  	_ =	swait.ge @!p3 [sflag:s13], $0x400  }
0xdd: {  	[sflag:s13] =	ssyncset.done @!p3 $0x0  }
0xde: {  	[sflag:s13] =	ssyncadd.s32 @!p3 $0xFFFFFC00  }
0xdf: {  	_ =	swait.ge @!p3 [sflag:s13], $0x400  }
0xe0: {  	p6 =	por $0x0, $0x0;
	[sflag:s13] =	ssyncset.done @!p3 $0x0  }
0xe1: {  	s14 =	simm.s32 @!p3 $0x14900;
	[sflag:s13] =	ssyncadd.s32 @!p3 $0xFFFFFC00;
	s13 =	simm.s32 @!p3 $0x80  }
0xe2: {  	[tilespmem:s14], [sflag:$0x3] =	stream.indirect.gather @!p3 [hbm4b:s4+s13], $0x80, s12, s13, $0xb8;
	[tilespmem:$0x1C900] =	vst v63  }
0xe3: {  	p5 =	por p6, p6;
	_ =	swait.ge [sflag:s0], $0x4000  }
0xe4: {  	s12 =	simm.s32 $0x100;
	s14 =	simm.s32 $0x200;
	[sflag:s0] =	ssyncset.done $0x0  }
0xe5: {  	s13 =	sadd.s32 $0x800, s20;
	s15 =	sld [smem:$0x7FD];
	[sflag:s0] =	ssyncadd.s32 $0xFFFFC000  }
.LBB2_2:
0xe6: {  	_ = 	snop  }
0xe7: {  	s16 =	simm.s32 @!p5 $0x6  }
0xe8: {  	[spmem:s1] =	stream.indirect.scatter.add.f32 [tilespmem:s29], [sflag:$0x6], $0x80, s15, s26, $0xb8;
	[tilespmem:$0x1C900] =	vst v63  }
0xe9: {  	_ =	swait.ge @!p5 [sflag:s16], $0x4000  }
0xea: {  	s17 =	rddreg [dreg:$0x4]  }
0xeb: {  	s21 =	simm.s32 @!p5 $0x13D00;
	[sflag:s16] =	ssyncset.done @!p5 $0x0;
	s18 =	rddreg [dreg:$0x3]  }
0xec: {  	[sflag:s16] =	ssyncadd.s32 @!p5 $0xFFFFC000;
	s16 =	sadd.s32 @!p5 s12, s17;
	s17 =	simm.s32 @!p5 $0x0  }
0xed: {  	[tilespmem:s21], [sflag:$0x2] =	stream.linear.gather @!p5 [hbm4b:s16+s17], $0x400, $0x38;
	[tilespmem:$0x1C900] =	vst v63  }
0xee: {  	s16 =	sadd.s32 @!p5 s12, s18;
	s18 =	simm.s32 @!p5 $0x14500  }
0xef: {  	[tilespmem:s18], [sflag:$0x2] =	stream.linear.gather @!p5 [hbm4b:s16+s17], $0x400, $0x38;
	[tilespmem:$0x1C900] =	vst v63  }
0xf0: {  	s21 =	rddreg [dreg:$0x5]  }
0xf1: {  	[tilespmem:s29], [sflag:$0x4] =	stream.indirect.gather [hbm4b:s4+s26], $0x80, s21, s26, $0xb8;
	[tilespmem:$0x1C900] =	vst v63  }
0xf2: {  	_ =	swait.ge [sflag:s30], $0x4000  }
0xf3: {  	[sflag:s30] =	ssyncset.done $0x0  }
0xf4: {  	[sflag:s30] =	ssyncadd.s32 $0xFFFFC000  }
0xf5: {  	[spmem:s1] =	stream.indirect.scatter.add.f32 [tilespmem:s28], [sflag:$0x5], $0x80, s22, s26, $0xb8;
	[tilespmem:$0x1C900] =	vst v63  }
0xf6: {  	_ =	swait.ge [sflag:s31], $0x4000  }
0xf7: {  	[sflag:s31] =	ssyncset.done $0x0  }
0xf8: {  	s21 =	rddreg [dreg:$0x6];
	[sflag:s31] =	ssyncadd.s32 $0xFFFFC000  }
0xf9: {  	[tilespmem:s28], [sflag:$0x3] =	stream.indirect.gather [hbm4b:s4+s26], $0x80, s21, s26, $0xb8;
	[tilespmem:$0x1C900] =	vst v63  }
0xfa: {  	_ =	swait.ge [sflag:s0], $0x4000  }
0xfb: {  	[sflag:s0] =	ssyncset.done $0x0  }
0xfc: {  	s17 =	rddreg [dreg:$0x7];
	[sflag:s0] =	ssyncadd.s32 $0xFFFFC000  }
0xfd: {  	[spmem:s1] =	stream.indirect.scatter.add.f32 [tilespmem:s29], [sflag:$0x6], $0x80, s17, s26, $0xb8;
	[tilespmem:$0x1C900] =	vst v63  }
0xfe: {  	_ =	swait.ge [sflag:s7], $0x4000  }
0xff: {  	[sflag:s7] =	ssyncset.done $0x0  }
0x100: {  	s18 =	rddreg [dreg:$0x8];
	[sflag:s7] =	ssyncadd.s32 $0xFFFFC000  }
0x101: {  	[tilespmem:s29], [sflag:$0x4] =	stream.indirect.gather [hbm4b:s4+s26], $0x80, s18, s26, $0xb8;
	[tilespmem:$0x1C900] =	vst v63  }
0x102: {  	_ =	swait.ge [sflag:s30], $0x4000  }
0x103: {  	[sflag:s30] =	ssyncset.done $0x0  }
0x104: {  	s21 =	rddreg [dreg:$0x9];
	[sflag:s30] =	ssyncadd.s32 $0xFFFFC000  }
0x105: {  	[spmem:s1] =	stream.indirect.scatter.add.f32 [tilespmem:s28], [sflag:$0x5], $0x80, s21, s26, $0xb8;
	[tilespmem:$0x1C900] =	vst v63  }
0x106: {  	_ =	swait.ge [sflag:s31], $0x4000  }
0x107: {  	[sflag:s31] =	ssyncset.done $0x0  }
0x108: {  	s17 =	rddreg [dreg:$0xa];
	[sflag:s31] =	ssyncadd.s32 $0xFFFFC000  }
0x109: {  	[tilespmem:s28], [sflag:$0x3] =	stream.indirect.gather [hbm4b:s4+s26], $0x80, s17, s26, $0xb8;
	[tilespmem:$0x1C900] =	vst v63  }
0x10a: {  	_ =	swait.ge [sflag:s0], $0x4000  }
0x10b: {  	[sflag:s0] =	ssyncset.done $0x0  }
0x10c: {  	s18 =	rddreg [dreg:$0xb];
	[sflag:s0] =	ssyncadd.s32 $0xFFFFC000  }
0x10d: {  	[spmem:s1] =	stream.indirect.scatter.add.f32 [tilespmem:s29], [sflag:$0x6], $0x80, s18, s26, $0xb8;
	[tilespmem:$0x1C900] =	vst v63  }
0x10e: {  	_ =	swait.ge [sflag:s7], $0x4000  }
0x10f: {  	[sflag:s7] =	ssyncset.done $0x0  }
0x110: {  	s21 =	rddreg [dreg:$0xc];
	[sflag:s7] =	ssyncadd.s32 $0xFFFFC000  }
0x111: {  	[tilespmem:s29], [sflag:$0x4] =	stream.indirect.gather [hbm4b:s4+s26], $0x80, s21, s26, $0xb8;
	[tilespmem:$0x1C900] =	vst v63  }
0x112: {  	_ =	swait.ge [sflag:s30], $0x4000  }
0x113: {  	[sflag:s30] =	ssyncset.done $0x0  }
0x114: {  	s17 =	rddreg [dreg:$0xd];
	[sflag:s30] =	ssyncadd.s32 $0xFFFFC000  }
0x115: {  	[spmem:s1] =	stream.indirect.scatter.add.f32 [tilespmem:s28], [sflag:$0x5], $0x80, s17, s26, $0xb8;
	[tilespmem:$0x1C900] =	vst v63  }
0x116: {  	_ =	swait.ge [sflag:s31], $0x4000  }
0x117: {  	[sflag:s31] =	ssyncset.done $0x0  }
0x118: {  	s18 =	rddreg [dreg:$0xe];
	[sflag:s31] =	ssyncadd.s32 $0xFFFFC000  }
0x119: {  	[tilespmem:s28], [sflag:$0x3] =	stream.indirect.gather [hbm4b:s4+s26], $0x80, s18, s26, $0xb8;
	[tilespmem:$0x1C900] =	vst v63  }
0x11a: {  	_ =	swait.ge [sflag:s0], $0x4000  }
0x11b: {  	[sflag:s0] =	ssyncset.done $0x0  }
0x11c: {  	s21 =	rddreg [dreg:$0xf];
	[sflag:s0] =	ssyncadd.s32 $0xFFFFC000  }
0x11d: {  	[spmem:s1] =	stream.indirect.scatter.add.f32 [tilespmem:s29], [sflag:$0x6], $0x80, s21, s26, $0xb8;
	[tilespmem:$0x1C900] =	vst v63  }
0x11e: {  	_ =	swait.ge [sflag:s7], $0x4000  }
0x11f: {  	[sflag:s7] =	ssyncset.done $0x0  }
0x120: {  	s17 =	rddreg [dreg:$0x10];
	[sflag:s7] =	ssyncadd.s32 $0xFFFFC000  }
0x121: {  	[tilespmem:s29], [sflag:$0x4] =	stream.indirect.gather [hbm4b:s4+s26], $0x80, s17, s26, $0xb8;
	[tilespmem:$0x1C900] =	vst v63  }
0x122: {  	_ =	swait.ge [sflag:s30], $0x4000  }
0x123: {  	[sflag:s30] =	ssyncset.done $0x0  }
0x124: {  	s18 =	rddreg [dreg:$0x11];
	[sflag:s30] =	ssyncadd.s32 $0xFFFFC000  }
0x125: {  	[spmem:s1] =	stream.indirect.scatter.add.f32 [tilespmem:s28], [sflag:$0x5], $0x80, s18, s26, $0xb8;
	[tilespmem:$0x1C900] =	vst v63  }
0x126: {  	_ =	swait.ge [sflag:s31], $0x4000  }
0x127: {  	[sflag:s31] =	ssyncset.done $0x0  }
0x128: {  	[sflag:s31] =	ssyncadd.s32 $0xFFFFC000  }
0x129: {  	_ =	swait.ge [sflag:s8], $0x400  }
0x12a: {  	[sflag:s8] =	ssyncset.done $0x0  }
0x12b: {  	[sflag:s8] =	ssyncadd.s32 $0xFFFFFC00  }
0x12c: {  	_ =	swait.ge [sflag:s8], $0x400  }
0x12d: {  	[sflag:s8] =	ssyncset.done $0x0  }
0x12e: {  	[sflag:s8] =	ssyncadd.s32 $0xFFFFFC00  }
0x12f: {  	[tilespmem:s28], [sflag:$0x3] =	stream.indirect.gather [hbm4b:s4+s26], $0x80, s23, s26, $0xb8;
	[tilespmem:$0x1C900] =	vst v63  }
0x130: {  	s15 =	smov.u32 s14;
	_ =	swait.ge [sflag:s0], $0x4000  }
0x131: {  	p3 =	seq.s32 s15, $0x0;
	[sflag:s0] =	ssyncset.done $0x0  }
0x132: {  	p5 =	por p3, p3;
	s21 =	rddreg [dreg:$0x12];
	[sflag:s0] =	ssyncadd.s32 $0xFFFFC000  }
0x133: {  	[spmem:s1] =	stream.indirect.scatter.add.f32 [tilespmem:s29], [sflag:$0x6], $0x80, s21, s26, $0xb8;
	[tilespmem:$0x1C900] =	vst v63  }
0x134: {  	p3 =	seq.s32 s12, $0x400;
	s12 =	smov.u32 s15;
	_ =	swait.ge [sflag:s7], $0x4000  }
0x135: {  	s16 =	sshrl.u32 @!p3 s13, $0x3;
	s15 =	simm.s32 @!p3 $0x13900;
	[sflag:s7] =	ssyncset.done $0x0  }
0x136: {  	s17 =	sadd.s32 @!p3 s5, s16;
	s18 =	simm.s32 @!p3 $0x0;
	[sflag:s7] =	ssyncadd.s32 $0xFFFFC000  }
0x137: {  	[tilespmem:s15], [sflag:$0x1] =	stream.linear.gather @!p3 [hbm4b:s17+s18], $0x400, $0x38;
	[tilespmem:$0x1C900] =	vst v63  }
0x138: {  	s16 =	sadd.s32 @!p3 s6, s16;
	s17 =	simm.s32 @!p3 $0x14100  }
0x139: {  	[tilespmem:s17], [sflag:$0x1] =	stream.linear.gather @!p3 [hbm4b:s16+s18], $0x400, $0x38;
	[tilespmem:$0x1C900] =	vst v63  }
0x13a: {  	s21 =	rddreg [dreg:$0x13]  }
0x13b: {  	[tilespmem:s29], [sflag:$0x4] =	stream.indirect.gather [hbm4b:s4+s26], $0x80, s21, s26, $0xb8;
	[tilespmem:$0x1C900] =	vst v63  }
0x13c: {  	_ =	swait.ge [sflag:s30], $0x4000  }
0x13d: {  	[sflag:s30] =	ssyncset.done $0x0  }
0x13e: {  	[sflag:s30] =	ssyncadd.s32 $0xFFFFC000  }
0x13f: {  	[spmem:s1] =	stream.indirect.scatter.add.f32 [tilespmem:s28], [sflag:$0x5], $0x80, s24, s26, $0xb8;
	[tilespmem:$0x1C900] =	vst v63  }
0x140: {  	_ =	swait.ge [sflag:s31], $0x4000  }
0x141: {  	[sflag:s31] =	ssyncset.done $0x0  }
0x142: {  	s17 =	rddreg [dreg:$0x14];
	[sflag:s31] =	ssyncadd.s32 $0xFFFFC000  }
0x143: {  	[tilespmem:s28], [sflag:$0x3] =	stream.indirect.gather [hbm4b:s4+s26], $0x80, s17, s26, $0xb8;
	[tilespmem:$0x1C900] =	vst v63  }
0x144: {  	_ =	swait.ge [sflag:s0], $0x4000  }
0x145: {  	[sflag:s0] =	ssyncset.done $0x0  }
0x146: {  	s18 =	rddreg [dreg:$0x15];
	[sflag:s0] =	ssyncadd.s32 $0xFFFFC000  }
0x147: {  	[spmem:s1] =	stream.indirect.scatter.add.f32 [tilespmem:s29], [sflag:$0x6], $0x80, s18, s26, $0xb8;
	[tilespmem:$0x1C900] =	vst v63  }
0x148: {  	_ =	swait.ge [sflag:s7], $0x4000  }
0x149: {  	[sflag:s7] =	ssyncset.done $0x0  }
0x14a: {  	s21 =	rddreg [dreg:$0x16];
	[sflag:s7] =	ssyncadd.s32 $0xFFFFC000  }
0x14b: {  	[tilespmem:s29], [sflag:$0x4] =	stream.indirect.gather [hbm4b:s4+s26], $0x80, s21, s26, $0xb8;
	[tilespmem:$0x1C900] =	vst v63  }
0x14c: {  	_ =	swait.ge [sflag:s30], $0x4000  }
0x14d: {  	[sflag:s30] =	ssyncset.done $0x0  }
0x14e: {  	s17 =	rddreg [dreg:$0x17];
	[sflag:s30] =	ssyncadd.s32 $0xFFFFC000  }
0x14f: {  	[spmem:s1] =	stream.indirect.scatter.add.f32 [tilespmem:s28], [sflag:$0x5], $0x80, s17, s26, $0xb8;
	[tilespmem:$0x1C900] =	vst v63  }
0x150: {  	_ =	swait.ge [sflag:s31], $0x4000  }
0x151: {  	[sflag:s31] =	ssyncset.done $0x0  }
0x152: {  	s18 =	rddreg [dreg:$0x18];
	[sflag:s31] =	ssyncadd.s32 $0xFFFFC000  }
0x153: {  	[tilespmem:s28], [sflag:$0x3] =	stream.indirect.gather [hbm4b:s4+s26], $0x80, s18, s26, $0xb8;
	[tilespmem:$0x1C900] =	vst v63  }
0x154: {  	_ =	swait.ge [sflag:s0], $0x4000  }
0x155: {  	[sflag:s0] =	ssyncset.done $0x0  }
0x156: {  	s21 =	rddreg [dreg:$0x19];
	[sflag:s0] =	ssyncadd.s32 $0xFFFFC000  }
0x157: {  	[spmem:s1] =	stream.indirect.scatter.add.f32 [tilespmem:s29], [sflag:$0x6], $0x80, s21, s26, $0xb8;
	[tilespmem:$0x1C900] =	vst v63  }
0x158: {  	_ =	swait.ge [sflag:s7], $0x4000  }
0x159: {  	[sflag:s7] =	ssyncset.done $0x0  }
0x15a: {  	s17 =	rddreg [dreg:$0x1a];
	[sflag:s7] =	ssyncadd.s32 $0xFFFFC000  }
0x15b: {  	[tilespmem:s29], [sflag:$0x4] =	stream.indirect.gather [hbm4b:s4+s26], $0x80, s17, s26, $0xb8;
	[tilespmem:$0x1C900] =	vst v63  }
0x15c: {  	_ =	swait.ge [sflag:s30], $0x4000  }
0x15d: {  	[sflag:s30] =	ssyncset.done $0x0  }
0x15e: {  	s18 =	rddreg [dreg:$0x1b];
	[sflag:s30] =	ssyncadd.s32 $0xFFFFC000  }
0x15f: {  	[spmem:s1] =	stream.indirect.scatter.add.f32 [tilespmem:s28], [sflag:$0x5], $0x80, s18, s26, $0xb8;
	[tilespmem:$0x1C900] =	vst v63  }
0x160: {  	_ =	swait.ge [sflag:s31], $0x4000  }
0x161: {  	[sflag:s31] =	ssyncset.done $0x0  }
0x162: {  	s21 =	rddreg [dreg:$0x1c];
	[sflag:s31] =	ssyncadd.s32 $0xFFFFC000  }
0x163: {  	[tilespmem:s28], [sflag:$0x3] =	stream.indirect.gather [hbm4b:s4+s26], $0x80, s21, s26, $0xb8;
	[tilespmem:$0x1C900] =	vst v63  }
0x164: {  	_ =	swait.ge [sflag:s0], $0x4000  }
0x165: {  	[sflag:s0] =	ssyncset.done $0x0  }
0x166: {  	s17 =	rddreg [dreg:$0x1d];
	[sflag:s0] =	ssyncadd.s32 $0xFFFFC000  }
0x167: {  	[spmem:s1] =	stream.indirect.scatter.add.f32 [tilespmem:s29], [sflag:$0x6], $0x80, s17, s26, $0xb8;
	[tilespmem:$0x1C900] =	vst v63  }
0x168: {  	_ =	swait.ge [sflag:s7], $0x4000  }
0x169: {  	[sflag:s7] =	ssyncset.done $0x0  }
0x16a: {  	s18 =	rddreg [dreg:$0x1e];
	[sflag:s7] =	ssyncadd.s32 $0xFFFFC000  }
0x16b: {  	[tilespmem:s29], [sflag:$0x4] =	stream.indirect.gather [hbm4b:s4+s26], $0x80, s18, s26, $0xb8;
	[tilespmem:$0x1C900] =	vst v63  }
0x16c: {  	_ =	swait.ge [sflag:s30], $0x4000  }
0x16d: {  	[sflag:s30] =	ssyncset.done $0x0  }
0x16e: {  	s21 =	rddreg [dreg:$0x1f];
	[sflag:s30] =	ssyncadd.s32 $0xFFFFC000  }
0x16f: {  	[spmem:s1] =	stream.indirect.scatter.add.f32 [tilespmem:s28], [sflag:$0x5], $0x80, s21, s26, $0xb8;
	[tilespmem:$0x1C900] =	vst v63  }
0x170: {  	_ =	swait.ge [sflag:s31], $0x4000  }
0x171: {  	[sflag:s31] =	ssyncset.done $0x0  }
0x172: {  	s16 =	simm.s32 @!p3 $0x1;
	[sflag:s31] =	ssyncadd.s32 $0xFFFFC000  }
0x173: {  	_ =	swait.ge @!p3 [sflag:s16], $0x400  }
0x174: {  	[sflag:s16] =	ssyncset.done @!p3 $0x0  }
0x175: {  	[sflag:s16] =	ssyncadd.s32 @!p3 $0xFFFFFC00  }
0x176: {  	s14 =	sadd.s32 $0x100, s14;
	_ =	swait.ge @!p3 [sflag:s16], $0x400  }
0x177: {  	p6 =	sne.s32 s14, $0x500;
	s17 =	simm.s32 @!p3 $0x14900;
	[sflag:s16] =	ssyncset.done @!p3 $0x0  }
.Ltmp2:
0x178: {  	[sflag:s16] =	ssyncadd.s32 @!p3 $0xFFFFFC00;
	s16 =	simm.s32 @!p3 $0x80;
	(pc) =	sbr.rel @p6 .LBB2_2-.Ltmp2, $4  }
0x179: {  	[tilespmem:s17], [sflag:$0x3] =	stream.indirect.gather @!p3 [hbm4b:s4+s16], $0x80, s15, s16, $0xb8;
	[tilespmem:$0x1C900] =	vst v63  }
0x17a: {  	_ =	swait.ge [sflag:s0], $0x4000  }
0x17b: {  	[sflag:s0] =	ssyncset.done $0x0  }
0x17c: {  	s13 =	sadd.s32 $0x800, s13;
	s15 =	sld [smem:$0x7FD];
	[sflag:s0] =	ssyncadd.s32 $0xFFFFC000  }
0x17d: {  	_ = 	snop  }
0x17e: {  	s14 =	simm.s32 @!p5 $0x6  }
0x17f: {  	[spmem:s1] =	stream.indirect.scatter.add.f32 [tilespmem:s29], [sflag:$0x6], $0x80, s15, s26, $0xb8;
	[tilespmem:$0x1C900] =	vst v63  }
0x180: {  	_ =	swait.ge @!p5 [sflag:s14], $0x4000  }
0x181: {  	s15 =	rddreg [dreg:$0x4]  }
0x182: {  	s16 =	simm.s32 @!p5 $0x13D00;
	[sflag:s14] =	ssyncset.done @!p5 $0x0;
	s17 =	rddreg [dreg:$0x3]  }
0x183: {  	[sflag:s14] =	ssyncadd.s32 @!p5 $0xFFFFC000;
	s14 =	sadd.s32 @!p5 s12, s15;
	s15 =	simm.s32 @!p5 $0x0  }
0x184: {  	[tilespmem:s16], [sflag:$0x2] =	stream.linear.gather @!p5 [hbm4b:s14+s15], $0x400, $0x38;
	[tilespmem:$0x1C900] =	vst v63  }
0x185: {  	s14 =	sadd.s32 @!p5 s12, s17;
	s16 =	simm.s32 @!p5 $0x14500  }
0x186: {  	[tilespmem:s16], [sflag:$0x2] =	stream.linear.gather @!p5 [hbm4b:s14+s15], $0x400, $0x38;
	[tilespmem:$0x1C900] =	vst v63  }
0x187: {  	s21 =	rddreg [dreg:$0x5]  }
0x188: {  	[tilespmem:s29], [sflag:$0x4] =	stream.indirect.gather [hbm4b:s4+s26], $0x80, s21, s26, $0xb8;
	[tilespmem:$0x1C900] =	vst v63  }
0x189: {  	_ =	swait.ge [sflag:s30], $0x4000  }
0x18a: {  	[sflag:s30] =	ssyncset.done $0x0  }
0x18b: {  	[sflag:s30] =	ssyncadd.s32 $0xFFFFC000  }
0x18c: {  	[spmem:s1] =	stream.indirect.scatter.add.f32 [tilespmem:s28], [sflag:$0x5], $0x80, s22, s26, $0xb8;
	[tilespmem:$0x1C900] =	vst v63  }
0x18d: {  	_ =	swait.ge [sflag:s31], $0x4000  }
0x18e: {  	[sflag:s31] =	ssyncset.done $0x0  }
0x18f: {  	s15 =	rddreg [dreg:$0x6];
	[sflag:s31] =	ssyncadd.s32 $0xFFFFC000  }
0x190: {  	[tilespmem:s28], [sflag:$0x3] =	stream.indirect.gather [hbm4b:s4+s26], $0x80, s15, s26, $0xb8;
	[tilespmem:$0x1C900] =	vst v63  }
0x191: {  	_ =	swait.ge [sflag:s0], $0x4000  }
0x192: {  	[sflag:s0] =	ssyncset.done $0x0  }
0x193: {  	s16 =	rddreg [dreg:$0x7];
	[sflag:s0] =	ssyncadd.s32 $0xFFFFC000  }
0x194: {  	[spmem:s1] =	stream.indirect.scatter.add.f32 [tilespmem:s29], [sflag:$0x6], $0x80, s16, s26, $0xb8;
	[tilespmem:$0x1C900] =	vst v63  }
0x195: {  	_ =	swait.ge [sflag:s7], $0x4000  }
0x196: {  	[sflag:s7] =	ssyncset.done $0x0  }
0x197: {  	s17 =	rddreg [dreg:$0x8];
	[sflag:s7] =	ssyncadd.s32 $0xFFFFC000  }
0x198: {  	[tilespmem:s29], [sflag:$0x4] =	stream.indirect.gather [hbm4b:s4+s26], $0x80, s17, s26, $0xb8;
	[tilespmem:$0x1C900] =	vst v63  }
0x199: {  	_ =	swait.ge [sflag:s30], $0x4000  }
0x19a: {  	[sflag:s30] =	ssyncset.done $0x0  }
0x19b: {  	s18 =	rddreg [dreg:$0x9];
	[sflag:s30] =	ssyncadd.s32 $0xFFFFC000  }
0x19c: {  	[spmem:s1] =	stream.indirect.scatter.add.f32 [tilespmem:s28], [sflag:$0x5], $0x80, s18, s26, $0xb8;
	[tilespmem:$0x1C900] =	vst v63  }
0x19d: {  	_ =	swait.ge [sflag:s31], $0x4000  }
0x19e: {  	[sflag:s31] =	ssyncset.done $0x0  }
0x19f: {  	s21 =	rddreg [dreg:$0xa];
	[sflag:s31] =	ssyncadd.s32 $0xFFFFC000  }
0x1a0: {  	[tilespmem:s28], [sflag:$0x3] =	stream.indirect.gather [hbm4b:s4+s26], $0x80, s21, s26, $0xb8;
	[tilespmem:$0x1C900] =	vst v63  }
0x1a1: {  	_ =	swait.ge [sflag:s0], $0x4000  }
0x1a2: {  	[sflag:s0] =	ssyncset.done $0x0  }
0x1a3: {  	s15 =	rddreg [dreg:$0xb];
	[sflag:s0] =	ssyncadd.s32 $0xFFFFC000  }
0x1a4: {  	[spmem:s1] =	stream.indirect.scatter.add.f32 [tilespmem:s29], [sflag:$0x6], $0x80, s15, s26, $0xb8;
	[tilespmem:$0x1C900] =	vst v63  }
0x1a5: {  	_ =	swait.ge [sflag:s7], $0x4000  }
0x1a6: {  	[sflag:s7] =	ssyncset.done $0x0  }
0x1a7: {  	s16 =	rddreg [dreg:$0xc];
	[sflag:s7] =	ssyncadd.s32 $0xFFFFC000  }
0x1a8: {  	[tilespmem:s29], [sflag:$0x4] =	stream.indirect.gather [hbm4b:s4+s26], $0x80, s16, s26, $0xb8;
	[tilespmem:$0x1C900] =	vst v63  }
0x1a9: {  	_ =	swait.ge [sflag:s30], $0x4000  }
0x1aa: {  	[sflag:s30] =	ssyncset.done $0x0  }
0x1ab: {  	s17 =	rddreg [dreg:$0xd];
	[sflag:s30] =	ssyncadd.s32 $0xFFFFC000  }
0x1ac: {  	[spmem:s1] =	stream.indirect.scatter.add.f32 [tilespmem:s28], [sflag:$0x5], $0x80, s17, s26, $0xb8;
	[tilespmem:$0x1C900] =	vst v63  }
0x1ad: {  	_ =	swait.ge [sflag:s31], $0x4000  }
0x1ae: {  	[sflag:s31] =	ssyncset.done $0x0  }
0x1af: {  	s18 =	rddreg [dreg:$0xe];
	[sflag:s31] =	ssyncadd.s32 $0xFFFFC000  }
0x1b0: {  	[tilespmem:s28], [sflag:$0x3] =	stream.indirect.gather [hbm4b:s4+s26], $0x80, s18, s26, $0xb8;
	[tilespmem:$0x1C900] =	vst v63  }
0x1b1: {  	_ =	swait.ge [sflag:s0], $0x4000  }
0x1b2: {  	[sflag:s0] =	ssyncset.done $0x0  }
0x1b3: {  	s21 =	rddreg [dreg:$0xf];
	[sflag:s0] =	ssyncadd.s32 $0xFFFFC000  }
0x1b4: {  	[spmem:s1] =	stream.indirect.scatter.add.f32 [tilespmem:s29], [sflag:$0x6], $0x80, s21, s26, $0xb8;
	[tilespmem:$0x1C900] =	vst v63  }
0x1b5: {  	_ =	swait.ge [sflag:s7], $0x4000  }
0x1b6: {  	[sflag:s7] =	ssyncset.done $0x0  }
0x1b7: {  	s15 =	rddreg [dreg:$0x10];
	[sflag:s7] =	ssyncadd.s32 $0xFFFFC000  }
0x1b8: {  	[tilespmem:s29], [sflag:$0x4] =	stream.indirect.gather [hbm4b:s4+s26], $0x80, s15, s26, $0xb8;
	[tilespmem:$0x1C900] =	vst v63  }
0x1b9: {  	_ =	swait.ge [sflag:s30], $0x4000  }
0x1ba: {  	[sflag:s30] =	ssyncset.done $0x0  }
0x1bb: {  	s16 =	rddreg [dreg:$0x11];
	[sflag:s30] =	ssyncadd.s32 $0xFFFFC000  }
0x1bc: {  	[spmem:s1] =	stream.indirect.scatter.add.f32 [tilespmem:s28], [sflag:$0x5], $0x80, s16, s26, $0xb8;
	[tilespmem:$0x1C900] =	vst v63  }
0x1bd: {  	_ =	swait.ge [sflag:s31], $0x4000  }
0x1be: {  	[sflag:s31] =	ssyncset.done $0x0  }
0x1bf: {  	[sflag:s31] =	ssyncadd.s32 $0xFFFFC000  }
0x1c0: {  	_ =	swait.ge [sflag:s8], $0x400  }
0x1c1: {  	[sflag:s8] =	ssyncset.done $0x0  }
0x1c2: {  	[sflag:s8] =	ssyncadd.s32 $0xFFFFFC00  }
0x1c3: {  	_ =	swait.ge [sflag:s8], $0x400  }
0x1c4: {  	[sflag:s8] =	ssyncset.done $0x0  }
0x1c5: {  	[sflag:s8] =	ssyncadd.s32 $0xFFFFFC00  }
0x1c6: {  	[tilespmem:s28], [sflag:$0x3] =	stream.indirect.gather [hbm4b:s4+s26], $0x80, s23, s26, $0xb8;
	[tilespmem:$0x1C900] =	vst v63  }
0x1c7: {  	_ =	swait.ge [sflag:s0], $0x4000  }
0x1c8: {  	[sflag:s0] =	ssyncset.done $0x0  }
0x1c9: {  	s17 =	rddreg [dreg:$0x12];
	[sflag:s0] =	ssyncadd.s32 $0xFFFFC000  }
0x1ca: {  	[spmem:s1] =	stream.indirect.scatter.add.f32 [tilespmem:s29], [sflag:$0x6], $0x80, s17, s26, $0xb8;
	[tilespmem:$0x1C900] =	vst v63  }
0x1cb: {  	p3 =	seq.s32 s12, $0x400;
	_ =	swait.ge [sflag:s7], $0x4000  }
0x1cc: {  	s13 =	sshrl.u32 @!p3 s13, $0x3;
	s12 =	simm.s32 @!p3 $0x13900;
	[sflag:s7] =	ssyncset.done $0x0  }
0x1cd: {  	s14 =	sadd.s32 @!p3 s5, s13;
	s15 =	simm.s32 @!p3 $0x0;
	[sflag:s7] =	ssyncadd.s32 $0xFFFFC000  }
0x1ce: {  	[tilespmem:s12], [sflag:$0x1] =	stream.linear.gather @!p3 [hbm4b:s14+s15], $0x400, $0x38;
	[tilespmem:$0x1C900] =	vst v63  }
0x1cf: {  	s13 =	sadd.s32 @!p3 s6, s13;
	s14 =	simm.s32 @!p3 $0x14100  }
0x1d0: {  	[tilespmem:s14], [sflag:$0x1] =	stream.linear.gather @!p3 [hbm4b:s13+s15], $0x400, $0x38;
	[tilespmem:$0x1C900] =	vst v63  }
0x1d1: {  	s18 =	rddreg [dreg:$0x13]  }
0x1d2: {  	[tilespmem:s29], [sflag:$0x4] =	stream.indirect.gather [hbm4b:s4+s26], $0x80, s18, s26, $0xb8;
	[tilespmem:$0x1C900] =	vst v63  }
0x1d3: {  	_ =	swait.ge [sflag:s30], $0x4000  }
0x1d4: {  	[sflag:s30] =	ssyncset.done $0x0  }
0x1d5: {  	[sflag:s30] =	ssyncadd.s32 $0xFFFFC000  }
0x1d6: {  	[spmem:s1] =	stream.indirect.scatter.add.f32 [tilespmem:s28], [sflag:$0x5], $0x80, s24, s26, $0xb8;
	[tilespmem:$0x1C900] =	vst v63  }
0x1d7: {  	_ =	swait.ge [sflag:s31], $0x4000  }
0x1d8: {  	[sflag:s31] =	ssyncset.done $0x0  }
0x1d9: {  	s21 =	rddreg [dreg:$0x14];
	[sflag:s31] =	ssyncadd.s32 $0xFFFFC000  }
0x1da: {  	[tilespmem:s28], [sflag:$0x3] =	stream.indirect.gather [hbm4b:s4+s26], $0x80, s21, s26, $0xb8;
	[tilespmem:$0x1C900] =	vst v63  }
0x1db: {  	_ =	swait.ge [sflag:s0], $0x4000  }
0x1dc: {  	[sflag:s0] =	ssyncset.done $0x0  }
0x1dd: {  	s14 =	rddreg [dreg:$0x15];
	[sflag:s0] =	ssyncadd.s32 $0xFFFFC000  }
0x1de: {  	[spmem:s1] =	stream.indirect.scatter.add.f32 [tilespmem:s29], [sflag:$0x6], $0x80, s14, s26, $0xb8;
	[tilespmem:$0x1C900] =	vst v63  }
0x1df: {  	_ =	swait.ge [sflag:s7], $0x4000  }
0x1e0: {  	[sflag:s7] =	ssyncset.done $0x0  }
0x1e1: {  	s15 =	rddreg [dreg:$0x16];
	[sflag:s7] =	ssyncadd.s32 $0xFFFFC000  }
0x1e2: {  	[tilespmem:s29], [sflag:$0x4] =	stream.indirect.gather [hbm4b:s4+s26], $0x80, s15, s26, $0xb8;
	[tilespmem:$0x1C900] =	vst v63  }
0x1e3: {  	_ =	swait.ge [sflag:s30], $0x4000  }
0x1e4: {  	[sflag:s30] =	ssyncset.done $0x0  }
0x1e5: {  	s16 =	rddreg [dreg:$0x17];
	[sflag:s30] =	ssyncadd.s32 $0xFFFFC000  }
0x1e6: {  	[spmem:s1] =	stream.indirect.scatter.add.f32 [tilespmem:s28], [sflag:$0x5], $0x80, s16, s26, $0xb8;
	[tilespmem:$0x1C900] =	vst v63  }
0x1e7: {  	_ =	swait.ge [sflag:s31], $0x4000  }
0x1e8: {  	[sflag:s31] =	ssyncset.done $0x0  }
0x1e9: {  	s17 =	rddreg [dreg:$0x18];
	[sflag:s31] =	ssyncadd.s32 $0xFFFFC000  }
0x1ea: {  	[tilespmem:s28], [sflag:$0x3] =	stream.indirect.gather [hbm4b:s4+s26], $0x80, s17, s26, $0xb8;
	[tilespmem:$0x1C900] =	vst v63  }
0x1eb: {  	_ =	swait.ge [sflag:s0], $0x4000  }
0x1ec: {  	[sflag:s0] =	ssyncset.done $0x0  }
0x1ed: {  	s18 =	rddreg [dreg:$0x19];
	[sflag:s0] =	ssyncadd.s32 $0xFFFFC000  }
0x1ee: {  	[spmem:s1] =	stream.indirect.scatter.add.f32 [tilespmem:s29], [sflag:$0x6], $0x80, s18, s26, $0xb8;
	[tilespmem:$0x1C900] =	vst v63  }
0x1ef: {  	_ =	swait.ge [sflag:s7], $0x4000  }
0x1f0: {  	[sflag:s7] =	ssyncset.done $0x0  }
0x1f1: {  	s21 =	rddreg [dreg:$0x1a];
	[sflag:s7] =	ssyncadd.s32 $0xFFFFC000  }
0x1f2: {  	[tilespmem:s29], [sflag:$0x4] =	stream.indirect.gather [hbm4b:s4+s26], $0x80, s21, s26, $0xb8;
	[tilespmem:$0x1C900] =	vst v63  }
0x1f3: {  	_ =	swait.ge [sflag:s30], $0x4000  }
0x1f4: {  	[sflag:s30] =	ssyncset.done $0x0  }
0x1f5: {  	s14 =	rddreg [dreg:$0x1b];
	[sflag:s30] =	ssyncadd.s32 $0xFFFFC000  }
0x1f6: {  	[spmem:s1] =	stream.indirect.scatter.add.f32 [tilespmem:s28], [sflag:$0x5], $0x80, s14, s26, $0xb8;
	[tilespmem:$0x1C900] =	vst v63  }
0x1f7: {  	_ =	swait.ge [sflag:s31], $0x4000  }
0x1f8: {  	[sflag:s31] =	ssyncset.done $0x0  }
0x1f9: {  	s15 =	rddreg [dreg:$0x1c];
	[sflag:s31] =	ssyncadd.s32 $0xFFFFC000  }
0x1fa: {  	[tilespmem:s28], [sflag:$0x3] =	stream.indirect.gather [hbm4b:s4+s26], $0x80, s15, s26, $0xb8;
	[tilespmem:$0x1C900] =	vst v63  }
0x1fb: {  	_ =	swait.ge [sflag:s0], $0x4000  }
0x1fc: {  	[sflag:s0] =	ssyncset.done $0x0  }
0x1fd: {  	s16 =	rddreg [dreg:$0x1d];
	[sflag:s0] =	ssyncadd.s32 $0xFFFFC000  }
0x1fe: {  	[spmem:s1] =	stream.indirect.scatter.add.f32 [tilespmem:s29], [sflag:$0x6], $0x80, s16, s26, $0xb8;
	[tilespmem:$0x1C900] =	vst v63  }
0x1ff: {  	_ =	swait.ge [sflag:s7], $0x4000  }
0x200: {  	[sflag:s7] =	ssyncset.done $0x0  }
0x201: {  	s17 =	rddreg [dreg:$0x1e];
	[sflag:s7] =	ssyncadd.s32 $0xFFFFC000  }
0x202: {  	[tilespmem:s29], [sflag:$0x4] =	stream.indirect.gather [hbm4b:s4+s26], $0x80, s17, s26, $0xb8;
	[tilespmem:$0x1C900] =	vst v63  }
0x203: {  	_ =	swait.ge [sflag:s30], $0x4000  }
0x204: {  	[sflag:s30] =	ssyncset.done $0x0  }
0x205: {  	s18 =	rddreg [dreg:$0x1f];
	[sflag:s30] =	ssyncadd.s32 $0xFFFFC000  }
0x206: {  	[spmem:s1] =	stream.indirect.scatter.add.f32 [tilespmem:s28], [sflag:$0x5], $0x80, s18, s26, $0xb8;
	[tilespmem:$0x1C900] =	vst v63  }
0x207: {  	_ =	swait.ge [sflag:s31], $0x4000  }
0x208: {  	[sflag:s31] =	ssyncset.done $0x0  }
0x209: {  	s13 =	simm.s32 @!p3 $0x1;
	[sflag:s31] =	ssyncadd.s32 $0xFFFFC000  }
0x20a: {  	_ =	swait.ge @!p3 [sflag:s13], $0x400  }
0x20b: {  	[sflag:s13] =	ssyncset.done @!p3 $0x0  }
0x20c: {  	[sflag:s13] =	ssyncadd.s32 @!p3 $0xFFFFFC00  }
0x20d: {  	_ =	swait.ge @!p3 [sflag:s13], $0x400  }
0x20e: {  	[sflag:s13] =	ssyncset.done @!p3 $0x0  }
0x20f: {  	s14 =	simm.s32 @!p3 $0x14900;
	[sflag:s13] =	ssyncadd.s32 @!p3 $0xFFFFFC00;
	s13 =	simm.s32 @!p3 $0x80  }
0x210: {  	[tilespmem:s14], [sflag:$0x3] =	stream.indirect.gather @!p3 [hbm4b:s4+s13], $0x80, s12, s13, $0xb8;
	[tilespmem:$0x1C900] =	vst v63  }
0x211: {  	_ =	swait.ge [sflag:s0], $0x4000  }
0x212: {  	s21 =	sld [smem:$0x7FD]  }
0x213: {  	[sflag:s0] =	ssyncset.done $0x0  }
0x214: {  	[sflag:s0] =	ssyncadd.s32 $0xFFFFC000  }
0x215: {  	[spmem:s1] =	stream.indirect.scatter.add.f32 [tilespmem:s29], [sflag:$0x6], $0x80, s21, s26, $0xb8;
	[tilespmem:$0x1C900] =	vst v63  }
0x216: {  	_ =	swait.ge [sflag:s7], $0x4000  }
0x217: {  	[sflag:s7] =	ssyncset.done $0x0  }
0x218: {  	[sflag:s7] =	ssyncadd.s32 $0xFFFFC000  }
0x219: {  	[bflag:$0x0] =	sbarrier.arrive $0xFFFF  }
0x21a: {  	s14 =	sld [smem:$0x7F9]  }
0x21b: {  	s12 =	sshll.u32 @p1 s2, $0x6  }
0x21c: {  	s13 =	sshrl.u32 @p1 s11, $0x3;
	s12 =	sor.u32 @p1 $0x1C07, s12  }
0x21d: {  	[hbm:s14], [sflag:s12] =	dma.local @p1 [spmem:s13], $0x2780  }
0x21e: {  	s12 =	simm.s32 @p1 $0x7  }
0x21f: {  	_ =	swait.ge @p1 [sflag:s12], $0x2780  }
0x220: {  	s14 =	sld [smem:$0x7FC]  }
0x221: {  	s13 =	sshll.u32 @!p4 s2, $0x6;
	[sflag:s12] =	ssyncset.done @p1 $0x0  }
0x222: {  	[sflag:s12] =	ssyncadd.s32 @p1 $0xFFFFD880;
	s12 =	sor.u32 @!p4 $0x1C07, s13;
	s13 =	sshrl.u32 @!p4 s11, $0x3  }
0x223: {  	[hbm:s14], [sflag:s12] =	dma.local @!p4 [spmem:s13], $0x2780  }
0x224: {  	s12 =	sld [smem:$0x7FA];
	_ =	sdelay $0x2  }
0x225: {  	p3 =	por @!p4 $0x1, $0x1;
	p5 =	seq.s32 s12, $0x1  }
0x226: {  	p5 =	por @!p4 p3, p3  }
0x227: {  	p3 =	por @!p2 !p5, !p0  }
0x228: {  	p3 =	por @!p2 !p3, !p3  }
0x229: {  	p3 =	por p2, p3  }
.Ltmp3:
0x22a: {  	_ = 	snop;
	(pc) =	sbr.rel @!p3 .LBB2_5-.Ltmp3, $4  }
0x22b: {  	s12 =	simm.s32 @!p4 $0x7  }
0x22c: {  	_ =	swait.ge @!p4 [sflag:s12], $0x2780  }
0x22d: {  	[sflag:s12] =	ssyncset.done @!p4 $0x0  }
0x22e: {  	[sflag:s12] =	ssyncadd.s32 @!p4 $0xFFFFD880  }
0x22f: {  	s12 =	sld [smem:$0x7FB]  }
0x230: {  	s13 =	sld [smem:$0x7F8];
	_ =	sdelay $0x2  }
0x231: {  	s18 =	sshrl.u32 s9, $0x3;
	s14 =	simm.s32 $0x1FC7;
	s12 =	smov.u32 @p2 s13  }
.Ltmp4:
0x232: {  	s21 =	simm.s32 $0x7;
	s12 =	sadd.s32 $0x25080, s12;
	(pc) =	sbr.rel .LBB2_5-.Ltmp4, $4  }
0x233: {  	[hbm:s12], [sflag:s14] =	dma.local [spmem:s18], $0x2080  }
0x234: {  	_ =	swait.ge [sflag:s21], $0x2080  }
0x235: {  	[sflag:s21] =	ssyncset.done $0x0  }
0x236: {  	[sflag:s21] =	ssyncadd.s32 $0xFFFFDF80  }
.LBB2_6:
0x237: {  	_ =	sfence.sel $0x180000  }
0x238: {  	[bflag:$0x0] =	sbarrier.arrive $0xFFFF  }
0x239: {  	_ =	strace $0x9000004D  }
0x23a: {  	[bflag:$0x2] =	sbarrier.arrive $0xFFFF  }
0x23b: {  	p0 =	sne.s32 s2, $0x0;
	s0 =	rddreg [dreg:$0x2]  }
0x23c: {  	s0 =	sadd.s32 @!p0 $0x100000, s0  }
0x23d: {  	[sflag:s0] =	ssyncadd.tile.s32 @!p0 $0x1;
	_ =	shalt  }
.Lfunc_end2:
_tile_overlayer_lowered:
.L_overlay_start_2:
0x23e: {  	(tag) =	ssettag $0x2  }
0x23f: {  	s0 =	rddreg [dreg:$0x0];
	s2 =	stileid.u32  }
0x240: {  	s1 =	rddreg [dreg:$0x1];
	p0 =	sne.s32 s2, $0x0  }
0x241: {  	s3 =	rddreg [dreg:$0x2];
	[bflag:$0x3] =	sbarrier.arrive $0xFFFF;
	s2 =	simm.s32 @!p0 $0x1C07  }
0x242: {  	[timem:s3], [sflag:s2] =	dma.local @!p0 [hbm:s0], s1  }
0x243: {  	s0 =	simm.s32 @!p0 $0x7  }
0x244: {  	_ =	swait.ge @!p0 [sflag:s0], s1  }
0x245: {  	s1 =	ssub.s32 @!p0 $0x0, s1;
	[sflag:s0] =	ssyncset.done @!p0 $0x0  }
0x246: {  	[sflag:s0] =	ssyncadd.s32 @!p0 s1  }
0x247: {  	[bflag:$0x3] =	sbarrier.arrive $0xFFFF  }
0x248: {  	_ =	shalt  }

// kernel: kernel.8.cloned.1.call-start
scs
__scs_entry_jumppad:
0x0: {  	(pc) =	sbr.rel $0x88, $3  }
0x1: {  	(tag) =	ssettag $0x0;
	lr =	simm.s32 $0x1  }
0x2: {  	[smem:$0x3F92] =	sst lr;
	_ =	strace $0xD0000000  }
0x3: {  	_ = 	snop  }
0x4: {  	_ = 	snop  }
0x5: {  	_ = 	snop  }
0x6: {  	_ = 	snop  }
0x7: {  	_ = 	snop  }
__scs_overlays_trampoline_lowered:
0x8: {  	[smem:$0x3FA1] =	sst s0  }
0x9: {  	[smem:$0x3FA2] =	sst s1  }
0xa: {  	[smem:$0x3FA3] =	sst s2  }
0xb: {  	[smem:$0x3FA4] =	sst s3  }
0xc: {  	[smem:$0x3FA5] =	sst s4  }
0xd: {  	[smem:$0x3FA6] =	sst s5  }
0xe: {  	[smem:$0x3FA7] =	sst s6  }
0xf: {  	[smem:$0x3FA8] =	sst s7  }
0x10: {  	[smem:$0x3FA9] =	sst s8  }
0x11: {  	[smem:$0x3FAA] =	sst s9;
	s0 =	simm.s32 @!p0 $0x0  }
0x12: {  	s1 =	sld [smem:$0x3F90];
	s0 =	simm.s32 @p0 $0x1  }
0x13: {  	[smem:$0x3FAB] =	sst s0;
	s0 =	simm.s32 @!p1 $0x0  }
0x14: {  	s2 =	sld [smem:$0x3F8F];
	s0 =	simm.s32 @p1 $0x1  }
0x15: {  	[smem:$0x3FAC] =	sst s0;
	s0 =	simm.s32 @!p2 $0x0  }
0x16: {  	s3 =	sld [smem:$0x3FDB];
	s0 =	simm.s32 @p2 $0x1  }
0x17: {  	s4 =	simm.s32 $0x1BF5;
	[smem:$0x3FAE] =	sst s0  }
0x18: {  	s0 =	sld [smem:$0x3F91];
	_ =	swait.ge [sflag:s4], $0x0  }
0x19: {  	s7 =	sld [smem:$0x3F92]  }
0x1a: {  	s8 =	sadd.s32 $0xFFFFE003, lr  }
0x1b: {  	s9 =	sadd.s32 $0xFFFFFEF7, lr;
	s5 =	simm.s32 $0xFFFFFFFF;
	p2 =	slt.u32 s8, $0xFFFFF086  }
0x1c: {  	p1 =	slt.u32 s9, $0xF7A;
	s5 =	simm.s32 @!p2 $0x0  }
0x1d: {  	s5 =	simm.s32 @p1 $0x1;
	p0 =	seq.s32 s7, s2  }
0x1e: {  	s7 =	smul.u32 @!p0 $0xF7A, s2;
	p2 =	seq.s32 @!p0 s5, $0x0  }
0x1f: {  	s9 =	smul.u32 $0xF7A, s1;
	s8 =	simm.s32 @!p0 $0x1BF5;
	p2 =	por !p2, p0  }
0x20: {  	[sflag:s8] =	ssyncset.s32 @!p0 $0xFFFFF086;
	s6 =	sadd.s32 @!p0 s3, s7;
	s7 =	simm.s32 @!p0 $0x108  }
0x21: {  	s3 =	sadd.s32 s3, s9;
	s6 =	sadd.s32 @!p0 $0x88, s6;
	s7 =	simm.s32 @p2 $0x1082  }
0x22: {  	[simem:s7], [sflag:s8] =	dma.local @!p0 [hbm:s6], $0xF7A  }
0x23: {  	s9 =	sor.u32 $0xD0000000, s2;
	s6 =	simm.s32 $0x108;
	_ =	swait.ge @!p0 [sflag:s8], $0x0  }
0x24: {  	s3 =	sadd.s32 $0x88, s3;
	s6 =	simm.s32 @!p1 $0x1082;
	[sflag:s4] =	ssyncset.s32 $0xFFFFF086  }
0x25: {  	[simem:s6], [sflag:s4] =	dma.local [hbm:s3], $0xF7A  }
0x26: {  	[smem:$0x3F92] =	sst s1;
	(tag) =	ssettag s2;
	_ =	strace s9  }
0x27: {  	s1 =	sld [smem:$0x3FA2]  }
0x28: {  	s2 =	sld [smem:$0x3FA3]  }
0x29: {  	s4 =	sld [smem:$0x3FA5]  }
0x2a: {  	p0 =	seq.s32 s5, $0x0;
	s5 =	sld [smem:$0x3FA6]  }
0x2b: {  	s6 =	sld [smem:$0x3FA7]  }
0x2c: {  	s7 =	sld [smem:$0x3FA8]  }
0x2d: {  	s3 =	simm.s32 $0x108;
	s8 =	sld [smem:$0x3FA9]  }
0x2e: {  	s3 =	simm.s32 @!p0 $0x1082;
	s9 =	sld [smem:$0x3FAA]  }
0x2f: {  	lr =	sadd.s32 s0, s3;
	s0 =	sld [smem:$0x3FA1]  }
0x30: {  	s3 =	sld [smem:$0x3FA4]  }
0x31: {  	[smem:$0x3FAD] =	sst s10  }
0x32: {  	s10 =	sld [smem:$0x3FAB];
	_ =	sdelay $0x3  }
0x33: {  	p0 =	seq.s32 s10, $0x1;
	s10 =	sld [smem:$0x3FAD];
	_ =	sdelay $0x3  }
0x34: {  	[smem:$0x3FAD] =	sst s10  }
0x35: {  	s10 =	sld [smem:$0x3FAC];
	_ =	sdelay $0x3  }
0x36: {  	p1 =	seq.s32 s10, $0x1;
	s10 =	sld [smem:$0x3FAD];
	_ =	sdelay $0x3  }
0x37: {  	[smem:$0x3FAD] =	sst s10  }
0x38: {  	s10 =	sld [smem:$0x3FAE]  }
0x39: {  	_ = 	snop;
	(pc) =	sbr.ind lr, $3  }
0x3a: {  	_ = 	snop  }
0x3b: {  	_ = 	snop  }
0x3c: {  	p2 =	seq.s32 s10, $0x1;
	s10 =	sld [smem:$0x3FAD]  }
0x3d: {  	_ =	shalt  }
0x3e: {  	_ =	shalt  }
0x3f: {  	_ =	shalt  }
0x40: {  	_ =	shalt  }
0x41: {  	_ =	shalt  }
0x42: {  	_ =	shalt  }
0x43: {  	_ =	shalt  }
0x44: {  	_ =	shalt  }
0x45: {  	_ =	shalt  }
0x46: {  	_ =	shalt  }
0x47: {  	_ =	shalt  }
0x48: {  	_ =	shalt  }
0x49: {  	_ =	shalt  }
0x4a: {  	_ =	shalt  }
0x4b: {  	_ =	shalt  }
0x4c: {  	_ =	shalt  }
0x4d: {  	_ =	shalt  }
0x4e: {  	_ =	shalt  }
0x4f: {  	_ =	shalt  }
0x50: {  	_ =	shalt  }
0x51: {  	_ =	shalt  }
0x52: {  	_ =	shalt  }
0x53: {  	_ =	shalt  }
0x54: {  	_ =	shalt  }
0x55: {  	_ =	shalt  }
0x56: {  	_ =	shalt  }
0x57: {  	_ =	shalt  }
0x58: {  	_ =	shalt  }
0x59: {  	_ =	shalt  }
0x5a: {  	_ =	shalt  }
0x5b: {  	_ =	shalt  }
0x5c: {  	_ =	shalt  }
0x5d: {  	_ =	shalt  }
0x5e: {  	_ =	shalt  }
0x5f: {  	_ =	shalt  }
0x60: {  	_ =	shalt  }
0x61: {  	_ =	shalt  }
0x62: {  	_ =	shalt  }
0x63: {  	_ =	shalt  }
0x64: {  	_ =	shalt  }
0x65: {  	_ =	shalt  }
0x66: {  	_ =	shalt  }
0x67: {  	_ =	shalt  }
0x68: {  	_ =	shalt  }
0x69: {  	_ =	shalt  }
0x6a: {  	_ =	shalt  }
0x6b: {  	_ =	shalt  }
0x6c: {  	_ =	shalt  }
0x6d: {  	_ =	shalt  }
0x6e: {  	_ =	shalt  }
0x6f: {  	_ =	shalt  }
0x70: {  	_ =	shalt  }
0x71: {  	_ =	shalt  }
0x72: {  	_ =	shalt  }
0x73: {  	_ =	shalt  }
0x74: {  	_ =	shalt  }
0x75: {  	_ =	shalt  }
0x76: {  	_ =	shalt  }
0x77: {  	_ =	shalt  }
0x78: {  	_ =	shalt  }
0x79: {  	_ =	shalt  }
0x7a: {  	_ =	shalt  }
0x7b: {  	_ =	shalt  }
0x7c: {  	_ =	shalt  }
0x7d: {  	_ =	shalt  }
0x7e: {  	_ =	shalt  }
0x7f: {  	_ =	shalt  }
0x80: {  	_ =	shalt  }
0x81: {  	_ =	shalt  }
0x82: {  	_ =	shalt  }
0x83: {  	_ =	shalt  }
0x84: {  	_ =	shalt  }
0x85: {  	_ =	shalt  }
0x86: {  	_ =	shalt  }
0x87: {  	_ =	shalt  }
.Lfunc_end0:
.L_simem_size_0:
called_computation_lowered:
.L_overlay_start_0:
0x88: {  	s2 =	sld [smem:$0x3FD9]  }
0x89: {  	s3 =	sld [smem:$0x3FFE];
	_ =	sdelay $0x1  }
0x8a: {  	s1 =	srdreg.scid  }
0x8b: {  	s0 =	sand.u32 $0x1, s1  }
0x8c: {  	s17 =	sshll.u32 s0, $0xA;
	s2 =	sadd.s32 s3, s2  }
0x8d: {  	s2 =	sadd.s32 s2, s17  }
0x8e: {  	[smem:$0x3FB9] =	sst s2  }
0x8f: {  	_ = 	snop  }
0x90: {  	s2 =	sld [smem:$0x3FC9];
	(tm) =	ssettm $0x1  }
0x91: {  	s18 =	sld [smem:$0x3FFB];
	_ =	sdelay $0x3  }
0x92: {  	_ =	strace s18  }
0x93: {  	s3 =	sld [smem:$0x3FFC];
	_ =	sdelay $0x3  }
0x94: {  	_ =	strace s3  }
0x95: {  	s3 =	sld [smem:$0x3FFD];
	_ =	sdelay $0x3  }
0x96: {  	_ =	strace s3  }
0x97: {  	_ =	strace $0x8FFFFFFF  }
0x98: {  	s19 =	sld [smem:$0x3FDB];
	_ =	sdelay $0x1  }
0x99: {  	s4 =	simm.s32 $_scs_section_size  }
0x9a: {  	s5 =	simm.s32 $_size__tile_overlayer_lowered;
	s6 =	simm.s32 $_tile_overlayer_lowered  }
0x9b: {  	s22 =	simm.s32 $0x1BFF;
	s21 =	sshll.u32 s6, $0x1;
	s3 =	sadd.s32 s4, s19  }
0x9c: {  	s7 =	simm.s32 $0x0;
	s20 =	sshll.u32 s5, $0x1;
	s5 =	sadd.s32 s21, s3  }
0x9d: {  	[timem:s7], [sflag:s22] =	dma.local [hbm:s5], s20  }
0x9e: {  	_ =	swait.ge [sflag:s22], s20  }
0x9f: {  	s4 =	ssub.s32 $0x0, s20;
	[sflag:s22] =	ssyncset.done $0x0  }
0xa0: {  	[sflag:s22] =	ssyncadd.s32 s4;
	_ =	sdelay $0x1  }
0xa1: {  	s23 =	simm.s32 $0x1B8B  }
0xa2: {  	_ =	swait.ge [sflag:s23], $0x1  }
0xa3: {  	[sflag:s23] =	ssyncset.done $0x0  }
0xa4: {  	s25 =	simm.s32 $0x1B8E;
	s24 =	sld [smem:$0x3FFE];
	[sflag:s23] =	ssyncadd.s32 $0xFFFFFFFF  }
0xa5: {  	s26 =	simm.s32 $execute0_lowered;
	[smem:$0x3FD2] =	sst s25  }
0xa6: {  	s5 =	sshll.u32 s26, $0x1;
	_ =	strace $0x80000046;
	[dreg:$0x1] =	wrdreg $0xFFFFFFFF  }
0xa7: {  	s28 =	simm.s32 $_size_execute0_lowered;
	s3 =	sadd.s32 s3, s5;
	[dreg:$0x0] =	wrdreg $0x0  }
0xa8: {  	s5 =	sshll.u32 s28, $0x1;
	[dreg:$0x2] =	wrdreg s3  }
0xa9: {  	[dreg:$0x3] =	wrdreg s5  }
0xaa: {  	[dreg:$0x4] =	wrdreg $0xC0  }
0xab: {  	_ =	task [dreg:s7], $0x5FFFF  }
0xac: {  	[dreg:$0x1] =	wrdreg $0xFFFFFFFF  }
0xad: {  	[dreg:$0x0] =	wrdreg $0x60  }
0xae: {  	[dreg:$0x2] =	wrdreg s2  }
0xaf: {  	[dreg:$0x3] =	wrdreg s24  }
0xb0: {  	[dreg:$0x4] =	wrdreg $0x0  }
0xb1: {  	[dreg:$0x5] =	wrdreg $0x9  }
0xb2: {  	_ =	task.clear_ibuf [dreg:s7], $0x6FFFF;
	_ =	strace $0x90000046  }
0xb3: {  	s29 =	simm.s32 $0x9;
	_ =	strace $0x80000048  }
0xb4: {  	_ =	swait.ge [sflag:s29], $0x1  }
0xb5: {  	[sflag:s29] =	ssyncadd.s32 $0xFFFFFFFF  }
0xb6: {  	_ =	strace $0x90000048  }
0xb7: {  	_ =	sfence  }
0xb8: {  	s30 =	sld [smem:$0x0];
	_ =	sdelay $0x2  }
0xb9: {  	s31 =	sshll.u32 s1, $0xD;
	s1 =	sshrl.u32 s1, $0x2  }
0xba: {  	s3 =	sand.u32 $0x4000, s31;
	s1 =	sadd.s32 s1, s30  }
0xbb: {  	s0 =	sor.u32 s3, s0;
	s1 =	sshll.u32 s1, $0x11  }
0xbc: {  	s0 =	sor.u32 s1, s0  }
0xbd: {  	s0 =	sadd.s32 $0x8F2B, s0  }
0xbe: {  	[sflag:s0] =	ssyncadd.remote.s32 $0x1  }
0xbf: {  	_ =	sfence.sel $0xFFFF  }
0xc0: {  	[dreg:$0x0] =	wrdreg $0xFFFFFFFF;
	(pc) =	sbr.abs _section_cstart, $3  }
0xc1: {  	[dreg:$0x1] =	wrdreg $0xFFFFFFFF  }
0xc2: {  	_ =	task.clear_ibuf [dreg:s7], $0x2FFFF;
	_ =	strace $0x9FFFFFFF  }
0xc3: {  	(tm) =	ssettm $0x7FFFFFFF  }
tec
execute0_lowered:
.L_overlay_start_1:
0x0: {  	(tag) =	ssettag $0x1  }
0x1: {  	s1 =	rddreg [dreg:$0x0]  }
0x2: {  	s0 =	rddreg [dreg:$0x1]  }
0x3: {  	s2 =	rddreg [dreg:$0x2];
	s4 =	simm.s32 $0x0  }
0x4: {  	s3 =	srdreg.scid;
	s17 =	simm.s32 $0x13980;
	s18 =	simm.s32 $0x13A00  }
0x5: {  	s19 =	simm.s32 $0x14180;
	s20 =	simm.s32 $0x13A80;
	s21 =	simm.s32 $0x14200  }
0x6: {  	s22 =	simm.s32 $0x13B00;
	s23 =	simm.s32 $0x14280;
	s28 =	simm.s32 $0x14900  }
0x7: {  	s29 =	simm.s32 $0x18900;
	[smem:$0x7FF] =	sst s4;
	s13 =	sadd.s32 $0x25080, s1  }
0x8: {  	s30 =	simm.s32 $0x3;
	_ =	strace $0x80000047;
	[smem:$0x7F1] =	sst s13  }
0x9: {  	s31 =	simm.s32 $0x5;
	s7 =	sand.u32 $0x1, s3;
	[dreg:$0x6] =	wrdreg s17  }
0xa: {  	s3 =	stileid.u32;
	s5 =	sadd.s32 $0x4600, s0;
	[dreg:$0x7] =	wrdreg s18  }
0xb: {  	s6 =	sadd.s32 $0xE600, s0;
	s14 =	sadd.s32 $0x18600, s0;
	[dreg:$0x8] =	wrdreg s19  }
0xc: {  	s15 =	sadd.s32 $0x3F800, s0;
	s8 =	smul.u32 $0x28000, s7;
	[dreg:$0x9] =	wrdreg s20  }
0xd: {  	s9 =	smul.u32 $0x2800, s3;
	s10 =	ssub.s32 $0x2, s7;
	[dreg:$0xa] =	wrdreg s21  }
0xe: {  	s25 =	sshll.u32 s7, $0x4;
	p0 =	seq.s32 s3, $0xF;
	[dreg:$0xb] =	wrdreg s22  }
0xf: {  	p3 =	sne.s32 s3, $0xF;
	s16 =	smul.u32 $0x4F000, s3;
	[dreg:$0xc] =	wrdreg s23  }
0x10: {  	s13 =	smul.u32 $0x2780, s3;
	s18 =	simm.s32 $0x13C00;
	[smem:$0x7F7] =	sst s14  }
0x11: {  	s19 =	simm.s32 $0x14380;
	s21 =	simm.s32 $0x13C80;
	[smem:$0x7FA] =	sst s15  }
0x12: {  	s22 =	simm.s32 $0x14400;
	p2 =	seq.s32 s7, $0x0;
	[dreg:$0xf] =	wrdreg s18  }
0x13: {  	s23 =	simm.s32 $0x14480;
	p4 =	seq.s32 s7, $0x1;
	[dreg:$0x10] =	wrdreg s19  }
0x14: {  	s7 =	simm.s32 $0x6;
	s24 =	sshrl.u32 s10, $0x1;
	[dreg:$0x11] =	wrdreg s21  }
0x15: {  	s26 =	sor.u32 s3, s25;
	[dreg:$0x12] =	wrdreg s22;
	p1 =	por !p2, !p3  }
0x16: {  	[dreg:$0x13] =	wrdreg s23;
	p2 =	por !p2, !p0;
	s18 =	simm.s32 $0x14680  }
0x17: {  	p3 =	por !p3, !p4;
	s19 =	simm.s32 $0x13F80;
	[dreg:$0x1a] =	wrdreg s18  }
0x18: {  	s21 =	simm.s32 $0x14700;
	s22 =	simm.s32 $0x14000;
	[dreg:$0x1b] =	wrdreg s19  }
0x19: {  	s23 =	simm.s32 $0x14780;
	s0 =	sadd.s32 s9, s8;
	[dreg:$0x1c] =	wrdreg s21  }
0x1a: {  	s8 =	ssub.s32 s10, s24;
	s9 =	sadd.s32 $0x128400, s2;
	[dreg:$0x1d] =	wrdreg s22  }
0x1b: {  	s10 =	smul.u32 $0x2800, s26;
	s24 =	simm.s32 $0x13B80;
	[dreg:$0x1e] =	wrdreg s23  }
0x1c: {  	s26 =	simm.s32 $0x14300;
	p1 =	por !p1, !p1;
	[dreg:$0xd] =	wrdreg s24  }
0x1d: {  	p2 =	por !p2, !p2;
	[dreg:$0xe] =	wrdreg s26;
	s24 =	simm.s32 $0x13D80  }
0x1e: {  	p3 =	por !p3, !p3;
	s26 =	sadd.s32 s14, s13;
	[dreg:$0x14] =	wrdreg s24  }
0x1f: {  	s22 =	simm.s32 $0x14100;
	s14 =	simm.s32 $0x13E80;
	[smem:$0x7F8] =	sst s26  }
0x20: {  	s11 =	sor.u32 $0x400, s0;
	[dreg:$0x17] =	wrdreg s14;
	s24 =	simm.s32 $0x14080  }
0x21: {  	s11 =	sshrl.u32 s11, $0x3;
	s26 =	simm.s32 $0x14880;
	[dreg:$0x1f] =	wrdreg s24  }
0x22: {  	s23 =	simm.s32 $0x13D00;
	s12 =	sadd.s32 s11, s6;
	[smem:$0x7FD] =	sst s26  }
0x23: {  	s10 =	sshrl.u32 s10, $0x3;
	s11 =	sadd.s32 s11, s5;
	[dreg:$0x4] =	wrdreg s12  }
0x24: {  	s19 =	smax.u32 s8, $0x1;
	s25 =	sadd.s32 s5, s10;
	[dreg:$0x5] =	wrdreg s11  }
0x25: {  	s17 =	sadd.s32 s6, s10;
	s10 =	sor.u32 $0x80, s10;
	[smem:$0x7F3] =	sst s25  }
0x26: {  	s12 =	sshrl.u32 s16, $0x2;
	s16 =	sadd.s32 s1, s13;
	[smem:$0x7F4] =	sst s17  }
0x27: {  	s8 =	simm.s32 $0x2;
	s20 =	sadd.s32 s5, s10;
	[smem:$0x7F2] =	sst s16  }
0x28: {  	s24 =	simm.s32 $0x14500;
	s10 =	sadd.s32 s6, s10;
	[smem:$0x7F5] =	sst s20  }
0x29: {  	s26 =	simm.s32 $0x80;
	s25 =	simm.s32 $0x13E00;
	[smem:$0x7F6] =	sst s10  }
0x2a: {  	s17 =	simm.s32 $0x13F00;
	s11 =	sadd.s32 s12, s2;
	[dreg:$0x15] =	wrdreg s25  }
0x2b: {  	s12 =	simm.s32 $0x14580;
	s16 =	simm.s32 $0x14600;
	[dreg:$0x19] =	wrdreg s17  }
.Ltmp0:
0x2c: {  	s10 =	simm.s32 @!p4 $0x0;
	[dreg:$0x16] =	wrdreg s12;
	(pc) =	sbr.rel .LBB2_1-.Ltmp0, $4  }
0x2d: {  	s20 =	sadd.s32 s15, s13;
	s25 =	simm.s32 $0x14800;
	[dreg:$0x18] =	wrdreg s16  }
0x2e: {  	s10 =	simm.s32 @p4 $0x1;
	[smem:$0x7FB] =	sst s20;
	s20 =	sadd.s32 $0x800, s0  }
0x2f: {  	[smem:$0x7FC] =	sst s25;
	s25 =	simm.s32 $0x1;
	p4 =	por !p3, p2  }
0x30: {  	s0 =	simm.s32 $0x4;
	[smem:$0x7F9] =	sst s10;
	s10 =	simm.s32 $0x0  }
.LBB2_5:
0x31: {  	s10 =	sadd.s32 $0x1, s10  }
0x32: {  	p3 =	sne.s32 s10, s19  }
.Ltmp1:
0x33: {  	_ = 	snop;
	(pc) =	sbr.rel @!p3 .LBB2_6-.Ltmp1, $1  }
0x34: {  	_ =	sdelay $0x3  }
.LBB2_1:
0x35: {  	s14 =	sld [smem:$0x7F1];
	_ =	sdelay $0x1  }
0x36: {  	s12 =	sshrl.u32 @p0 s9, $0x3;
	s13 =	simm.s32 @p0 $0x1FC5  }
0x37: {  	[spmem:s12], [sflag:s13] =	dma.local @p0 [hbm:s14], $0x2080  }
0x38: {  	s14 =	sld [smem:$0x7F2]  }
0x39: {  	s12 =	sshll.u32 @!p0 s3, $0x6  }
0x3a: {  	s13 =	sshrl.u32 @!p0 s11, $0x3;
	s12 =	sor.u32 @!p0 $0x1C05, s12  }
0x3b: {  	[spmem:s13], [sflag:s12] =	dma.local @!p0 [hbm:s14], $0x2780  }
0x3c: {  	s12 =	sld [smem:$0x7F3];
	_ =	sdelay $0x1  }
0x3d: {  	s15 =	simm.s32 $0x13900;
	s16 =	sld [smem:$0x7F4]  }
0x3e: {  	[tilespmem:s15], [sflag:$0x1] =	stream.linear.gather [hbm4b:s12+s4], $0x400, $0x38;
	[tilespmem:$0x1C900] =	vst v63  }
0x3f: {  	s17 =	sld [smem:$0x7F5]  }
0x40: {  	[tilespmem:s22], [sflag:$0x1] =	stream.linear.gather [hbm4b:s16+s4], $0x400, $0x38;
	[tilespmem:$0x1C900] =	vst v63  }
0x41: {  	s18 =	sld [smem:$0x7F6]  }
0x42: {  	[tilespmem:s23], [sflag:$0x2] =	stream.linear.gather [hbm4b:s17+s4], $0x400, $0x38;
	[tilespmem:$0x1C900] =	vst v63  }
0x43: {  	_ = 	snop  }
0x44: {  	[tilespmem:s24], [sflag:$0x2] =	stream.linear.gather [hbm4b:s18+s4], $0x400, $0x38;
	[tilespmem:$0x1C900] =	vst v63  }
0x45: {  	_ =	swait.ge [sflag:s25], $0x400  }
0x46: {  	[sflag:s25] =	ssyncset.done $0x0  }
0x47: {  	[sflag:s25] =	ssyncadd.s32 $0xFFFFFC00  }
0x48: {  	_ =	swait.ge [sflag:s25], $0x400  }
0x49: {  	[sflag:s25] =	ssyncset.done $0x0  }
0x4a: {  	s12 =	simm.s32 @p0 $0x5;
	[sflag:s25] =	ssyncadd.s32 $0xFFFFFC00  }
0x4b: {  	[tilespmem:s28], [sflag:$0x3] =	stream.indirect.gather [hbm4b:s1+s26], $0x80, s15, s26, $0xb8;
	[tilespmem:$0x1C900] =	vst v63  }
0x4c: {  	_ =	swait.ge @p0 [sflag:s12], $0x2080  }
0x4d: {  	[sflag:s12] =	ssyncset.done @p0 $0x0  }
0x4e: {  	[sflag:s12] =	ssyncadd.s32 @p0 $0xFFFFDF80;
	s12 =	simm.s32 @!p0 $0x5  }
0x4f: {  	_ =	swait.ge @!p0 [sflag:s12], $0x2780  }
0x50: {  	p3 =	por $0x1, $0x1;
	[sflag:s12] =	ssyncset.done @!p0 $0x0  }
0x51: {  	p3 =	por p3, p3;
	[sflag:s12] =	ssyncadd.s32 @!p0 $0xFFFFD880  }
0x52: {  	s12 =	simm.s32 @!p3 $0x6;
	[bflag:$0x0] =	sbarrier.arrive $0xFFFF  }
0x53: {  	_ =	swait.ge @!p3 [sflag:s12], $0x4000  }
0x54: {  	s13 =	rddreg [dreg:$0x5]  }
0x55: {  	s14 =	simm.s32 @!p3 $0x13D00;
	[sflag:s12] =	ssyncset.done @!p3 $0x0;
	s15 =	rddreg [dreg:$0x4]  }
0x56: {  	[sflag:s12] =	ssyncadd.s32 @!p3 $0xFFFFC000;
	s12 =	sadd.s32 @!p3 $0x0, s13;
	s13 =	simm.s32 @!p3 $0x0  }
0x57: {  	[tilespmem:s14], [sflag:$0x2] =	stream.linear.gather @!p3 [hbm4b:s12+s13], $0x400, $0x38;
	[tilespmem:$0x1C900] =	vst v63  }
0x58: {  	s12 =	sadd.s32 @!p3 $0x0, s15;
	s14 =	simm.s32 @!p3 $0x14500  }
0x59: {  	[tilespmem:s14], [sflag:$0x2] =	stream.linear.gather @!p3 [hbm4b:s12+s13], $0x400, $0x38;
	[tilespmem:$0x1C900] =	vst v63  }
0x5a: {  	s21 =	rddreg [dreg:$0x6]  }
0x5b: {  	[tilespmem:s29], [sflag:$0x4] =	stream.indirect.gather [hbm4b:s1+s26], $0x80, s21, s26, $0xb8;
	[tilespmem:$0x1C900] =	vst v63  }
0x5c: {  	_ =	swait.ge [sflag:s30], $0x4000  }
0x5d: {  	[sflag:s30] =	ssyncset.done $0x0  }
0x5e: {  	[sflag:s30] =	ssyncadd.s32 $0xFFFFC000  }
0x5f: {  	[spmem:s2] =	stream.indirect.scatter.add.f32 [tilespmem:s28], [sflag:$0x5], $0x80, s22, s26, $0xb8;
	[tilespmem:$0x1C900] =	vst v63  }
0x60: {  	_ =	swait.ge [sflag:s31], $0x4000  }
0x61: {  	[sflag:s31] =	ssyncset.done $0x0  }
0x62: {  	s15 =	rddreg [dreg:$0x7];
	[sflag:s31] =	ssyncadd.s32 $0xFFFFC000  }
0x63: {  	[tilespmem:s28], [sflag:$0x3] =	stream.indirect.gather [hbm4b:s1+s26], $0x80, s15, s26, $0xb8;
	[tilespmem:$0x1C900] =	vst v63  }
0x64: {  	_ =	swait.ge [sflag:s0], $0x4000  }
0x65: {  	[sflag:s0] =	ssyncset.done $0x0  }
0x66: {  	s16 =	rddreg [dreg:$0x8];
	[sflag:s0] =	ssyncadd.s32 $0xFFFFC000  }
0x67: {  	[spmem:s2] =	stream.indirect.scatter.add.f32 [tilespmem:s29], [sflag:$0x6], $0x80, s16, s26, $0xb8;
	[tilespmem:$0x1C900] =	vst v63  }
0x68: {  	_ =	swait.ge [sflag:s7], $0x4000  }
0x69: {  	[sflag:s7] =	ssyncset.done $0x0  }
0x6a: {  	s17 =	rddreg [dreg:$0x9];
	[sflag:s7] =	ssyncadd.s32 $0xFFFFC000  }
0x6b: {  	[tilespmem:s29], [sflag:$0x4] =	stream.indirect.gather [hbm4b:s1+s26], $0x80, s17, s26, $0xb8;
	[tilespmem:$0x1C900] =	vst v63  }
0x6c: {  	_ =	swait.ge [sflag:s30], $0x4000  }
0x6d: {  	[sflag:s30] =	ssyncset.done $0x0  }
0x6e: {  	s18 =	rddreg [dreg:$0xa];
	[sflag:s30] =	ssyncadd.s32 $0xFFFFC000  }
0x6f: {  	[spmem:s2] =	stream.indirect.scatter.add.f32 [tilespmem:s28], [sflag:$0x5], $0x80, s18, s26, $0xb8;
	[tilespmem:$0x1C900] =	vst v63  }
0x70: {  	_ =	swait.ge [sflag:s31], $0x4000  }
0x71: {  	[sflag:s31] =	ssyncset.done $0x0  }
0x72: {  	s21 =	rddreg [dreg:$0xb];
	[sflag:s31] =	ssyncadd.s32 $0xFFFFC000  }
0x73: {  	[tilespmem:s28], [sflag:$0x3] =	stream.indirect.gather [hbm4b:s1+s26], $0x80, s21, s26, $0xb8;
	[tilespmem:$0x1C900] =	vst v63  }
0x74: {  	_ =	swait.ge [sflag:s0], $0x4000  }
0x75: {  	[sflag:s0] =	ssyncset.done $0x0  }
0x76: {  	s13 =	rddreg [dreg:$0xc];
	[sflag:s0] =	ssyncadd.s32 $0xFFFFC000  }
0x77: {  	[spmem:s2] =	stream.indirect.scatter.add.f32 [tilespmem:s29], [sflag:$0x6], $0x80, s13, s26, $0xb8;
	[tilespmem:$0x1C900] =	vst v63  }
0x78: {  	_ =	swait.ge [sflag:s7], $0x4000  }
0x79: {  	[sflag:s7] =	ssyncset.done $0x0  }
0x7a: {  	s14 =	rddreg [dreg:$0xd];
	[sflag:s7] =	ssyncadd.s32 $0xFFFFC000  }
0x7b: {  	[tilespmem:s29], [sflag:$0x4] =	stream.indirect.gather [hbm4b:s1+s26], $0x80, s14, s26, $0xb8;
	[tilespmem:$0x1C900] =	vst v63  }
0x7c: {  	_ =	swait.ge [sflag:s30], $0x4000  }
0x7d: {  	[sflag:s30] =	ssyncset.done $0x0  }
0x7e: {  	s15 =	rddreg [dreg:$0xe];
	[sflag:s30] =	ssyncadd.s32 $0xFFFFC000  }
0x7f: {  	[spmem:s2] =	stream.indirect.scatter.add.f32 [tilespmem:s28], [sflag:$0x5], $0x80, s15, s26, $0xb8;
	[tilespmem:$0x1C900] =	vst v63  }
0x80: {  	_ =	swait.ge [sflag:s31], $0x4000  }
0x81: {  	[sflag:s31] =	ssyncset.done $0x0  }
0x82: {  	s16 =	rddreg [dreg:$0xf];
	[sflag:s31] =	ssyncadd.s32 $0xFFFFC000  }
0x83: {  	[tilespmem:s28], [sflag:$0x3] =	stream.indirect.gather [hbm4b:s1+s26], $0x80, s16, s26, $0xb8;
	[tilespmem:$0x1C900] =	vst v63  }
0x84: {  	_ =	swait.ge [sflag:s0], $0x4000  }
0x85: {  	[sflag:s0] =	ssyncset.done $0x0  }
0x86: {  	s17 =	rddreg [dreg:$0x10];
	[sflag:s0] =	ssyncadd.s32 $0xFFFFC000  }
0x87: {  	[spmem:s2] =	stream.indirect.scatter.add.f32 [tilespmem:s29], [sflag:$0x6], $0x80, s17, s26, $0xb8;
	[tilespmem:$0x1C900] =	vst v63  }
0x88: {  	_ =	swait.ge [sflag:s7], $0x4000  }
0x89: {  	[sflag:s7] =	ssyncset.done $0x0  }
0x8a: {  	s18 =	rddreg [dreg:$0x11];
	[sflag:s7] =	ssyncadd.s32 $0xFFFFC000  }
0x8b: {  	[tilespmem:s29], [sflag:$0x4] =	stream.indirect.gather [hbm4b:s1+s26], $0x80, s18, s26, $0xb8;
	[tilespmem:$0x1C900] =	vst v63  }
0x8c: {  	_ =	swait.ge [sflag:s30], $0x4000  }
0x8d: {  	[sflag:s30] =	ssyncset.done $0x0  }
0x8e: {  	s21 =	rddreg [dreg:$0x12];
	[sflag:s30] =	ssyncadd.s32 $0xFFFFC000  }
0x8f: {  	[spmem:s2] =	stream.indirect.scatter.add.f32 [tilespmem:s28], [sflag:$0x5], $0x80, s21, s26, $0xb8;
	[tilespmem:$0x1C900] =	vst v63  }
0x90: {  	_ =	swait.ge [sflag:s31], $0x4000  }
0x91: {  	[sflag:s31] =	ssyncset.done $0x0  }
0x92: {  	[sflag:s31] =	ssyncadd.s32 $0xFFFFC000  }
0x93: {  	_ =	swait.ge [sflag:s8], $0x400  }
0x94: {  	[sflag:s8] =	ssyncset.done $0x0  }
0x95: {  	[sflag:s8] =	ssyncadd.s32 $0xFFFFFC00  }
0x96: {  	_ =	swait.ge [sflag:s8], $0x400  }
0x97: {  	[sflag:s8] =	ssyncset.done $0x0  }
0x98: {  	[sflag:s8] =	ssyncadd.s32 $0xFFFFFC00  }
0x99: {  	[tilespmem:s28], [sflag:$0x3] =	stream.indirect.gather [hbm4b:s1+s26], $0x80, s23, s26, $0xb8;
	[tilespmem:$0x1C900] =	vst v63  }
0x9a: {  	_ =	swait.ge [sflag:s0], $0x4000  }
0x9b: {  	[sflag:s0] =	ssyncset.done $0x0  }
0x9c: {  	s13 =	rddreg [dreg:$0x13];
	[sflag:s0] =	ssyncadd.s32 $0xFFFFC000  }
0x9d: {  	[spmem:s2] =	stream.indirect.scatter.add.f32 [tilespmem:s29], [sflag:$0x6], $0x80, s13, s26, $0xb8;
	[tilespmem:$0x1C900] =	vst v63  }
0x9e: {  	p3 =	por $0x0, $0x0;
	_ =	swait.ge [sflag:s7], $0x4000  }
0x9f: {  	s12 =	simm.s32 @!p3 $0x13900;
	s13 =	sshrl.u32 @!p3 s20, $0x3;
	[sflag:s7] =	ssyncset.done $0x0  }
0xa0: {  	s15 =	simm.s32 @!p3 $0x0;
	s14 =	sadd.s32 @!p3 s5, s13;
	[sflag:s7] =	ssyncadd.s32 $0xFFFFC000  }
0xa1: {  	[tilespmem:s12], [sflag:$0x1] =	stream.linear.gather @!p3 [hbm4b:s14+s15], $0x400, $0x38;
	[tilespmem:$0x1C900] =	vst v63  }
0xa2: {  	s13 =	sadd.s32 @!p3 s6, s13;
	s14 =	simm.s32 @!p3 $0x14100  }
0xa3: {  	[tilespmem:s14], [sflag:$0x1] =	stream.linear.gather @!p3 [hbm4b:s13+s15], $0x400, $0x38;
	[tilespmem:$0x1C900] =	vst v63  }
0xa4: {  	s16 =	rddreg [dreg:$0x14]  }
0xa5: {  	[tilespmem:s29], [sflag:$0x4] =	stream.indirect.gather [hbm4b:s1+s26], $0x80, s16, s26, $0xb8;
	[tilespmem:$0x1C900] =	vst v63  }
0xa6: {  	_ =	swait.ge [sflag:s30], $0x4000  }
0xa7: {  	[sflag:s30] =	ssyncset.done $0x0  }
0xa8: {  	[sflag:s30] =	ssyncadd.s32 $0xFFFFC000  }
0xa9: {  	[spmem:s2] =	stream.indirect.scatter.add.f32 [tilespmem:s28], [sflag:$0x5], $0x80, s24, s26, $0xb8;
	[tilespmem:$0x1C900] =	vst v63  }
0xaa: {  	_ =	swait.ge [sflag:s31], $0x4000  }
0xab: {  	[sflag:s31] =	ssyncset.done $0x0  }
0xac: {  	s14 =	rddreg [dreg:$0x15];
	[sflag:s31] =	ssyncadd.s32 $0xFFFFC000  }
0xad: {  	[tilespmem:s28], [sflag:$0x3] =	stream.indirect.gather [hbm4b:s1+s26], $0x80, s14, s26, $0xb8;
	[tilespmem:$0x1C900] =	vst v63  }
0xae: {  	_ =	swait.ge [sflag:s0], $0x4000  }
0xaf: {  	[sflag:s0] =	ssyncset.done $0x0  }
0xb0: {  	s15 =	rddreg [dreg:$0x16];
	[sflag:s0] =	ssyncadd.s32 $0xFFFFC000  }
0xb1: {  	[spmem:s2] =	stream.indirect.scatter.add.f32 [tilespmem:s29], [sflag:$0x6], $0x80, s15, s26, $0xb8;
	[tilespmem:$0x1C900] =	vst v63  }
0xb2: {  	_ =	swait.ge [sflag:s7], $0x4000  }
0xb3: {  	[sflag:s7] =	ssyncset.done $0x0  }
0xb4: {  	s16 =	rddreg [dreg:$0x17];
	[sflag:s7] =	ssyncadd.s32 $0xFFFFC000  }
0xb5: {  	[tilespmem:s29], [sflag:$0x4] =	stream.indirect.gather [hbm4b:s1+s26], $0x80, s16, s26, $0xb8;
	[tilespmem:$0x1C900] =	vst v63  }
0xb6: {  	_ =	swait.ge [sflag:s30], $0x4000  }
0xb7: {  	[sflag:s30] =	ssyncset.done $0x0  }
0xb8: {  	s17 =	rddreg [dreg:$0x18];
	[sflag:s30] =	ssyncadd.s32 $0xFFFFC000  }
0xb9: {  	[spmem:s2] =	stream.indirect.scatter.add.f32 [tilespmem:s28], [sflag:$0x5], $0x80, s17, s26, $0xb8;
	[tilespmem:$0x1C900] =	vst v63  }
0xba: {  	_ =	swait.ge [sflag:s31], $0x4000  }
0xbb: {  	[sflag:s31] =	ssyncset.done $0x0  }
0xbc: {  	s18 =	rddreg [dreg:$0x19];
	[sflag:s31] =	ssyncadd.s32 $0xFFFFC000  }
0xbd: {  	[tilespmem:s28], [sflag:$0x3] =	stream.indirect.gather [hbm4b:s1+s26], $0x80, s18, s26, $0xb8;
	[tilespmem:$0x1C900] =	vst v63  }
0xbe: {  	_ =	swait.ge [sflag:s0], $0x4000  }
0xbf: {  	[sflag:s0] =	ssyncset.done $0x0  }
0xc0: {  	s21 =	rddreg [dreg:$0x1a];
	[sflag:s0] =	ssyncadd.s32 $0xFFFFC000  }
0xc1: {  	[spmem:s2] =	stream.indirect.scatter.add.f32 [tilespmem:s29], [sflag:$0x6], $0x80, s21, s26, $0xb8;
	[tilespmem:$0x1C900] =	vst v63  }
0xc2: {  	_ =	swait.ge [sflag:s7], $0x4000  }
0xc3: {  	[sflag:s7] =	ssyncset.done $0x0  }
0xc4: {  	s14 =	rddreg [dreg:$0x1b];
	[sflag:s7] =	ssyncadd.s32 $0xFFFFC000  }
0xc5: {  	[tilespmem:s29], [sflag:$0x4] =	stream.indirect.gather [hbm4b:s1+s26], $0x80, s14, s26, $0xb8;
	[tilespmem:$0x1C900] =	vst v63  }
0xc6: {  	_ =	swait.ge [sflag:s30], $0x4000  }
0xc7: {  	[sflag:s30] =	ssyncset.done $0x0  }
0xc8: {  	s15 =	rddreg [dreg:$0x1c];
	[sflag:s30] =	ssyncadd.s32 $0xFFFFC000  }
0xc9: {  	[spmem:s2] =	stream.indirect.scatter.add.f32 [tilespmem:s28], [sflag:$0x5], $0x80, s15, s26, $0xb8;
	[tilespmem:$0x1C900] =	vst v63  }
0xca: {  	_ =	swait.ge [sflag:s31], $0x4000  }
0xcb: {  	[sflag:s31] =	ssyncset.done $0x0  }
0xcc: {  	s16 =	rddreg [dreg:$0x1d];
	[sflag:s31] =	ssyncadd.s32 $0xFFFFC000  }
0xcd: {  	[tilespmem:s28], [sflag:$0x3] =	stream.indirect.gather [hbm4b:s1+s26], $0x80, s16, s26, $0xb8;
	[tilespmem:$0x1C900] =	vst v63  }
0xce: {  	_ =	swait.ge [sflag:s0], $0x4000  }
0xcf: {  	[sflag:s0] =	ssyncset.done $0x0  }
0xd0: {  	s17 =	rddreg [dreg:$0x1e];
	[sflag:s0] =	ssyncadd.s32 $0xFFFFC000  }
0xd1: {  	[spmem:s2] =	stream.indirect.scatter.add.f32 [tilespmem:s29], [sflag:$0x6], $0x80, s17, s26, $0xb8;
	[tilespmem:$0x1C900] =	vst v63  }
0xd2: {  	_ =	swait.ge [sflag:s7], $0x4000  }
0xd3: {  	[sflag:s7] =	ssyncset.done $0x0  }
0xd4: {  	s18 =	rddreg [dreg:$0x1f];
	[sflag:s7] =	ssyncadd.s32 $0xFFFFC000  }
0xd5: {  	[tilespmem:s29], [sflag:$0x4] =	stream.indirect.gather [hbm4b:s1+s26], $0x80, s18, s26, $0xb8;
	[tilespmem:$0x1C900] =	vst v63  }
0xd6: {  	_ =	swait.ge [sflag:s30], $0x4000  }
0xd7: {  	s21 =	sld [smem:$0x7FC]  }
0xd8: {  	[sflag:s30] =	ssyncset.done $0x0  }
0xd9: {  	[sflag:s30] =	ssyncadd.s32 $0xFFFFC000  }
0xda: {  	[spmem:s2] =	stream.indirect.scatter.add.f32 [tilespmem:s28], [sflag:$0x5], $0x80, s21, s26, $0xb8;
	[tilespmem:$0x1C900] =	vst v63  }
0xdb: {  	_ =	swait.ge [sflag:s31], $0x4000  }
0xdc: {  	[sflag:s31] =	ssyncset.done $0x0  }
0xdd: {  	s13 =	simm.s32 @!p3 $0x1;
	[sflag:s31] =	ssyncadd.s32 $0xFFFFC000  }
0xde: {  	_ =	swait.ge @!p3 [sflag:s13], $0x400  }
0xdf: {  	[sflag:s13] =	ssyncset.done @!p3 $0x0  }
0xe0: {  	[sflag:s13] =	ssyncadd.s32 @!p3 $0xFFFFFC00  }
0xe1: {  	_ =	swait.ge @!p3 [sflag:s13], $0x400  }
0xe2: {  	p6 =	por $0x0, $0x0;
	[sflag:s13] =	ssyncset.done @!p3 $0x0  }
0xe3: {  	s14 =	simm.s32 @!p3 $0x14900;
	[sflag:s13] =	ssyncadd.s32 @!p3 $0xFFFFFC00;
	s13 =	simm.s32 @!p3 $0x80  }
0xe4: {  	[tilespmem:s14], [sflag:$0x3] =	stream.indirect.gather @!p3 [hbm4b:s1+s13], $0x80, s12, s13, $0xb8;
	[tilespmem:$0x1C900] =	vst v63  }
0xe5: {  	p5 =	por p6, p6;
	_ =	swait.ge [sflag:s0], $0x4000  }
0xe6: {  	s12 =	simm.s32 $0x100;
	s14 =	simm.s32 $0x200;
	[sflag:s0] =	ssyncset.done $0x0  }
0xe7: {  	s13 =	sadd.s32 $0x800, s20;
	s15 =	sld [smem:$0x7FD];
	[sflag:s0] =	ssyncadd.s32 $0xFFFFC000  }
.LBB2_2:
0xe8: {  	_ = 	snop  }
0xe9: {  	s16 =	simm.s32 @!p5 $0x6  }
0xea: {  	[spmem:s2] =	stream.indirect.scatter.add.f32 [tilespmem:s29], [sflag:$0x6], $0x80, s15, s26, $0xb8;
	[tilespmem:$0x1C900] =	vst v63  }
0xeb: {  	_ =	swait.ge @!p5 [sflag:s16], $0x4000  }
0xec: {  	s17 =	rddreg [dreg:$0x5]  }
0xed: {  	s21 =	simm.s32 @!p5 $0x13D00;
	[sflag:s16] =	ssyncset.done @!p5 $0x0;
	s18 =	rddreg [dreg:$0x4]  }
0xee: {  	[sflag:s16] =	ssyncadd.s32 @!p5 $0xFFFFC000;
	s16 =	sadd.s32 @!p5 s12, s17;
	s17 =	simm.s32 @!p5 $0x0  }
0xef: {  	[tilespmem:s21], [sflag:$0x2] =	stream.linear.gather @!p5 [hbm4b:s16+s17], $0x400, $0x38;
	[tilespmem:$0x1C900] =	vst v63  }
0xf0: {  	s16 =	sadd.s32 @!p5 s12, s18;
	s18 =	simm.s32 @!p5 $0x14500  }
0xf1: {  	[tilespmem:s18], [sflag:$0x2] =	stream.linear.gather @!p5 [hbm4b:s16+s17], $0x400, $0x38;
	[tilespmem:$0x1C900] =	vst v63  }
0xf2: {  	s21 =	rddreg [dreg:$0x6]  }
0xf3: {  	[tilespmem:s29], [sflag:$0x4] =	stream.indirect.gather [hbm4b:s1+s26], $0x80, s21, s26, $0xb8;
	[tilespmem:$0x1C900] =	vst v63  }
0xf4: {  	_ =	swait.ge [sflag:s30], $0x4000  }
0xf5: {  	[sflag:s30] =	ssyncset.done $0x0  }
0xf6: {  	[sflag:s30] =	ssyncadd.s32 $0xFFFFC000  }
0xf7: {  	[spmem:s2] =	stream.indirect.scatter.add.f32 [tilespmem:s28], [sflag:$0x5], $0x80, s22, s26, $0xb8;
	[tilespmem:$0x1C900] =	vst v63  }
0xf8: {  	_ =	swait.ge [sflag:s31], $0x4000  }
0xf9: {  	[sflag:s31] =	ssyncset.done $0x0  }
0xfa: {  	s21 =	rddreg [dreg:$0x7];
	[sflag:s31] =	ssyncadd.s32 $0xFFFFC000  }
0xfb: {  	[tilespmem:s28], [sflag:$0x3] =	stream.indirect.gather [hbm4b:s1+s26], $0x80, s21, s26, $0xb8;
	[tilespmem:$0x1C900] =	vst v63  }
0xfc: {  	_ =	swait.ge [sflag:s0], $0x4000  }
0xfd: {  	[sflag:s0] =	ssyncset.done $0x0  }
0xfe: {  	s17 =	rddreg [dreg:$0x8];
	[sflag:s0] =	ssyncadd.s32 $0xFFFFC000  }
0xff: {  	[spmem:s2] =	stream.indirect.scatter.add.f32 [tilespmem:s29], [sflag:$0x6], $0x80, s17, s26, $0xb8;
	[tilespmem:$0x1C900] =	vst v63  }
0x100: {  	_ =	swait.ge [sflag:s7], $0x4000  }
0x101: {  	[sflag:s7] =	ssyncset.done $0x0  }
0x102: {  	s18 =	rddreg [dreg:$0x9];
	[sflag:s7] =	ssyncadd.s32 $0xFFFFC000  }
0x103: {  	[tilespmem:s29], [sflag:$0x4] =	stream.indirect.gather [hbm4b:s1+s26], $0x80, s18, s26, $0xb8;
	[tilespmem:$0x1C900] =	vst v63  }
0x104: {  	_ =	swait.ge [sflag:s30], $0x4000  }
0x105: {  	[sflag:s30] =	ssyncset.done $0x0  }
0x106: {  	s21 =	rddreg [dreg:$0xa];
	[sflag:s30] =	ssyncadd.s32 $0xFFFFC000  }
0x107: {  	[spmem:s2] =	stream.indirect.scatter.add.f32 [tilespmem:s28], [sflag:$0x5], $0x80, s21, s26, $0xb8;
	[tilespmem:$0x1C900] =	vst v63  }
0x108: {  	_ =	swait.ge [sflag:s31], $0x4000  }
0x109: {  	[sflag:s31] =	ssyncset.done $0x0  }
0x10a: {  	s17 =	rddreg [dreg:$0xb];
	[sflag:s31] =	ssyncadd.s32 $0xFFFFC000  }
0x10b: {  	[tilespmem:s28], [sflag:$0x3] =	stream.indirect.gather [hbm4b:s1+s26], $0x80, s17, s26, $0xb8;
	[tilespmem:$0x1C900] =	vst v63  }
0x10c: {  	_ =	swait.ge [sflag:s0], $0x4000  }
0x10d: {  	[sflag:s0] =	ssyncset.done $0x0  }
0x10e: {  	s18 =	rddreg [dreg:$0xc];
	[sflag:s0] =	ssyncadd.s32 $0xFFFFC000  }
0x10f: {  	[spmem:s2] =	stream.indirect.scatter.add.f32 [tilespmem:s29], [sflag:$0x6], $0x80, s18, s26, $0xb8;
	[tilespmem:$0x1C900] =	vst v63  }
0x110: {  	_ =	swait.ge [sflag:s7], $0x4000  }
0x111: {  	[sflag:s7] =	ssyncset.done $0x0  }
0x112: {  	s21 =	rddreg [dreg:$0xd];
	[sflag:s7] =	ssyncadd.s32 $0xFFFFC000  }
0x113: {  	[tilespmem:s29], [sflag:$0x4] =	stream.indirect.gather [hbm4b:s1+s26], $0x80, s21, s26, $0xb8;
	[tilespmem:$0x1C900] =	vst v63  }
0x114: {  	_ =	swait.ge [sflag:s30], $0x4000  }
0x115: {  	[sflag:s30] =	ssyncset.done $0x0  }
0x116: {  	s17 =	rddreg [dreg:$0xe];
	[sflag:s30] =	ssyncadd.s32 $0xFFFFC000  }
0x117: {  	[spmem:s2] =	stream.indirect.scatter.add.f32 [tilespmem:s28], [sflag:$0x5], $0x80, s17, s26, $0xb8;
	[tilespmem:$0x1C900] =	vst v63  }
0x118: {  	_ =	swait.ge [sflag:s31], $0x4000  }
0x119: {  	[sflag:s31] =	ssyncset.done $0x0  }
0x11a: {  	s18 =	rddreg [dreg:$0xf];
	[sflag:s31] =	ssyncadd.s32 $0xFFFFC000  }
0x11b: {  	[tilespmem:s28], [sflag:$0x3] =	stream.indirect.gather [hbm4b:s1+s26], $0x80, s18, s26, $0xb8;
	[tilespmem:$0x1C900] =	vst v63  }
0x11c: {  	_ =	swait.ge [sflag:s0], $0x4000  }
0x11d: {  	[sflag:s0] =	ssyncset.done $0x0  }
0x11e: {  	s21 =	rddreg [dreg:$0x10];
	[sflag:s0] =	ssyncadd.s32 $0xFFFFC000  }
0x11f: {  	[spmem:s2] =	stream.indirect.scatter.add.f32 [tilespmem:s29], [sflag:$0x6], $0x80, s21, s26, $0xb8;
	[tilespmem:$0x1C900] =	vst v63  }
0x120: {  	_ =	swait.ge [sflag:s7], $0x4000  }
0x121: {  	[sflag:s7] =	ssyncset.done $0x0  }
0x122: {  	s17 =	rddreg [dreg:$0x11];
	[sflag:s7] =	ssyncadd.s32 $0xFFFFC000  }
0x123: {  	[tilespmem:s29], [sflag:$0x4] =	stream.indirect.gather [hbm4b:s1+s26], $0x80, s17, s26, $0xb8;
	[tilespmem:$0x1C900] =	vst v63  }
0x124: {  	_ =	swait.ge [sflag:s30], $0x4000  }
0x125: {  	[sflag:s30] =	ssyncset.done $0x0  }
0x126: {  	s18 =	rddreg [dreg:$0x12];
	[sflag:s30] =	ssyncadd.s32 $0xFFFFC000  }
0x127: {  	[spmem:s2] =	stream.indirect.scatter.add.f32 [tilespmem:s28], [sflag:$0x5], $0x80, s18, s26, $0xb8;
	[tilespmem:$0x1C900] =	vst v63  }
0x128: {  	_ =	swait.ge [sflag:s31], $0x4000  }
0x129: {  	[sflag:s31] =	ssyncset.done $0x0  }
0x12a: {  	[sflag:s31] =	ssyncadd.s32 $0xFFFFC000  }
0x12b: {  	_ =	swait.ge [sflag:s8], $0x400  }
0x12c: {  	[sflag:s8] =	ssyncset.done $0x0  }
0x12d: {  	[sflag:s8] =	ssyncadd.s32 $0xFFFFFC00  }
0x12e: {  	_ =	swait.ge [sflag:s8], $0x400  }
0x12f: {  	[sflag:s8] =	ssyncset.done $0x0  }
0x130: {  	[sflag:s8] =	ssyncadd.s32 $0xFFFFFC00  }
0x131: {  	[tilespmem:s28], [sflag:$0x3] =	stream.indirect.gather [hbm4b:s1+s26], $0x80, s23, s26, $0xb8;
	[tilespmem:$0x1C900] =	vst v63  }
0x132: {  	s15 =	smov.u32 s14;
	_ =	swait.ge [sflag:s0], $0x4000  }
0x133: {  	p3 =	seq.s32 s15, $0x0;
	[sflag:s0] =	ssyncset.done $0x0  }
0x134: {  	p5 =	por p3, p3;
	s21 =	rddreg [dreg:$0x13];
	[sflag:s0] =	ssyncadd.s32 $0xFFFFC000  }
0x135: {  	[spmem:s2] =	stream.indirect.scatter.add.f32 [tilespmem:s29], [sflag:$0x6], $0x80, s21, s26, $0xb8;
	[tilespmem:$0x1C900] =	vst v63  }
0x136: {  	p3 =	seq.s32 s12, $0x400;
	s12 =	smov.u32 s15;
	_ =	swait.ge [sflag:s7], $0x4000  }
0x137: {  	s16 =	sshrl.u32 @!p3 s13, $0x3;
	s15 =	simm.s32 @!p3 $0x13900;
	[sflag:s7] =	ssyncset.done $0x0  }
0x138: {  	s17 =	sadd.s32 @!p3 s5, s16;
	s18 =	simm.s32 @!p3 $0x0;
	[sflag:s7] =	ssyncadd.s32 $0xFFFFC000  }
0x139: {  	[tilespmem:s15], [sflag:$0x1] =	stream.linear.gather @!p3 [hbm4b:s17+s18], $0x400, $0x38;
	[tilespmem:$0x1C900] =	vst v63  }
0x13a: {  	s16 =	sadd.s32 @!p3 s6, s16;
	s17 =	simm.s32 @!p3 $0x14100  }
0x13b: {  	[tilespmem:s17], [sflag:$0x1] =	stream.linear.gather @!p3 [hbm4b:s16+s18], $0x400, $0x38;
	[tilespmem:$0x1C900] =	vst v63  }
0x13c: {  	s21 =	rddreg [dreg:$0x14]  }
0x13d: {  	[tilespmem:s29], [sflag:$0x4] =	stream.indirect.gather [hbm4b:s1+s26], $0x80, s21, s26, $0xb8;
	[tilespmem:$0x1C900] =	vst v63  }
0x13e: {  	_ =	swait.ge [sflag:s30], $0x4000  }
0x13f: {  	[sflag:s30] =	ssyncset.done $0x0  }
0x140: {  	[sflag:s30] =	ssyncadd.s32 $0xFFFFC000  }
0x141: {  	[spmem:s2] =	stream.indirect.scatter.add.f32 [tilespmem:s28], [sflag:$0x5], $0x80, s24, s26, $0xb8;
	[tilespmem:$0x1C900] =	vst v63  }
0x142: {  	_ =	swait.ge [sflag:s31], $0x4000  }
0x143: {  	[sflag:s31] =	ssyncset.done $0x0  }
0x144: {  	s17 =	rddreg [dreg:$0x15];
	[sflag:s31] =	ssyncadd.s32 $0xFFFFC000  }
0x145: {  	[tilespmem:s28], [sflag:$0x3] =	stream.indirect.gather [hbm4b:s1+s26], $0x80, s17, s26, $0xb8;
	[tilespmem:$0x1C900] =	vst v63  }
0x146: {  	_ =	swait.ge [sflag:s0], $0x4000  }
0x147: {  	[sflag:s0] =	ssyncset.done $0x0  }
0x148: {  	s18 =	rddreg [dreg:$0x16];
	[sflag:s0] =	ssyncadd.s32 $0xFFFFC000  }
0x149: {  	[spmem:s2] =	stream.indirect.scatter.add.f32 [tilespmem:s29], [sflag:$0x6], $0x80, s18, s26, $0xb8;
	[tilespmem:$0x1C900] =	vst v63  }
0x14a: {  	_ =	swait.ge [sflag:s7], $0x4000  }
0x14b: {  	[sflag:s7] =	ssyncset.done $0x0  }
0x14c: {  	s21 =	rddreg [dreg:$0x17];
	[sflag:s7] =	ssyncadd.s32 $0xFFFFC000  }
0x14d: {  	[tilespmem:s29], [sflag:$0x4] =	stream.indirect.gather [hbm4b:s1+s26], $0x80, s21, s26, $0xb8;
	[tilespmem:$0x1C900] =	vst v63  }
0x14e: {  	_ =	swait.ge [sflag:s30], $0x4000  }
0x14f: {  	[sflag:s30] =	ssyncset.done $0x0  }
0x150: {  	s17 =	rddreg [dreg:$0x18];
	[sflag:s30] =	ssyncadd.s32 $0xFFFFC000  }
0x151: {  	[spmem:s2] =	stream.indirect.scatter.add.f32 [tilespmem:s28], [sflag:$0x5], $0x80, s17, s26, $0xb8;
	[tilespmem:$0x1C900] =	vst v63  }
0x152: {  	_ =	swait.ge [sflag:s31], $0x4000  }
0x153: {  	[sflag:s31] =	ssyncset.done $0x0  }
0x154: {  	s18 =	rddreg [dreg:$0x19];
	[sflag:s31] =	ssyncadd.s32 $0xFFFFC000  }
0x155: {  	[tilespmem:s28], [sflag:$0x3] =	stream.indirect.gather [hbm4b:s1+s26], $0x80, s18, s26, $0xb8;
	[tilespmem:$0x1C900] =	vst v63  }
0x156: {  	_ =	swait.ge [sflag:s0], $0x4000  }
0x157: {  	[sflag:s0] =	ssyncset.done $0x0  }
0x158: {  	s21 =	rddreg [dreg:$0x1a];
	[sflag:s0] =	ssyncadd.s32 $0xFFFFC000  }
0x159: {  	[spmem:s2] =	stream.indirect.scatter.add.f32 [tilespmem:s29], [sflag:$0x6], $0x80, s21, s26, $0xb8;
	[tilespmem:$0x1C900] =	vst v63  }
0x15a: {  	_ =	swait.ge [sflag:s7], $0x4000  }
0x15b: {  	[sflag:s7] =	ssyncset.done $0x0  }
0x15c: {  	s17 =	rddreg [dreg:$0x1b];
	[sflag:s7] =	ssyncadd.s32 $0xFFFFC000  }
0x15d: {  	[tilespmem:s29], [sflag:$0x4] =	stream.indirect.gather [hbm4b:s1+s26], $0x80, s17, s26, $0xb8;
	[tilespmem:$0x1C900] =	vst v63  }
0x15e: {  	_ =	swait.ge [sflag:s30], $0x4000  }
0x15f: {  	[sflag:s30] =	ssyncset.done $0x0  }
0x160: {  	s18 =	rddreg [dreg:$0x1c];
	[sflag:s30] =	ssyncadd.s32 $0xFFFFC000  }
0x161: {  	[spmem:s2] =	stream.indirect.scatter.add.f32 [tilespmem:s28], [sflag:$0x5], $0x80, s18, s26, $0xb8;
	[tilespmem:$0x1C900] =	vst v63  }
0x162: {  	_ =	swait.ge [sflag:s31], $0x4000  }
0x163: {  	[sflag:s31] =	ssyncset.done $0x0  }
0x164: {  	s21 =	rddreg [dreg:$0x1d];
	[sflag:s31] =	ssyncadd.s32 $0xFFFFC000  }
0x165: {  	[tilespmem:s28], [sflag:$0x3] =	stream.indirect.gather [hbm4b:s1+s26], $0x80, s21, s26, $0xb8;
	[tilespmem:$0x1C900] =	vst v63  }
0x166: {  	_ =	swait.ge [sflag:s0], $0x4000  }
0x167: {  	[sflag:s0] =	ssyncset.done $0x0  }
0x168: {  	s17 =	rddreg [dreg:$0x1e];
	[sflag:s0] =	ssyncadd.s32 $0xFFFFC000  }
0x169: {  	[spmem:s2] =	stream.indirect.scatter.add.f32 [tilespmem:s29], [sflag:$0x6], $0x80, s17, s26, $0xb8;
	[tilespmem:$0x1C900] =	vst v63  }
0x16a: {  	_ =	swait.ge [sflag:s7], $0x4000  }
0x16b: {  	[sflag:s7] =	ssyncset.done $0x0  }
0x16c: {  	s18 =	rddreg [dreg:$0x1f];
	[sflag:s7] =	ssyncadd.s32 $0xFFFFC000  }
0x16d: {  	[tilespmem:s29], [sflag:$0x4] =	stream.indirect.gather [hbm4b:s1+s26], $0x80, s18, s26, $0xb8;
	[tilespmem:$0x1C900] =	vst v63  }
0x16e: {  	_ =	swait.ge [sflag:s30], $0x4000  }
0x16f: {  	s21 =	sld [smem:$0x7FC]  }
0x170: {  	[sflag:s30] =	ssyncset.done $0x0  }
0x171: {  	[sflag:s30] =	ssyncadd.s32 $0xFFFFC000  }
0x172: {  	[spmem:s2] =	stream.indirect.scatter.add.f32 [tilespmem:s28], [sflag:$0x5], $0x80, s21, s26, $0xb8;
	[tilespmem:$0x1C900] =	vst v63  }
0x173: {  	_ =	swait.ge [sflag:s31], $0x4000  }
0x174: {  	[sflag:s31] =	ssyncset.done $0x0  }
0x175: {  	s16 =	simm.s32 @!p3 $0x1;
	[sflag:s31] =	ssyncadd.s32 $0xFFFFC000  }
0x176: {  	_ =	swait.ge @!p3 [sflag:s16], $0x400  }
0x177: {  	[sflag:s16] =	ssyncset.done @!p3 $0x0  }
0x178: {  	[sflag:s16] =	ssyncadd.s32 @!p3 $0xFFFFFC00  }
0x179: {  	s14 =	sadd.s32 $0x100, s14;
	_ =	swait.ge @!p3 [sflag:s16], $0x400  }
0x17a: {  	p6 =	sne.s32 s14, $0x500;
	s17 =	simm.s32 @!p3 $0x14900;
	[sflag:s16] =	ssyncset.done @!p3 $0x0  }
.Ltmp2:
0x17b: {  	[sflag:s16] =	ssyncadd.s32 @!p3 $0xFFFFFC00;
	s16 =	simm.s32 @!p3 $0x80;
	(pc) =	sbr.rel @p6 .LBB2_2-.Ltmp2, $4  }
0x17c: {  	[tilespmem:s17], [sflag:$0x3] =	stream.indirect.gather @!p3 [hbm4b:s1+s16], $0x80, s15, s16, $0xb8;
	[tilespmem:$0x1C900] =	vst v63  }
0x17d: {  	_ =	swait.ge [sflag:s0], $0x4000  }
0x17e: {  	[sflag:s0] =	ssyncset.done $0x0  }
0x17f: {  	s13 =	sadd.s32 $0x800, s13;
	s15 =	sld [smem:$0x7FD];
	[sflag:s0] =	ssyncadd.s32 $0xFFFFC000  }
0x180: {  	_ = 	snop  }
0x181: {  	s14 =	simm.s32 @!p5 $0x6  }
0x182: {  	[spmem:s2] =	stream.indirect.scatter.add.f32 [tilespmem:s29], [sflag:$0x6], $0x80, s15, s26, $0xb8;
	[tilespmem:$0x1C900] =	vst v63  }
0x183: {  	_ =	swait.ge @!p5 [sflag:s14], $0x4000  }
0x184: {  	s15 =	rddreg [dreg:$0x5]  }
0x185: {  	s16 =	simm.s32 @!p5 $0x13D00;
	[sflag:s14] =	ssyncset.done @!p5 $0x0;
	s17 =	rddreg [dreg:$0x4]  }
0x186: {  	[sflag:s14] =	ssyncadd.s32 @!p5 $0xFFFFC000;
	s14 =	sadd.s32 @!p5 s12, s15;
	s15 =	simm.s32 @!p5 $0x0  }
0x187: {  	[tilespmem:s16], [sflag:$0x2] =	stream.linear.gather @!p5 [hbm4b:s14+s15], $0x400, $0x38;
	[tilespmem:$0x1C900] =	vst v63  }
0x188: {  	s14 =	sadd.s32 @!p5 s12, s17;
	s16 =	simm.s32 @!p5 $0x14500  }
0x189: {  	[tilespmem:s16], [sflag:$0x2] =	stream.linear.gather @!p5 [hbm4b:s14+s15], $0x400, $0x38;
	[tilespmem:$0x1C900] =	vst v63  }
0x18a: {  	s21 =	rddreg [dreg:$0x6]  }
0x18b: {  	[tilespmem:s29], [sflag:$0x4] =	stream.indirect.gather [hbm4b:s1+s26], $0x80, s21, s26, $0xb8;
	[tilespmem:$0x1C900] =	vst v63  }
0x18c: {  	_ =	swait.ge [sflag:s30], $0x4000  }
0x18d: {  	[sflag:s30] =	ssyncset.done $0x0  }
0x18e: {  	[sflag:s30] =	ssyncadd.s32 $0xFFFFC000  }
0x18f: {  	[spmem:s2] =	stream.indirect.scatter.add.f32 [tilespmem:s28], [sflag:$0x5], $0x80, s22, s26, $0xb8;
	[tilespmem:$0x1C900] =	vst v63  }
0x190: {  	_ =	swait.ge [sflag:s31], $0x4000  }
0x191: {  	[sflag:s31] =	ssyncset.done $0x0  }
0x192: {  	s15 =	rddreg [dreg:$0x7];
	[sflag:s31] =	ssyncadd.s32 $0xFFFFC000  }
0x193: {  	[tilespmem:s28], [sflag:$0x3] =	stream.indirect.gather [hbm4b:s1+s26], $0x80, s15, s26, $0xb8;
	[tilespmem:$0x1C900] =	vst v63  }
0x194: {  	_ =	swait.ge [sflag:s0], $0x4000  }
0x195: {  	[sflag:s0] =	ssyncset.done $0x0  }
0x196: {  	s16 =	rddreg [dreg:$0x8];
	[sflag:s0] =	ssyncadd.s32 $0xFFFFC000  }
0x197: {  	[spmem:s2] =	stream.indirect.scatter.add.f32 [tilespmem:s29], [sflag:$0x6], $0x80, s16, s26, $0xb8;
	[tilespmem:$0x1C900] =	vst v63  }
0x198: {  	_ =	swait.ge [sflag:s7], $0x4000  }
0x199: {  	[sflag:s7] =	ssyncset.done $0x0  }
0x19a: {  	s17 =	rddreg [dreg:$0x9];
	[sflag:s7] =	ssyncadd.s32 $0xFFFFC000  }
0x19b: {  	[tilespmem:s29], [sflag:$0x4] =	stream.indirect.gather [hbm4b:s1+s26], $0x80, s17, s26, $0xb8;
	[tilespmem:$0x1C900] =	vst v63  }
0x19c: {  	_ =	swait.ge [sflag:s30], $0x4000  }
0x19d: {  	[sflag:s30] =	ssyncset.done $0x0  }
0x19e: {  	s18 =	rddreg [dreg:$0xa];
	[sflag:s30] =	ssyncadd.s32 $0xFFFFC000  }
0x19f: {  	[spmem:s2] =	stream.indirect.scatter.add.f32 [tilespmem:s28], [sflag:$0x5], $0x80, s18, s26, $0xb8;
	[tilespmem:$0x1C900] =	vst v63  }
0x1a0: {  	_ =	swait.ge [sflag:s31], $0x4000  }
0x1a1: {  	[sflag:s31] =	ssyncset.done $0x0  }
0x1a2: {  	s21 =	rddreg [dreg:$0xb];
	[sflag:s31] =	ssyncadd.s32 $0xFFFFC000  }
0x1a3: {  	[tilespmem:s28], [sflag:$0x3] =	stream.indirect.gather [hbm4b:s1+s26], $0x80, s21, s26, $0xb8;
	[tilespmem:$0x1C900] =	vst v63  }
0x1a4: {  	_ =	swait.ge [sflag:s0], $0x4000  }
0x1a5: {  	[sflag:s0] =	ssyncset.done $0x0  }
0x1a6: {  	s15 =	rddreg [dreg:$0xc];
	[sflag:s0] =	ssyncadd.s32 $0xFFFFC000  }
0x1a7: {  	[spmem:s2] =	stream.indirect.scatter.add.f32 [tilespmem:s29], [sflag:$0x6], $0x80, s15, s26, $0xb8;
	[tilespmem:$0x1C900] =	vst v63  }
0x1a8: {  	_ =	swait.ge [sflag:s7], $0x4000  }
0x1a9: {  	[sflag:s7] =	ssyncset.done $0x0  }
0x1aa: {  	s16 =	rddreg [dreg:$0xd];
	[sflag:s7] =	ssyncadd.s32 $0xFFFFC000  }
0x1ab: {  	[tilespmem:s29], [sflag:$0x4] =	stream.indirect.gather [hbm4b:s1+s26], $0x80, s16, s26, $0xb8;
	[tilespmem:$0x1C900] =	vst v63  }
0x1ac: {  	_ =	swait.ge [sflag:s30], $0x4000  }
0x1ad: {  	[sflag:s30] =	ssyncset.done $0x0  }
0x1ae: {  	s17 =	rddreg [dreg:$0xe];
	[sflag:s30] =	ssyncadd.s32 $0xFFFFC000  }
0x1af: {  	[spmem:s2] =	stream.indirect.scatter.add.f32 [tilespmem:s28], [sflag:$0x5], $0x80, s17, s26, $0xb8;
	[tilespmem:$0x1C900] =	vst v63  }
0x1b0: {  	_ =	swait.ge [sflag:s31], $0x4000  }
0x1b1: {  	[sflag:s31] =	ssyncset.done $0x0  }
0x1b2: {  	s18 =	rddreg [dreg:$0xf];
	[sflag:s31] =	ssyncadd.s32 $0xFFFFC000  }
0x1b3: {  	[tilespmem:s28], [sflag:$0x3] =	stream.indirect.gather [hbm4b:s1+s26], $0x80, s18, s26, $0xb8;
	[tilespmem:$0x1C900] =	vst v63  }
0x1b4: {  	_ =	swait.ge [sflag:s0], $0x4000  }
0x1b5: {  	[sflag:s0] =	ssyncset.done $0x0  }
0x1b6: {  	s21 =	rddreg [dreg:$0x10];
	[sflag:s0] =	ssyncadd.s32 $0xFFFFC000  }
0x1b7: {  	[spmem:s2] =	stream.indirect.scatter.add.f32 [tilespmem:s29], [sflag:$0x6], $0x80, s21, s26, $0xb8;
	[tilespmem:$0x1C900] =	vst v63  }
0x1b8: {  	_ =	swait.ge [sflag:s7], $0x4000  }
0x1b9: {  	[sflag:s7] =	ssyncset.done $0x0  }
0x1ba: {  	s15 =	rddreg [dreg:$0x11];
	[sflag:s7] =	ssyncadd.s32 $0xFFFFC000  }
0x1bb: {  	[tilespmem:s29], [sflag:$0x4] =	stream.indirect.gather [hbm4b:s1+s26], $0x80, s15, s26, $0xb8;
	[tilespmem:$0x1C900] =	vst v63  }
0x1bc: {  	_ =	swait.ge [sflag:s30], $0x4000  }
0x1bd: {  	[sflag:s30] =	ssyncset.done $0x0  }
0x1be: {  	s16 =	rddreg [dreg:$0x12];
	[sflag:s30] =	ssyncadd.s32 $0xFFFFC000  }
0x1bf: {  	[spmem:s2] =	stream.indirect.scatter.add.f32 [tilespmem:s28], [sflag:$0x5], $0x80, s16, s26, $0xb8;
	[tilespmem:$0x1C900] =	vst v63  }
0x1c0: {  	_ =	swait.ge [sflag:s31], $0x4000  }
0x1c1: {  	[sflag:s31] =	ssyncset.done $0x0  }
0x1c2: {  	[sflag:s31] =	ssyncadd.s32 $0xFFFFC000  }
0x1c3: {  	_ =	swait.ge [sflag:s8], $0x400  }
0x1c4: {  	[sflag:s8] =	ssyncset.done $0x0  }
0x1c5: {  	[sflag:s8] =	ssyncadd.s32 $0xFFFFFC00  }
0x1c6: {  	_ =	swait.ge [sflag:s8], $0x400  }
0x1c7: {  	[sflag:s8] =	ssyncset.done $0x0  }
0x1c8: {  	[sflag:s8] =	ssyncadd.s32 $0xFFFFFC00  }
0x1c9: {  	[tilespmem:s28], [sflag:$0x3] =	stream.indirect.gather [hbm4b:s1+s26], $0x80, s23, s26, $0xb8;
	[tilespmem:$0x1C900] =	vst v63  }
0x1ca: {  	_ =	swait.ge [sflag:s0], $0x4000  }
0x1cb: {  	[sflag:s0] =	ssyncset.done $0x0  }
0x1cc: {  	s17 =	rddreg [dreg:$0x13];
	[sflag:s0] =	ssyncadd.s32 $0xFFFFC000  }
0x1cd: {  	[spmem:s2] =	stream.indirect.scatter.add.f32 [tilespmem:s29], [sflag:$0x6], $0x80, s17, s26, $0xb8;
	[tilespmem:$0x1C900] =	vst v63  }
0x1ce: {  	p3 =	seq.s32 s12, $0x400;
	_ =	swait.ge [sflag:s7], $0x4000  }
0x1cf: {  	s13 =	sshrl.u32 @!p3 s13, $0x3;
	s12 =	simm.s32 @!p3 $0x13900;
	[sflag:s7] =	ssyncset.done $0x0  }
0x1d0: {  	s14 =	sadd.s32 @!p3 s5, s13;
	s15 =	simm.s32 @!p3 $0x0;
	[sflag:s7] =	ssyncadd.s32 $0xFFFFC000  }
0x1d1: {  	[tilespmem:s12], [sflag:$0x1] =	stream.linear.gather @!p3 [hbm4b:s14+s15], $0x400, $0x38;
	[tilespmem:$0x1C900] =	vst v63  }
0x1d2: {  	s13 =	sadd.s32 @!p3 s6, s13;
	s14 =	simm.s32 @!p3 $0x14100  }
0x1d3: {  	[tilespmem:s14], [sflag:$0x1] =	stream.linear.gather @!p3 [hbm4b:s13+s15], $0x400, $0x38;
	[tilespmem:$0x1C900] =	vst v63  }
0x1d4: {  	s18 =	rddreg [dreg:$0x14]  }
0x1d5: {  	[tilespmem:s29], [sflag:$0x4] =	stream.indirect.gather [hbm4b:s1+s26], $0x80, s18, s26, $0xb8;
	[tilespmem:$0x1C900] =	vst v63  }
0x1d6: {  	_ =	swait.ge [sflag:s30], $0x4000  }
0x1d7: {  	[sflag:s30] =	ssyncset.done $0x0  }
0x1d8: {  	[sflag:s30] =	ssyncadd.s32 $0xFFFFC000  }
0x1d9: {  	[spmem:s2] =	stream.indirect.scatter.add.f32 [tilespmem:s28], [sflag:$0x5], $0x80, s24, s26, $0xb8;
	[tilespmem:$0x1C900] =	vst v63  }
0x1da: {  	_ =	swait.ge [sflag:s31], $0x4000  }
0x1db: {  	[sflag:s31] =	ssyncset.done $0x0  }
0x1dc: {  	s21 =	rddreg [dreg:$0x15];
	[sflag:s31] =	ssyncadd.s32 $0xFFFFC000  }
0x1dd: {  	[tilespmem:s28], [sflag:$0x3] =	stream.indirect.gather [hbm4b:s1+s26], $0x80, s21, s26, $0xb8;
	[tilespmem:$0x1C900] =	vst v63  }
0x1de: {  	_ =	swait.ge [sflag:s0], $0x4000  }
0x1df: {  	[sflag:s0] =	ssyncset.done $0x0  }
0x1e0: {  	s14 =	rddreg [dreg:$0x16];
	[sflag:s0] =	ssyncadd.s32 $0xFFFFC000  }
0x1e1: {  	[spmem:s2] =	stream.indirect.scatter.add.f32 [tilespmem:s29], [sflag:$0x6], $0x80, s14, s26, $0xb8;
	[tilespmem:$0x1C900] =	vst v63  }
0x1e2: {  	_ =	swait.ge [sflag:s7], $0x4000  }
0x1e3: {  	[sflag:s7] =	ssyncset.done $0x0  }
0x1e4: {  	s15 =	rddreg [dreg:$0x17];
	[sflag:s7] =	ssyncadd.s32 $0xFFFFC000  }
0x1e5: {  	[tilespmem:s29], [sflag:$0x4] =	stream.indirect.gather [hbm4b:s1+s26], $0x80, s15, s26, $0xb8;
	[tilespmem:$0x1C900] =	vst v63  }
0x1e6: {  	_ =	swait.ge [sflag:s30], $0x4000  }
0x1e7: {  	[sflag:s30] =	ssyncset.done $0x0  }
0x1e8: {  	s16 =	rddreg [dreg:$0x18];
	[sflag:s30] =	ssyncadd.s32 $0xFFFFC000  }
0x1e9: {  	[spmem:s2] =	stream.indirect.scatter.add.f32 [tilespmem:s28], [sflag:$0x5], $0x80, s16, s26, $0xb8;
	[tilespmem:$0x1C900] =	vst v63  }
0x1ea: {  	_ =	swait.ge [sflag:s31], $0x4000  }
0x1eb: {  	[sflag:s31] =	ssyncset.done $0x0  }
0x1ec: {  	s17 =	rddreg [dreg:$0x19];
	[sflag:s31] =	ssyncadd.s32 $0xFFFFC000  }
0x1ed: {  	[tilespmem:s28], [sflag:$0x3] =	stream.indirect.gather [hbm4b:s1+s26], $0x80, s17, s26, $0xb8;
	[tilespmem:$0x1C900] =	vst v63  }
0x1ee: {  	_ =	swait.ge [sflag:s0], $0x4000  }
0x1ef: {  	[sflag:s0] =	ssyncset.done $0x0  }
0x1f0: {  	s18 =	rddreg [dreg:$0x1a];
	[sflag:s0] =	ssyncadd.s32 $0xFFFFC000  }
0x1f1: {  	[spmem:s2] =	stream.indirect.scatter.add.f32 [tilespmem:s29], [sflag:$0x6], $0x80, s18, s26, $0xb8;
	[tilespmem:$0x1C900] =	vst v63  }
0x1f2: {  	_ =	swait.ge [sflag:s7], $0x4000  }
0x1f3: {  	[sflag:s7] =	ssyncset.done $0x0  }
0x1f4: {  	s21 =	rddreg [dreg:$0x1b];
	[sflag:s7] =	ssyncadd.s32 $0xFFFFC000  }
0x1f5: {  	[tilespmem:s29], [sflag:$0x4] =	stream.indirect.gather [hbm4b:s1+s26], $0x80, s21, s26, $0xb8;
	[tilespmem:$0x1C900] =	vst v63  }
0x1f6: {  	_ =	swait.ge [sflag:s30], $0x4000  }
0x1f7: {  	[sflag:s30] =	ssyncset.done $0x0  }
0x1f8: {  	s14 =	rddreg [dreg:$0x1c];
	[sflag:s30] =	ssyncadd.s32 $0xFFFFC000  }
0x1f9: {  	[spmem:s2] =	stream.indirect.scatter.add.f32 [tilespmem:s28], [sflag:$0x5], $0x80, s14, s26, $0xb8;
	[tilespmem:$0x1C900] =	vst v63  }
0x1fa: {  	_ =	swait.ge [sflag:s31], $0x4000  }
0x1fb: {  	[sflag:s31] =	ssyncset.done $0x0  }
0x1fc: {  	s15 =	rddreg [dreg:$0x1d];
	[sflag:s31] =	ssyncadd.s32 $0xFFFFC000  }
0x1fd: {  	[tilespmem:s28], [sflag:$0x3] =	stream.indirect.gather [hbm4b:s1+s26], $0x80, s15, s26, $0xb8;
	[tilespmem:$0x1C900] =	vst v63  }
0x1fe: {  	_ =	swait.ge [sflag:s0], $0x4000  }
0x1ff: {  	[sflag:s0] =	ssyncset.done $0x0  }
0x200: {  	s16 =	rddreg [dreg:$0x1e];
	[sflag:s0] =	ssyncadd.s32 $0xFFFFC000  }
0x201: {  	[spmem:s2] =	stream.indirect.scatter.add.f32 [tilespmem:s29], [sflag:$0x6], $0x80, s16, s26, $0xb8;
	[tilespmem:$0x1C900] =	vst v63  }
0x202: {  	_ =	swait.ge [sflag:s7], $0x4000  }
0x203: {  	[sflag:s7] =	ssyncset.done $0x0  }
0x204: {  	s17 =	rddreg [dreg:$0x1f];
	[sflag:s7] =	ssyncadd.s32 $0xFFFFC000  }
0x205: {  	[tilespmem:s29], [sflag:$0x4] =	stream.indirect.gather [hbm4b:s1+s26], $0x80, s17, s26, $0xb8;
	[tilespmem:$0x1C900] =	vst v63  }
0x206: {  	_ =	swait.ge [sflag:s30], $0x4000  }
0x207: {  	s18 =	sld [smem:$0x7FC]  }
0x208: {  	[sflag:s30] =	ssyncset.done $0x0  }
0x209: {  	[sflag:s30] =	ssyncadd.s32 $0xFFFFC000  }
0x20a: {  	[spmem:s2] =	stream.indirect.scatter.add.f32 [tilespmem:s28], [sflag:$0x5], $0x80, s18, s26, $0xb8;
	[tilespmem:$0x1C900] =	vst v63  }
0x20b: {  	_ =	swait.ge [sflag:s31], $0x4000  }
0x20c: {  	[sflag:s31] =	ssyncset.done $0x0  }
0x20d: {  	s13 =	simm.s32 @!p3 $0x1;
	[sflag:s31] =	ssyncadd.s32 $0xFFFFC000  }
0x20e: {  	_ =	swait.ge @!p3 [sflag:s13], $0x400  }
0x20f: {  	[sflag:s13] =	ssyncset.done @!p3 $0x0  }
0x210: {  	[sflag:s13] =	ssyncadd.s32 @!p3 $0xFFFFFC00  }
0x211: {  	_ =	swait.ge @!p3 [sflag:s13], $0x400  }
0x212: {  	[sflag:s13] =	ssyncset.done @!p3 $0x0  }
0x213: {  	s14 =	simm.s32 @!p3 $0x14900;
	[sflag:s13] =	ssyncadd.s32 @!p3 $0xFFFFFC00;
	s13 =	simm.s32 @!p3 $0x80  }
0x214: {  	[tilespmem:s14], [sflag:$0x3] =	stream.indirect.gather @!p3 [hbm4b:s1+s13], $0x80, s12, s13, $0xb8;
	[tilespmem:$0x1C900] =	vst v63  }
0x215: {  	_ =	swait.ge [sflag:s0], $0x4000  }
0x216: {  	s21 =	sld [smem:$0x7FD]  }
0x217: {  	[sflag:s0] =	ssyncset.done $0x0  }
0x218: {  	[sflag:s0] =	ssyncadd.s32 $0xFFFFC000  }
0x219: {  	[spmem:s2] =	stream.indirect.scatter.add.f32 [tilespmem:s29], [sflag:$0x6], $0x80, s21, s26, $0xb8;
	[tilespmem:$0x1C900] =	vst v63  }
0x21a: {  	_ =	swait.ge [sflag:s7], $0x4000  }
0x21b: {  	[sflag:s7] =	ssyncset.done $0x0  }
0x21c: {  	[sflag:s7] =	ssyncadd.s32 $0xFFFFC000  }
0x21d: {  	[bflag:$0x0] =	sbarrier.arrive $0xFFFF  }
0x21e: {  	s14 =	sld [smem:$0x7F8]  }
0x21f: {  	s12 =	sshll.u32 @p1 s3, $0x6  }
0x220: {  	s13 =	sshrl.u32 @p1 s11, $0x3;
	s12 =	sor.u32 @p1 $0x1C07, s12  }
0x221: {  	[hbm:s14], [sflag:s12] =	dma.local @p1 [spmem:s13], $0x2780  }
0x222: {  	s12 =	simm.s32 @p1 $0x7  }
0x223: {  	_ =	swait.ge @p1 [sflag:s12], $0x2780  }
0x224: {  	s14 =	sld [smem:$0x7FB]  }
0x225: {  	s13 =	sshll.u32 @!p4 s3, $0x6;
	[sflag:s12] =	ssyncset.done @p1 $0x0  }
0x226: {  	[sflag:s12] =	ssyncadd.s32 @p1 $0xFFFFD880;
	s12 =	sor.u32 @!p4 $0x1C07, s13;
	s13 =	sshrl.u32 @!p4 s11, $0x3  }
0x227: {  	[hbm:s14], [sflag:s12] =	dma.local @!p4 [spmem:s13], $0x2780  }
0x228: {  	s12 =	sld [smem:$0x7F9];
	_ =	sdelay $0x2  }
0x229: {  	p3 =	por @!p4 $0x1, $0x1;
	p5 =	seq.s32 s12, $0x1  }
0x22a: {  	p5 =	por @!p4 p3, p3  }
0x22b: {  	p3 =	por @!p2 !p5, !p0  }
0x22c: {  	p3 =	por @!p2 !p3, !p3  }
0x22d: {  	p3 =	por p2, p3  }
.Ltmp3:
0x22e: {  	_ = 	snop;
	(pc) =	sbr.rel @!p3 .LBB2_5-.Ltmp3, $4  }
0x22f: {  	s12 =	simm.s32 @!p4 $0x7  }
0x230: {  	_ =	swait.ge @!p4 [sflag:s12], $0x2780  }
0x231: {  	[sflag:s12] =	ssyncset.done @!p4 $0x0  }
0x232: {  	[sflag:s12] =	ssyncadd.s32 @!p4 $0xFFFFD880  }
0x233: {  	s12 =	sld [smem:$0x7FA]  }
0x234: {  	s13 =	sld [smem:$0x7F7];
	_ =	sdelay $0x2  }
0x235: {  	s18 =	sshrl.u32 s9, $0x3;
	s14 =	simm.s32 $0x1FC7;
	s12 =	smov.u32 @p2 s13  }
.Ltmp4:
0x236: {  	s21 =	simm.s32 $0x7;
	s12 =	sadd.s32 $0x25080, s12;
	(pc) =	sbr.rel .LBB2_5-.Ltmp4, $4  }
0x237: {  	[hbm:s12], [sflag:s14] =	dma.local [spmem:s18], $0x2080  }
0x238: {  	_ =	swait.ge [sflag:s21], $0x2080  }
0x239: {  	[sflag:s21] =	ssyncset.done $0x0  }
0x23a: {  	[sflag:s21] =	ssyncadd.s32 $0xFFFFDF80  }
.LBB2_6:
0x23b: {  	_ =	sfence.sel $0x180000  }
0x23c: {  	[bflag:$0x0] =	sbarrier.arrive $0xFFFF  }
0x23d: {  	_ =	strace $0x90000047  }
0x23e: {  	[bflag:$0x2] =	sbarrier.arrive $0xFFFF  }
0x23f: {  	p0 =	sne.s32 s3, $0x0;
	s0 =	rddreg [dreg:$0x3]  }
0x240: {  	s0 =	sadd.s32 @!p0 $0x100000, s0  }
0x241: {  	[sflag:s0] =	ssyncadd.tile.s32 @!p0 $0x1;
	_ =	shalt  }
.Lfunc_end2:
_tile_overlayer_lowered:
.L_overlay_start_2:
0x242: {  	(tag) =	ssettag $0x2  }
0x243: {  	s0 =	rddreg [dreg:$0x0];
	s2 =	stileid.u32  }
0x244: {  	s1 =	rddreg [dreg:$0x1];
	p0 =	sne.s32 s2, $0x0  }
0x245: {  	s3 =	rddreg [dreg:$0x2];
	[bflag:$0x3] =	sbarrier.arrive $0xFFFF;
	s2 =	simm.s32 @!p0 $0x1C07  }
0x246: {  	[timem:s3], [sflag:s2] =	dma.local @!p0 [hbm:s0], s1  }
0x247: {  	s0 =	simm.s32 @!p0 $0x7  }
0x248: {  	_ =	swait.ge @!p0 [sflag:s0], s1  }
0x249: {  	s1 =	ssub.s32 @!p0 $0x0, s1;
	[sflag:s0] =	ssyncset.done @!p0 $0x0  }
0x24a: {  	[sflag:s0] =	ssyncadd.s32 @!p0 s1  }
0x24b: {  	[bflag:$0x3] =	sbarrier.arrive $0xFFFF  }
0x24c: {  	_ =	shalt  }

</sc_bundles>
